<compile_context>
chip_gen: v7x
topology: tpu7x:2x2x1
jax: 0.10.2.dev20260603
libtpu: 0.0.44.dev20260713+nightly
codegen_flags: <defaults>
</compile_context>

<pallas_src>
import functools

import jax
import jax.numpy as jnp
from jax import lax
from jax.experimental import pallas as pl
from jax.experimental.pallas import tpu as pltpu
from jax.experimental.pallas import tpu_sc as plsc

N_PAD = 10240
B = 128
GB = 32
NT = 16
NC = 2
ROWS_PER_TILE = N_PAD // NT
ROW_CHUNKS = ROWS_PER_TILE // B



def _make_deg_kernel(epw):
    mesh = plsc.VectorSubcoreMesh(core_axis_name="c", subcore_axis_name="s")

    @functools.partial(
        pl.kernel,
        out_type=jax.ShapeDtypeStruct((NC * NT * N_PAD,), jnp.float32),
        mesh=mesh,
        scratch_types=[
            pltpu.VMEM((epw,), jnp.int32),
            pltpu.VMEM((N_PAD,), jnp.float32),
        ],
        compiler_params=pltpu.CompilerParams(needs_layout_passes=False),
    )
    def deg_kernel(dst_flat, zeros, out, dst_v, hist_v):
        core = lax.axis_index("c")
        s = lax.axis_index("s")
        w = core * NT + s
        pltpu.sync_copy(dst_flat.at[pl.ds(w * epw, epw)], dst_v)
        pltpu.sync_copy(zeros, hist_v)
        ones = jnp.full((16,), 1.0, jnp.float32)

        def body(j, carry):
            idx = dst_v[pl.ds(pl.multiple_of(j * 16, 16), 16)]
            plsc.addupdate_scatter(hist_v, [idx], ones)
            return carry

        lax.fori_loop(0, epw // 16, body, 0)
        pltpu.sync_copy(hist_v, out.at[pl.ds(w * N_PAD, N_PAD)])

    return deg_kernel


def _make_scatter_kernel(C, nb):
    mesh = plsc.VectorSubcoreMesh(core_axis_name="c", subcore_axis_name="s")

    @functools.partial(
        pl.kernel,
        out_type=jax.ShapeDtypeStruct((C * N_PAD, 128), jnp.float32),
        mesh=mesh,
        scratch_types=[
            pltpu.VMEM((GB, B), jnp.int32),
            pltpu.VMEM((GB, B), jnp.int32),
            pltpu.VMEM((B, 128), jnp.float32),
            pltpu.VMEM((B, 128), jnp.float32),
            pltpu.VMEM_SHARED((N_PAD, 128), jnp.float32),
            pltpu.SemaphoreType.DMA,
            pltpu.SemaphoreType.DMA,
        ],
    )
    def scatter_kernel(z, srcb, dstb, zeros, out,
                       src_v, dst_v, buf0, buf1, acc, sem0, sem1):
        core = lax.axis_index("c")
        s = lax.axis_index("s")
        base = s * ROWS_PER_TILE
        for c in range(C):
            owner = c * NC // C

            @pl.when(core == owner)
            def _():
                pltpu.sync_copy(zeros, buf0)
                for kk in range(ROW_CHUNKS):
                    pltpu.sync_copy(buf0, acc.at[pl.ds(base + kk * B, B)])
                plsc.subcore_barrier()

                def group(g, carry):
                    pltpu.sync_copy(
                        srcb.at[pl.ds(s * nb + g * GB, GB)], src_v)
                    pltpu.sync_copy(
                        dstb.at[pl.ds(s * nb + g * GB, GB)], dst_v)
                    pltpu.async_copy(z.at[c].at[src_v.at[0]], buf0, sem0)

                    def pair(j, carry2):
                        pltpu.make_async_copy(zeros, buf0, sem0).wait()
                        pltpu.async_copy(
                            z.at[c].at[src_v.at[2 * j + 1]], buf1, sem1)
                        pltpu.sync_copy(
                            buf0, acc.at[dst_v.at[2 * j]], add=True)
                        pltpu.make_async_copy(zeros, buf1, sem1).wait()

                        @pl.when(j < GB // 2 - 1)
                        def _():
                            pltpu.async_copy(
                                z.at[c].at[src_v.at[2 * j + 2]], buf0, sem0)

                        pltpu.sync_copy(
                            buf1, acc.at[dst_v.at[2 * j + 1]], add=True)
                        return carry2

                    lax.fori_loop(0, GB // 2, pair, 0)
                    return carry

                lax.fori_loop(0, nb // GB, group, 0)
                plsc.subcore_barrier()
                for kk in range(ROW_CHUNKS):
                    pltpu.sync_copy(acc.at[pl.ds(base + kk * B, B)], buf0)
                    pltpu.sync_copy(
                        buf0,
                        out.at[pl.ds(c * N_PAD + base + kk * B, B)])
                plsc.subcore_barrier()

    return scatter_kernel



_BN = 1000


def _full(shape):
    return pl.BlockSpec(shape, lambda i: (0,) * len(shape))


def _mlp_body(x_ref, w1_ref, b1_ref, a1_ref, w2_ref, b2_ref, wg1_ref, y_ref):
    h = jnp.dot(x_ref[...], w1_ref[...], preferred_element_type=jnp.float32)
    h = h + b1_ref[...]
    h = jnp.where(h >= 0, h, a1_ref[0, 0] * h)
    h = jnp.dot(h, w2_ref[...], preferred_element_type=jnp.float32)
    h = h + b2_ref[...]
    y_ref[...] = jnp.dot(h, wg1_ref[...], preferred_element_type=jnp.float32)


def _mlp_call(n, X, W1, b1, a1, W2, b2, Wg1):
    h = W1.shape[1]
    d_in = X.shape[1]
    grid = n // _BN
    return pl.pallas_call(
        _mlp_body,
        grid=(grid,),
        in_specs=[
            pl.BlockSpec((_BN, d_in), lambda i: (i, 0)),
            _full((d_in, h)),
            _full((1, h)),
            _full((1, 1)),
            _full((h, h)),
            _full((1, h)),
            _full((h, Wg1.shape[1])),
        ],
        out_specs=pl.BlockSpec((_BN, Wg1.shape[1]), lambda i: (i, 0)),
        out_shape=jax.ShapeDtypeStruct((n, Wg1.shape[1]), jnp.float32),
    )(X, W1, b1.reshape(1, -1), a1.reshape(1, 1), W2, b2.reshape(1, -1), Wg1)


def _dinv_block(degp):
    deg = jnp.sum(degp, axis=1) + 1.0
    return (1.0 / jnp.sqrt(deg))[:, None]


def _scale_chunk_body(degp_ref, y_ref, z_ref):
    dinv = _dinv_block(degp_ref[...])
    z = y_ref[...] * dinv
    c = z_ref.shape[0]
    for k in range(c):
        z_ref[k, :, :] = z[:, k * 128:(k + 1) * 128]


def _scale_chunk_call(n, degp, Y):
    c = Y.shape[1] // 128
    return pl.pallas_call(
        _scale_chunk_body,
        grid=(n // _BN,),
        in_specs=[
            pl.BlockSpec((_BN, 32), lambda i: (i, 0)),
            pl.BlockSpec((_BN, Y.shape[1]), lambda i: (i, 0)),
        ],
        out_specs=pl.BlockSpec((c, _BN, 128), lambda i: (0, i, 0)),
        out_shape=jax.ShapeDtypeStruct((c, n, 128), jnp.float32),
    )(degp, Y)


def _mid_body(degp_ref, s_ref, z_ref, bg1_ref, ag_ref, wg2_ref, z2_ref):
    dinv = _dinv_block(degp_ref[...])
    c = s_ref.shape[0]
    agg = jnp.concatenate(
        [s_ref[k, :, :] + z_ref[k, :, :] for k in range(c)], axis=1)
    h = dinv * agg + bg1_ref[...]
    h = jnp.where(h >= 0, h, ag_ref[0, 0] * h)
    y2 = jnp.dot(h, wg2_ref[...], preferred_element_type=jnp.float32)
    z2 = y2 * dinv
    c2 = z2_ref.shape[0]
    for k in range(c2):
        z2_ref[k, :, :] = z2[:, k * 128:(k + 1) * 128]


def _mid_call(n, degp, S1, Z1, bg1, ag, Wg2):
    c = S1.shape[0]
    d_hid = c * 128
    d_out = Wg2.shape[1]
    c2 = d_out // 128
    return pl.pallas_call(
        _mid_body,
        grid=(n // _BN,),
        in_specs=[
            pl.BlockSpec((_BN, 32), lambda i: (i, 0)),
            pl.BlockSpec((c, _BN, 128), lambda i: (0, i, 0)),
            pl.BlockSpec((c, _BN, 128), lambda i: (0, i, 0)),
            _full((1, d_hid)),
            _full((1, 1)),
            _full((d_hid, d_out)),
        ],
        out_specs=pl.BlockSpec((c2, _BN, 128), lambda i: (0, i, 0)),
        out_shape=jax.ShapeDtypeStruct((c2, n, 128), jnp.float32),
    )(degp, S1, Z1, bg1.reshape(1, -1), ag.reshape(1, 1), Wg2)


def _final_body(degp_ref, s_ref, z_ref, bg2_ref, out_ref):
    dinv = _dinv_block(degp_ref[...])
    c = s_ref.shape[0]
    agg = jnp.concatenate(
        [s_ref[k, :, :] + z_ref[k, :, :] for k in range(c)], axis=1)
    out_ref[...] = dinv * agg + bg2_ref[...]


def _final_call(n, degp, S2, Z2, bg2):
    c = S2.shape[0]
    d_out = c * 128
    return pl.pallas_call(
        _final_body,
        grid=(n // _BN,),
        in_specs=[
            pl.BlockSpec((_BN, 32), lambda i: (i, 0)),
            pl.BlockSpec((c, _BN, 128), lambda i: (0, i, 0)),
            pl.BlockSpec((c, _BN, 128), lambda i: (0, i, 0)),
            _full((1, d_out)),
        ],
        out_specs=pl.BlockSpec((_BN, d_out), lambda i: (i, 0)),
        out_shape=jax.ShapeDtypeStruct((n, d_out), jnp.float32),
    )(degp, S2, Z2, bg2.reshape(1, -1))



def kernel(X, edge_index, W_mlp1, b_mlp1, a_mlp1, W_mlp2, b_mlp2,
           W_g1, b_g1, a_g, W_g2, b_g2):
    n = X.shape[0]
    e = edge_index.shape[1]
    d_hid = W_g1.shape[1]
    d_out = W_g2.shape[1]

    per_tile = -(-e // NT)
    nb = -(-per_tile // B)
    nb = -(-nb // GB) * GB
    e_pad = NT * nb * B
    pad = e_pad - e
    src_p = jnp.concatenate([edge_index[0], jnp.zeros((pad,), jnp.int32)])
    dst_p = jnp.concatenate(
        [edge_index[1], jnp.full((pad,), n, jnp.int32)])
    srcb = src_p.reshape(NT * nb, B)
    dstb = dst_p.reshape(NT * nb, B)

    zeros1 = jnp.zeros((N_PAD,), jnp.float32)
    zeros128 = jnp.zeros((B, 128), jnp.float32)

    epw = e_pad // (NT * NC)
    degp = _make_deg_kernel(epw)(dst_p, zeros1)
    degp_n = degp.reshape(NC * NT, N_PAD).T[:n, :]

    c1 = d_hid // 128
    c2 = d_out // 128
    y1 = _mlp_call(n, X, W_mlp1, b_mlp1, a_mlp1, W_mlp2, b_mlp2, W_g1)
    z1 = _scale_chunk_call(n, degp_n, y1)
    s1 = _make_scatter_kernel(c1, nb)(z1, srcb, dstb, zeros128)
    s1 = s1.reshape(c1, N_PAD, 128)[:, :n, :]
    z2 = _mid_call(n, degp_n, s1, z1, b_g1, a_g, W_g2)
    s2 = _make_scatter_kernel(c2, nb)(z2, srcb, dstb, zeros128)
    s2 = s2.reshape(c2, N_PAD, 128)[:, :n, :]
    return _final_call(n, degp_n, s2, z2, b_g2)

# --- scband reference (transcript-rebuilt; emitter-appended) ---
"""Pipeline reference for scband-weather-prediction-77352361001366 (READ-ONLY COPY).

The authoritative reference and input builder live on the scoring server;
editing this copy changes nothing except your own understanding.
"""

import jax, jax.numpy as jnp
import numpy as np

N = 10000
E = 320000
D_IN = 128
H = 512
D_HID = 512
D_OUT = 256


def setup_inputs(seed: int = 0) -> dict:
    key = jax.random.key(seed)
    ks = jax.random.split(key, 8)

    def w(k, shape):
        return jax.random.normal(k, shape, dtype=jnp.float32) / jnp.sqrt(shape[0])

    return {
        "X": jax.random.normal(ks[0], (N, D_IN), dtype=jnp.float32),
        "edge_index": jax.random.randint(ks[1], (2, E), 0, N, dtype=jnp.int32),
        "W_mlp1": w(ks[2], (D_IN, H)),
        "b_mlp1": jnp.zeros((H,), jnp.float32),
        "a_mlp1": jnp.full((1,), 0.25, jnp.float32),
        "W_mlp2": w(ks[3], (H, H)),
        "b_mlp2": jnp.zeros((H,), jnp.float32),
        "W_g1": w(ks[4], (H, D_HID)),
        "b_g1": jnp.zeros((D_HID,), jnp.float32),
        "a_g": jnp.full((1,), 0.25, jnp.float32),
        "W_g2": w(ks[5], (D_HID, D_OUT)),
        "b_g2": jnp.zeros((D_OUT,), jnp.float32),
    }


def _prelu(x, a):
    # torch.nn.PReLU with a single shared parameter
    return jnp.where(x >= 0, x, a * x)


def _gcn_conv(X, W, b, src, dst, norm, n):
    # PyG GCNConv: x' = D^{-1/2} (A + I) D^{-1/2} X W + b
    XW = X @ W
    msg = XW[src] * norm[:, None]
    out = jax.ops.segment_sum(msg, dst, num_segments=n)
    return out + b


def reference(X, edge_index, W_mlp1, b_mlp1, a_mlp1, W_mlp2, b_mlp2, W_g1, b_g1, a_g, W_g2, b_g2):
    n = X.shape[0]
    loop = jnp.arange(n, dtype=edge_index.dtype)
    src = jnp.concatenate([edge_index[0], loop])
    dst = jnp.concatenate([edge_index[1], loop])
    deg = jax.ops.segment_sum(jnp.ones(src.shape[0], X.dtype), dst, num_segments=n)
    dinv = jnp.where(deg > 0, 1.0 / jnp.sqrt(deg), 0.0)
    norm = dinv[src] * dinv[dst]

    # Model.forward: MLP (Linear -> PReLU -> Linear) then GraphLayer ConvGCN stack
    h = _prelu(X @ W_mlp1 + b_mlp1, a_mlp1)
    h = h @ W_mlp2 + b_mlp2
    # GraphLayer with layer_type=ConvGCN, hidden_dims=[512], output_dim=256
    # Note: the torch module shares ONE PReLU across GCN layers (a_g used for all)
    h = _prelu(_gcn_conv(h, W_g1, b_g1, src, dst, norm, n), a_g)
    h = _gcn_conv(h, W_g2, b_g2, src, dst, norm, n)
    return h

if __name__ == "__main__":
    import jax
    _d = setup_inputs()
    print(jax.jit(kernel)(*tuple(_d.values())))

</pallas_src>

<mosaic_0001>
#map = affine_map<(d0, d1) -> (0)>
module attributes {stable_mosaic.version = 14 : i64} {
  func.func @deg_kernel(%arg0: i32, %arg1: i32, %arg2: memref<327680xi32, #tpu.memory_space<hbm>>, %arg3: memref<10240xf32, #tpu.memory_space<hbm>>, %arg4: memref<327680xf32, #tpu.memory_space<hbm>>, %arg5: memref<10240xi32, #tpu.memory_space<vmem>>, %arg6: memref<10240xf32, #tpu.memory_space<vmem>>) attributes {dimension_semantics = [#tpu.dimension_semantics<core_parallel>, #tpu.dimension_semantics<subcore_parallel>], iteration_bounds = array<i64: 2, 16>, scalar_prefetch = 0 : i64, scratch_operands = 2 : i64, tpu.core_type = #tpu.core_type<sc_vector_subcore>, window_params = [{transform_indices = #map}, {transform_indices = #map}, {transform_indices = #map}]} {
    %mul3A = arith.constant 16 : i32
    %mul3A_0 = arith.muli %arg0, %mul3A : i32
    %add3A = arith.addi %mul3A_0, %arg1 : i32
    %mul3A_1 = arith.constant 10240 : i32
    %mul3A_2 = arith.muli %add3A, %mul3A_1 : i32
    "tpu.region"() ({
      %run_scoped3A = tpu.sem_alloc : memref<!tpu.dma_semaphore, #tpu.memory_space<semaphore_mem>>
      %dma_start3A = tpu.memref_slice %arg2[%mul3A_2] : memref<327680xi32, #tpu.memory_space<hbm>> -> memref<10240xi32, #tpu.memory_space<hbm>>
      %dma_start3A_11 = tpu.memref_slice %arg2[%mul3A_2] : memref<327680xi32, #tpu.memory_space<hbm>> -> memref<10240xi32, #tpu.memory_space<hbm>>
      tpu.enqueue_dma source(%dma_start3A_11 : memref<10240xi32, #tpu.memory_space<hbm>>) target(%arg5 : memref<10240xi32, #tpu.memory_space<vmem>>) target_semaphore(%run_scoped3A : memref<!tpu.dma_semaphore, #tpu.memory_space<semaphore_mem>>)
      %dma_wait3A = tpu.memref_slice %arg2[%mul3A_2] : memref<327680xi32, #tpu.memory_space<hbm>> -> memref<10240xi32, #tpu.memory_space<hbm>>
      %dma_wait3A_12 = tpu.memref_slice %arg2[%mul3A_2] : memref<327680xi32, #tpu.memory_space<hbm>> -> memref<10240xi32, #tpu.memory_space<hbm>>
      tpu.wait_dma2 semaphore(%run_scoped3A : memref<!tpu.dma_semaphore, #tpu.memory_space<semaphore_mem>>) src(%dma_wait3A_12 : memref<10240xi32, #tpu.memory_space<hbm>>) dst(%arg5 : memref<10240xi32, #tpu.memory_space<vmem>>)
      tpu.yield
    }) : () -> ()
    "tpu.region"() ({
      %run_scoped3A = tpu.sem_alloc : memref<!tpu.dma_semaphore, #tpu.memory_space<semaphore_mem>>
      tpu.enqueue_dma source(%arg3 : memref<10240xf32, #tpu.memory_space<hbm>>) target(%arg6 : memref<10240xf32, #tpu.memory_space<vmem>>) target_semaphore(%run_scoped3A : memref<!tpu.dma_semaphore, #tpu.memory_space<semaphore_mem>>)
      tpu.wait_dma2 semaphore(%run_scoped3A : memref<!tpu.dma_semaphore, #tpu.memory_space<semaphore_mem>>) src(%arg3 : memref<10240xf32, #tpu.memory_space<hbm>>) dst(%arg6 : memref<10240xf32, #tpu.memory_space<vmem>>)
      tpu.yield
    }) : () -> ()
    %broadcast_in_dim3A = arith.constant 1.000000e+00 : f32
    %broadcast_in_dim3A_3 = vector.broadcast %broadcast_in_dim3A : f32 to vector<16xf32>
    %scan3A = arith.constant 0 : i32
    %scan3A_4 = arith.constant 0 : i32
    %scan3A_5 = arith.constant 640 : i32
    %scan3A_6 = arith.addi %scan3A_4, %scan3A_5 : i32
    %scan3A_7 = arith.constant 1 : i32
    scf.for %scan3A_11 = %scan3A_4 to %scan3A_6 step %scan3A_7  : i32 {
      %mul3A_12 = arith.constant 16 : i32
      %mul3A_13 = arith.muli %scan3A_11, %mul3A_12 : i32
      %multiple_of3A = tpu.assume_multiple %mul3A_13, 16 : i32
      %get3A = arith.index_cast %multiple_of3A : i32 to index
      %get3A_14 = tpu.vector_load %arg5[%get3A] {strides = array<i32>} : memref<10240xi32, #tpu.memory_space<vmem>>, vector<16xi32>,
      tpu.vector_store_idx %arg6[%get3A_14], %broadcast_in_dim3A_3 {add = true} : memref<10240xf32, #tpu.memory_space<vmem>>[vector<16xi32>], vector<16xf32>,
    }
    %scan3A_8 = arith.constant 640 : i32
    %mul3A_9 = arith.constant 10240 : i32
    %mul3A_10 = arith.muli %add3A, %mul3A_9 : i32
    "tpu.region"() ({
      %run_scoped3A = tpu.sem_alloc : memref<!tpu.dma_semaphore, #tpu.memory_space<semaphore_mem>>
      %dma_start3A = tpu.memref_slice %arg4[%mul3A_10] : memref<327680xf32, #tpu.memory_space<hbm>> -> memref<10240xf32, #tpu.memory_space<hbm>>
      %dma_start3A_11 = tpu.memref_slice %arg4[%mul3A_10] : memref<327680xf32, #tpu.memory_space<hbm>> -> memref<10240xf32, #tpu.memory_space<hbm>>
      tpu.enqueue_dma source(%arg6 : memref<10240xf32, #tpu.memory_space<vmem>>) target(%dma_start3A_11 : memref<10240xf32, #tpu.memory_space<hbm>>) target_semaphore(%run_scoped3A : memref<!tpu.dma_semaphore, #tpu.memory_space<semaphore_mem>>)
      %dma_wait3A = tpu.memref_slice %arg4[%mul3A_10] : memref<327680xf32, #tpu.memory_space<hbm>> -> memref<10240xf32, #tpu.memory_space<hbm>>
      %dma_wait3A_12 = tpu.memref_slice %arg4[%mul3A_10] : memref<327680xf32, #tpu.memory_space<hbm>> -> memref<10240xf32, #tpu.memory_space<hbm>>
      tpu.wait_dma2 semaphore(%run_scoped3A : memref<!tpu.dma_semaphore, #tpu.memory_space<semaphore_mem>>) src(%arg6 : memref<10240xf32, #tpu.memory_space<vmem>>) dst(%dma_wait3A_12 : memref<10240xf32, #tpu.memory_space<hbm>>)
      tpu.yield
    }) : () -> ()
    return
  }
}

#map = affine_map<(d0, d1) -> (0, 0, 0)>
#map1 = affine_map<(d0, d1) -> (0, 0)>
module attributes {stable_mosaic.version = 14 : i64} {
  func.func @scatter_kernel(%arg0: i32, %arg1: i32, %arg2: memref<4x10000x128xf32, #tpu.memory_space<hbm>>, %arg3: memref<2560x128xi32, #tpu.memory_space<hbm>>, %arg4: memref<2560x128xi32, #tpu.memory_space<hbm>>, %arg5: memref<128x128xf32, #tpu.memory_space<hbm>>, %arg6: memref<40960x128xf32, #tpu.memory_space<hbm>>, %arg7: memref<32x128xi32, #tpu.memory_space<vmem>>, %arg8: memref<32x128xi32, #tpu.memory_space<vmem>>, %arg9: memref<128x128xf32, #tpu.memory_space<vmem>>, %arg10: memref<128x128xf32, #tpu.memory_space<vmem>>, %arg11: memref<10240x128xf32, #tpu.memory_space<vmem_shared>>, %arg12: memref<!tpu.dma_semaphore, #tpu.memory_space<semaphore_mem>>, %arg13: memref<!tpu.dma_semaphore, #tpu.memory_space<semaphore_mem>>) attributes {dimension_semantics = [#tpu.dimension_semantics<core_parallel>, #tpu.dimension_semantics<subcore_parallel>], iteration_bounds = array<i64: 2, 16>, scalar_prefetch = 0 : i64, scratch_operands = 7 : i64, tpu.core_type = #tpu.core_type<sc_vector_subcore>, window_params = [{transform_indices = #map}, {transform_indices = #map1}, {transform_indices = #map1}, {transform_indices = #map1}, {transform_indices = #map1}]} {
    %mul3A = arith.constant 640 : i32
    %mul3A_0 = arith.muli %arg1, %mul3A : i32
    %eq3A = arith.constant 0 : i32
    %eq3A_1 = arith.cmpi eq, %arg0, %eq3A : i32
    %convert_element_type3A = arith.extui %eq3A_1 : i1 to i32
    %cond3A = arith.constant 0 : i32
    %cond3A_2 = arith.cmpi ne, %convert_element_type3A, %cond3A : i32
    scf.if %cond3A_2 {
      "tpu.region"() ({
        %run_scoped3A = tpu.sem_alloc : memref<!tpu.dma_semaphore, #tpu.memory_space<semaphore_mem>>
        tpu.enqueue_dma source(%arg5 : memref<128x128xf32, #tpu.memory_space<hbm>>) target(%arg9 : memref<128x128xf32, #tpu.memory_space<vmem>>) target_semaphore(%run_scoped3A : memref<!tpu.dma_semaphore, #tpu.memory_space<semaphore_mem>>)
        tpu.wait_dma2 semaphore(%run_scoped3A : memref<!tpu.dma_semaphore, #tpu.memory_space<semaphore_mem>>) src(%arg5 : memref<128x128xf32, #tpu.memory_space<hbm>>) dst(%arg9 : memref<128x128xf32, #tpu.memory_space<vmem>>)
        tpu.yield
      }) : () -> ()
      %add3A = arith.constant 0 : i32
      %add3A_18 = arith.addi %mul3A_0, %add3A : i32
      "tpu.region"() ({
        %run_scoped3A = tpu.sem_alloc : memref<!tpu.dma_semaphore, #tpu.memory_space<semaphore_mem>>
        %dma_start3A = arith.constant 0 : i32
        %dma_start3A_64 = tpu.memref_slice %arg11[%add3A_18, %dma_start3A] : memref<10240x128xf32, #tpu.memory_space<vmem_shared>> -> memref<128x128xf32, #tpu.memory_space<vmem_shared>>
        %dma_start3A_65 = arith.constant 0 : i32
        %dma_start3A_66 = tpu.memref_slice %arg11[%add3A_18, %dma_start3A_65] : memref<10240x128xf32, #tpu.memory_space<vmem_shared>> -> memref<128x128xf32, #tpu.memory_space<vmem_shared>>
        tpu.enqueue_dma source(%arg9 : memref<128x128xf32, #tpu.memory_space<vmem>>) target(%dma_start3A_66 : memref<128x128xf32, #tpu.memory_space<vmem_shared>>) target_semaphore(%run_scoped3A : memref<!tpu.dma_semaphore, #tpu.memory_space<semaphore_mem>>)
        %dma_wait3A = arith.constant 0 : i32
        %dma_wait3A_67 = tpu.memref_slice %arg11[%add3A_18, %dma_wait3A] : memref<10240x128xf32, #tpu.memory_space<vmem_shared>> -> memref<128x128xf32, #tpu.memory_space<vmem_shared>>
        %dma_wait3A_68 = arith.constant 0 : i32
        %dma_wait3A_69 = tpu.memref_slice %arg11[%add3A_18, %dma_wait3A_68] : memref<10240x128xf32, #tpu.memory_space<vmem_shared>> -> memref<128x128xf32, #tpu.memory_space<vmem_shared>>
        tpu.wait_dma2 semaphore(%run_scoped3A : memref<!tpu.dma_semaphore, #tpu.memory_space<semaphore_mem>>) src(%arg9 : memref<128x128xf32, #tpu.memory_space<vmem>>) dst(%dma_wait3A_69 : memref<128x128xf32, #tpu.memory_space<vmem_shared>>)
        tpu.yield
      }) : () -> ()
      %add3A_19 = arith.constant 128 : i32
      %add3A_20 = arith.addi %mul3A_0, %add3A_19 : i32
      "tpu.region"() ({
        %run_scoped3A = tpu.sem_alloc : memref<!tpu.dma_semaphore, #tpu.memory_space<semaphore_mem>>
        %dma_start3A = arith.constant 0 : i32
        %dma_start3A_64 = tpu.memref_slice %arg11[%add3A_20, %dma_start3A] : memref<10240x128xf32, #tpu.memory_space<vmem_shared>> -> memref<128x128xf32, #tpu.memory_space<vmem_shared>>
        %dma_start3A_65 = arith.constant 0 : i32
        %dma_start3A_66 = tpu.memref_slice %arg11[%add3A_20, %dma_start3A_65] : memref<10240x128xf32, #tpu.memory_space<vmem_shared>> -> memref<128x128xf32, #tpu.memory_space<vmem_shared>>
        tpu.enqueue_dma source(%arg9 : memref<128x128xf32, #tpu.memory_space<vmem>>) target(%dma_start3A_66 : memref<128x128xf32, #tpu.memory_space<vmem_shared>>) target_semaphore(%run_scoped3A : memref<!tpu.dma_semaphore, #tpu.memory_space<semaphore_mem>>)
        %dma_wait3A = arith.constant 0 : i32
        %dma_wait3A_67 = tpu.memref_slice %arg11[%add3A_20, %dma_wait3A] : memref<10240x128xf32, #tpu.memory_space<vmem_shared>> -> memref<128x128xf32, #tpu.memory_space<vmem_shared>>
        %dma_wait3A_68 = arith.constant 0 : i32
        %dma_wait3A_69 = tpu.memref_slice %arg11[%add3A_20, %dma_wait3A_68] : memref<10240x128xf32, #tpu.memory_space<vmem_shared>> -> memref<128x128xf32, #tpu.memory_space<vmem_shared>>
        tpu.wait_dma2 semaphore(%run_scoped3A : memref<!tpu.dma_semaphore, #tpu.memory_space<semaphore_mem>>) src(%arg9 : memref<128x128xf32, #tpu.memory_space<vmem>>) dst(%dma_wait3A_69 : memref<128x128xf32, #tpu.memory_space<vmem_shared>>)
        tpu.yield
      }) : () -> ()
      %add3A_21 = arith.constant 256 : i32
      %add3A_22 = arith.addi %mul3A_0, %add3A_21 : i32
      "tpu.region"() ({
        %run_scoped3A = tpu.sem_alloc : memref<!tpu.dma_semaphore, #tpu.memory_space<semaphore_mem>>
        %dma_start3A = arith.constant 0 : i32
        %dma_start3A_64 = tpu.memref_slice %arg11[%add3A_22, %dma_start3A] : memref<10240x128xf32, #tpu.memory_space<vmem_shared>> -> memref<128x128xf32, #tpu.memory_space<vmem_shared>>
        %dma_start3A_65 = arith.constant 0 : i32
        %dma_start3A_66 = tpu.memref_slice %arg11[%add3A_22, %dma_start3A_65] : memref<10240x128xf32, #tpu.memory_space<vmem_shared>> -> memref<128x128xf32, #tpu.memory_space<vmem_shared>>
        tpu.enqueue_dma source(%arg9 : memref<128x128xf32, #tpu.memory_space<vmem>>) target(%dma_start3A_66 : memref<128x128xf32, #tpu.memory_space<vmem_shared>>) target_semaphore(%run_scoped3A : memref<!tpu.dma_semaphore, #tpu.memory_space<semaphore_mem>>)
        %dma_wait3A = arith.constant 0 : i32
        %dma_wait3A_67 = tpu.memref_slice %arg11[%add3A_22, %dma_wait3A] : memref<10240x128xf32, #tpu.memory_space<vmem_shared>> -> memref<128x128xf32, #tpu.memory_space<vmem_shared>>
        %dma_wait3A_68 = arith.constant 0 : i32
        %dma_wait3A_69 = tpu.memref_slice %arg11[%add3A_22, %dma_wait3A_68] : memref<10240x128xf32, #tpu.memory_space<vmem_shared>> -> memref<128x128xf32, #tpu.memory_space<vmem_shared>>
        tpu.wait_dma2 semaphore(%run_scoped3A : memref<!tpu.dma_semaphore, #tpu.memory_space<semaphore_mem>>) src(%arg9 : memref<128x128xf32, #tpu.memory_space<vmem>>) dst(%dma_wait3A_69 : memref<128x128xf32, #tpu.memory_space<vmem_shared>>)
        tpu.yield
      }) : () -> ()
      %add3A_23 = arith.constant 384 : i32
      %add3A_24 = arith.addi %mul3A_0, %add3A_23 : i32
      "tpu.region"() ({
        %run_scoped3A = tpu.sem_alloc : memref<!tpu.dma_semaphore, #tpu.memory_space<semaphore_mem>>
        %dma_start3A = arith.constant 0 : i32
        %dma_start3A_64 = tpu.memref_slice %arg11[%add3A_24, %dma_start3A] : memref<10240x128xf32, #tpu.memory_space<vmem_shared>> -> memref<128x128xf32, #tpu.memory_space<vmem_shared>>
        %dma_start3A_65 = arith.constant 0 : i32
        %dma_start3A_66 = tpu.memref_slice %arg11[%add3A_24, %dma_start3A_65] : memref<10240x128xf32, #tpu.memory_space<vmem_shared>> -> memref<128x128xf32, #tpu.memory_space<vmem_shared>>
        tpu.enqueue_dma source(%arg9 : memref<128x128xf32, #tpu.memory_space<vmem>>) target(%dma_start3A_66 : memref<128x128xf32, #tpu.memory_space<vmem_shared>>) target_semaphore(%run_scoped3A : memref<!tpu.dma_semaphore, #tpu.memory_space<semaphore_mem>>)
        %dma_wait3A = arith.constant 0 : i32
        %dma_wait3A_67 = tpu.memref_slice %arg11[%add3A_24, %dma_wait3A] : memref<10240x128xf32, #tpu.memory_space<vmem_shared>> -> memref<128x128xf32, #tpu.memory_space<vmem_shared>>
        %dma_wait3A_68 = arith.constant 0 : i32
        %dma_wait3A_69 = tpu.memref_slice %arg11[%add3A_24, %dma_wait3A_68] : memref<10240x128xf32, #tpu.memory_space<vmem_shared>> -> memref<128x128xf32, #tpu.memory_space<vmem_shared>>
        tpu.wait_dma2 semaphore(%run_scoped3A : memref<!tpu.dma_semaphore, #tpu.memory_space<semaphore_mem>>) src(%arg9 : memref<128x128xf32, #tpu.memory_space<vmem>>) dst(%dma_wait3A_69 : memref<128x128xf32, #tpu.memory_space<vmem_shared>>)
        tpu.yield
      }) : () -> ()
      %add3A_25 = arith.constant 512 : i32
      %add3A_26 = arith.addi %mul3A_0, %add3A_25 : i32
      "tpu.region"() ({
        %run_scoped3A = tpu.sem_alloc : memref<!tpu.dma_semaphore, #tpu.memory_space<semaphore_mem>>
        %dma_start3A = arith.constant 0 : i32
        %dma_start3A_64 = tpu.memref_slice %arg11[%add3A_26, %dma_start3A] : memref<10240x128xf32, #tpu.memory_space<vmem_shared>> -> memref<128x128xf32, #tpu.memory_space<vmem_shared>>
        %dma_start3A_65 = arith.constant 0 : i32
        %dma_start3A_66 = tpu.memref_slice %arg11[%add3A_26, %dma_start3A_65] : memref<10240x128xf32, #tpu.memory_space<vmem_shared>> -> memref<128x128xf32, #tpu.memory_space<vmem_shared>>
        tpu.enqueue_dma source(%arg9 : memref<128x128xf32, #tpu.memory_space<vmem>>) target(%dma_start3A_66 : memref<128x128xf32, #tpu.memory_space<vmem_shared>>) target_semaphore(%run_scoped3A : memref<!tpu.dma_semaphore, #tpu.memory_space<semaphore_mem>>)
        %dma_wait3A = arith.constant 0 : i32
        %dma_wait3A_67 = tpu.memref_slice %arg11[%add3A_26, %dma_wait3A] : memref<10240x128xf32, #tpu.memory_space<vmem_shared>> -> memref<128x128xf32, #tpu.memory_space<vmem_shared>>
        %dma_wait3A_68 = arith.constant 0 : i32
        %dma_wait3A_69 = tpu.memref_slice %arg11[%add3A_26, %dma_wait3A_68] : memref<10240x128xf32, #tpu.memory_space<vmem_shared>> -> memref<128x128xf32, #tpu.memory_space<vmem_shared>>
        tpu.wait_dma2 semaphore(%run_scoped3A : memref<!tpu.dma_semaphore, #tpu.memory_space<semaphore_mem>>) src(%arg9 : memref<128x128xf32, #tpu.memory_space<vmem>>) dst(%dma_wait3A_69 : memref<128x128xf32, #tpu.memory_space<vmem_shared>>)
        tpu.yield
      }) : () -> ()
      %barrier3A = arith.constant 0 : index
      tpu.barrier barrier_id(%barrier3A)
      %scan3A = arith.constant 0 : i32
      %scan3A_27 = arith.constant 0 : i32
      %scan3A_28 = arith.constant 5 : i32
      %scan3A_29 = arith.addi %scan3A_27, %scan3A_28 : i32
      %scan3A_30 = arith.constant 1 : i32
      scf.for %scan3A_64 = %scan3A_27 to %scan3A_29 step %scan3A_30  : i32 {
        %mul3A_65 = arith.constant 160 : i32
        %mul3A_66 = arith.muli %arg1, %mul3A_65 : i32
        %mul3A_67 = arith.constant 32 : i32
        %mul3A_68 = arith.muli %scan3A_64, %mul3A_67 : i32
        %add3A_69 = arith.addi %mul3A_66, %mul3A_68 : i32
        "tpu.region"() ({
          %run_scoped3A = tpu.sem_alloc : memref<!tpu.dma_semaphore, #tpu.memory_space<semaphore_mem>>
          %dma_start3A_92 = arith.constant 0 : i32
          %dma_start3A_93 = tpu.memref_slice %arg3[%add3A_69, %dma_start3A_92] : memref<2560x128xi32, #tpu.memory_space<hbm>> -> memref<32x128xi32, #tpu.memory_space<hbm>>
          %dma_start3A_94 = arith.constant 0 : i32
          %dma_start3A_95 = tpu.memref_slice %arg3[%add3A_69, %dma_start3A_94] : memref<2560x128xi32, #tpu.memory_space<hbm>> -> memref<32x128xi32, #tpu.memory_space<hbm>>
          tpu.enqueue_dma source(%dma_start3A_95 : memref<32x128xi32, #tpu.memory_space<hbm>>) target(%arg7 : memref<32x128xi32, #tpu.memory_space<vmem>>) target_semaphore(%run_scoped3A : memref<!tpu.dma_semaphore, #tpu.memory_space<semaphore_mem>>)
          %dma_wait3A = arith.constant 0 : i32
          %dma_wait3A_96 = tpu.memref_slice %arg3[%add3A_69, %dma_wait3A] : memref<2560x128xi32, #tpu.memory_space<hbm>> -> memref<32x128xi32, #tpu.memory_space<hbm>>
          %dma_wait3A_97 = arith.constant 0 : i32
          %dma_wait3A_98 = tpu.memref_slice %arg3[%add3A_69, %dma_wait3A_97] : memref<2560x128xi32, #tpu.memory_space<hbm>> -> memref<32x128xi32, #tpu.memory_space<hbm>>
          tpu.wait_dma2 semaphore(%run_scoped3A : memref<!tpu.dma_semaphore, #tpu.memory_space<semaphore_mem>>) src(%dma_wait3A_98 : memref<32x128xi32, #tpu.memory_space<hbm>>) dst(%arg7 : memref<32x128xi32, #tpu.memory_space<vmem>>)
          tpu.yield
        }) : () -> ()
        %mul3A_70 = arith.constant 160 : i32
        %mul3A_71 = arith.muli %arg1, %mul3A_70 : i32
        %mul3A_72 = arith.constant 32 : i32
        %mul3A_73 = arith.muli %scan3A_64, %mul3A_72 : i32
        %add3A_74 = arith.addi %mul3A_71, %mul3A_73 : i32
        "tpu.region"() ({
          %run_scoped3A = tpu.sem_alloc : memref<!tpu.dma_semaphore, #tpu.memory_space<semaphore_mem>>
          %dma_start3A_92 = arith.constant 0 : i32
          %dma_start3A_93 = tpu.memref_slice %arg4[%add3A_74, %dma_start3A_92] : memref<2560x128xi32, #tpu.memory_space<hbm>> -> memref<32x128xi32, #tpu.memory_space<hbm>>
          %dma_start3A_94 = arith.constant 0 : i32
          %dma_start3A_95 = tpu.memref_slice %arg4[%add3A_74, %dma_start3A_94] : memref<2560x128xi32, #tpu.memory_space<hbm>> -> memref<32x128xi32, #tpu.memory_space<hbm>>
          tpu.enqueue_dma source(%dma_start3A_95 : memref<32x128xi32, #tpu.memory_space<hbm>>) target(%arg8 : memref<32x128xi32, #tpu.memory_space<vmem>>) target_semaphore(%run_scoped3A : memref<!tpu.dma_semaphore, #tpu.memory_space<semaphore_mem>>)
          %dma_wait3A = arith.constant 0 : i32
          %dma_wait3A_96 = tpu.memref_slice %arg4[%add3A_74, %dma_wait3A] : memref<2560x128xi32, #tpu.memory_space<hbm>> -> memref<32x128xi32, #tpu.memory_space<hbm>>
          %dma_wait3A_97 = arith.constant 0 : i32
          %dma_wait3A_98 = tpu.memref_slice %arg4[%add3A_74, %dma_wait3A_97] : memref<2560x128xi32, #tpu.memory_space<hbm>> -> memref<32x128xi32, #tpu.memory_space<hbm>>
          tpu.wait_dma2 semaphore(%run_scoped3A : memref<!tpu.dma_semaphore, #tpu.memory_space<semaphore_mem>>) src(%dma_wait3A_98 : memref<32x128xi32, #tpu.memory_space<hbm>>) dst(%arg8 : memref<32x128xi32, #tpu.memory_space<vmem>>)
          tpu.yield
        }) : () -> ()
        %dma_start3A = arith.constant 0 : i32
        %dma_start3A_75 = arith.constant 0 : i32
        %dma_start3A_76 = arith.constant 0 : i32
        %dma_start3A_77 = tpu.memref_slice %arg7[%dma_start3A_75, %dma_start3A_76] : memref<32x128xi32, #tpu.memory_space<vmem>> -> memref<1x128xi32, #tpu.memory_space<vmem>>
        %dma_start3A_78 = tpu.memref_squeeze %dma_start3A_77 : memref<1x128xi32, #tpu.memory_space<vmem>> -> memref<128xi32, #tpu.memory_space<vmem>>
        %dma_start3A_79 = arith.constant 0 : i32
        %dma_start3A_80 = arith.constant 0 : i32
        %dma_start3A_81 = tpu.memref_slice %arg2[%dma_start3A, %dma_start3A_79, %dma_start3A_80] : memref<4x10000x128xf32, #tpu.memory_space<hbm>> -> memref<1x10000x128xf32, #tpu.memory_space<hbm>>
        %dma_start3A_82 = tpu.memref_squeeze %dma_start3A_81 : memref<1x10000x128xf32, #tpu.memory_space<hbm>> -> memref<10000x128xf32, #tpu.memory_space<hbm>>
        %dma_start3A_83 = arith.constant 0 : i32
        %dma_start3A_84 = arith.constant 0 : i32
        %dma_start3A_85 = tpu.memref_slice %dma_start3A_82[%dma_start3A_83, %dma_start3A_84] : memref<10000x128xf32, #tpu.memory_space<hbm>> -> memref<10000x128xf32, #tpu.memory_space<hbm>>
        tpu.enqueue_indirect_dma source(%dma_start3A_85 : memref<10000x128xf32, #tpu.memory_space<hbm>>) target(%arg9 : memref<128x128xf32, #tpu.memory_space<vmem>>) offsets(%dma_start3A_78 : memref<128xi32, #tpu.memory_space<vmem>>) semaphore(%arg12 : memref<!tpu.dma_semaphore, #tpu.memory_space<semaphore_mem>>)
        %scan3A_86 = arith.constant 0 : i32
        %scan3A_87 = arith.constant 0 : i32
        %scan3A_88 = arith.constant 16 : i32
        %scan3A_89 = arith.addi %scan3A_87, %scan3A_88 : i32
        %scan3A_90 = arith.constant 1 : i32
        scf.for %scan3A_92 = %scan3A_87 to %scan3A_89 step %scan3A_90  : i32 {
          tpu.wait_dma2 semaphore(%arg12 : memref<!tpu.dma_semaphore, #tpu.memory_space<semaphore_mem>>) src(%arg5 : memref<128x128xf32, #tpu.memory_space<hbm>>) dst(%arg9 : memref<128x128xf32, #tpu.memory_space<vmem>>)
          %mul3A_93 = arith.constant 2 : i32
          %mul3A_94 = arith.muli %mul3A_93, %scan3A_92 : i32
          %add3A_95 = arith.constant 1 : i32
          %add3A_96 = arith.addi %mul3A_94, %add3A_95 : i32
          %dma_start3A_97 = arith.constant 0 : i32
          %dma_start3A_98 = arith.constant 0 : i32
          %dma_start3A_99 = tpu.memref_slice %arg7[%add3A_96, %dma_start3A_98] : memref<32x128xi32, #tpu.memory_space<vmem>> -> memref<1x128xi32, #tpu.memory_space<vmem>>
          %dma_start3A_100 = tpu.memref_squeeze %dma_start3A_99 : memref<1x128xi32, #tpu.memory_space<vmem>> -> memref<128xi32, #tpu.memory_space<vmem>>
          %dma_start3A_101 = arith.constant 0 : i32
          %dma_start3A_102 = arith.constant 0 : i32
          %dma_start3A_103 = tpu.memref_slice %arg2[%dma_start3A_97, %dma_start3A_101, %dma_start3A_102] : memref<4x10000x128xf32, #tpu.memory_space<hbm>> -> memref<1x10000x128xf32, #tpu.memory_space<hbm>>
          %dma_start3A_104 = tpu.memref_squeeze %dma_start3A_103 : memref<1x10000x128xf32, #tpu.memory_space<hbm>> -> memref<10000x128xf32, #tpu.memory_space<hbm>>
          %dma_start3A_105 = arith.constant 0 : i32
          %dma_start3A_106 = arith.constant 0 : i32
          %dma_start3A_107 = tpu.memref_slice %dma_start3A_104[%dma_start3A_105, %dma_start3A_106] : memref<10000x128xf32, #tpu.memory_space<hbm>> -> memref<10000x128xf32, #tpu.memory_space<hbm>>
          tpu.enqueue_indirect_dma source(%dma_start3A_107 : memref<10000x128xf32, #tpu.memory_space<hbm>>) target(%arg10 : memref<128x128xf32, #tpu.memory_space<vmem>>) offsets(%dma_start3A_100 : memref<128xi32, #tpu.memory_space<vmem>>) semaphore(%arg13 : memref<!tpu.dma_semaphore, #tpu.memory_space<semaphore_mem>>)
          %mul3A_108 = arith.constant 2 : i32
          %mul3A_109 = arith.muli %mul3A_108, %scan3A_92 : i32
          "tpu.region"() ({
            %run_scoped3A = tpu.sem_alloc : memref<!tpu.dma_semaphore, #tpu.memory_space<semaphore_mem>>
            %dma_start3A_118 = arith.constant 0 : i32
            %dma_start3A_119 = tpu.memref_slice %arg8[%mul3A_109, %dma_start3A_118] : memref<32x128xi32, #tpu.memory_space<vmem>> -> memref<1x128xi32, #tpu.memory_space<vmem>>
            %dma_start3A_120 = tpu.memref_squeeze %dma_start3A_119 : memref<1x128xi32, #tpu.memory_space<vmem>> -> memref<128xi32, #tpu.memory_space<vmem>>
            %dma_start3A_121 = arith.constant 0 : i32
            %dma_start3A_122 = arith.constant 0 : i32
            %dma_start3A_123 = tpu.memref_slice %arg11[%dma_start3A_121, %dma_start3A_122] : memref<10240x128xf32, #tpu.memory_space<vmem_shared>> -> memref<10240x128xf32, #tpu.memory_space<vmem_shared>>
            tpu.enqueue_indirect_dma source(%arg9 : memref<128x128xf32, #tpu.memory_space<vmem>>) target(%dma_start3A_123 : memref<10240x128xf32, #tpu.memory_space<vmem_shared>>) offsets(%dma_start3A_120 : memref<128xi32, #tpu.memory_space<vmem>>) semaphore(%run_scoped3A : memref<!tpu.dma_semaphore, #tpu.memory_space<semaphore_mem>>) {add = true}
            %dma_wait3A = arith.constant 0 : i32
            %dma_wait3A_124 = tpu.memref_slice %arg8[%mul3A_109, %dma_wait3A] : memref<32x128xi32, #tpu.memory_space<vmem>> -> memref<1x128xi32, #tpu.memory_space<vmem>>
            %dma_wait3A_125 = tpu.memref_squeeze %dma_wait3A_124 : memref<1x128xi32, #tpu.memory_space<vmem>> -> memref<128xi32, #tpu.memory_space<vmem>>
            %dma_wait3A_126 = arith.constant 0 : i32
            %dma_wait3A_127 = arith.constant 0 : i32
            %dma_wait3A_128 = tpu.memref_slice %arg11[%dma_wait3A_126, %dma_wait3A_127] : memref<10240x128xf32, #tpu.memory_space<vmem_shared>> -> memref<10240x128xf32, #tpu.memory_space<vmem_shared>>
            tpu.wait_indirect_dma semaphore(%run_scoped3A : memref<!tpu.dma_semaphore, #tpu.memory_space<semaphore_mem>>) src(%arg9 : memref<128x128xf32, #tpu.memory_space<vmem>>) dst(%dma_wait3A_128 : memref<10240x128xf32, #tpu.memory_space<vmem_shared>>)
            tpu.yield
          }) : () -> ()
          tpu.wait_dma2 semaphore(%arg13 : memref<!tpu.dma_semaphore, #tpu.memory_space<semaphore_mem>>) src(%arg5 : memref<128x128xf32, #tpu.memory_space<hbm>>) dst(%arg10 : memref<128x128xf32, #tpu.memory_space<vmem>>)
          %lt3A = arith.constant 15 : i32
          %lt3A_110 = arith.cmpi slt, %scan3A_92, %lt3A : i32
          %convert_element_type3A_111 = arith.extui %lt3A_110 : i1 to i32
          %cond3A_112 = arith.constant 0 : i32
          %cond3A_113 = arith.cmpi ne, %convert_element_type3A_111, %cond3A_112 : i32
          scf.if %cond3A_113 {
            %mul3A_118 = arith.constant 2 : i32
            %mul3A_119 = arith.muli %mul3A_118, %scan3A_92 : i32
            %add3A_120 = arith.constant 2 : i32
            %add3A_121 = arith.addi %mul3A_119, %add3A_120 : i32
            %dma_start3A_122 = arith.constant 0 : i32
            %dma_start3A_123 = arith.constant 0 : i32
            %dma_start3A_124 = tpu.memref_slice %arg7[%add3A_121, %dma_start3A_123] : memref<32x128xi32, #tpu.memory_space<vmem>> -> memref<1x128xi32, #tpu.memory_space<vmem>>
            %dma_start3A_125 = tpu.memref_squeeze %dma_start3A_124 : memref<1x128xi32, #tpu.memory_space<vmem>> -> memref<128xi32, #tpu.memory_space<vmem>>
            %dma_start3A_126 = arith.constant 0 : i32
            %dma_start3A_127 = arith.constant 0 : i32
            %dma_start3A_128 = tpu.memref_slice %arg2[%dma_start3A_122, %dma_start3A_126, %dma_start3A_127] : memref<4x10000x128xf32, #tpu.memory_space<hbm>> -> memref<1x10000x128xf32, #tpu.memory_space<hbm>>
            %dma_start3A_129 = tpu.memref_squeeze %dma_start3A_128 : memref<1x10000x128xf32, #tpu.memory_space<hbm>> -> memref<10000x128xf32, #tpu.memory_space<hbm>>
            %dma_start3A_130 = arith.constant 0 : i32
            %dma_start3A_131 = arith.constant 0 : i32
            %dma_start3A_132 = tpu.memref_slice %dma_start3A_129[%dma_start3A_130, %dma_start3A_131] : memref<10000x128xf32, #tpu.memory_space<hbm>> -> memref<10000x128xf32, #tpu.memory_space<hbm>>
            tpu.enqueue_indirect_dma source(%dma_start3A_132 : memref<10000x128xf32, #tpu.memory_space<hbm>>) target(%arg9 : memref<128x128xf32, #tpu.memory_space<vmem>>) offsets(%dma_start3A_125 : memref<128xi32, #tpu.memory_space<vmem>>) semaphore(%arg12 : memref<!tpu.dma_semaphore, #tpu.memory_space<semaphore_mem>>)
          } else {
          }
          %mul3A_114 = arith.constant 2 : i32
          %mul3A_115 = arith.muli %mul3A_114, %scan3A_92 : i32
          %add3A_116 = arith.constant 1 : i32
          %add3A_117 = arith.addi %mul3A_115, %add3A_116 : i32
          "tpu.region"() ({
            %run_scoped3A = tpu.sem_alloc : memref<!tpu.dma_semaphore, #tpu.memory_space<semaphore_mem>>
            %dma_start3A_118 = arith.constant 0 : i32
            %dma_start3A_119 = tpu.memref_slice %arg8[%add3A_117, %dma_start3A_118] : memref<32x128xi32, #tpu.memory_space<vmem>> -> memref<1x128xi32, #tpu.memory_space<vmem>>
            %dma_start3A_120 = tpu.memref_squeeze %dma_start3A_119 : memref<1x128xi32, #tpu.memory_space<vmem>> -> memref<128xi32, #tpu.memory_space<vmem>>
            %dma_start3A_121 = arith.constant 0 : i32
            %dma_start3A_122 = arith.constant 0 : i32
            %dma_start3A_123 = tpu.memref_slice %arg11[%dma_start3A_121, %dma_start3A_122] : memref<10240x128xf32, #tpu.memory_space<vmem_shared>> -> memref<10240x128xf32, #tpu.memory_space<vmem_shared>>
            tpu.enqueue_indirect_dma source(%arg10 : memref<128x128xf32, #tpu.memory_space<vmem>>) target(%dma_start3A_123 : memref<10240x128xf32, #tpu.memory_space<vmem_shared>>) offsets(%dma_start3A_120 : memref<128xi32, #tpu.memory_space<vmem>>) semaphore(%run_scoped3A : memref<!tpu.dma_semaphore, #tpu.memory_space<semaphore_mem>>) {add = true}
            %dma_wait3A = arith.constant 0 : i32
            %dma_wait3A_124 = tpu.memref_slice %arg8[%add3A_117, %dma_wait3A] : memref<32x128xi32, #tpu.memory_space<vmem>> -> memref<1x128xi32, #tpu.memory_space<vmem>>
            %dma_wait3A_125 = tpu.memref_squeeze %dma_wait3A_124 : memref<1x128xi32, #tpu.memory_space<vmem>> -> memref<128xi32, #tpu.memory_space<vmem>>
            %dma_wait3A_126 = arith.constant 0 : i32
            %dma_wait3A_127 = arith.constant 0 : i32
            %dma_wait3A_128 = tpu.memref_slice %arg11[%dma_wait3A_126, %dma_wait3A_127] : memref<10240x128xf32, #tpu.memory_space<vmem_shared>> -> memref<10240x128xf32, #tpu.memory_space<vmem_shared>>
            tpu.wait_indirect_dma semaphore(%run_scoped3A : memref<!tpu.dma_semaphore, #tpu.memory_space<semaphore_mem>>) src(%arg10 : memref<128x128xf32, #tpu.memory_space<vmem>>) dst(%dma_wait3A_128 : memref<10240x128xf32, #tpu.memory_space<vmem_shared>>)
            tpu.yield
          }) : () -> ()
        }
        %scan3A_91 = arith.constant 16 : i32
      }
      %scan3A_31 = arith.constant 5 : i32
      %barrier3A_32 = arith.constant 0 : index
      tpu.barrier barrier_id(%barrier3A_32)
      %add3A_33 = arith.constant 0 : i32
      %add3A_34 = arith.addi %mul3A_0, %add3A_33 : i32
      "tpu.region"() ({
        %run_scoped3A = tpu.sem_alloc : memref<!tpu.dma_semaphore, #tpu.memory_space<semaphore_mem>>
        %dma_start3A = arith.constant 0 : i32
        %dma_start3A_64 = tpu.memref_slice %arg11[%add3A_34, %dma_start3A] : memref<10240x128xf32, #tpu.memory_space<vmem_shared>> -> memref<128x128xf32, #tpu.memory_space<vmem_shared>>
        %dma_start3A_65 = arith.constant 0 : i32
        %dma_start3A_66 = tpu.memref_slice %arg11[%add3A_34, %dma_start3A_65] : memref<10240x128xf32, #tpu.memory_space<vmem_shared>> -> memref<128x128xf32, #tpu.memory_space<vmem_shared>>
        tpu.enqueue_dma source(%dma_start3A_66 : memref<128x128xf32, #tpu.memory_space<vmem_shared>>) target(%arg9 : memref<128x128xf32, #tpu.memory_space<vmem>>) target_semaphore(%run_scoped3A : memref<!tpu.dma_semaphore, #tpu.memory_space<semaphore_mem>>)
        %dma_wait3A = arith.constant 0 : i32
        %dma_wait3A_67 = tpu.memref_slice %arg11[%add3A_34, %dma_wait3A] : memref<10240x128xf32, #tpu.memory_space<vmem_shared>> -> memref<128x128xf32, #tpu.memory_space<vmem_shared>>
        %dma_wait3A_68 = arith.constant 0 : i32
        %dma_wait3A_69 = tpu.memref_slice %arg11[%add3A_34, %dma_wait3A_68] : memref<10240x128xf32, #tpu.memory_space<vmem_shared>> -> memref<128x128xf32, #tpu.memory_space<vmem_shared>>
        tpu.wait_dma2 semaphore(%run_scoped3A : memref<!tpu.dma_semaphore, #tpu.memory_space<semaphore_mem>>) src(%dma_wait3A_69 : memref<128x128xf32, #tpu.memory_space<vmem_shared>>) dst(%arg9 : memref<128x128xf32, #tpu.memory_space<vmem>>)
        tpu.yield
      }) : () -> ()
      %add3A_35 = arith.constant 0 : i32
      %add3A_36 = arith.addi %add3A_35, %mul3A_0 : i32
      %add3A_37 = arith.constant 0 : i32
      %add3A_38 = arith.addi %add3A_36, %add3A_37 : i32
      "tpu.region"() ({
        %run_scoped3A = tpu.sem_alloc : memref<!tpu.dma_semaphore, #tpu.memory_space<semaphore_mem>>
        %dma_start3A = arith.constant 0 : i32
        %dma_start3A_64 = tpu.memref_slice %arg6[%add3A_38, %dma_start3A] : memref<40960x128xf32, #tpu.memory_space<hbm>> -> memref<128x128xf32, #tpu.memory_space<hbm>>
        %dma_start3A_65 = arith.constant 0 : i32
        %dma_start3A_66 = tpu.memref_slice %arg6[%add3A_38, %dma_start3A_65] : memref<40960x128xf32, #tpu.memory_space<hbm>> -> memref<128x128xf32, #tpu.memory_space<hbm>>
        tpu.enqueue_dma source(%arg9 : memref<128x128xf32, #tpu.memory_space<vmem>>) target(%dma_start3A_66 : memref<128x128xf32, #tpu.memory_space<hbm>>) target_semaphore(%run_scoped3A : memref<!tpu.dma_semaphore, #tpu.memory_space<semaphore_mem>>)
        %dma_wait3A = arith.constant 0 : i32
        %dma_wait3A_67 = tpu.memref_slice %arg6[%add3A_38, %dma_wait3A] : memref<40960x128xf32, #tpu.memory_space<hbm>> -> memref<128x128xf32, #tpu.memory_space<hbm>>
        %dma_wait3A_68 = arith.constant 0 : i32
        %dma_wait3A_69 = tpu.memref_slice %arg6[%add3A_38, %dma_wait3A_68] : memref<40960x128xf32, #tpu.memory_space<hbm>> -> memref<128x128xf32, #tpu.memory_space<hbm>>
        tpu.wait_dma2 semaphore(%run_scoped3A : memref<!tpu.dma_semaphore, #tpu.memory_space<semaphore_mem>>) src(%arg9 : memref<128x128xf32, #tpu.memory_space<vmem>>) dst(%dma_wait3A_69 : memref<128x128xf32, #tpu.memory_space<hbm>>)
        tpu.yield
      }) : () -> ()
      %add3A_39 = arith.constant 128 : i32
      %add3A_40 = arith.addi %mul3A_0, %add3A_39 : i32
      "tpu.region"() ({
        %run_scoped3A = tpu.sem_alloc : memref<!tpu.dma_semaphore, #tpu.memory_space<semaphore_mem>>
        %dma_start3A = arith.constant 0 : i32
        %dma_start3A_64 = tpu.memref_slice %arg11[%add3A_40, %dma_start3A] : memref<10240x128xf32, #tpu.memory_space<vmem_shared>> -> memref<128x128xf32, #tpu.memory_space<vmem_shared>>
        %dma_start3A_65 = arith.constant 0 : i32
        %dma_start3A_66 = tpu.memref_slice %arg11[%add3A_40, %dma_start3A_65] : memref<10240x128xf32, #tpu.memory_space<vmem_shared>> -> memref<128x128xf32, #tpu.memory_space<vmem_shared>>
        tpu.enqueue_dma source(%dma_start3A_66 : memref<128x128xf32, #tpu.memory_space<vmem_shared>>) target(%arg9 : memref<128x128xf32, #tpu.memory_space<vmem>>) target_semaphore(%run_scoped3A : memref<!tpu.dma_semaphore, #tpu.memory_space<semaphore_mem>>)
        %dma_wait3A = arith.constant 0 : i32
        %dma_wait3A_67 = tpu.memref_slice %arg11[%add3A_40, %dma_wait3A] : memref<10240x128xf32, #tpu.memory_space<vmem_shared>> -> memref<128x128xf32, #tpu.memory_space<vmem_shared>>
        %dma_wait3A_68 = arith.constant 0 : i32
        %dma_wait3A_69 = tpu.memref_slice %arg11[%add3A_40, %dma_wait3A_68] : memref<10240x128xf32, #tpu.memory_space<vmem_shared>> -> memref<128x128xf32, #tpu.memory_space<vmem_shared>>
        tpu.wait_dma2 semaphore(%run_scoped3A : memref<!tpu.dma_semaphore, #tpu.memory_space<semaphore_mem>>) src(%dma_wait3A_69 : memref<128x128xf32, #tpu.memory_space<vmem_shared>>) dst(%arg9 : memref<128x128xf32, #tpu.memory_space<vmem>>)
        tpu.yield
      }) : () -> ()
      %add3A_41 = arith.constant 0 : i32
      %add3A_42 = arith.addi %add3A_41, %mul3A_0 : i32
      %add3A_43 = arith.constant 128 : i32
      %add3A_44 = arith.addi %add3A_42, %add3A_43 : i32
      "tpu.region"() ({
        %run_scoped3A = tpu.sem_alloc : memref<!tpu.dma_semaphore, #tpu.memory_space<semaphore_mem>>
        %dma_start3A = arith.constant 0 : i32
        %dma_start3A_64 = tpu.memref_slice %arg6[%add3A_44, %dma_start3A] : memref<40960x128xf32, #tpu.memory_space<hbm>> -> memref<128x128xf32, #tpu.memory_space<hbm>>
        %dma_start3A_65 = arith.constant 0 : i32
        %dma_start3A_66 = tpu.memref_slice %arg6[%add3A_44, %dma_start3A_65] : memref<40960x128xf32, #tpu.memory_space<hbm>> -> memref<128x128xf32, #tpu.memory_space<hbm>>
        tpu.enqueue_dma source(%arg9 : memref<128x128xf32, #tpu.memory_space<vmem>>) target(%dma_start3A_66 : memref<128x128xf32, #tpu.memory_space<hbm>>) target_semaphore(%run_scoped3A : memref<!tpu.dma_semaphore, #tpu.memory_space<semaphore_mem>>)
        %dma_wait3A = arith.constant 0 : i32
        %dma_wait3A_67 = tpu.memref_slice %arg6[%add3A_44, %dma_wait3A] : memref<40960x128xf32, #tpu.memory_space<hbm>> -> memref<128x128xf32, #tpu.memory_space<hbm>>
        %dma_wait3A_68 = arith.constant 0 : i32
        %dma_wait3A_69 = tpu.memref_slice %arg6[%add3A_44, %dma_wait3A_68] : memref<40960x128xf32, #tpu.memory_space<hbm>> -> memref<128x128xf32, #tpu.memory_space<hbm>>
        tpu.wait_dma2 semaphore(%run_scoped3A : memref<!tpu.dma_semaphore, #tpu.memory_space<semaphore_mem>>) src(%arg9 : memref<128x128xf32, #tpu.memory_space<vmem>>) dst(%dma_wait3A_69 : memref<128x128xf32, #tpu.memory_space<hbm>>)
        tpu.yield
      }) : () -> ()
      %add3A_45 = arith.constant 256 : i32
      %add3A_46 = arith.addi %mul3A_0, %add3A_45 : i32
      "tpu.region"() ({
        %run_scoped3A = tpu.sem_alloc : memref<!tpu.dma_semaphore, #tpu.memory_space<semaphore_mem>>
        %dma_start3A = arith.constant 0 : i32
        %dma_start3A_64 = tpu.memref_slice %arg11[%add3A_46, %dma_start3A] : memref<10240x128xf32, #tpu.memory_space<vmem_shared>> -> memref<128x128xf32, #tpu.memory_space<vmem_shared>>
        %dma_start3A_65 = arith.constant 0 : i32
        %dma_start3A_66 = tpu.memref_slice %arg11[%add3A_46, %dma_start3A_65] : memref<10240x128xf32, #tpu.memory_space<vmem_shared>> -> memref<128x128xf32, #tpu.memory_space<vmem_shared>>
        tpu.enqueue_dma source(%dma_start3A_66 : memref<128x128xf32, #tpu.memory_space<vmem_shared>>) target(%arg9 : memref<128x128xf32, #tpu.memory_space<vmem>>) target_semaphore(%run_scoped3A : memref<!tpu.dma_semaphore, #tpu.memory_space<semaphore_mem>>)
        %dma_wait3A = arith.constant 0 : i32
        %dma_wait3A_67 = tpu.memref_slice %arg11[%add3A_46, %dma_wait3A] : memref<10240x128xf32, #tpu.memory_space<vmem_shared>> -> memref<128x128xf32, #tpu.memory_space<vmem_shared>>
        %dma_wait3A_68 = arith.constant 0 : i32
        %dma_wait3A_69 = tpu.memref_slice %arg11[%add3A_46, %dma_wait3A_68] : memref<10240x128xf32, #tpu.memory_space<vmem_shared>> -> memref<128x128xf32, #tpu.memory_space<vmem_shared>>
        tpu.wait_dma2 semaphore(%run_scoped3A : memref<!tpu.dma_semaphore, #tpu.memory_space<semaphore_mem>>) src(%dma_wait3A_69 : memref<128x128xf32, #tpu.memory_space<vmem_shared>>) dst(%arg9 : memref<128x128xf32, #tpu.memory_space<vmem>>)
        tpu.yield
      }) : () -> ()
      %add3A_47 = arith.constant 0 : i32
      %add3A_48 = arith.addi %add3A_47, %mul3A_0 : i32
      %add3A_49 = arith.constant 256 : i32
      %add3A_50 = arith.addi %add3A_48, %add3A_49 : i32
      "tpu.region"() ({
        %run_scoped3A = tpu.sem_alloc : memref<!tpu.dma_semaphore, #tpu.memory_space<semaphore_mem>>
        %dma_start3A = arith.constant 0 : i32
        %dma_start3A_64 = tpu.memref_slice %arg6[%add3A_50, %dma_start3A] : memref<40960x128xf32, #tpu.memory_space<hbm>> -> memref<128x128xf32, #tpu.memory_space<hbm>>
        %dma_start3A_65 = arith.constant 0 : i32
        %dma_start3A_66 = tpu.memref_slice %arg6[%add3A_50, %dma_start3A_65] : memref<40960x128xf32, #tpu.memory_space<hbm>> -> memref<128x128xf32, #tpu.memory_space<hbm>>
        tpu.enqueue_dma source(%arg9 : memref<128x128xf32, #tpu.memory_space<vmem>>) target(%dma_start3A_66 : memref<128x128xf32, #tpu.memory_space<hbm>>) target_semaphore(%run_scoped3A : memref<!tpu.dma_semaphore, #tpu.memory_space<semaphore_mem>>)
        %dma_wait3A = arith.constant 0 : i32
        %dma_wait3A_67 = tpu.memref_slice %arg6[%add3A_50, %dma_wait3A] : memref<40960x128xf32, #tpu.memory_space<hbm>> -> memref<128x128xf32, #tpu.memory_space<hbm>>
        %dma_wait3A_68 = arith.constant 0 : i32
        %dma_wait3A_69 = tpu.memref_slice %arg6[%add3A_50, %dma_wait3A_68] : memref<40960x128xf32, #tpu.memory_space<hbm>> -> memref<128x128xf32, #tpu.memory_space<hbm>>
        tpu.wait_dma2 semaphore(%run_scoped3A : memref<!tpu.dma_semaphore, #tpu.memory_space<semaphore_mem>>) src(%arg9 : memref<128x128xf32, #tpu.memory_space<vmem>>) dst(%dma_wait3A_69 : memref<128x128xf32, #tpu.memory_space<hbm>>)
        tpu.yield
      }) : () -> ()
      %add3A_51 = arith.constant 384 : i32
      %add3A_52 = arith.addi %mul3A_0, %add3A_51 : i32
      "tpu.region"() ({
        %run_scoped3A = tpu.sem_alloc : memref<!tpu.dma_semaphore, #tpu.memory_space<semaphore_mem>>
        %dma_start3A = arith.constant 0 : i32
        %dma_start3A_64 = tpu.memref_slice %arg11[%add3A_52, %dma_start3A] : memref<10240x128xf32, #tpu.memory_space<vmem_shared>> -> memref<128x128xf32, #tpu.memory_space<vmem_shared>>
        %dma_start3A_65 = arith.constant 0 : i32
        %dma_start3A_66 = tpu.memref_slice %arg11[%add3A_52, %dma_start3A_65] : memref<10240x128xf32, #tpu.memory_space<vmem_shared>> -> memref<128x128xf32, #tpu.memory_space<vmem_shared>>
        tpu.enqueue_dma source(%dma_start3A_66 : memref<128x128xf32, #tpu.memory_space<vmem_shared>>) target(%arg9 : memref<128x128xf32, #tpu.memory_space<vmem>>) target_semaphore(%run_scoped3A : memref<!tpu.dma_semaphore, #tpu.memory_space<semaphore_mem>>)
        %dma_wait3A = arith.constant 0 : i32
        %dma_wait3A_67 = tpu.memref_slice %arg11[%add3A_52, %dma_wait3A] : memref<10240x128xf32, #tpu.memory_space<vmem_shared>> -> memref<128x128xf32, #tpu.memory_space<vmem_shared>>
        %dma_wait3A_68 = arith.constant 0 : i32
        %dma_wait3A_69 = tpu.memref_slice %arg11[%add3A_52, %dma_wait3A_68] : memref<10240x128xf32, #tpu.memory_space<vmem_shared>> -> memref<128x128xf32, #tpu.memory_space<vmem_shared>>
        tpu.wait_dma2 semaphore(%run_scoped3A : memref<!tpu.dma_semaphore, #tpu.memory_space<semaphore_mem>>) src(%dma_wait3A_69 : memref<128x128xf32, #tpu.memory_space<vmem_shared>>) dst(%arg9 : memref<128x128xf32, #tpu.memory_space<vmem>>)
        tpu.yield
      }) : () -> ()
      %add3A_53 = arith.constant 0 : i32
      %add3A_54 = arith.addi %add3A_53, %mul3A_0 : i32
      %add3A_55 = arith.constant 384 : i32
      %add3A_56 = arith.addi %add3A_54, %add3A_55 : i32
      "tpu.region"() ({
        %run_scoped3A = tpu.sem_alloc : memref<!tpu.dma_semaphore, #tpu.memory_space<semaphore_mem>>
        %dma_start3A = arith.constant 0 : i32
        %dma_start3A_64 = tpu.memref_slice %arg6[%add3A_56, %dma_start3A] : memref<40960x128xf32, #tpu.memory_space<hbm>> -> memref<128x128xf32, #tpu.memory_space<hbm>>
        %dma_start3A_65 = arith.constant 0 : i32
        %dma_start3A_66 = tpu.memref_slice %arg6[%add3A_56, %dma_start3A_65] : memref<40960x128xf32, #tpu.memory_space<hbm>> -> memref<128x128xf32, #tpu.memory_space<hbm>>
        tpu.enqueue_dma source(%arg9 : memref<128x128xf32, #tpu.memory_space<vmem>>) target(%dma_start3A_66 : memref<128x128xf32, #tpu.memory_space<hbm>>) target_semaphore(%run_scoped3A : memref<!tpu.dma_semaphore, #tpu.memory_space<semaphore_mem>>)
        %dma_wait3A = arith.constant 0 : i32
        %dma_wait3A_67 = tpu.memref_slice %arg6[%add3A_56, %dma_wait3A] : memref<40960x128xf32, #tpu.memory_space<hbm>> -> memref<128x128xf32, #tpu.memory_space<hbm>>
        %dma_wait3A_68 = arith.constant 0 : i32
        %dma_wait3A_69 = tpu.memref_slice %arg6[%add3A_56, %dma_wait3A_68] : memref<40960x128xf32, #tpu.memory_space<hbm>> -> memref<128x128xf32, #tpu.memory_space<hbm>>
        tpu.wait_dma2 semaphore(%run_scoped3A : memref<!tpu.dma_semaphore, #tpu.memory_space<semaphore_mem>>) src(%arg9 : memref<128x128xf32, #tpu.memory_space<vmem>>) dst(%dma_wait3A_69 : memref<128x128xf32, #tpu.memory_space<hbm>>)
        tpu.yield
      }) : () -> ()
      %add3A_57 = arith.constant 512 : i32
      %add3A_58 = arith.addi %mul3A_0, %add3A_57 : i32
      "tpu.region"() ({
        %run_scoped3A = tpu.sem_alloc : memref<!tpu.dma_semaphore, #tpu.memory_space<semaphore_mem>>
        %dma_start3A = arith.constant 0 : i32
        %dma_start3A_64 = tpu.memref_slice %arg11[%add3A_58, %dma_start3A] : memref<10240x128xf32, #tpu.memory_space<vmem_shared>> -> memref<128x128xf32, #tpu.memory_space<vmem_shared>>
        %dma_start3A_65 = arith.constant 0 : i32
        %dma_start3A_66 = tpu.memref_slice %arg11[%add3A_58, %dma_start3A_65] : memref<10240x128xf32, #tpu.memory_space<vmem_shared>> -> memref<128x128xf32, #tpu.memory_space<vmem_shared>>
        tpu.enqueue_dma source(%dma_start3A_66 : memref<128x128xf32, #tpu.memory_space<vmem_shared>>) target(%arg9 : memref<128x128xf32, #tpu.memory_space<vmem>>) target_semaphore(%run_scoped3A : memref<!tpu.dma_semaphore, #tpu.memory_space<semaphore_mem>>)
        %dma_wait3A = arith.constant 0 : i32
        %dma_wait3A_67 = tpu.memref_slice %arg11[%add3A_58, %dma_wait3A] : memref<10240x128xf32, #tpu.memory_space<vmem_shared>> -> memref<128x128xf32, #tpu.memory_space<vmem_shared>>
        %dma_wait3A_68 = arith.constant 0 : i32
        %dma_wait3A_69 = tpu.memref_slice %arg11[%add3A_58, %dma_wait3A_68] : memref<10240x128xf32, #tpu.memory_space<vmem_shared>> -> memref<128x128xf32, #tpu.memory_space<vmem_shared>>
        tpu.wait_dma2 semaphore(%run_scoped3A : memref<!tpu.dma_semaphore, #tpu.memory_space<semaphore_mem>>) src(%dma_wait3A_69 : memref<128x128xf32, #tpu.memory_space<vmem_shared>>) dst(%arg9 : memref<128x128xf32, #tpu.memory_space<vmem>>)
        tpu.yield
      }) : () -> ()
      %add3A_59 = arith.constant 0 : i32
      %add3A_60 = arith.addi %add3A_59, %mul3A_0 : i32
      %add3A_61 = arith.constant 512 : i32
      %add3A_62 = arith.addi %add3A_60, %add3A_61 : i32
      "tpu.region"() ({
        %run_scoped3A = tpu.sem_alloc : memref<!tpu.dma_semaphore, #tpu.memory_space<semaphore_mem>>
        %dma_start3A = arith.constant 0 : i32
        %dma_start3A_64 = tpu.memref_slice %arg6[%add3A_62, %dma_start3A] : memref<40960x128xf32, #tpu.memory_space<hbm>> -> memref<128x128xf32, #tpu.memory_space<hbm>>
        %dma_start3A_65 = arith.constant 0 : i32
        %dma_start3A_66 = tpu.memref_slice %arg6[%add3A_62, %dma_start3A_65] : memref<40960x128xf32, #tpu.memory_space<hbm>> -> memref<128x128xf32, #tpu.memory_space<hbm>>
        tpu.enqueue_dma source(%arg9 : memref<128x128xf32, #tpu.memory_space<vmem>>) target(%dma_start3A_66 : memref<128x128xf32, #tpu.memory_space<hbm>>) target_semaphore(%run_scoped3A : memref<!tpu.dma_semaphore, #tpu.memory_space<semaphore_mem>>)
        %dma_wait3A = arith.constant 0 : i32
        %dma_wait3A_67 = tpu.memref_slice %arg6[%add3A_62, %dma_wait3A] : memref<40960x128xf32, #tpu.memory_space<hbm>> -> memref<128x128xf32, #tpu.memory_space<hbm>>
        %dma_wait3A_68 = arith.constant 0 : i32
        %dma_wait3A_69 = tpu.memref_slice %arg6[%add3A_62, %dma_wait3A_68] : memref<40960x128xf32, #tpu.memory_space<hbm>> -> memref<128x128xf32, #tpu.memory_space<hbm>>
        tpu.wait_dma2 semaphore(%run_scoped3A : memref<!tpu.dma_semaphore, #tpu.memory_space<semaphore_mem>>) src(%arg9 : memref<128x128xf32, #tpu.memory_space<vmem>>) dst(%dma_wait3A_69 : memref<128x128xf32, #tpu.memory_space<hbm>>)
        tpu.yield
      }) : () -> ()
      %barrier3A_63 = arith.constant 0 : index
      tpu.barrier barrier_id(%barrier3A_63)
    } else {
    }
    %eq3A_3 = arith.constant 0 : i32
    %eq3A_4 = arith.cmpi eq, %arg0, %eq3A_3 : i32
    %convert_element_type3A_5 = arith.extui %eq3A_4 : i1 to i32
    %cond3A_6 = arith.constant 0 : i32
    %cond3A_7 = arith.cmpi ne, %convert_element_type3A_5, %cond3A_6 : i32
    scf.if %cond3A_7 {
      "tpu.region"() ({
        %run_scoped3A = tpu.sem_alloc : memref<!tpu.dma_semaphore, #tpu.memory_space<semaphore_mem>>
        tpu.enqueue_dma source(%arg5 : memref<128x128xf32, #tpu.memory_space<hbm>>) target(%arg9 : memref<128x128xf32, #tpu.memory_space<vmem>>) target_semaphore(%run_scoped3A : memref<!tpu.dma_semaphore, #tpu.memory_space<semaphore_mem>>)
        tpu.wait_dma2 semaphore(%run_scoped3A : memref<!tpu.dma_semaphore, #tpu.memory_space<semaphore_mem>>) src(%arg5 : memref<128x128xf32, #tpu.memory_space<hbm>>) dst(%arg9 : memref<128x128xf32, #tpu.memory_space<vmem>>)
        tpu.yield
      }) : () -> ()
      %add3A = arith.constant 0 : i32
      %add3A_18 = arith.addi %mul3A_0, %add3A : i32
      "tpu.region"() ({
        %run_scoped3A = tpu.sem_alloc : memref<!tpu.dma_semaphore, #tpu.memory_space<semaphore_mem>>
        %dma_start3A = arith.constant 0 : i32
        %dma_start3A_64 = tpu.memref_slice %arg11[%add3A_18, %dma_start3A] : memref<10240x128xf32, #tpu.memory_space<vmem_shared>> -> memref<128x128xf32, #tpu.memory_space<vmem_shared>>
        %dma_start3A_65 = arith.constant 0 : i32
        %dma_start3A_66 = tpu.memref_slice %arg11[%add3A_18, %dma_start3A_65] : memref<10240x128xf32, #tpu.memory_space<vmem_shared>> -> memref<128x128xf32, #tpu.memory_space<vmem_shared>>
        tpu.enqueue_dma source(%arg9 : memref<128x128xf32, #tpu.memory_space<vmem>>) target(%dma_start3A_66 : memref<128x128xf32, #tpu.memory_space<vmem_shared>>) target_semaphore(%run_scoped3A : memref<!tpu.dma_semaphore, #tpu.memory_space<semaphore_mem>>)
        %dma_wait3A = arith.constant 0 : i32
        %dma_wait3A_67 = tpu.memref_slice %arg11[%add3A_18, %dma_wait3A] : memref<10240x128xf32, #tpu.memory_space<vmem_shared>> -> memref<128x128xf32, #tpu.memory_space<vmem_shared>>
        %dma_wait3A_68 = arith.constant 0 : i32
        %dma_wait3A_69 = tpu.memref_slice %arg11[%add3A_18, %dma_wait3A_68] : memref<10240x128xf32, #tpu.memory_space<vmem_shared>> -> memref<128x128xf32, #tpu.memory_space<vmem_shared>>
        tpu.wait_dma2 semaphore(%run_scoped3A : memref<!tpu.dma_semaphore, #tpu.memory_space<semaphore_mem>>) src(%arg9 : memref<128x128xf32, #tpu.memory_space<vmem>>) dst(%dma_wait3A_69 : memref<128x128xf32, #tpu.memory_space<vmem_shared>>)
        tpu.yield
      }) : () -> ()
      %add3A_19 = arith.constant 128 : i32
      %add3A_20 = arith.addi %mul3A_0, %add3A_19 : i32
      "tpu.region"() ({
        %run_scoped3A = tpu.sem_alloc : memref<!tpu.dma_semaphore, #tpu.memory_space<semaphore_mem>>
        %dma_start3A = arith.constant 0 : i32
        %dma_start3A_64 = tpu.memref_slice %arg11[%add3A_20, %dma_start3A] : memref<10240x128xf32, #tpu.memory_space<vmem_shared>> -> memref<128x128xf32, #tpu.memory_space<vmem_shared>>
        %dma_start3A_65 = arith.constant 0 : i32
        %dma_start3A_66 = tpu.memref_slice %arg11[%add3A_20, %dma_start3A_65] : memref<10240x128xf32, #tpu.memory_space<vmem_shared>> -> memref<128x128xf32, #tpu.memory_space<vmem_shared>>
        tpu.enqueue_dma source(%arg9 : memref<128x128xf32, #tpu.memory_space<vmem>>) target(%dma_start3A_66 : memref<128x128xf32, #tpu.memory_space<vmem_shared>>) target_semaphore(%run_scoped3A : memref<!tpu.dma_semaphore, #tpu.memory_space<semaphore_mem>>)
        %dma_wait3A = arith.constant 0 : i32
        %dma_wait3A_67 = tpu.memref_slice %arg11[%add3A_20, %dma_wait3A] : memref<10240x128xf32, #tpu.memory_space<vmem_shared>> -> memref<128x128xf32, #tpu.memory_space<vmem_shared>>
        %dma_wait3A_68 = arith.constant 0 : i32
        %dma_wait3A_69 = tpu.memref_slice %arg11[%add3A_20, %dma_wait3A_68] : memref<10240x128xf32, #tpu.memory_space<vmem_shared>> -> memref<128x128xf32, #tpu.memory_space<vmem_shared>>
        tpu.wait_dma2 semaphore(%run_scoped3A : memref<!tpu.dma_semaphore, #tpu.memory_space<semaphore_mem>>) src(%arg9 : memref<128x128xf32, #tpu.memory_space<vmem>>) dst(%dma_wait3A_69 : memref<128x128xf32, #tpu.memory_space<vmem_shared>>)
        tpu.yield
      }) : () -> ()
      %add3A_21 = arith.constant 256 : i32
      %add3A_22 = arith.addi %mul3A_0, %add3A_21 : i32
      "tpu.region"() ({
        %run_scoped3A = tpu.sem_alloc : memref<!tpu.dma_semaphore, #tpu.memory_space<semaphore_mem>>
        %dma_start3A = arith.constant 0 : i32
        %dma_start3A_64 = tpu.memref_slice %arg11[%add3A_22, %dma_start3A] : memref<10240x128xf32, #tpu.memory_space<vmem_shared>> -> memref<128x128xf32, #tpu.memory_space<vmem_shared>>
        %dma_start3A_65 = arith.constant 0 : i32
        %dma_start3A_66 = tpu.memref_slice %arg11[%add3A_22, %dma_start3A_65] : memref<10240x128xf32, #tpu.memory_space<vmem_shared>> -> memref<128x128xf32, #tpu.memory_space<vmem_shared>>
        tpu.enqueue_dma source(%arg9 : memref<128x128xf32, #tpu.memory_space<vmem>>) target(%dma_start3A_66 : memref<128x128xf32, #tpu.memory_space<vmem_shared>>) target_semaphore(%run_scoped3A : memref<!tpu.dma_semaphore, #tpu.memory_space<semaphore_mem>>)
        %dma_wait3A = arith.constant 0 : i32
        %dma_wait3A_67 = tpu.memref_slice %arg11[%add3A_22, %dma_wait3A] : memref<10240x128xf32, #tpu.memory_space<vmem_shared>> -> memref<128x128xf32, #tpu.memory_space<vmem_shared>>
        %dma_wait3A_68 = arith.constant 0 : i32
        %dma_wait3A_69 = tpu.memref_slice %arg11[%add3A_22, %dma_wait3A_68] : memref<10240x128xf32, #tpu.memory_space<vmem_shared>> -> memref<128x128xf32, #tpu.memory_space<vmem_shared>>
        tpu.wait_dma2 semaphore(%run_scoped3A : memref<!tpu.dma_semaphore, #tpu.memory_space<semaphore_mem>>) src(%arg9 : memref<128x128xf32, #tpu.memory_space<vmem>>) dst(%dma_wait3A_69 : memref<128x128xf32, #tpu.memory_space<vmem_shared>>)
        tpu.yield
      }) : () -> ()
      %add3A_23 = arith.constant 384 : i32
      %add3A_24 = arith.addi %mul3A_0, %add3A_23 : i32
      "tpu.region"() ({
        %run_scoped3A = tpu.sem_alloc : memref<!tpu.dma_semaphore, #tpu.memory_space<semaphore_mem>>
        %dma_start3A = arith.constant 0 : i32
        %dma_start3A_64 = tpu.memref_slice %arg11[%add3A_24, %dma_start3A] : memref<10240x128xf32, #tpu.memory_space<vmem_shared>> -> memref<128x128xf32, #tpu.memory_space<vmem_shared>>
        %dma_start3A_65 = arith.constant 0 : i32
        %dma_start3A_66 = tpu.memref_slice %arg11[%add3A_24, %dma_start3A_65] : memref<10240x128xf32, #tpu.memory_space<vmem_shared>> -> memref<128x128xf32, #tpu.memory_space<vmem_shared>>
        tpu.enqueue_dma source(%arg9 : memref<128x128xf32, #tpu.memory_space<vmem>>) target(%dma_start3A_66 : memref<128x128xf32, #tpu.memory_space<vmem_shared>>) target_semaphore(%run_scoped3A : memref<!tpu.dma_semaphore, #tpu.memory_space<semaphore_mem>>)
        %dma_wait3A = arith.constant 0 : i32
        %dma_wait3A_67 = tpu.memref_slice %arg11[%add3A_24, %dma_wait3A] : memref<10240x128xf32, #tpu.memory_space<vmem_shared>> -> memref<128x128xf32, #tpu.memory_space<vmem_shared>>
        %dma_wait3A_68 = arith.constant 0 : i32
        %dma_wait3A_69 = tpu.memref_slice %arg11[%add3A_24, %dma_wait3A_68] : memref<10240x128xf32, #tpu.memory_space<vmem_shared>> -> memref<128x128xf32, #tpu.memory_space<vmem_shared>>
        tpu.wait_dma2 semaphore(%run_scoped3A : memref<!tpu.dma_semaphore, #tpu.memory_space<semaphore_mem>>) src(%arg9 : memref<128x128xf32, #tpu.memory_space<vmem>>) dst(%dma_wait3A_69 : memref<128x128xf32, #tpu.memory_space<vmem_shared>>)
        tpu.yield
      }) : () -> ()
      %add3A_25 = arith.constant 512 : i32
      %add3A_26 = arith.addi %mul3A_0, %add3A_25 : i32
      "tpu.region"() ({
        %run_scoped3A = tpu.sem_alloc : memref<!tpu.dma_semaphore, #tpu.memory_space<semaphore_mem>>
        %dma_start3A = arith.constant 0 : i32
        %dma_start3A_64 = tpu.memref_slice %arg11[%add3A_26, %dma_start3A] : memref<10240x128xf32, #tpu.memory_space<vmem_shared>> -> memref<128x128xf32, #tpu.memory_space<vmem_shared>>
        %dma_start3A_65 = arith.constant 0 : i32
        %dma_start3A_66 = tpu.memref_slice %arg11[%add3A_26, %dma_start3A_65] : memref<10240x128xf32, #tpu.memory_space<vmem_shared>> -> memref<128x128xf32, #tpu.memory_space<vmem_shared>>
        tpu.enqueue_dma source(%arg9 : memref<128x128xf32, #tpu.memory_space<vmem>>) target(%dma_start3A_66 : memref<128x128xf32, #tpu.memory_space<vmem_shared>>) target_semaphore(%run_scoped3A : memref<!tpu.dma_semaphore, #tpu.memory_space<semaphore_mem>>)
        %dma_wait3A = arith.constant 0 : i32
        %dma_wait3A_67 = tpu.memref_slice %arg11[%add3A_26, %dma_wait3A] : memref<10240x128xf32, #tpu.memory_space<vmem_shared>> -> memref<128x128xf32, #tpu.memory_space<vmem_shared>>
        %dma_wait3A_68 = arith.constant 0 : i32
        %dma_wait3A_69 = tpu.memref_slice %arg11[%add3A_26, %dma_wait3A_68] : memref<10240x128xf32, #tpu.memory_space<vmem_shared>> -> memref<128x128xf32, #tpu.memory_space<vmem_shared>>
        tpu.wait_dma2 semaphore(%run_scoped3A : memref<!tpu.dma_semaphore, #tpu.memory_space<semaphore_mem>>) src(%arg9 : memref<128x128xf32, #tpu.memory_space<vmem>>) dst(%dma_wait3A_69 : memref<128x128xf32, #tpu.memory_space<vmem_shared>>)
        tpu.yield
      }) : () -> ()
      %barrier3A = arith.constant 0 : index
      tpu.barrier barrier_id(%barrier3A)
      %scan3A = arith.constant 0 : i32
      %scan3A_27 = arith.constant 0 : i32
      %scan3A_28 = arith.constant 5 : i32
      %scan3A_29 = arith.addi %scan3A_27, %scan3A_28 : i32
      %scan3A_30 = arith.constant 1 : i32
      scf.for %scan3A_64 = %scan3A_27 to %scan3A_29 step %scan3A_30  : i32 {
        %mul3A_65 = arith.constant 160 : i32
        %mul3A_66 = arith.muli %arg1, %mul3A_65 : i32
        %mul3A_67 = arith.constant 32 : i32
        %mul3A_68 = arith.muli %scan3A_64, %mul3A_67 : i32
        %add3A_69 = arith.addi %mul3A_66, %mul3A_68 : i32
        "tpu.region"() ({
          %run_scoped3A = tpu.sem_alloc : memref<!tpu.dma_semaphore, #tpu.memory_space<semaphore_mem>>
          %dma_start3A_92 = arith.constant 0 : i32
          %dma_start3A_93 = tpu.memref_slice %arg3[%add3A_69, %dma_start3A_92] : memref<2560x128xi32, #tpu.memory_space<hbm>> -> memref<32x128xi32, #tpu.memory_space<hbm>>
          %dma_start3A_94 = arith.constant 0 : i32
          %dma_start3A_95 = tpu.memref_slice %arg3[%add3A_69, %dma_start3A_94] : memref<2560x128xi32, #tpu.memory_space<hbm>> -> memref<32x128xi32, #tpu.memory_space<hbm>>
          tpu.enqueue_dma source(%dma_start3A_95 : memref<32x128xi32, #tpu.memory_space<hbm>>) target(%arg7 : memref<32x128xi32, #tpu.memory_space<vmem>>) target_semaphore(%run_scoped3A : memref<!tpu.dma_semaphore, #tpu.memory_space<semaphore_mem>>)
          %dma_wait3A = arith.constant 0 : i32
          %dma_wait3A_96 = tpu.memref_slice %arg3[%add3A_69, %dma_wait3A] : memref<2560x128xi32, #tpu.memory_space<hbm>> -> memref<32x128xi32, #tpu.memory_space<hbm>>
          %dma_wait3A_97 = arith.constant 0 : i32
          %dma_wait3A_98 = tpu.memref_slice %arg3[%add3A_69, %dma_wait3A_97] : memref<2560x128xi32, #tpu.memory_space<hbm>> -> memref<32x128xi32, #tpu.memory_space<hbm>>
          tpu.wait_dma2 semaphore(%run_scoped3A : memref<!tpu.dma_semaphore, #tpu.memory_space<semaphore_mem>>) src(%dma_wait3A_98 : memref<32x128xi32, #tpu.memory_space<hbm>>) dst(%arg7 : memref<32x128xi32, #tpu.memory_space<vmem>>)
          tpu.yield
        }) : () -> ()
        %mul3A_70 = arith.constant 160 : i32
        %mul3A_71 = arith.muli %arg1, %mul3A_70 : i32
        %mul3A_72 = arith.constant 32 : i32
        %mul3A_73 = arith.muli %scan3A_64, %mul3A_72 : i32
        %add3A_74 = arith.addi %mul3A_71, %mul3A_73 : i32
        "tpu.region"() ({
          %run_scoped3A = tpu.sem_alloc : memref<!tpu.dma_semaphore, #tpu.memory_space<semaphore_mem>>
          %dma_start3A_92 = arith.constant 0 : i32
          %dma_start3A_93 = tpu.memref_slice %arg4[%add3A_74, %dma_start3A_92] : memref<2560x128xi32, #tpu.memory_space<hbm>> -> memref<32x128xi32, #tpu.memory_space<hbm>>
          %dma_start3A_94 = arith.constant 0 : i32
          %dma_start3A_95 = tpu.memref_slice %arg4[%add3A_74, %dma_start3A_94] : memref<2560x128xi32, #tpu.memory_space<hbm>> -> memref<32x128xi32, #tpu.memory_space<hbm>>
          tpu.enqueue_dma source(%dma_start3A_95 : memref<32x128xi32, #tpu.memory_space<hbm>>) target(%arg8 : memref<32x128xi32, #tpu.memory_space<vmem>>) target_semaphore(%run_scoped3A : memref<!tpu.dma_semaphore, #tpu.memory_space<semaphore_mem>>)
          %dma_wait3A = arith.constant 0 : i32
          %dma_wait3A_96 = tpu.memref_slice %arg4[%add3A_74, %dma_wait3A] : memref<2560x128xi32, #tpu.memory_space<hbm>> -> memref<32x128xi32, #tpu.memory_space<hbm>>
          %dma_wait3A_97 = arith.constant 0 : i32
          %dma_wait3A_98 = tpu.memref_slice %arg4[%add3A_74, %dma_wait3A_97] : memref<2560x128xi32, #tpu.memory_space<hbm>> -> memref<32x128xi32, #tpu.memory_space<hbm>>
          tpu.wait_dma2 semaphore(%run_scoped3A : memref<!tpu.dma_semaphore, #tpu.memory_space<semaphore_mem>>) src(%dma_wait3A_98 : memref<32x128xi32, #tpu.memory_space<hbm>>) dst(%arg8 : memref<32x128xi32, #tpu.memory_space<vmem>>)
          tpu.yield
        }) : () -> ()
        %dma_start3A = arith.constant 1 : i32
        %dma_start3A_75 = arith.constant 0 : i32
        %dma_start3A_76 = arith.constant 0 : i32
        %dma_start3A_77 = tpu.memref_slice %arg7[%dma_start3A_75, %dma_start3A_76] : memref<32x128xi32, #tpu.memory_space<vmem>> -> memref<1x128xi32, #tpu.memory_space<vmem>>
        %dma_start3A_78 = tpu.memref_squeeze %dma_start3A_77 : memref<1x128xi32, #tpu.memory_space<vmem>> -> memref<128xi32, #tpu.memory_space<vmem>>
        %dma_start3A_79 = arith.constant 0 : i32
        %dma_start3A_80 = arith.constant 0 : i32
        %dma_start3A_81 = tpu.memref_slice %arg2[%dma_start3A, %dma_start3A_79, %dma_start3A_80] : memref<4x10000x128xf32, #tpu.memory_space<hbm>> -> memref<1x10000x128xf32, #tpu.memory_space<hbm>>
        %dma_start3A_82 = tpu.memref_squeeze %dma_start3A_81 : memref<1x10000x128xf32, #tpu.memory_space<hbm>> -> memref<10000x128xf32, #tpu.memory_space<hbm>>
        %dma_start3A_83 = arith.constant 0 : i32
        %dma_start3A_84 = arith.constant 0 : i32
        %dma_start3A_85 = tpu.memref_slice %dma_start3A_82[%dma_start3A_83, %dma_start3A_84] : memref<10000x128xf32, #tpu.memory_space<hbm>> -> memref<10000x128xf32, #tpu.memory_space<hbm>>
        tpu.enqueue_indirect_dma source(%dma_start3A_85 : memref<10000x128xf32, #tpu.memory_space<hbm>>) target(%arg9 : memref<128x128xf32, #tpu.memory_space<vmem>>) offsets(%dma_start3A_78 : memref<128xi32, #tpu.memory_space<vmem>>) semaphore(%arg12 : memref<!tpu.dma_semaphore, #tpu.memory_space<semaphore_mem>>)
        %scan3A_86 = arith.constant 0 : i32
        %scan3A_87 = arith.constant 0 : i32
        %scan3A_88 = arith.constant 16 : i32
        %scan3A_89 = arith.addi %scan3A_87, %scan3A_88 : i32
        %scan3A_90 = arith.constant 1 : i32
        scf.for %scan3A_92 = %scan3A_87 to %scan3A_89 step %scan3A_90  : i32 {
          tpu.wait_dma2 semaphore(%arg12 : memref<!tpu.dma_semaphore, #tpu.memory_space<semaphore_mem>>) src(%arg5 : memref<128x128xf32, #tpu.memory_space<hbm>>) dst(%arg9 : memref<128x128xf32, #tpu.memory_space<vmem>>)
          %mul3A_93 = arith.constant 2 : i32
          %mul3A_94 = arith.muli %mul3A_93, %scan3A_92 : i32
          %add3A_95 = arith.constant 1 : i32
          %add3A_96 = arith.addi %mul3A_94, %add3A_95 : i32
          %dma_start3A_97 = arith.constant 1 : i32
          %dma_start3A_98 = arith.constant 0 : i32
          %dma_start3A_99 = tpu.memref_slice %arg7[%add3A_96, %dma_start3A_98] : memref<32x128xi32, #tpu.memory_space<vmem>> -> memref<1x128xi32, #tpu.memory_space<vmem>>
          %dma_start3A_100 = tpu.memref_squeeze %dma_start3A_99 : memref<1x128xi32, #tpu.memory_space<vmem>> -> memref<128xi32, #tpu.memory_space<vmem>>
          %dma_start3A_101 = arith.constant 0 : i32
          %dma_start3A_102 = arith.constant 0 : i32
          %dma_start3A_103 = tpu.memref_slice %arg2[%dma_start3A_97, %dma_start3A_101, %dma_start3A_102] : memref<4x10000x128xf32, #tpu.memory_space<hbm>> -> memref<1x10000x128xf32, #tpu.memory_space<hbm>>
          %dma_start3A_104 = tpu.memref_squeeze %dma_start3A_103 : memref<1x10000x128xf32, #tpu.memory_space<hbm>> -> memref<10000x128xf32, #tpu.memory_space<hbm>>
          %dma_start3A_105 = arith.constant 0 : i32
          %dma_start3A_106 = arith.constant 0 : i32
          %dma_start3A_107 = tpu.memref_slice %dma_start3A_104[%dma_start3A_105, %dma_start3A_106] : memref<10000x128xf32, #tpu.memory_space<hbm>> -> memref<10000x128xf32, #tpu.memory_space<hbm>>
          tpu.enqueue_indirect_dma source(%dma_start3A_107 : memref<10000x128xf32, #tpu.memory_space<hbm>>) target(%arg10 : memref<128x128xf32, #tpu.memory_space<vmem>>) offsets(%dma_start3A_100 : memref<128xi32, #tpu.memory_space<vmem>>) semaphore(%arg13 : memref<!tpu.dma_semaphore, #tpu.memory_space<semaphore_mem>>)
          %mul3A_108 = arith.constant 2 : i32
          %mul3A_109 = arith.muli %mul3A_108, %scan3A_92 : i32
          "tpu.region"() ({
            %run_scoped3A = tpu.sem_alloc : memref<!tpu.dma_semaphore, #tpu.memory_space<semaphore_mem>>
            %dma_start3A_118 = arith.constant 0 : i32
            %dma_start3A_119 = tpu.memref_slice %arg8[%mul3A_109, %dma_start3A_118] : memref<32x128xi32, #tpu.memory_space<vmem>> -> memref<1x128xi32, #tpu.memory_space<vmem>>
            %dma_start3A_120 = tpu.memref_squeeze %dma_start3A_119 : memref<1x128xi32, #tpu.memory_space<vmem>> -> memref<128xi32, #tpu.memory_space<vmem>>
            %dma_start3A_121 = arith.constant 0 : i32
            %dma_start3A_122 = arith.constant 0 : i32
            %dma_start3A_123 = tpu.memref_slice %arg11[%dma_start3A_121, %dma_start3A_122] : memref<10240x128xf32, #tpu.memory_space<vmem_shared>> -> memref<10240x128xf32, #tpu.memory_space<vmem_shared>>
            tpu.enqueue_indirect_dma source(%arg9 : memref<128x128xf32, #tpu.memory_space<vmem>>) target(%dma_start3A_123 : memref<10240x128xf32, #tpu.memory_space<vmem_shared>>) offsets(%dma_start3A_120 : memref<128xi32, #tpu.memory_space<vmem>>) semaphore(%run_scoped3A : memref<!tpu.dma_semaphore, #tpu.memory_space<semaphore_mem>>) {add = true}
            %dma_wait3A = arith.constant 0 : i32
            %dma_wait3A_124 = tpu.memref_slice %arg8[%mul3A_109, %dma_wait3A] : memref<32x128xi32, #tpu.memory_space<vmem>> -> memref<1x128xi32, #tpu.memory_space<vmem>>
            %dma_wait3A_125 = tpu.memref_squeeze %dma_wait3A_124 : memref<1x128xi32, #tpu.memory_space<vmem>> -> memref<128xi32, #tpu.memory_space<vmem>>
            %dma_wait3A_126 = arith.constant 0 : i32
            %dma_wait3A_127 = arith.constant 0 : i32
            %dma_wait3A_128 = tpu.memref_slice %arg11[%dma_wait3A_126, %dma_wait3A_127] : memref<10240x128xf32, #tpu.memory_space<vmem_shared>> -> memref<10240x128xf32, #tpu.memory_space<vmem_shared>>
            tpu.wait_indirect_dma semaphore(%run_scoped3A : memref<!tpu.dma_semaphore, #tpu.memory_space<semaphore_mem>>) src(%arg9 : memref<128x128xf32, #tpu.memory_space<vmem>>) dst(%dma_wait3A_128 : memref<10240x128xf32, #tpu.memory_space<vmem_shared>>)
            tpu.yield
          }) : () -> ()
          tpu.wait_dma2 semaphore(%arg13 : memref<!tpu.dma_semaphore, #tpu.memory_space<semaphore_mem>>) src(%arg5 : memref<128x128xf32, #tpu.memory_space<hbm>>) dst(%arg10 : memref<128x128xf32, #tpu.memory_space<vmem>>)
          %lt3A = arith.constant 15 : i32
          %lt3A_110 = arith.cmpi slt, %scan3A_92, %lt3A : i32
          %convert_element_type3A_111 = arith.extui %lt3A_110 : i1 to i32
          %cond3A_112 = arith.constant 0 : i32
          %cond3A_113 = arith.cmpi ne, %convert_element_type3A_111, %cond3A_112 : i32
          scf.if %cond3A_113 {
            %mul3A_118 = arith.constant 2 : i32
            %mul3A_119 = arith.muli %mul3A_118, %scan3A_92 : i32
            %add3A_120 = arith.constant 2 : i32
            %add3A_121 = arith.addi %mul3A_119, %add3A_120 : i32
            %dma_start3A_122 = arith.constant 1 : i32
            %dma_start3A_123 = arith.constant 0 : i32
            %dma_start3A_124 = tpu.memref_slice %arg7[%add3A_121, %dma_start3A_123] : memref<32x128xi32, #tpu.memory_space<vmem>> -> memref<1x128xi32, #tpu.memory_space<vmem>>
            %dma_start3A_125 = tpu.memref_squeeze %dma_start3A_124 : memref<1x128xi32, #tpu.memory_space<vmem>> -> memref<128xi32, #tpu.memory_space<vmem>>
            %dma_start3A_126 = arith.constant 0 : i32
            %dma_start3A_127 = arith.constant 0 : i32
            %dma_start3A_128 = tpu.memref_slice %arg2[%dma_start3A_122, %dma_start3A_126, %dma_start3A_127] : memref<4x10000x128xf32, #tpu.memory_space<hbm>> -> memref<1x10000x128xf32, #tpu.memory_space<hbm>>
            %dma_start3A_129 = tpu.memref_squeeze %dma_start3A_128 : memref<1x10000x128xf32, #tpu.memory_space<hbm>> -> memref<10000x128xf32, #tpu.memory_space<hbm>>
            %dma_start3A_130 = arith.constant 0 : i32
            %dma_start3A_131 = arith.constant 0 : i32
            %dma_start3A_132 = tpu.memref_slice %dma_start3A_129[%dma_start3A_130, %dma_start3A_131] : memref<10000x128xf32, #tpu.memory_space<hbm>> -> memref<10000x128xf32, #tpu.memory_space<hbm>>
            tpu.enqueue_indirect_dma source(%dma_start3A_132 : memref<10000x128xf32, #tpu.memory_space<hbm>>) target(%arg9 : memref<128x128xf32, #tpu.memory_space<vmem>>) offsets(%dma_start3A_125 : memref<128xi32, #tpu.memory_space<vmem>>) semaphore(%arg12 : memref<!tpu.dma_semaphore, #tpu.memory_space<semaphore_mem>>)
          } else {
          }
          %mul3A_114 = arith.constant 2 : i32
          %mul3A_115 = arith.muli %mul3A_114, %scan3A_92 : i32
          %add3A_116 = arith.constant 1 : i32
          %add3A_117 = arith.addi %mul3A_115, %add3A_116 : i32
          "tpu.region"() ({
            %run_scoped3A = tpu.sem_alloc : memref<!tpu.dma_semaphore, #tpu.memory_space<semaphore_mem>>
            %dma_start3A_118 = arith.constant 0 : i32
            %dma_start3A_119 = tpu.memref_slice %arg8[%add3A_117, %dma_start3A_118] : memref<32x128xi32, #tpu.memory_space<vmem>> -> memref<1x128xi32, #tpu.memory_space<vmem>>
            %dma_start3A_120 = tpu.memref_squeeze %dma_start3A_119 : memref<1x128xi32, #tpu.memory_space<vmem>> -> memref<128xi32, #tpu.memory_space<vmem>>
            %dma_start3A_121 = arith.constant 0 : i32
            %dma_start3A_122 = arith.constant 0 : i32
            %dma_start3A_123 = tpu.memref_slice %arg11[%dma_start3A_121, %dma_start3A_122] : memref<10240x128xf32, #tpu.memory_space<vmem_shared>> -> memref<10240x128xf32, #tpu.memory_space<vmem_shared>>
            tpu.enqueue_indirect_dma source(%arg10 : memref<128x128xf32, #tpu.memory_space<vmem>>) target(%dma_start3A_123 : memref<10240x128xf32, #tpu.memory_space<vmem_shared>>) offsets(%dma_start3A_120 : memref<128xi32, #tpu.memory_space<vmem>>) semaphore(%run_scoped3A : memref<!tpu.dma_semaphore, #tpu.memory_space<semaphore_mem>>) {add = true}
            %dma_wait3A = arith.constant 0 : i32
            %dma_wait3A_124 = tpu.memref_slice %arg8[%add3A_117, %dma_wait3A] : memref<32x128xi32, #tpu.memory_space<vmem>> -> memref<1x128xi32, #tpu.memory_space<vmem>>
            %dma_wait3A_125 = tpu.memref_squeeze %dma_wait3A_124 : memref<1x128xi32, #tpu.memory_space<vmem>> -> memref<128xi32, #tpu.memory_space<vmem>>
            %dma_wait3A_126 = arith.constant 0 : i32
            %dma_wait3A_127 = arith.constant 0 : i32
            %dma_wait3A_128 = tpu.memref_slice %arg11[%dma_wait3A_126, %dma_wait3A_127] : memref<10240x128xf32, #tpu.memory_space<vmem_shared>> -> memref<10240x128xf32, #tpu.memory_space<vmem_shared>>
            tpu.wait_indirect_dma semaphore(%run_scoped3A : memref<!tpu.dma_semaphore, #tpu.memory_space<semaphore_mem>>) src(%arg10 : memref<128x128xf32, #tpu.memory_space<vmem>>) dst(%dma_wait3A_128 : memref<10240x128xf32, #tpu.memory_space<vmem_shared>>)
            tpu.yield
          }) : () -> ()
        }
        %scan3A_91 = arith.constant 16 : i32
      }
      %scan3A_31 = arith.constant 5 : i32
      %barrier3A_32 = arith.constant 0 : index
      tpu.barrier barrier_id(%barrier3A_32)
      %add3A_33 = arith.constant 0 : i32
      %add3A_34 = arith.addi %mul3A_0, %add3A_33 : i32
      "tpu.region"() ({
        %run_scoped3A = tpu.sem_alloc : memref<!tpu.dma_semaphore, #tpu.memory_space<semaphore_mem>>
        %dma_start3A = arith.constant 0 : i32
        %dma_start3A_64 = tpu.memref_slice %arg11[%add3A_34, %dma_start3A] : memref<10240x128xf32, #tpu.memory_space<vmem_shared>> -> memref<128x128xf32, #tpu.memory_space<vmem_shared>>
        %dma_start3A_65 = arith.constant 0 : i32
        %dma_start3A_66 = tpu.memref_slice %arg11[%add3A_34, %dma_start3A_65] : memref<10240x128xf32, #tpu.memory_space<vmem_shared>> -> memref<128x128xf32, #tpu.memory_space<vmem_shared>>
        tpu.enqueue_dma source(%dma_start3A_66 : memref<128x128xf32, #tpu.memory_space<vmem_shared>>) target(%arg9 : memref<128x128xf32, #tpu.memory_space<vmem>>) target_semaphore(%run_scoped3A : memref<!tpu.dma_semaphore, #tpu.memory_space<semaphore_mem>>)
        %dma_wait3A = arith.constant 0 : i32
        %dma_wait3A_67 = tpu.memref_slice %arg11[%add3A_34, %dma_wait3A] : memref<10240x128xf32, #tpu.memory_space<vmem_shared>> -> memref<128x128xf32, #tpu.memory_space<vmem_shared>>
        %dma_wait3A_68 = arith.constant 0 : i32
        %dma_wait3A_69 = tpu.memref_slice %arg11[%add3A_34, %dma_wait3A_68] : memref<10240x128xf32, #tpu.memory_space<vmem_shared>> -> memref<128x128xf32, #tpu.memory_space<vmem_shared>>
        tpu.wait_dma2 semaphore(%run_scoped3A : memref<!tpu.dma_semaphore, #tpu.memory_space<semaphore_mem>>) src(%dma_wait3A_69 : memref<128x128xf32, #tpu.memory_space<vmem_shared>>) dst(%arg9 : memref<128x128xf32, #tpu.memory_space<vmem>>)
        tpu.yield
      }) : () -> ()
      %add3A_35 = arith.constant 10240 : i32
      %add3A_36 = arith.addi %add3A_35, %mul3A_0 : i32
      %add3A_37 = arith.constant 0 : i32
      %add3A_38 = arith.addi %add3A_36, %add3A_37 : i32
      "tpu.region"() ({
        %run_scoped3A = tpu.sem_alloc : memref<!tpu.dma_semaphore, #tpu.memory_space<semaphore_mem>>
        %dma_start3A = arith.constant 0 : i32
        %dma_start3A_64 = tpu.memref_slice %arg6[%add3A_38, %dma_start3A] : memref<40960x128xf32, #tpu.memory_space<hbm>> -> memref<128x128xf32, #tpu.memory_space<hbm>>
        %dma_start3A_65 = arith.constant 0 : i32
        %dma_start3A_66 = tpu.memref_slice %arg6[%add3A_38, %dma_start3A_65] : memref<40960x128xf32, #tpu.memory_space<hbm>> -> memref<128x128xf32, #tpu.memory_space<hbm>>
        tpu.enqueue_dma source(%arg9 : memref<128x128xf32, #tpu.memory_space<vmem>>) target(%dma_start3A_66 : memref<128x128xf32, #tpu.memory_space<hbm>>) target_semaphore(%run_scoped3A : memref<!tpu.dma_semaphore, #tpu.memory_space<semaphore_mem>>)
        %dma_wait3A = arith.constant 0 : i32
        %dma_wait3A_67 = tpu.memref_slice %arg6[%add3A_38, %dma_wait3A] : memref<40960x128xf32, #tpu.memory_space<hbm>> -> memref<128x128xf32, #tpu.memory_space<hbm>>
        %dma_wait3A_68 = arith.constant 0 : i32
        %dma_wait3A_69 = tpu.memref_slice %arg6[%add3A_38, %dma_wait3A_68] : memref<40960x128xf32, #tpu.memory_space<hbm>> -> memref<128x128xf32, #tpu.memory_space<hbm>>
        tpu.wait_dma2 semaphore(%run_scoped3A : memref<!tpu.dma_semaphore, #tpu.memory_space<semaphore_mem>>) src(%arg9 : memref<128x128xf32, #tpu.memory_space<vmem>>) dst(%dma_wait3A_69 : memref<128x128xf32, #tpu.memory_space<hbm>>)
        tpu.yield
      }) : () -> ()
      %add3A_39 = arith.constant 128 : i32
      %add3A_40 = arith.addi %mul3A_0, %add3A_39 : i32
      "tpu.region"() ({
        %run_scoped3A = tpu.sem_alloc : memref<!tpu.dma_semaphore, #tpu.memory_space<semaphore_mem>>
        %dma_start3A = arith.constant 0 : i32
        %dma_start3A_64 = tpu.memref_slice %arg11[%add3A_40, %dma_start3A] : memref<10240x128xf32, #tpu.memory_space<vmem_shared>> -> memref<128x128xf32, #tpu.memory_space<vmem_shared>>
        %dma_start3A_65 = arith.constant 0 : i32
        %dma_start3A_66 = tpu.memref_slice %arg11[%add3A_40, %dma_start3A_65] : memref<10240x128xf32, #tpu.memory_space<vmem_shared>> -> memref<128x128xf32, #tpu.memory_space<vmem_shared>>
        tpu.enqueue_dma source(%dma_start3A_66 : memref<128x128xf32, #tpu.memory_space<vmem_shared>>) target(%arg9 : memref<128x128xf32, #tpu.memory_space<vmem>>) target_semaphore(%run_scoped3A : memref<!tpu.dma_semaphore, #tpu.memory_space<semaphore_mem>>)
        %dma_wait3A = arith.constant 0 : i32
        %dma_wait3A_67 = tpu.memref_slice %arg11[%add3A_40, %dma_wait3A] : memref<10240x128xf32, #tpu.memory_space<vmem_shared>> -> memref<128x128xf32, #tpu.memory_space<vmem_shared>>
        %dma_wait3A_68 = arith.constant 0 : i32
        %dma_wait3A_69 = tpu.memref_slice %arg11[%add3A_40, %dma_wait3A_68] : memref<10240x128xf32, #tpu.memory_space<vmem_shared>> -> memref<128x128xf32, #tpu.memory_space<vmem_shared>>
        tpu.wait_dma2 semaphore(%run_scoped3A : memref<!tpu.dma_semaphore, #tpu.memory_space<semaphore_mem>>) src(%dma_wait3A_69 : memref<128x128xf32, #tpu.memory_space<vmem_shared>>) dst(%arg9 : memref<128x128xf32, #tpu.memory_space<vmem>>)
        tpu.yield
      }) : () -> ()
      %add3A_41 = arith.constant 10240 : i32
      %add3A_42 = arith.addi %add3A_41, %mul3A_0 : i32
      %add3A_43 = arith.constant 128 : i32
      %add3A_44 = arith.addi %add3A_42, %add3A_43 : i32
      "tpu.region"() ({
        %run_scoped3A = tpu.sem_alloc : memref<!tpu.dma_semaphore, #tpu.memory_space<semaphore_mem>>
        %dma_start3A = arith.constant 0 : i32
        %dma_start3A_64 = tpu.memref_slice %arg6[%add3A_44, %dma_start3A] : memref<40960x128xf32, #tpu.memory_space<hbm>> -> memref<128x128xf32, #tpu.memory_space<hbm>>
        %dma_start3A_65 = arith.constant 0 : i32
        %dma_start3A_66 = tpu.memref_slice %arg6[%add3A_44, %dma_start3A_65] : memref<40960x128xf32, #tpu.memory_space<hbm>> -> memref<128x128xf32, #tpu.memory_space<hbm>>
        tpu.enqueue_dma source(%arg9 : memref<128x128xf32, #tpu.memory_space<vmem>>) target(%dma_start3A_66 : memref<128x128xf32, #tpu.memory_space<hbm>>) target_semaphore(%run_scoped3A : memref<!tpu.dma_semaphore, #tpu.memory_space<semaphore_mem>>)
        %dma_wait3A = arith.constant 0 : i32
        %dma_wait3A_67 = tpu.memref_slice %arg6[%add3A_44, %dma_wait3A] : memref<40960x128xf32, #tpu.memory_space<hbm>> -> memref<128x128xf32, #tpu.memory_space<hbm>>
        %dma_wait3A_68 = arith.constant 0 : i32
        %dma_wait3A_69 = tpu.memref_slice %arg6[%add3A_44, %dma_wait3A_68] : memref<40960x128xf32, #tpu.memory_space<hbm>> -> memref<128x128xf32, #tpu.memory_space<hbm>>
        tpu.wait_dma2 semaphore(%run_scoped3A : memref<!tpu.dma_semaphore, #tpu.memory_space<semaphore_mem>>) src(%arg9 : memref<128x128xf32, #tpu.memory_space<vmem>>) dst(%dma_wait3A_69 : memref<128x128xf32, #tpu.memory_space<hbm>>)
        tpu.yield
      }) : () -> ()
      %add3A_45 = arith.constant 256 : i32
      %add3A_46 = arith.addi %mul3A_0, %add3A_45 : i32
      "tpu.region"() ({
        %run_scoped3A = tpu.sem_alloc : memref<!tpu.dma_semaphore, #tpu.memory_space<semaphore_mem>>
        %dma_start3A = arith.constant 0 : i32
        %dma_start3A_64 = tpu.memref_slice %arg11[%add3A_46, %dma_start3A] : memref<10240x128xf32, #tpu.memory_space<vmem_shared>> -> memref<128x128xf32, #tpu.memory_space<vmem_shared>>
        %dma_start3A_65 = arith.constant 0 : i32
        %dma_start3A_66 = tpu.memref_slice %arg11[%add3A_46, %dma_start3A_65] : memref<10240x128xf32, #tpu.memory_space<vmem_shared>> -> memref<128x128xf32, #tpu.memory_space<vmem_shared>>
        tpu.enqueue_dma source(%dma_start3A_66 : memref<128x128xf32, #tpu.memory_space<vmem_shared>>) target(%arg9 : memref<128x128xf32, #tpu.memory_space<vmem>>) target_semaphore(%run_scoped3A : memref<!tpu.dma_semaphore, #tpu.memory_space<semaphore_mem>>)
        %dma_wait3A = arith.constant 0 : i32
        %dma_wait3A_67 = tpu.memref_slice %arg11[%add3A_46, %dma_wait3A] : memref<10240x128xf32, #tpu.memory_space<vmem_shared>> -> memref<128x128xf32, #tpu.memory_space<vmem_shared>>
        %dma_wait3A_68 = arith.constant 0 : i32
        %dma_wait3A_69 = tpu.memref_slice %arg11[%add3A_46, %dma_wait3A_68] : memref<10240x128xf32, #tpu.memory_space<vmem_shared>> -> memref<128x128xf32, #tpu.memory_space<vmem_shared>>
        tpu.wait_dma2 semaphore(%run_scoped3A : memref<!tpu.dma_semaphore, #tpu.memory_space<semaphore_mem>>) src(%dma_wait3A_69 : memref<128x128xf32, #tpu.memory_space<vmem_shared>>) dst(%arg9 : memref<128x128xf32, #tpu.memory_space<vmem>>)
        tpu.yield
      }) : () -> ()
      %add3A_47 = arith.constant 10240 : i32
      %add3A_48 = arith.addi %add3A_47, %mul3A_0 : i32
      %add3A_49 = arith.constant 256 : i32
      %add3A_50 = arith.addi %add3A_48, %add3A_49 : i32
      "tpu.region"() ({
        %run_scoped3A = tpu.sem_alloc : memref<!tpu.dma_semaphore, #tpu.memory_space<semaphore_mem>>
        %dma_start3A = arith.constant 0 : i32
        %dma_start3A_64 = tpu.memref_slice %arg6[%add3A_50, %dma_start3A] : memref<40960x128xf32, #tpu.memory_space<hbm>> -> memref<128x128xf32, #tpu.memory_space<hbm>>
        %dma_start3A_65 = arith.constant 0 : i32
        %dma_start3A_66 = tpu.memref_slice %arg6[%add3A_50, %dma_start3A_65] : memref<40960x128xf32, #tpu.memory_space<hbm>> -> memref<128x128xf32, #tpu.memory_space<hbm>>
        tpu.enqueue_dma source(%arg9 : memref<128x128xf32, #tpu.memory_space<vmem>>) target(%dma_start3A_66 : memref<128x128xf32, #tpu.memory_space<hbm>>) target_semaphore(%run_scoped3A : memref<!tpu.dma_semaphore, #tpu.memory_space<semaphore_mem>>)
        %dma_wait3A = arith.constant 0 : i32
        %dma_wait3A_67 = tpu.memref_slice %arg6[%add3A_50, %dma_wait3A] : memref<40960x128xf32, #tpu.memory_space<hbm>> -> memref<128x128xf32, #tpu.memory_space<hbm>>
        %dma_wait3A_68 = arith.constant 0 : i32
        %dma_wait3A_69 = tpu.memref_slice %arg6[%add3A_50, %dma_wait3A_68] : memref<40960x128xf32, #tpu.memory_space<hbm>> -> memref<128x128xf32, #tpu.memory_space<hbm>>
        tpu.wait_dma2 semaphore(%run_scoped3A : memref<!tpu.dma_semaphore, #tpu.memory_space<semaphore_mem>>) src(%arg9 : memref<128x128xf32, #tpu.memory_space<vmem>>) dst(%dma_wait3A_69 : memref<128x128xf32, #tpu.memory_space<hbm>>)
        tpu.yield
      }) : () -> ()
      %add3A_51 = arith.constant 384 : i32
      %add3A_52 = arith.addi %mul3A_0, %add3A_51 : i32
      "tpu.region"() ({
        %run_scoped3A = tpu.sem_alloc : memref<!tpu.dma_semaphore, #tpu.memory_space<semaphore_mem>>
        %dma_start3A = arith.constant 0 : i32
        %dma_start3A_64 = tpu.memref_slice %arg11[%add3A_52, %dma_start3A] : memref<10240x128xf32, #tpu.memory_space<vmem_shared>> -> memref<128x128xf32, #tpu.memory_space<vmem_shared>>
        %dma_start3A_65 = arith.constant 0 : i32
        %dma_start3A_66 = tpu.memref_slice %arg11[%add3A_52, %dma_start3A_65] : memref<10240x128xf32, #tpu.memory_space<vmem_shared>> -> memref<128x128xf32, #tpu.memory_space<vmem_shared>>
        tpu.enqueue_dma source(%dma_start3A_66 : memref<128x128xf32, #tpu.memory_space<vmem_shared>>) target(%arg9 : memref<128x128xf32, #tpu.memory_space<vmem>>) target_semaphore(%run_scoped3A : memref<!tpu.dma_semaphore, #tpu.memory_space<semaphore_mem>>)
        %dma_wait3A = arith.constant 0 : i32
        %dma_wait3A_67 = tpu.memref_slice %arg11[%add3A_52, %dma_wait3A] : memref<10240x128xf32, #tpu.memory_space<vmem_shared>> -> memref<128x128xf32, #tpu.memory_space<vmem_shared>>
        %dma_wait3A_68 = arith.constant 0 : i32
        %dma_wait3A_69 = tpu.memref_slice %arg11[%add3A_52, %dma_wait3A_68] : memref<10240x128xf32, #tpu.memory_space<vmem_shared>> -> memref<128x128xf32, #tpu.memory_space<vmem_shared>>
        tpu.wait_dma2 semaphore(%run_scoped3A : memref<!tpu.dma_semaphore, #tpu.memory_space<semaphore_mem>>) src(%dma_wait3A_69 : memref<128x128xf32, #tpu.memory_space<vmem_shared>>) dst(%arg9 : memref<128x128xf32, #tpu.memory_space<vmem>>)
        tpu.yield
      }) : () -> ()
      %add3A_53 = arith.constant 10240 : i32
      %add3A_54 = arith.addi %add3A_53, %mul3A_0 : i32
      %add3A_55 = arith.constant 384 : i32
      %add3A_56 = arith.addi %add3A_54, %add3A_55 : i32
      "tpu.region"() ({
        %run_scoped3A = tpu.sem_alloc : memref<!tpu.dma_semaphore, #tpu.memory_space<semaphore_mem>>
        %dma_start3A = arith.constant 0 : i32
        %dma_start3A_64 = tpu.memref_slice %arg6[%add3A_56, %dma_start3A] : memref<40960x128xf32, #tpu.memory_space<hbm>> -> memref<128x128xf32, #tpu.memory_space<hbm>>
        %dma_start3A_65 = arith.constant 0 : i32
        %dma_start3A_66 = tpu.memref_slice %arg6[%add3A_56, %dma_start3A_65] : memref<40960x128xf32, #tpu.memory_space<hbm>> -> memref<128x128xf32, #tpu.memory_space<hbm>>
        tpu.enqueue_dma source(%arg9 : memref<128x128xf32, #tpu.memory_space<vmem>>) target(%dma_start3A_66 : memref<128x128xf32, #tpu.memory_space<hbm>>) target_semaphore(%run_scoped3A : memref<!tpu.dma_semaphore, #tpu.memory_space<semaphore_mem>>)
        %dma_wait3A = arith.constant 0 : i32
        %dma_wait3A_67 = tpu.memref_slice %arg6[%add3A_56, %dma_wait3A] : memref<40960x128xf32, #tpu.memory_space<hbm>> -> memref<128x128xf32, #tpu.memory_space<hbm>>
        %dma_wait3A_68 = arith.constant 0 : i32
        %dma_wait3A_69 = tpu.memref_slice %arg6[%add3A_56, %dma_wait3A_68] : memref<40960x128xf32, #tpu.memory_space<hbm>> -> memref<128x128xf32, #tpu.memory_space<hbm>>
        tpu.wait_dma2 semaphore(%run_scoped3A : memref<!tpu.dma_semaphore, #tpu.memory_space<semaphore_mem>>) src(%arg9 : memref<128x128xf32, #tpu.memory_space<vmem>>) dst(%dma_wait3A_69 : memref<128x128xf32, #tpu.memory_space<hbm>>)
        tpu.yield
      }) : () -> ()
      %add3A_57 = arith.constant 512 : i32
      %add3A_58 = arith.addi %mul3A_0, %add3A_57 : i32
      "tpu.region"() ({
        %run_scoped3A = tpu.sem_alloc : memref<!tpu.dma_semaphore, #tpu.memory_space<semaphore_mem>>
        %dma_start3A = arith.constant 0 : i32
        %dma_start3A_64 = tpu.memref_slice %arg11[%add3A_58, %dma_start3A] : memref<10240x128xf32, #tpu.memory_space<vmem_shared>> -> memref<128x128xf32, #tpu.memory_space<vmem_shared>>
        %dma_start3A_65 = arith.constant 0 : i32
        %dma_start3A_66 = tpu.memref_slice %arg11[%add3A_58, %dma_start3A_65] : memref<10240x128xf32, #tpu.memory_space<vmem_shared>> -> memref<128x128xf32, #tpu.memory_space<vmem_shared>>
        tpu.enqueue_dma source(%dma_start3A_66 : memref<128x128xf32, #tpu.memory_space<vmem_shared>>) target(%arg9 : memref<128x128xf32, #tpu.memory_space<vmem>>) target_semaphore(%run_scoped3A : memref<!tpu.dma_semaphore, #tpu.memory_space<semaphore_mem>>)
        %dma_wait3A = arith.constant 0 : i32
        %dma_wait3A_67 = tpu.memref_slice %arg11[%add3A_58, %dma_wait3A] : memref<10240x128xf32, #tpu.memory_space<vmem_shared>> -> memref<128x128xf32, #tpu.memory_space<vmem_shared>>
        %dma_wait3A_68 = arith.constant 0 : i32
        %dma_wait3A_69 = tpu.memref_slice %arg11[%add3A_58, %dma_wait3A_68] : memref<10240x128xf32, #tpu.memory_space<vmem_shared>> -> memref<128x128xf32, #tpu.memory_space<vmem_shared>>
        tpu.wait_dma2 semaphore(%run_scoped3A : memref<!tpu.dma_semaphore, #tpu.memory_space<semaphore_mem>>) src(%dma_wait3A_69 : memref<128x128xf32, #tpu.memory_space<vmem_shared>>) dst(%arg9 : memref<128x128xf32, #tpu.memory_space<vmem>>)
        tpu.yield
      }) : () -> ()
      %add3A_59 = arith.constant 10240 : i32
      %add3A_60 = arith.addi %add3A_59, %mul3A_0 : i32
      %add3A_61 = arith.constant 512 : i32
      %add3A_62 = arith.addi %add3A_60, %add3A_61 : i32
      "tpu.region"() ({
        %run_scoped3A = tpu.sem_alloc : memref<!tpu.dma_semaphore, #tpu.memory_space<semaphore_mem>>
        %dma_start3A = arith.constant 0 : i32
        %dma_start3A_64 = tpu.memref_slice %arg6[%add3A_62, %dma_start3A] : memref<40960x128xf32, #tpu.memory_space<hbm>> -> memref<128x128xf32, #tpu.memory_space<hbm>>
        %dma_start3A_65 = arith.constant 0 : i32
        %dma_start3A_66 = tpu.memref_slice %arg6[%add3A_62, %dma_start3A_65] : memref<40960x128xf32, #tpu.memory_space<hbm>> -> memref<128x128xf32, #tpu.memory_space<hbm>>
        tpu.enqueue_dma source(%arg9 : memref<128x128xf32, #tpu.memory_space<vmem>>) target(%dma_start3A_66 : memref<128x128xf32, #tpu.memory_space<hbm>>) target_semaphore(%run_scoped3A : memref<!tpu.dma_semaphore, #tpu.memory_space<semaphore_mem>>)
        %dma_wait3A = arith.constant 0 : i32
        %dma_wait3A_67 = tpu.memref_slice %arg6[%add3A_62, %dma_wait3A] : memref<40960x128xf32, #tpu.memory_space<hbm>> -> memref<128x128xf32, #tpu.memory_space<hbm>>
        %dma_wait3A_68 = arith.constant 0 : i32
        %dma_wait3A_69 = tpu.memref_slice %arg6[%add3A_62, %dma_wait3A_68] : memref<40960x128xf32, #tpu.memory_space<hbm>> -> memref<128x128xf32, #tpu.memory_space<hbm>>
        tpu.wait_dma2 semaphore(%run_scoped3A : memref<!tpu.dma_semaphore, #tpu.memory_space<semaphore_mem>>) src(%arg9 : memref<128x128xf32, #tpu.memory_space<vmem>>) dst(%dma_wait3A_69 : memref<128x128xf32, #tpu.memory_space<hbm>>)
        tpu.yield
      }) : () -> ()
      %barrier3A_63 = arith.constant 0 : index
      tpu.barrier barrier_id(%barrier3A_63)
    } else {
    }
    %eq3A_8 = arith.constant 1 : i32
    %eq3A_9 = arith.cmpi eq, %arg0, %eq3A_8 : i32
    %convert_element_type3A_10 = arith.extui %eq3A_9 : i1 to i32
    %cond3A_11 = arith.constant 0 : i32
    %cond3A_12 = arith.cmpi ne, %convert_element_type3A_10, %cond3A_11 : i32
    scf.if %cond3A_12 {
      "tpu.region"() ({
        %run_scoped3A = tpu.sem_alloc : memref<!tpu.dma_semaphore, #tpu.memory_space<semaphore_mem>>
        tpu.enqueue_dma source(%arg5 : memref<128x128xf32, #tpu.memory_space<hbm>>) target(%arg9 : memref<128x128xf32, #tpu.memory_space<vmem>>) target_semaphore(%run_scoped3A : memref<!tpu.dma_semaphore, #tpu.memory_space<semaphore_mem>>)
        tpu.wait_dma2 semaphore(%run_scoped3A : memref<!tpu.dma_semaphore, #tpu.memory_space<semaphore_mem>>) src(%arg5 : memref<128x128xf32, #tpu.memory_space<hbm>>) dst(%arg9 : memref<128x128xf32, #tpu.memory_space<vmem>>)
        tpu.yield
      }) : () -> ()
      %add3A = arith.constant 0 : i32
      %add3A_18 = arith.addi %mul3A_0, %add3A : i32
      "tpu.region"() ({
        %run_scoped3A = tpu.sem_alloc : memref<!tpu.dma_semaphore, #tpu.memory_space<semaphore_mem>>
        %dma_start3A = arith.constant 0 : i32
        %dma_start3A_64 = tpu.memref_slice %arg11[%add3A_18, %dma_start3A] : memref<10240x128xf32, #tpu.memory_space<vmem_shared>> -> memref<128x128xf32, #tpu.memory_space<vmem_shared>>
        %dma_start3A_65 = arith.constant 0 : i32
        %dma_start3A_66 = tpu.memref_slice %arg11[%add3A_18, %dma_start3A_65] : memref<10240x128xf32, #tpu.memory_space<vmem_shared>> -> memref<128x128xf32, #tpu.memory_space<vmem_shared>>
        tpu.enqueue_dma source(%arg9 : memref<128x128xf32, #tpu.memory_space<vmem>>) target(%dma_start3A_66 : memref<128x128xf32, #tpu.memory_space<vmem_shared>>) target_semaphore(%run_scoped3A : memref<!tpu.dma_semaphore, #tpu.memory_space<semaphore_mem>>)
        %dma_wait3A = arith.constant 0 : i32
        %dma_wait3A_67 = tpu.memref_slice %arg11[%add3A_18, %dma_wait3A] : memref<10240x128xf32, #tpu.memory_space<vmem_shared>> -> memref<128x128xf32, #tpu.memory_space<vmem_shared>>
        %dma_wait3A_68 = arith.constant 0 : i32
        %dma_wait3A_69 = tpu.memref_slice %arg11[%add3A_18, %dma_wait3A_68] : memref<10240x128xf32, #tpu.memory_space<vmem_shared>> -> memref<128x128xf32, #tpu.memory_space<vmem_shared>>
        tpu.wait_dma2 semaphore(%run_scoped3A : memref<!tpu.dma_semaphore, #tpu.memory_space<semaphore_mem>>) src(%arg9 : memref<128x128xf32, #tpu.memory_space<vmem>>) dst(%dma_wait3A_69 : memref<128x128xf32, #tpu.memory_space<vmem_shared>>)
        tpu.yield
      }) : () -> ()
      %add3A_19 = arith.constant 128 : i32
      %add3A_20 = arith.addi %mul3A_0, %add3A_19 : i32
      "tpu.region"() ({
        %run_scoped3A = tpu.sem_alloc : memref<!tpu.dma_semaphore, #tpu.memory_space<semaphore_mem>>
        %dma_start3A = arith.constant 0 : i32
        %dma_start3A_64 = tpu.memref_slice %arg11[%add3A_20, %dma_start3A] : memref<10240x128xf32, #tpu.memory_space<vmem_shared>> -> memref<128x128xf32, #tpu.memory_space<vmem_shared>>
        %dma_start3A_65 = arith.constant 0 : i32
        %dma_start3A_66 = tpu.memref_slice %arg11[%add3A_20, %dma_start3A_65] : memref<10240x128xf32, #tpu.memory_space<vmem_shared>> -> memref<128x128xf32, #tpu.memory_space<vmem_shared>>
        tpu.enqueue_dma source(%arg9 : memref<128x128xf32, #tpu.memory_space<vmem>>) target(%dma_start3A_66 : memref<128x128xf32, #tpu.memory_space<vmem_shared>>) target_semaphore(%run_scoped3A : memref<!tpu.dma_semaphore, #tpu.memory_space<semaphore_mem>>)
        %dma_wait3A = arith.constant 0 : i32
        %dma_wait3A_67 = tpu.memref_slice %arg11[%add3A_20, %dma_wait3A] : memref<10240x128xf32, #tpu.memory_space<vmem_shared>> -> memref<128x128xf32, #tpu.memory_space<vmem_shared>>
        %dma_wait3A_68 = arith.constant 0 : i32
        %dma_wait3A_69 = tpu.memref_slice %arg11[%add3A_20, %dma_wait3A_68] : memref<10240x128xf32, #tpu.memory_space<vmem_shared>> -> memref<128x128xf32, #tpu.memory_space<vmem_shared>>
        tpu.wait_dma2 semaphore(%run_scoped3A : memref<!tpu.dma_semaphore, #tpu.memory_space<semaphore_mem>>) src(%arg9 : memref<128x128xf32, #tpu.memory_space<vmem>>) dst(%dma_wait3A_69 : memref<128x128xf32, #tpu.memory_space<vmem_shared>>)
        tpu.yield
      }) : () -> ()
      %add3A_21 = arith.constant 256 : i32
      %add3A_22 = arith.addi %mul3A_0, %add3A_21 : i32
      "tpu.region"() ({
        %run_scoped3A = tpu.sem_alloc : memref<!tpu.dma_semaphore, #tpu.memory_space<semaphore_mem>>
        %dma_start3A = arith.constant 0 : i32
        %dma_start3A_64 = tpu.memref_slice %arg11[%add3A_22, %dma_start3A] : memref<10240x128xf32, #tpu.memory_space<vmem_shared>> -> memref<128x128xf32, #tpu.memory_space<vmem_shared>>
        %dma_start3A_65 = arith.constant 0 : i32
        %dma_start3A_66 = tpu.memref_slice %arg11[%add3A_22, %dma_start3A_65] : memref<10240x128xf32, #tpu.memory_space<vmem_shared>> -> memref<128x128xf32, #tpu.memory_space<vmem_shared>>
        tpu.enqueue_dma source(%arg9 : memref<128x128xf32, #tpu.memory_space<vmem>>) target(%dma_start3A_66 : memref<128x128xf32, #tpu.memory_space<vmem_shared>>) target_semaphore(%run_scoped3A : memref<!tpu.dma_semaphore, #tpu.memory_space<semaphore_mem>>)
        %dma_wait3A = arith.constant 0 : i32
        %dma_wait3A_67 = tpu.memref_slice %arg11[%add3A_22, %dma_wait3A] : memref<10240x128xf32, #tpu.memory_space<vmem_shared>> -> memref<128x128xf32, #tpu.memory_space<vmem_shared>>
        %dma_wait3A_68 = arith.constant 0 : i32
        %dma_wait3A_69 = tpu.memref_slice %arg11[%add3A_22, %dma_wait3A_68] : memref<10240x128xf32, #tpu.memory_space<vmem_shared>> -> memref<128x128xf32, #tpu.memory_space<vmem_shared>>
        tpu.wait_dma2 semaphore(%run_scoped3A : memref<!tpu.dma_semaphore, #tpu.memory_space<semaphore_mem>>) src(%arg9 : memref<128x128xf32, #tpu.memory_space<vmem>>) dst(%dma_wait3A_69 : memref<128x128xf32, #tpu.memory_space<vmem_shared>>)
        tpu.yield
      }) : () -> ()
      %add3A_23 = arith.constant 384 : i32
      %add3A_24 = arith.addi %mul3A_0, %add3A_23 : i32
      "tpu.region"() ({
        %run_scoped3A = tpu.sem_alloc : memref<!tpu.dma_semaphore, #tpu.memory_space<semaphore_mem>>
        %dma_start3A = arith.constant 0 : i32
        %dma_start3A_64 = tpu.memref_slice %arg11[%add3A_24, %dma_start3A] : memref<10240x128xf32, #tpu.memory_space<vmem_shared>> -> memref<128x128xf32, #tpu.memory_space<vmem_shared>>
        %dma_start3A_65 = arith.constant 0 : i32
        %dma_start3A_66 = tpu.memref_slice %arg11[%add3A_24, %dma_start3A_65] : memref<10240x128xf32, #tpu.memory_space<vmem_shared>> -> memref<128x128xf32, #tpu.memory_space<vmem_shared>>
        tpu.enqueue_dma source(%arg9 : memref<128x128xf32, #tpu.memory_space<vmem>>) target(%dma_start3A_66 : memref<128x128xf32, #tpu.memory_space<vmem_shared>>) target_semaphore(%run_scoped3A : memref<!tpu.dma_semaphore, #tpu.memory_space<semaphore_mem>>)
        %dma_wait3A = arith.constant 0 : i32
        %dma_wait3A_67 = tpu.memref_slice %arg11[%add3A_24, %dma_wait3A] : memref<10240x128xf32, #tpu.memory_space<vmem_shared>> -> memref<128x128xf32, #tpu.memory_space<vmem_shared>>
        %dma_wait3A_68 = arith.constant 0 : i32
        %dma_wait3A_69 = tpu.memref_slice %arg11[%add3A_24, %dma_wait3A_68] : memref<10240x128xf32, #tpu.memory_space<vmem_shared>> -> memref<128x128xf32, #tpu.memory_space<vmem_shared>>
        tpu.wait_dma2 semaphore(%run_scoped3A : memref<!tpu.dma_semaphore, #tpu.memory_space<semaphore_mem>>) src(%arg9 : memref<128x128xf32, #tpu.memory_space<vmem>>) dst(%dma_wait3A_69 : memref<128x128xf32, #tpu.memory_space<vmem_shared>>)
        tpu.yield
      }) : () -> ()
      %add3A_25 = arith.constant 512 : i32
      %add3A_26 = arith.addi %mul3A_0, %add3A_25 : i32
      "tpu.region"() ({
        %run_scoped3A = tpu.sem_alloc : memref<!tpu.dma_semaphore, #tpu.memory_space<semaphore_mem>>
        %dma_start3A = arith.constant 0 : i32
        %dma_start3A_64 = tpu.memref_slice %arg11[%add3A_26, %dma_start3A] : memref<10240x128xf32, #tpu.memory_space<vmem_shared>> -> memref<128x128xf32, #tpu.memory_space<vmem_shared>>
        %dma_start3A_65 = arith.constant 0 : i32
        %dma_start3A_66 = tpu.memref_slice %arg11[%add3A_26, %dma_start3A_65] : memref<10240x128xf32, #tpu.memory_space<vmem_shared>> -> memref<128x128xf32, #tpu.memory_space<vmem_shared>>
        tpu.enqueue_dma source(%arg9 : memref<128x128xf32, #tpu.memory_space<vmem>>) target(%dma_start3A_66 : memref<128x128xf32, #tpu.memory_space<vmem_shared>>) target_semaphore(%run_scoped3A : memref<!tpu.dma_semaphore, #tpu.memory_space<semaphore_mem>>)
        %dma_wait3A = arith.constant 0 : i32
        %dma_wait3A_67 = tpu.memref_slice %arg11[%add3A_26, %dma_wait3A] : memref<10240x128xf32, #tpu.memory_space<vmem_shared>> -> memref<128x128xf32, #tpu.memory_space<vmem_shared>>
        %dma_wait3A_68 = arith.constant 0 : i32
        %dma_wait3A_69 = tpu.memref_slice %arg11[%add3A_26, %dma_wait3A_68] : memref<10240x128xf32, #tpu.memory_space<vmem_shared>> -> memref<128x128xf32, #tpu.memory_space<vmem_shared>>
        tpu.wait_dma2 semaphore(%run_scoped3A : memref<!tpu.dma_semaphore, #tpu.memory_space<semaphore_mem>>) src(%arg9 : memref<128x128xf32, #tpu.memory_space<vmem>>) dst(%dma_wait3A_69 : memref<128x128xf32, #tpu.memory_space<vmem_shared>>)
        tpu.yield
      }) : () -> ()
      %barrier3A = arith.constant 0 : index
      tpu.barrier barrier_id(%barrier3A)
      %scan3A = arith.constant 0 : i32
      %scan3A_27 = arith.constant 0 : i32
      %scan3A_28 = arith.constant 5 : i32
      %scan3A_29 = arith.addi %scan3A_27, %scan3A_28 : i32
      %scan3A_30 = arith.constant 1 : i32
      scf.for %scan3A_64 = %scan3A_27 to %scan3A_29 step %scan3A_30  : i32 {
        %mul3A_65 = arith.constant 160 : i32
        %mul3A_66 = arith.muli %arg1, %mul3A_65 : i32
        %mul3A_67 = arith.constant 32 : i32
        %mul3A_68 = arith.muli %scan3A_64, %mul3A_67 : i32
        %add3A_69 = arith.addi %mul3A_66, %mul3A_68 : i32
        "tpu.region"() ({
          %run_scoped3A = tpu.sem_alloc : memref<!tpu.dma_semaphore, #tpu.memory_space<semaphore_mem>>
          %dma_start3A_92 = arith.constant 0 : i32
          %dma_start3A_93 = tpu.memref_slice %arg3[%add3A_69, %dma_start3A_92] : memref<2560x128xi32, #tpu.memory_space<hbm>> -> memref<32x128xi32, #tpu.memory_space<hbm>>
          %dma_start3A_94 = arith.constant 0 : i32
          %dma_start3A_95 = tpu.memref_slice %arg3[%add3A_69, %dma_start3A_94] : memref<2560x128xi32, #tpu.memory_space<hbm>> -> memref<32x128xi32, #tpu.memory_space<hbm>>
          tpu.enqueue_dma source(%dma_start3A_95 : memref<32x128xi32, #tpu.memory_space<hbm>>) target(%arg7 : memref<32x128xi32, #tpu.memory_space<vmem>>) target_semaphore(%run_scoped3A : memref<!tpu.dma_semaphore, #tpu.memory_space<semaphore_mem>>)
          %dma_wait3A = arith.constant 0 : i32
          %dma_wait3A_96 = tpu.memref_slice %arg3[%add3A_69, %dma_wait3A] : memref<2560x128xi32, #tpu.memory_space<hbm>> -> memref<32x128xi32, #tpu.memory_space<hbm>>
          %dma_wait3A_97 = arith.constant 0 : i32
          %dma_wait3A_98 = tpu.memref_slice %arg3[%add3A_69, %dma_wait3A_97] : memref<2560x128xi32, #tpu.memory_space<hbm>> -> memref<32x128xi32, #tpu.memory_space<hbm>>
          tpu.wait_dma2 semaphore(%run_scoped3A : memref<!tpu.dma_semaphore, #tpu.memory_space<semaphore_mem>>) src(%dma_wait3A_98 : memref<32x128xi32, #tpu.memory_space<hbm>>) dst(%arg7 : memref<32x128xi32, #tpu.memory_space<vmem>>)
          tpu.yield
        }) : () -> ()
        %mul3A_70 = arith.constant 160 : i32
        %mul3A_71 = arith.muli %arg1, %mul3A_70 : i32
        %mul3A_72 = arith.constant 32 : i32
        %mul3A_73 = arith.muli %scan3A_64, %mul3A_72 : i32
        %add3A_74 = arith.addi %mul3A_71, %mul3A_73 : i32
        "tpu.region"() ({
          %run_scoped3A = tpu.sem_alloc : memref<!tpu.dma_semaphore, #tpu.memory_space<semaphore_mem>>
          %dma_start3A_92 = arith.constant 0 : i32
          %dma_start3A_93 = tpu.memref_slice %arg4[%add3A_74, %dma_start3A_92] : memref<2560x128xi32, #tpu.memory_space<hbm>> -> memref<32x128xi32, #tpu.memory_space<hbm>>
          %dma_start3A_94 = arith.constant 0 : i32
          %dma_start3A_95 = tpu.memref_slice %arg4[%add3A_74, %dma_start3A_94] : memref<2560x128xi32, #tpu.memory_space<hbm>> -> memref<32x128xi32, #tpu.memory_space<hbm>>
          tpu.enqueue_dma source(%dma_start3A_95 : memref<32x128xi32, #tpu.memory_space<hbm>>) target(%arg8 : memref<32x128xi32, #tpu.memory_space<vmem>>) target_semaphore(%run_scoped3A : memref<!tpu.dma_semaphore, #tpu.memory_space<semaphore_mem>>)
          %dma_wait3A = arith.constant 0 : i32
          %dma_wait3A_96 = tpu.memref_slice %arg4[%add3A_74, %dma_wait3A] : memref<2560x128xi32, #tpu.memory_space<hbm>> -> memref<32x128xi32, #tpu.memory_space<hbm>>
          %dma_wait3A_97 = arith.constant 0 : i32
          %dma_wait3A_98 = tpu.memref_slice %arg4[%add3A_74, %dma_wait3A_97] : memref<2560x128xi32, #tpu.memory_space<hbm>> -> memref<32x128xi32, #tpu.memory_space<hbm>>
          tpu.wait_dma2 semaphore(%run_scoped3A : memref<!tpu.dma_semaphore, #tpu.memory_space<semaphore_mem>>) src(%dma_wait3A_98 : memref<32x128xi32, #tpu.memory_space<hbm>>) dst(%arg8 : memref<32x128xi32, #tpu.memory_space<vmem>>)
          tpu.yield
        }) : () -> ()
        %dma_start3A = arith.constant 2 : i32
        %dma_start3A_75 = arith.constant 0 : i32
        %dma_start3A_76 = arith.constant 0 : i32
        %dma_start3A_77 = tpu.memref_slice %arg7[%dma_start3A_75, %dma_start3A_76] : memref<32x128xi32, #tpu.memory_space<vmem>> -> memref<1x128xi32, #tpu.memory_space<vmem>>
        %dma_start3A_78 = tpu.memref_squeeze %dma_start3A_77 : memref<1x128xi32, #tpu.memory_space<vmem>> -> memref<128xi32, #tpu.memory_space<vmem>>
        %dma_start3A_79 = arith.constant 0 : i32
        %dma_start3A_80 = arith.constant 0 : i32
        %dma_start3A_81 = tpu.memref_slice %arg2[%dma_start3A, %dma_start3A_79, %dma_start3A_80] : memref<4x10000x128xf32, #tpu.memory_space<hbm>> -> memref<1x10000x128xf32, #tpu.memory_space<hbm>>
        %dma_start3A_82 = tpu.memref_squeeze %dma_start3A_81 : memref<1x10000x128xf32, #tpu.memory_space<hbm>> -> memref<10000x128xf32, #tpu.memory_space<hbm>>
        %dma_start3A_83 = arith.constant 0 : i32
        %dma_start3A_84 = arith.constant 0 : i32
        %dma_start3A_85 = tpu.memref_slice %dma_start3A_82[%dma_start3A_83, %dma_start3A_84] : memref<10000x128xf32, #tpu.memory_space<hbm>> -> memref<10000x128xf32, #tpu.memory_space<hbm>>
        tpu.enqueue_indirect_dma source(%dma_start3A_85 : memref<10000x128xf32, #tpu.memory_space<hbm>>) target(%arg9 : memref<128x128xf32, #tpu.memory_space<vmem>>) offsets(%dma_start3A_78 : memref<128xi32, #tpu.memory_space<vmem>>) semaphore(%arg12 : memref<!tpu.dma_semaphore, #tpu.memory_space<semaphore_mem>>)
        %scan3A_86 = arith.constant 0 : i32
        %scan3A_87 = arith.constant 0 : i32
        %scan3A_88 = arith.constant 16 : i32
        %scan3A_89 = arith.addi %scan3A_87, %scan3A_88 : i32
        %scan3A_90 = arith.constant 1 : i32
        scf.for %scan3A_92 = %scan3A_87 to %scan3A_89 step %scan3A_90  : i32 {
          tpu.wait_dma2 semaphore(%arg12 : memref<!tpu.dma_semaphore, #tpu.memory_space<semaphore_mem>>) src(%arg5 : memref<128x128xf32, #tpu.memory_space<hbm>>) dst(%arg9 : memref<128x128xf32, #tpu.memory_space<vmem>>)
          %mul3A_93 = arith.constant 2 : i32
          %mul3A_94 = arith.muli %mul3A_93, %scan3A_92 : i32
          %add3A_95 = arith.constant 1 : i32
          %add3A_96 = arith.addi %mul3A_94, %add3A_95 : i32
          %dma_start3A_97 = arith.constant 2 : i32
          %dma_start3A_98 = arith.constant 0 : i32
          %dma_start3A_99 = tpu.memref_slice %arg7[%add3A_96, %dma_start3A_98] : memref<32x128xi32, #tpu.memory_space<vmem>> -> memref<1x128xi32, #tpu.memory_space<vmem>>
          %dma_start3A_100 = tpu.memref_squeeze %dma_start3A_99 : memref<1x128xi32, #tpu.memory_space<vmem>> -> memref<128xi32, #tpu.memory_space<vmem>>
          %dma_start3A_101 = arith.constant 0 : i32
          %dma_start3A_102 = arith.constant 0 : i32
          %dma_start3A_103 = tpu.memref_slice %arg2[%dma_start3A_97, %dma_start3A_101, %dma_start3A_102] : memref<4x10000x128xf32, #tpu.memory_space<hbm>> -> memref<1x10000x128xf32, #tpu.memory_space<hbm>>
          %dma_start3A_104 = tpu.memref_squeeze %dma_start3A_103 : memref<1x10000x128xf32, #tpu.memory_space<hbm>> -> memref<10000x128xf32, #tpu.memory_space<hbm>>
          %dma_start3A_105 = arith.constant 0 : i32
          %dma_start3A_106 = arith.constant 0 : i32
          %dma_start3A_107 = tpu.memref_slice %dma_start3A_104[%dma_start3A_105, %dma_start3A_106] : memref<10000x128xf32, #tpu.memory_space<hbm>> -> memref<10000x128xf32, #tpu.memory_space<hbm>>
          tpu.enqueue_indirect_dma source(%dma_start3A_107 : memref<10000x128xf32, #tpu.memory_space<hbm>>) target(%arg10 : memref<128x128xf32, #tpu.memory_space<vmem>>) offsets(%dma_start3A_100 : memref<128xi32, #tpu.memory_space<vmem>>) semaphore(%arg13 : memref<!tpu.dma_semaphore, #tpu.memory_space<semaphore_mem>>)
          %mul3A_108 = arith.constant 2 : i32
          %mul3A_109 = arith.muli %mul3A_108, %scan3A_92 : i32
          "tpu.region"() ({
            %run_scoped3A = tpu.sem_alloc : memref<!tpu.dma_semaphore, #tpu.memory_space<semaphore_mem>>
            %dma_start3A_118 = arith.constant 0 : i32
            %dma_start3A_119 = tpu.memref_slice %arg8[%mul3A_109, %dma_start3A_118] : memref<32x128xi32, #tpu.memory_space<vmem>> -> memref<1x128xi32, #tpu.memory_space<vmem>>
            %dma_start3A_120 = tpu.memref_squeeze %dma_start3A_119 : memref<1x128xi32, #tpu.memory_space<vmem>> -> memref<128xi32, #tpu.memory_space<vmem>>
            %dma_start3A_121 = arith.constant 0 : i32
            %dma_start3A_122 = arith.constant 0 : i32
            %dma_start3A_123 = tpu.memref_slice %arg11[%dma_start3A_121, %dma_start3A_122] : memref<10240x128xf32, #tpu.memory_space<vmem_shared>> -> memref<10240x128xf32, #tpu.memory_space<vmem_shared>>
            tpu.enqueue_indirect_dma source(%arg9 : memref<128x128xf32, #tpu.memory_space<vmem>>) target(%dma_start3A_123 : memref<10240x128xf32, #tpu.memory_space<vmem_shared>>) offsets(%dma_start3A_120 : memref<128xi32, #tpu.memory_space<vmem>>) semaphore(%run_scoped3A : memref<!tpu.dma_semaphore, #tpu.memory_space<semaphore_mem>>) {add = true}
            %dma_wait3A = arith.constant 0 : i32
            %dma_wait3A_124 = tpu.memref_slice %arg8[%mul3A_109, %dma_wait3A] : memref<32x128xi32, #tpu.memory_space<vmem>> -> memref<1x128xi32, #tpu.memory_space<vmem>>
            %dma_wait3A_125 = tpu.memref_squeeze %dma_wait3A_124 : memref<1x128xi32, #tpu.memory_space<vmem>> -> memref<128xi32, #tpu.memory_space<vmem>>
            %dma_wait3A_126 = arith.constant 0 : i32
            %dma_wait3A_127 = arith.constant 0 : i32
            %dma_wait3A_128 = tpu.memref_slice %arg11[%dma_wait3A_126, %dma_wait3A_127] : memref<10240x128xf32, #tpu.memory_space<vmem_shared>> -> memref<10240x128xf32, #tpu.memory_space<vmem_shared>>
            tpu.wait_indirect_dma semaphore(%run_scoped3A : memref<!tpu.dma_semaphore, #tpu.memory_space<semaphore_mem>>) src(%arg9 : memref<128x128xf32, #tpu.memory_space<vmem>>) dst(%dma_wait3A_128 : memref<10240x128xf32, #tpu.memory_space<vmem_shared>>)
            tpu.yield
          }) : () -> ()
          tpu.wait_dma2 semaphore(%arg13 : memref<!tpu.dma_semaphore, #tpu.memory_space<semaphore_mem>>) src(%arg5 : memref<128x128xf32, #tpu.memory_space<hbm>>) dst(%arg10 : memref<128x128xf32, #tpu.memory_space<vmem>>)
          %lt3A = arith.constant 15 : i32
          %lt3A_110 = arith.cmpi slt, %scan3A_92, %lt3A : i32
          %convert_element_type3A_111 = arith.extui %lt3A_110 : i1 to i32
          %cond3A_112 = arith.constant 0 : i32
          %cond3A_113 = arith.cmpi ne, %convert_element_type3A_111, %cond3A_112 : i32
          scf.if %cond3A_113 {
            %mul3A_118 = arith.constant 2 : i32
            %mul3A_119 = arith.muli %mul3A_118, %scan3A_92 : i32
            %add3A_120 = arith.constant 2 : i32
            %add3A_121 = arith.addi %mul3A_119, %add3A_120 : i32
            %dma_start3A_122 = arith.constant 2 : i32
            %dma_start3A_123 = arith.constant 0 : i32
            %dma_start3A_124 = tpu.memref_slice %arg7[%add3A_121, %dma_start3A_123] : memref<32x128xi32, #tpu.memory_space<vmem>> -> memref<1x128xi32, #tpu.memory_space<vmem>>
            %dma_start3A_125 = tpu.memref_squeeze %dma_start3A_124 : memref<1x128xi32, #tpu.memory_space<vmem>> -> memref<128xi32, #tpu.memory_space<vmem>>
            %dma_start3A_126 = arith.constant 0 : i32
            %dma_start3A_127 = arith.constant 0 : i32
            %dma_start3A_128 = tpu.memref_slice %arg2[%dma_start3A_122, %dma_start3A_126, %dma_start3A_127] : memref<4x10000x128xf32, #tpu.memory_space<hbm>> -> memref<1x10000x128xf32, #tpu.memory_space<hbm>>
            %dma_start3A_129 = tpu.memref_squeeze %dma_start3A_128 : memref<1x10000x128xf32, #tpu.memory_space<hbm>> -> memref<10000x128xf32, #tpu.memory_space<hbm>>
            %dma_start3A_130 = arith.constant 0 : i32
            %dma_start3A_131 = arith.constant 0 : i32
            %dma_start3A_132 = tpu.memref_slice %dma_start3A_129[%dma_start3A_130, %dma_start3A_131] : memref<10000x128xf32, #tpu.memory_space<hbm>> -> memref<10000x128xf32, #tpu.memory_space<hbm>>
            tpu.enqueue_indirect_dma source(%dma_start3A_132 : memref<10000x128xf32, #tpu.memory_space<hbm>>) target(%arg9 : memref<128x128xf32, #tpu.memory_space<vmem>>) offsets(%dma_start3A_125 : memref<128xi32, #tpu.memory_space<vmem>>) semaphore(%arg12 : memref<!tpu.dma_semaphore, #tpu.memory_space<semaphore_mem>>)
          } else {
          }
          %mul3A_114 = arith.constant 2 : i32
          %mul3A_115 = arith.muli %mul3A_114, %scan3A_92 : i32
          %add3A_116 = arith.constant 1 : i32
          %add3A_117 = arith.addi %mul3A_115, %add3A_116 : i32
          "tpu.region"() ({
            %run_scoped3A = tpu.sem_alloc : memref<!tpu.dma_semaphore, #tpu.memory_space<semaphore_mem>>
            %dma_start3A_118 = arith.constant 0 : i32
            %dma_start3A_119 = tpu.memref_slice %arg8[%add3A_117, %dma_start3A_118] : memref<32x128xi32, #tpu.memory_space<vmem>> -> memref<1x128xi32, #tpu.memory_space<vmem>>
            %dma_start3A_120 = tpu.memref_squeeze %dma_start3A_119 : memref<1x128xi32, #tpu.memory_space<vmem>> -> memref<128xi32, #tpu.memory_space<vmem>>
            %dma_start3A_121 = arith.constant 0 : i32
            %dma_start3A_122 = arith.constant 0 : i32
            %dma_start3A_123 = tpu.memref_slice %arg11[%dma_start3A_121, %dma_start3A_122] : memref<10240x128xf32, #tpu.memory_space<vmem_shared>> -> memref<10240x128xf32, #tpu.memory_space<vmem_shared>>
            tpu.enqueue_indirect_dma source(%arg10 : memref<128x128xf32, #tpu.memory_space<vmem>>) target(%dma_start3A_123 : memref<10240x128xf32, #tpu.memory_space<vmem_shared>>) offsets(%dma_start3A_120 : memref<128xi32, #tpu.memory_space<vmem>>) semaphore(%run_scoped3A : memref<!tpu.dma_semaphore, #tpu.memory_space<semaphore_mem>>) {add = true}
            %dma_wait3A = arith.constant 0 : i32
            %dma_wait3A_124 = tpu.memref_slice %arg8[%add3A_117, %dma_wait3A] : memref<32x128xi32, #tpu.memory_space<vmem>> -> memref<1x128xi32, #tpu.memory_space<vmem>>
            %dma_wait3A_125 = tpu.memref_squeeze %dma_wait3A_124 : memref<1x128xi32, #tpu.memory_space<vmem>> -> memref<128xi32, #tpu.memory_space<vmem>>
            %dma_wait3A_126 = arith.constant 0 : i32
            %dma_wait3A_127 = arith.constant 0 : i32
            %dma_wait3A_128 = tpu.memref_slice %arg11[%dma_wait3A_126, %dma_wait3A_127] : memref<10240x128xf32, #tpu.memory_space<vmem_shared>> -> memref<10240x128xf32, #tpu.memory_space<vmem_shared>>
            tpu.wait_indirect_dma semaphore(%run_scoped3A : memref<!tpu.dma_semaphore, #tpu.memory_space<semaphore_mem>>) src(%arg10 : memref<128x128xf32, #tpu.memory_space<vmem>>) dst(%dma_wait3A_128 : memref<10240x128xf32, #tpu.memory_space<vmem_shared>>)
            tpu.yield
          }) : () -> ()
        }
        %scan3A_91 = arith.constant 16 : i32
      }
      %scan3A_31 = arith.constant 5 : i32
      %barrier3A_32 = arith.constant 0 : index
      tpu.barrier barrier_id(%barrier3A_32)
      %add3A_33 = arith.constant 0 : i32
      %add3A_34 = arith.addi %mul3A_0, %add3A_33 : i32
      "tpu.region"() ({
        %run_scoped3A = tpu.sem_alloc : memref<!tpu.dma_semaphore, #tpu.memory_space<semaphore_mem>>
        %dma_start3A = arith.constant 0 : i32
        %dma_start3A_64 = tpu.memref_slice %arg11[%add3A_34, %dma_start3A] : memref<10240x128xf32, #tpu.memory_space<vmem_shared>> -> memref<128x128xf32, #tpu.memory_space<vmem_shared>>
        %dma_start3A_65 = arith.constant 0 : i32
        %dma_start3A_66 = tpu.memref_slice %arg11[%add3A_34, %dma_start3A_65] : memref<10240x128xf32, #tpu.memory_space<vmem_shared>> -> memref<128x128xf32, #tpu.memory_space<vmem_shared>>
        tpu.enqueue_dma source(%dma_start3A_66 : memref<128x128xf32, #tpu.memory_space<vmem_shared>>) target(%arg9 : memref<128x128xf32, #tpu.memory_space<vmem>>) target_semaphore(%run_scoped3A : memref<!tpu.dma_semaphore, #tpu.memory_space<semaphore_mem>>)
        %dma_wait3A = arith.constant 0 : i32
        %dma_wait3A_67 = tpu.memref_slice %arg11[%add3A_34, %dma_wait3A] : memref<10240x128xf32, #tpu.memory_space<vmem_shared>> -> memref<128x128xf32, #tpu.memory_space<vmem_shared>>
        %dma_wait3A_68 = arith.constant 0 : i32
        %dma_wait3A_69 = tpu.memref_slice %arg11[%add3A_34, %dma_wait3A_68] : memref<10240x128xf32, #tpu.memory_space<vmem_shared>> -> memref<128x128xf32, #tpu.memory_space<vmem_shared>>
        tpu.wait_dma2 semaphore(%run_scoped3A : memref<!tpu.dma_semaphore, #tpu.memory_space<semaphore_mem>>) src(%dma_wait3A_69 : memref<128x128xf32, #tpu.memory_space<vmem_shared>>) dst(%arg9 : memref<128x128xf32, #tpu.memory_space<vmem>>)
        tpu.yield
      }) : () -> ()
      %add3A_35 = arith.constant 20480 : i32
      %add3A_36 = arith.addi %add3A_35, %mul3A_0 : i32
      %add3A_37 = arith.constant 0 : i32
      %add3A_38 = arith.addi %add3A_36, %add3A_37 : i32
      "tpu.region"() ({
        %run_scoped3A = tpu.sem_alloc : memref<!tpu.dma_semaphore, #tpu.memory_space<semaphore_mem>>
        %dma_start3A = arith.constant 0 : i32
        %dma_start3A_64 = tpu.memref_slice %arg6[%add3A_38, %dma_start3A] : memref<40960x128xf32, #tpu.memory_space<hbm>> -> memref<128x128xf32, #tpu.memory_space<hbm>>
        %dma_start3A_65 = arith.constant 0 : i32
        %dma_start3A_66 = tpu.memref_slice %arg6[%add3A_38, %dma_start3A_65] : memref<40960x128xf32, #tpu.memory_space<hbm>> -> memref<128x128xf32, #tpu.memory_space<hbm>>
        tpu.enqueue_dma source(%arg9 : memref<128x128xf32, #tpu.memory_space<vmem>>) target(%dma_start3A_66 : memref<128x128xf32, #tpu.memory_space<hbm>>) target_semaphore(%run_scoped3A : memref<!tpu.dma_semaphore, #tpu.memory_space<semaphore_mem>>)
        %dma_wait3A = arith.constant 0 : i32
        %dma_wait3A_67 = tpu.memref_slice %arg6[%add3A_38, %dma_wait3A] : memref<40960x128xf32, #tpu.memory_space<hbm>> -> memref<128x128xf32, #tpu.memory_space<hbm>>
        %dma_wait3A_68 = arith.constant 0 : i32
        %dma_wait3A_69 = tpu.memref_slice %arg6[%add3A_38, %dma_wait3A_68] : memref<40960x128xf32, #tpu.memory_space<hbm>> -> memref<128x128xf32, #tpu.memory_space<hbm>>
        tpu.wait_dma2 semaphore(%run_scoped3A : memref<!tpu.dma_semaphore, #tpu.memory_space<semaphore_mem>>) src(%arg9 : memref<128x128xf32, #tpu.memory_space<vmem>>) dst(%dma_wait3A_69 : memref<128x128xf32, #tpu.memory_space<hbm>>)
        tpu.yield
      }) : () -> ()
      %add3A_39 = arith.constant 128 : i32
      %add3A_40 = arith.addi %mul3A_0, %add3A_39 : i32
      "tpu.region"() ({
        %run_scoped3A = tpu.sem_alloc : memref<!tpu.dma_semaphore, #tpu.memory_space<semaphore_mem>>
        %dma_start3A = arith.constant 0 : i32
        %dma_start3A_64 = tpu.memref_slice %arg11[%add3A_40, %dma_start3A] : memref<10240x128xf32, #tpu.memory_space<vmem_shared>> -> memref<128x128xf32, #tpu.memory_space<vmem_shared>>
        %dma_start3A_65 = arith.constant 0 : i32
        %dma_start3A_66 = tpu.memref_slice %arg11[%add3A_40, %dma_start3A_65] : memref<10240x128xf32, #tpu.memory_space<vmem_shared>> -> memref<128x128xf32, #tpu.memory_space<vmem_shared>>
        tpu.enqueue_dma source(%dma_start3A_66 : memref<128x128xf32, #tpu.memory_space<vmem_shared>>) target(%arg9 : memref<128x128xf32, #tpu.memory_space<vmem>>) target_semaphore(%run_scoped3A : memref<!tpu.dma_semaphore, #tpu.memory_space<semaphore_mem>>)
        %dma_wait3A = arith.constant 0 : i32
        %dma_wait3A_67 = tpu.memref_slice %arg11[%add3A_40, %dma_wait3A] : memref<10240x128xf32, #tpu.memory_space<vmem_shared>> -> memref<128x128xf32, #tpu.memory_space<vmem_shared>>
        %dma_wait3A_68 = arith.constant 0 : i32
        %dma_wait3A_69 = tpu.memref_slice %arg11[%add3A_40, %dma_wait3A_68] : memref<10240x128xf32, #tpu.memory_space<vmem_shared>> -> memref<128x128xf32, #tpu.memory_space<vmem_shared>>
        tpu.wait_dma2 semaphore(%run_scoped3A : memref<!tpu.dma_semaphore, #tpu.memory_space<semaphore_mem>>) src(%dma_wait3A_69 : memref<128x128xf32, #tpu.memory_space<vmem_shared>>) dst(%arg9 : memref<128x128xf32, #tpu.memory_space<vmem>>)
        tpu.yield
      }) : () -> ()
      %add3A_41 = arith.constant 20480 : i32
      %add3A_42 = arith.addi %add3A_41, %mul3A_0 : i32
      %add3A_43 = arith.constant 128 : i32
      %add3A_44 = arith.addi %add3A_42, %add3A_43 : i32
      "tpu.region"() ({
        %run_scoped3A = tpu.sem_alloc : memref<!tpu.dma_semaphore, #tpu.memory_space<semaphore_mem>>
        %dma_start3A = arith.constant 0 : i32
        %dma_start3A_64 = tpu.memref_slice %arg6[%add3A_44, %dma_start3A] : memref<40960x128xf32, #tpu.memory_space<hbm>> -> memref<128x128xf32, #tpu.memory_space<hbm>>
        %dma_start3A_65 = arith.constant 0 : i32
        %dma_start3A_66 = tpu.memref_slice %arg6[%add3A_44, %dma_start3A_65] : memref<40960x128xf32, #tpu.memory_space<hbm>> -> memref<128x128xf32, #tpu.memory_space<hbm>>
        tpu.enqueue_dma source(%arg9 : memref<128x128xf32, #tpu.memory_space<vmem>>) target(%dma_start3A_66 : memref<128x128xf32, #tpu.memory_space<hbm>>) target_semaphore(%run_scoped3A : memref<!tpu.dma_semaphore, #tpu.memory_space<semaphore_mem>>)
        %dma_wait3A = arith.constant 0 : i32
        %dma_wait3A_67 = tpu.memref_slice %arg6[%add3A_44, %dma_wait3A] : memref<40960x128xf32, #tpu.memory_space<hbm>> -> memref<128x128xf32, #tpu.memory_space<hbm>>
        %dma_wait3A_68 = arith.constant 0 : i32
        %dma_wait3A_69 = tpu.memref_slice %arg6[%add3A_44, %dma_wait3A_68] : memref<40960x128xf32, #tpu.memory_space<hbm>> -> memref<128x128xf32, #tpu.memory_space<hbm>>
        tpu.wait_dma2 semaphore(%run_scoped3A : memref<!tpu.dma_semaphore, #tpu.memory_space<semaphore_mem>>) src(%arg9 : memref<128x128xf32, #tpu.memory_space<vmem>>) dst(%dma_wait3A_69 : memref<128x128xf32, #tpu.memory_space<hbm>>)
        tpu.yield
      }) : () -> ()
      %add3A_45 = arith.constant 256 : i32
      %add3A_46 = arith.addi %mul3A_0, %add3A_45 : i32
      "tpu.region"() ({
        %run_scoped3A = tpu.sem_alloc : memref<!tpu.dma_semaphore, #tpu.memory_space<semaphore_mem>>
        %dma_start3A = arith.constant 0 : i32
        %dma_start3A_64 = tpu.memref_slice %arg11[%add3A_46, %dma_start3A] : memref<10240x128xf32, #tpu.memory_space<vmem_shared>> -> memref<128x128xf32, #tpu.memory_space<vmem_shared>>
        %dma_start3A_65 = arith.constant 0 : i32
        %dma_start3A_66 = tpu.memref_slice %arg11[%add3A_46, %dma_start3A_65] : memref<10240x128xf32, #tpu.memory_space<vmem_shared>> -> memref<128x128xf32, #tpu.memory_space<vmem_shared>>
        tpu.enqueue_dma source(%dma_start3A_66 : memref<128x128xf32, #tpu.memory_space<vmem_shared>>) target(%arg9 : memref<128x128xf32, #tpu.memory_space<vmem>>) target_semaphore(%run_scoped3A : memref<!tpu.dma_semaphore, #tpu.memory_space<semaphore_mem>>)
        %dma_wait3A = arith.constant 0 : i32
        %dma_wait3A_67 = tpu.memref_slice %arg11[%add3A_46, %dma_wait3A] : memref<10240x128xf32, #tpu.memory_space<vmem_shared>> -> memref<128x128xf32, #tpu.memory_space<vmem_shared>>
        %dma_wait3A_68 = arith.constant 0 : i32
        %dma_wait3A_69 = tpu.memref_slice %arg11[%add3A_46, %dma_wait3A_68] : memref<10240x128xf32, #tpu.memory_space<vmem_shared>> -> memref<128x128xf32, #tpu.memory_space<vmem_shared>>
        tpu.wait_dma2 semaphore(%run_scoped3A : memref<!tpu.dma_semaphore, #tpu.memory_space<semaphore_mem>>) src(%dma_wait3A_69 : memref<128x128xf32, #tpu.memory_space<vmem_shared>>) dst(%arg9 : memref<128x128xf32, #tpu.memory_space<vmem>>)
        tpu.yield
      }) : () -> ()
      %add3A_47 = arith.constant 20480 : i32
      %add3A_48 = arith.addi %add3A_47, %mul3A_0 : i32
      %add3A_49 = arith.constant 256 : i32
      %add3A_50 = arith.addi %add3A_48, %add3A_49 : i32
      "tpu.region"() ({
        %run_scoped3A = tpu.sem_alloc : memref<!tpu.dma_semaphore, #tpu.memory_space<semaphore_mem>>
        %dma_start3A = arith.constant 0 : i32
        %dma_start3A_64 = tpu.memref_slice %arg6[%add3A_50, %dma_start3A] : memref<40960x128xf32, #tpu.memory_space<hbm>> -> memref<128x128xf32, #tpu.memory_space<hbm>>
        %dma_start3A_65 = arith.constant 0 : i32
        %dma_start3A_66 = tpu.memref_slice %arg6[%add3A_50, %dma_start3A_65] : memref<40960x128xf32, #tpu.memory_space<hbm>> -> memref<128x128xf32, #tpu.memory_space<hbm>>
        tpu.enqueue_dma source(%arg9 : memref<128x128xf32, #tpu.memory_space<vmem>>) target(%dma_start3A_66 : memref<128x128xf32, #tpu.memory_space<hbm>>) target_semaphore(%run_scoped3A : memref<!tpu.dma_semaphore, #tpu.memory_space<semaphore_mem>>)
        %dma_wait3A = arith.constant 0 : i32
        %dma_wait3A_67 = tpu.memref_slice %arg6[%add3A_50, %dma_wait3A] : memref<40960x128xf32, #tpu.memory_space<hbm>> -> memref<128x128xf32, #tpu.memory_space<hbm>>
        %dma_wait3A_68 = arith.constant 0 : i32
        %dma_wait3A_69 = tpu.memref_slice %arg6[%add3A_50, %dma_wait3A_68] : memref<40960x128xf32, #tpu.memory_space<hbm>> -> memref<128x128xf32, #tpu.memory_space<hbm>>
        tpu.wait_dma2 semaphore(%run_scoped3A : memref<!tpu.dma_semaphore, #tpu.memory_space<semaphore_mem>>) src(%arg9 : memref<128x128xf32, #tpu.memory_space<vmem>>) dst(%dma_wait3A_69 : memref<128x128xf32, #tpu.memory_space<hbm>>)
        tpu.yield
      }) : () -> ()
      %add3A_51 = arith.constant 384 : i32
      %add3A_52 = arith.addi %mul3A_0, %add3A_51 : i32
      "tpu.region"() ({
        %run_scoped3A = tpu.sem_alloc : memref<!tpu.dma_semaphore, #tpu.memory_space<semaphore_mem>>
        %dma_start3A = arith.constant 0 : i32
        %dma_start3A_64 = tpu.memref_slice %arg11[%add3A_52, %dma_start3A] : memref<10240x128xf32, #tpu.memory_space<vmem_shared>> -> memref<128x128xf32, #tpu.memory_space<vmem_shared>>
        %dma_start3A_65 = arith.constant 0 : i32
        %dma_start3A_66 = tpu.memref_slice %arg11[%add3A_52, %dma_start3A_65] : memref<10240x128xf32, #tpu.memory_space<vmem_shared>> -> memref<128x128xf32, #tpu.memory_space<vmem_shared>>
        tpu.enqueue_dma source(%dma_start3A_66 : memref<128x128xf32, #tpu.memory_space<vmem_shared>>) target(%arg9 : memref<128x128xf32, #tpu.memory_space<vmem>>) target_semaphore(%run_scoped3A : memref<!tpu.dma_semaphore, #tpu.memory_space<semaphore_mem>>)
        %dma_wait3A = arith.constant 0 : i32
        %dma_wait3A_67 = tpu.memref_slice %arg11[%add3A_52, %dma_wait3A] : memref<10240x128xf32, #tpu.memory_space<vmem_shared>> -> memref<128x128xf32, #tpu.memory_space<vmem_shared>>
        %dma_wait3A_68 = arith.constant 0 : i32
        %dma_wait3A_69 = tpu.memref_slice %arg11[%add3A_52, %dma_wait3A_68] : memref<10240x128xf32, #tpu.memory_space<vmem_shared>> -> memref<128x128xf32, #tpu.memory_space<vmem_shared>>
        tpu.wait_dma2 semaphore(%run_scoped3A : memref<!tpu.dma_semaphore, #tpu.memory_space<semaphore_mem>>) src(%dma_wait3A_69 : memref<128x128xf32, #tpu.memory_space<vmem_shared>>) dst(%arg9 : memref<128x128xf32, #tpu.memory_space<vmem>>)
        tpu.yield
      }) : () -> ()
      %add3A_53 = arith.constant 20480 : i32
      %add3A_54 = arith.addi %add3A_53, %mul3A_0 : i32
      %add3A_55 = arith.constant 384 : i32
      %add3A_56 = arith.addi %add3A_54, %add3A_55 : i32
      "tpu.region"() ({
        %run_scoped3A = tpu.sem_alloc : memref<!tpu.dma_semaphore, #tpu.memory_space<semaphore_mem>>
        %dma_start3A = arith.constant 0 : i32
        %dma_start3A_64 = tpu.memref_slice %arg6[%add3A_56, %dma_start3A] : memref<40960x128xf32, #tpu.memory_space<hbm>> -> memref<128x128xf32, #tpu.memory_space<hbm>>
        %dma_start3A_65 = arith.constant 0 : i32
        %dma_start3A_66 = tpu.memref_slice %arg6[%add3A_56, %dma_start3A_65] : memref<40960x128xf32, #tpu.memory_space<hbm>> -> memref<128x128xf32, #tpu.memory_space<hbm>>
        tpu.enqueue_dma source(%arg9 : memref<128x128xf32, #tpu.memory_space<vmem>>) target(%dma_start3A_66 : memref<128x128xf32, #tpu.memory_space<hbm>>) target_semaphore(%run_scoped3A : memref<!tpu.dma_semaphore, #tpu.memory_space<semaphore_mem>>)
        %dma_wait3A = arith.constant 0 : i32
        %dma_wait3A_67 = tpu.memref_slice %arg6[%add3A_56, %dma_wait3A] : memref<40960x128xf32, #tpu.memory_space<hbm>> -> memref<128x128xf32, #tpu.memory_space<hbm>>
        %dma_wait3A_68 = arith.constant 0 : i32
        %dma_wait3A_69 = tpu.memref_slice %arg6[%add3A_56, %dma_wait3A_68] : memref<40960x128xf32, #tpu.memory_space<hbm>> -> memref<128x128xf32, #tpu.memory_space<hbm>>
        tpu.wait_dma2 semaphore(%run_scoped3A : memref<!tpu.dma_semaphore, #tpu.memory_space<semaphore_mem>>) src(%arg9 : memref<128x128xf32, #tpu.memory_space<vmem>>) dst(%dma_wait3A_69 : memref<128x128xf32, #tpu.memory_space<hbm>>)
        tpu.yield
      }) : () -> ()
      %add3A_57 = arith.constant 512 : i32
      %add3A_58 = arith.addi %mul3A_0, %add3A_57 : i32
      "tpu.region"() ({
        %run_scoped3A = tpu.sem_alloc : memref<!tpu.dma_semaphore, #tpu.memory_space<semaphore_mem>>
        %dma_start3A = arith.constant 0 : i32
        %dma_start3A_64 = tpu.memref_slice %arg11[%add3A_58, %dma_start3A] : memref<10240x128xf32, #tpu.memory_space<vmem_shared>> -> memref<128x128xf32, #tpu.memory_space<vmem_shared>>
        %dma_start3A_65 = arith.constant 0 : i32
        %dma_start3A_66 = tpu.memref_slice %arg11[%add3A_58, %dma_start3A_65] : memref<10240x128xf32, #tpu.memory_space<vmem_shared>> -> memref<128x128xf32, #tpu.memory_space<vmem_shared>>
        tpu.enqueue_dma source(%dma_start3A_66 : memref<128x128xf32, #tpu.memory_space<vmem_shared>>) target(%arg9 : memref<128x128xf32, #tpu.memory_space<vmem>>) target_semaphore(%run_scoped3A : memref<!tpu.dma_semaphore, #tpu.memory_space<semaphore_mem>>)
        %dma_wait3A = arith.constant 0 : i32
        %dma_wait3A_67 = tpu.memref_slice %arg11[%add3A_58, %dma_wait3A] : memref<10240x128xf32, #tpu.memory_space<vmem_shared>> -> memref<128x128xf32, #tpu.memory_space<vmem_shared>>
        %dma_wait3A_68 = arith.constant 0 : i32
        %dma_wait3A_69 = tpu.memref_slice %arg11[%add3A_58, %dma_wait3A_68] : memref<10240x128xf32, #tpu.memory_space<vmem_shared>> -> memref<128x128xf32, #tpu.memory_space<vmem_shared>>
        tpu.wait_dma2 semaphore(%run_scoped3A : memref<!tpu.dma_semaphore, #tpu.memory_space<semaphore_mem>>) src(%dma_wait3A_69 : memref<128x128xf32, #tpu.memory_space<vmem_shared>>) dst(%arg9 : memref<128x128xf32, #tpu.memory_space<vmem>>)
        tpu.yield
      }) : () -> ()
      %add3A_59 = arith.constant 20480 : i32
      %add3A_60 = arith.addi %add3A_59, %mul3A_0 : i32
      %add3A_61 = arith.constant 512 : i32
      %add3A_62 = arith.addi %add3A_60, %add3A_61 : i32
      "tpu.region"() ({
        %run_scoped3A = tpu.sem_alloc : memref<!tpu.dma_semaphore, #tpu.memory_space<semaphore_mem>>
        %dma_start3A = arith.constant 0 : i32
        %dma_start3A_64 = tpu.memref_slice %arg6[%add3A_62, %dma_start3A] : memref<40960x128xf32, #tpu.memory_space<hbm>> -> memref<128x128xf32, #tpu.memory_space<hbm>>
        %dma_start3A_65 = arith.constant 0 : i32
        %dma_start3A_66 = tpu.memref_slice %arg6[%add3A_62, %dma_start3A_65] : memref<40960x128xf32, #tpu.memory_space<hbm>> -> memref<128x128xf32, #tpu.memory_space<hbm>>
        tpu.enqueue_dma source(%arg9 : memref<128x128xf32, #tpu.memory_space<vmem>>) target(%dma_start3A_66 : memref<128x128xf32, #tpu.memory_space<hbm>>) target_semaphore(%run_scoped3A : memref<!tpu.dma_semaphore, #tpu.memory_space<semaphore_mem>>)
        %dma_wait3A = arith.constant 0 : i32
        %dma_wait3A_67 = tpu.memref_slice %arg6[%add3A_62, %dma_wait3A] : memref<40960x128xf32, #tpu.memory_space<hbm>> -> memref<128x128xf32, #tpu.memory_space<hbm>>
        %dma_wait3A_68 = arith.constant 0 : i32
        %dma_wait3A_69 = tpu.memref_slice %arg6[%add3A_62, %dma_wait3A_68] : memref<40960x128xf32, #tpu.memory_space<hbm>> -> memref<128x128xf32, #tpu.memory_space<hbm>>
        tpu.wait_dma2 semaphore(%run_scoped3A : memref<!tpu.dma_semaphore, #tpu.memory_space<semaphore_mem>>) src(%arg9 : memref<128x128xf32, #tpu.memory_space<vmem>>) dst(%dma_wait3A_69 : memref<128x128xf32, #tpu.memory_space<hbm>>)
        tpu.yield
      }) : () -> ()
      %barrier3A_63 = arith.constant 0 : index
      tpu.barrier barrier_id(%barrier3A_63)
    } else {
    }
    %eq3A_13 = arith.constant 1 : i32
    %eq3A_14 = arith.cmpi eq, %arg0, %eq3A_13 : i32
    %convert_element_type3A_15 = arith.extui %eq3A_14 : i1 to i32
    %cond3A_16 = arith.constant 0 : i32
    %cond3A_17 = arith.cmpi ne, %convert_element_type3A_15, %cond3A_16 : i32
    scf.if %cond3A_17 {
      "tpu.region"() ({
        %run_scoped3A = tpu.sem_alloc : memref<!tpu.dma_semaphore, #tpu.memory_space<semaphore_mem>>
        tpu.enqueue_dma source(%arg5 : memref<128x128xf32, #tpu.memory_space<hbm>>) target(%arg9 : memref<128x128xf32, #tpu.memory_space<vmem>>) target_semaphore(%run_scoped3A : memref<!tpu.dma_semaphore, #tpu.memory_space<semaphore_mem>>)
        tpu.wait_dma2 semaphore(%run_scoped3A : memref<!tpu.dma_semaphore, #tpu.memory_space<semaphore_mem>>) src(%arg5 : memref<128x128xf32, #tpu.memory_space<hbm>>) dst(%arg9 : memref<128x128xf32, #tpu.memory_space<vmem>>)
        tpu.yield
      }) : () -> ()
      %add3A = arith.constant 0 : i32
      %add3A_18 = arith.addi %mul3A_0, %add3A : i32
      "tpu.region"() ({
        %run_scoped3A = tpu.sem_alloc : memref<!tpu.dma_semaphore, #tpu.memory_space<semaphore_mem>>
        %dma_start3A = arith.constant 0 : i32
        %dma_start3A_64 = tpu.memref_slice %arg11[%add3A_18, %dma_start3A] : memref<10240x128xf32, #tpu.memory_space<vmem_shared>> -> memref<128x128xf32, #tpu.memory_space<vmem_shared>>
        %dma_start3A_65 = arith.constant 0 : i32
        %dma_start3A_66 = tpu.memref_slice %arg11[%add3A_18, %dma_start3A_65] : memref<10240x128xf32, #tpu.memory_space<vmem_shared>> -> memref<128x128xf32, #tpu.memory_space<vmem_shared>>
        tpu.enqueue_dma source(%arg9 : memref<128x128xf32, #tpu.memory_space<vmem>>) target(%dma_start3A_66 : memref<128x128xf32, #tpu.memory_space<vmem_shared>>) target_semaphore(%run_scoped3A : memref<!tpu.dma_semaphore, #tpu.memory_space<semaphore_mem>>)
        %dma_wait3A = arith.constant 0 : i32
        %dma_wait3A_67 = tpu.memref_slice %arg11[%add3A_18, %dma_wait3A] : memref<10240x128xf32, #tpu.memory_space<vmem_shared>> -> memref<128x128xf32, #tpu.memory_space<vmem_shared>>
        %dma_wait3A_68 = arith.constant 0 : i32
        %dma_wait3A_69 = tpu.memref_slice %arg11[%add3A_18, %dma_wait3A_68] : memref<10240x128xf32, #tpu.memory_space<vmem_shared>> -> memref<128x128xf32, #tpu.memory_space<vmem_shared>>
        tpu.wait_dma2 semaphore(%run_scoped3A : memref<!tpu.dma_semaphore, #tpu.memory_space<semaphore_mem>>) src(%arg9 : memref<128x128xf32, #tpu.memory_space<vmem>>) dst(%dma_wait3A_69 : memref<128x128xf32, #tpu.memory_space<vmem_shared>>)
        tpu.yield
      }) : () -> ()
      %add3A_19 = arith.constant 128 : i32
      %add3A_20 = arith.addi %mul3A_0, %add3A_19 : i32
      "tpu.region"() ({
        %run_scoped3A = tpu.sem_alloc : memref<!tpu.dma_semaphore, #tpu.memory_space<semaphore_mem>>
        %dma_start3A = arith.constant 0 : i32
        %dma_start3A_64 = tpu.memref_slice %arg11[%add3A_20, %dma_start3A] : memref<10240x128xf32, #tpu.memory_space<vmem_shared>> -> memref<128x128xf32, #tpu.memory_space<vmem_shared>>
        %dma_start3A_65 = arith.constant 0 : i32
        %dma_start3A_66 = tpu.memref_slice %arg11[%add3A_20, %dma_start3A_65] : memref<10240x128xf32, #tpu.memory_space<vmem_shared>> -> memref<128x128xf32, #tpu.memory_space<vmem_shared>>
        tpu.enqueue_dma source(%arg9 : memref<128x128xf32, #tpu.memory_space<vmem>>) target(%dma_start3A_66 : memref<128x128xf32, #tpu.memory_space<vmem_shared>>) target_semaphore(%run_scoped3A : memref<!tpu.dma_semaphore, #tpu.memory_space<semaphore_mem>>)
        %dma_wait3A = arith.constant 0 : i32
        %dma_wait3A_67 = tpu.memref_slice %arg11[%add3A_20, %dma_wait3A] : memref<10240x128xf32, #tpu.memory_space<vmem_shared>> -> memref<128x128xf32, #tpu.memory_space<vmem_shared>>
        %dma_wait3A_68 = arith.constant 0 : i32
        %dma_wait3A_69 = tpu.memref_slice %arg11[%add3A_20, %dma_wait3A_68] : memref<10240x128xf32, #tpu.memory_space<vmem_shared>> -> memref<128x128xf32, #tpu.memory_space<vmem_shared>>
        tpu.wait_dma2 semaphore(%run_scoped3A : memref<!tpu.dma_semaphore, #tpu.memory_space<semaphore_mem>>) src(%arg9 : memref<128x128xf32, #tpu.memory_space<vmem>>) dst(%dma_wait3A_69 : memref<128x128xf32, #tpu.memory_space<vmem_shared>>)
        tpu.yield
      }) : () -> ()
      %add3A_21 = arith.constant 256 : i32
      %add3A_22 = arith.addi %mul3A_0, %add3A_21 : i32
      "tpu.region"() ({
        %run_scoped3A = tpu.sem_alloc : memref<!tpu.dma_semaphore, #tpu.memory_space<semaphore_mem>>
        %dma_start3A = arith.constant 0 : i32
        %dma_start3A_64 = tpu.memref_slice %arg11[%add3A_22, %dma_start3A] : memref<10240x128xf32, #tpu.memory_space<vmem_shared>> -> memref<128x128xf32, #tpu.memory_space<vmem_shared>>
        %dma_start3A_65 = arith.constant 0 : i32
        %dma_start3A_66 = tpu.memref_slice %arg11[%add3A_22, %dma_start3A_65] : memref<10240x128xf32, #tpu.memory_space<vmem_shared>> -> memref<128x128xf32, #tpu.memory_space<vmem_shared>>
        tpu.enqueue_dma source(%arg9 : memref<128x128xf32, #tpu.memory_space<vmem>>) target(%dma_start3A_66 : memref<128x128xf32, #tpu.memory_space<vmem_shared>>) target_semaphore(%run_scoped3A : memref<!tpu.dma_semaphore, #tpu.memory_space<semaphore_mem>>)
        %dma_wait3A = arith.constant 0 : i32
        %dma_wait3A_67 = tpu.memref_slice %arg11[%add3A_22, %dma_wait3A] : memref<10240x128xf32, #tpu.memory_space<vmem_shared>> -> memref<128x128xf32, #tpu.memory_space<vmem_shared>>
        %dma_wait3A_68 = arith.constant 0 : i32
        %dma_wait3A_69 = tpu.memref_slice %arg11[%add3A_22, %dma_wait3A_68] : memref<10240x128xf32, #tpu.memory_space<vmem_shared>> -> memref<128x128xf32, #tpu.memory_space<vmem_shared>>
        tpu.wait_dma2 semaphore(%run_scoped3A : memref<!tpu.dma_semaphore, #tpu.memory_space<semaphore_mem>>) src(%arg9 : memref<128x128xf32, #tpu.memory_space<vmem>>) dst(%dma_wait3A_69 : memref<128x128xf32, #tpu.memory_space<vmem_shared>>)
        tpu.yield
      }) : () -> ()
      %add3A_23 = arith.constant 384 : i32
      %add3A_24 = arith.addi %mul3A_0, %add3A_23 : i32
      "tpu.region"() ({
        %run_scoped3A = tpu.sem_alloc : memref<!tpu.dma_semaphore, #tpu.memory_space<semaphore_mem>>
        %dma_start3A = arith.constant 0 : i32
        %dma_start3A_64 = tpu.memref_slice %arg11[%add3A_24, %dma_start3A] : memref<10240x128xf32, #tpu.memory_space<vmem_shared>> -> memref<128x128xf32, #tpu.memory_space<vmem_shared>>
        %dma_start3A_65 = arith.constant 0 : i32
        %dma_start3A_66 = tpu.memref_slice %arg11[%add3A_24, %dma_start3A_65] : memref<10240x128xf32, #tpu.memory_space<vmem_shared>> -> memref<128x128xf32, #tpu.memory_space<vmem_shared>>
        tpu.enqueue_dma source(%arg9 : memref<128x128xf32, #tpu.memory_space<vmem>>) target(%dma_start3A_66 : memref<128x128xf32, #tpu.memory_space<vmem_shared>>) target_semaphore(%run_scoped3A : memref<!tpu.dma_semaphore, #tpu.memory_space<semaphore_mem>>)
        %dma_wait3A = arith.constant 0 : i32
        %dma_wait3A_67 = tpu.memref_slice %arg11[%add3A_24, %dma_wait3A] : memref<10240x128xf32, #tpu.memory_space<vmem_shared>> -> memref<128x128xf32, #tpu.memory_space<vmem_shared>>
        %dma_wait3A_68 = arith.constant 0 : i32
        %dma_wait3A_69 = tpu.memref_slice %arg11[%add3A_24, %dma_wait3A_68] : memref<10240x128xf32, #tpu.memory_space<vmem_shared>> -> memref<128x128xf32, #tpu.memory_space<vmem_shared>>
        tpu.wait_dma2 semaphore(%run_scoped3A : memref<!tpu.dma_semaphore, #tpu.memory_space<semaphore_mem>>) src(%arg9 : memref<128x128xf32, #tpu.memory_space<vmem>>) dst(%dma_wait3A_69 : memref<128x128xf32, #tpu.memory_space<vmem_shared>>)
        tpu.yield
      }) : () -> ()
      %add3A_25 = arith.constant 512 : i32
      %add3A_26 = arith.addi %mul3A_0, %add3A_25 : i32
      "tpu.region"() ({
        %run_scoped3A = tpu.sem_alloc : memref<!tpu.dma_semaphore, #tpu.memory_space<semaphore_mem>>
        %dma_start3A = arith.constant 0 : i32
        %dma_start3A_64 = tpu.memref_slice %arg11[%add3A_26, %dma_start3A] : memref<10240x128xf32, #tpu.memory_space<vmem_shared>> -> memref<128x128xf32, #tpu.memory_space<vmem_shared>>
        %dma_start3A_65 = arith.constant 0 : i32
        %dma_start3A_66 = tpu.memref_slice %arg11[%add3A_26, %dma_start3A_65] : memref<10240x128xf32, #tpu.memory_space<vmem_shared>> -> memref<128x128xf32, #tpu.memory_space<vmem_shared>>
        tpu.enqueue_dma source(%arg9 : memref<128x128xf32, #tpu.memory_space<vmem>>) target(%dma_start3A_66 : memref<128x128xf32, #tpu.memory_space<vmem_shared>>) target_semaphore(%run_scoped3A : memref<!tpu.dma_semaphore, #tpu.memory_space<semaphore_mem>>)
        %dma_wait3A = arith.constant 0 : i32
        %dma_wait3A_67 = tpu.memref_slice %arg11[%add3A_26, %dma_wait3A] : memref<10240x128xf32, #tpu.memory_space<vmem_shared>> -> memref<128x128xf32, #tpu.memory_space<vmem_shared>>
        %dma_wait3A_68 = arith.constant 0 : i32
        %dma_wait3A_69 = tpu.memref_slice %arg11[%add3A_26, %dma_wait3A_68] : memref<10240x128xf32, #tpu.memory_space<vmem_shared>> -> memref<128x128xf32, #tpu.memory_space<vmem_shared>>
        tpu.wait_dma2 semaphore(%run_scoped3A : memref<!tpu.dma_semaphore, #tpu.memory_space<semaphore_mem>>) src(%arg9 : memref<128x128xf32, #tpu.memory_space<vmem>>) dst(%dma_wait3A_69 : memref<128x128xf32, #tpu.memory_space<vmem_shared>>)
        tpu.yield
      }) : () -> ()
      %barrier3A = arith.constant 0 : index
      tpu.barrier barrier_id(%barrier3A)
      %scan3A = arith.constant 0 : i32
      %scan3A_27 = arith.constant 0 : i32
      %scan3A_28 = arith.constant 5 : i32
      %scan3A_29 = arith.addi %scan3A_27, %scan3A_28 : i32
      %scan3A_30 = arith.constant 1 : i32
      scf.for %scan3A_64 = %scan3A_27 to %scan3A_29 step %scan3A_30  : i32 {
        %mul3A_65 = arith.constant 160 : i32
        %mul3A_66 = arith.muli %arg1, %mul3A_65 : i32
        %mul3A_67 = arith.constant 32 : i32
        %mul3A_68 = arith.muli %scan3A_64, %mul3A_67 : i32
        %add3A_69 = arith.addi %mul3A_66, %mul3A_68 : i32
        "tpu.region"() ({
          %run_scoped3A = tpu.sem_alloc : memref<!tpu.dma_semaphore, #tpu.memory_space<semaphore_mem>>
          %dma_start3A_92 = arith.constant 0 : i32
          %dma_start3A_93 = tpu.memref_slice %arg3[%add3A_69, %dma_start3A_92] : memref<2560x128xi32, #tpu.memory_space<hbm>> -> memref<32x128xi32, #tpu.memory_space<hbm>>
          %dma_start3A_94 = arith.constant 0 : i32
          %dma_start3A_95 = tpu.memref_slice %arg3[%add3A_69, %dma_start3A_94] : memref<2560x128xi32, #tpu.memory_space<hbm>> -> memref<32x128xi32, #tpu.memory_space<hbm>>
          tpu.enqueue_dma source(%dma_start3A_95 : memref<32x128xi32, #tpu.memory_space<hbm>>) target(%arg7 : memref<32x128xi32, #tpu.memory_space<vmem>>) target_semaphore(%run_scoped3A : memref<!tpu.dma_semaphore, #tpu.memory_space<semaphore_mem>>)
          %dma_wait3A = arith.constant 0 : i32
          %dma_wait3A_96 = tpu.memref_slice %arg3[%add3A_69, %dma_wait3A] : memref<2560x128xi32, #tpu.memory_space<hbm>> -> memref<32x128xi32, #tpu.memory_space<hbm>>
          %dma_wait3A_97 = arith.constant 0 : i32
          %dma_wait3A_98 = tpu.memref_slice %arg3[%add3A_69, %dma_wait3A_97] : memref<2560x128xi32, #tpu.memory_space<hbm>> -> memref<32x128xi32, #tpu.memory_space<hbm>>
          tpu.wait_dma2 semaphore(%run_scoped3A : memref<!tpu.dma_semaphore, #tpu.memory_space<semaphore_mem>>) src(%dma_wait3A_98 : memref<32x128xi32, #tpu.memory_space<hbm>>) dst(%arg7 : memref<32x128xi32, #tpu.memory_space<vmem>>)
          tpu.yield
        }) : () -> ()
        %mul3A_70 = arith.constant 160 : i32
        %mul3A_71 = arith.muli %arg1, %mul3A_70 : i32
        %mul3A_72 = arith.constant 32 : i32
        %mul3A_73 = arith.muli %scan3A_64, %mul3A_72 : i32
        %add3A_74 = arith.addi %mul3A_71, %mul3A_73 : i32
        "tpu.region"() ({
          %run_scoped3A = tpu.sem_alloc : memref<!tpu.dma_semaphore, #tpu.memory_space<semaphore_mem>>
          %dma_start3A_92 = arith.constant 0 : i32
          %dma_start3A_93 = tpu.memref_slice %arg4[%add3A_74, %dma_start3A_92] : memref<2560x128xi32, #tpu.memory_space<hbm>> -> memref<32x128xi32, #tpu.memory_space<hbm>>
          %dma_start3A_94 = arith.constant 0 : i32
          %dma_start3A_95 = tpu.memref_slice %arg4[%add3A_74, %dma_start3A_94] : memref<2560x128xi32, #tpu.memory_space<hbm>> -> memref<32x128xi32, #tpu.memory_space<hbm>>
          tpu.enqueue_dma source(%dma_start3A_95 : memref<32x128xi32, #tpu.memory_space<hbm>>) target(%arg8 : memref<32x128xi32, #tpu.memory_space<vmem>>) target_semaphore(%run_scoped3A : memref<!tpu.dma_semaphore, #tpu.memory_space<semaphore_mem>>)
          %dma_wait3A = arith.constant 0 : i32
          %dma_wait3A_96 = tpu.memref_slice %arg4[%add3A_74, %dma_wait3A] : memref<2560x128xi32, #tpu.memory_space<hbm>> -> memref<32x128xi32, #tpu.memory_space<hbm>>
          %dma_wait3A_97 = arith.constant 0 : i32
          %dma_wait3A_98 = tpu.memref_slice %arg4[%add3A_74, %dma_wait3A_97] : memref<2560x128xi32, #tpu.memory_space<hbm>> -> memref<32x128xi32, #tpu.memory_space<hbm>>
          tpu.wait_dma2 semaphore(%run_scoped3A : memref<!tpu.dma_semaphore, #tpu.memory_space<semaphore_mem>>) src(%dma_wait3A_98 : memref<32x128xi32, #tpu.memory_space<hbm>>) dst(%arg8 : memref<32x128xi32, #tpu.memory_space<vmem>>)
          tpu.yield
        }) : () -> ()
        %dma_start3A = arith.constant 3 : i32
        %dma_start3A_75 = arith.constant 0 : i32
        %dma_start3A_76 = arith.constant 0 : i32
        %dma_start3A_77 = tpu.memref_slice %arg7[%dma_start3A_75, %dma_start3A_76] : memref<32x128xi32, #tpu.memory_space<vmem>> -> memref<1x128xi32, #tpu.memory_space<vmem>>
        %dma_start3A_78 = tpu.memref_squeeze %dma_start3A_77 : memref<1x128xi32, #tpu.memory_space<vmem>> -> memref<128xi32, #tpu.memory_space<vmem>>
        %dma_start3A_79 = arith.constant 0 : i32
        %dma_start3A_80 = arith.constant 0 : i32
        %dma_start3A_81 = tpu.memref_slice %arg2[%dma_start3A, %dma_start3A_79, %dma_start3A_80] : memref<4x10000x128xf32, #tpu.memory_space<hbm>> -> memref<1x10000x128xf32, #tpu.memory_space<hbm>>
        %dma_start3A_82 = tpu.memref_squeeze %dma_start3A_81 : memref<1x10000x128xf32, #tpu.memory_space<hbm>> -> memref<10000x128xf32, #tpu.memory_space<hbm>>
        %dma_start3A_83 = arith.constant 0 : i32
        %dma_start3A_84 = arith.constant 0 : i32
        %dma_start3A_85 = tpu.memref_slice %dma_start3A_82[%dma_start3A_83, %dma_start3A_84] : memref<10000x128xf32, #tpu.memory_space<hbm>> -> memref<10000x128xf32, #tpu.memory_space<hbm>>
        tpu.enqueue_indirect_dma source(%dma_start3A_85 : memref<10000x128xf32, #tpu.memory_space<hbm>>) target(%arg9 : memref<128x128xf32, #tpu.memory_space<vmem>>) offsets(%dma_start3A_78 : memref<128xi32, #tpu.memory_space<vmem>>) semaphore(%arg12 : memref<!tpu.dma_semaphore, #tpu.memory_space<semaphore_mem>>)
        %scan3A_86 = arith.constant 0 : i32
        %scan3A_87 = arith.constant 0 : i32
        %scan3A_88 = arith.constant 16 : i32
        %scan3A_89 = arith.addi %scan3A_87, %scan3A_88 : i32
        %scan3A_90 = arith.constant 1 : i32
        scf.for %scan3A_92 = %scan3A_87 to %scan3A_89 step %scan3A_90  : i32 {
          tpu.wait_dma2 semaphore(%arg12 : memref<!tpu.dma_semaphore, #tpu.memory_space<semaphore_mem>>) src(%arg5 : memref<128x128xf32, #tpu.memory_space<hbm>>) dst(%arg9 : memref<128x128xf32, #tpu.memory_space<vmem>>)
          %mul3A_93 = arith.constant 2 : i32
          %mul3A_94 = arith.muli %mul3A_93, %scan3A_92 : i32
          %add3A_95 = arith.constant 1 : i32
          %add3A_96 = arith.addi %mul3A_94, %add3A_95 : i32
          %dma_start3A_97 = arith.constant 3 : i32
          %dma_start3A_98 = arith.constant 0 : i32
          %dma_start3A_99 = tpu.memref_slice %arg7[%add3A_96, %dma_start3A_98] : memref<32x128xi32, #tpu.memory_space<vmem>> -> memref<1x128xi32, #tpu.memory_space<vmem>>
          %dma_start3A_100 = tpu.memref_squeeze %dma_start3A_99 : memref<1x128xi32, #tpu.memory_space<vmem>> -> memref<128xi32, #tpu.memory_space<vmem>>
          %dma_start3A_101 = arith.constant 0 : i32
          %dma_start3A_102 = arith.constant 0 : i32
          %dma_start3A_103 = tpu.memref_slice %arg2[%dma_start3A_97, %dma_start3A_101, %dma_start3A_102] : memref<4x10000x128xf32, #tpu.memory_space<hbm>> -> memref<1x10000x128xf32, #tpu.memory_space<hbm>>
          %dma_start3A_104 = tpu.memref_squeeze %dma_start3A_103 : memref<1x10000x128xf32, #tpu.memory_space<hbm>> -> memref<10000x128xf32, #tpu.memory_space<hbm>>
          %dma_start3A_105 = arith.constant 0 : i32
          %dma_start3A_106 = arith.constant 0 : i32
          %dma_start3A_107 = tpu.memref_slice %dma_start3A_104[%dma_start3A_105, %dma_start3A_106] : memref<10000x128xf32, #tpu.memory_space<hbm>> -> memref<10000x128xf32, #tpu.memory_space<hbm>>
          tpu.enqueue_indirect_dma source(%dma_start3A_107 : memref<10000x128xf32, #tpu.memory_space<hbm>>) target(%arg10 : memref<128x128xf32, #tpu.memory_space<vmem>>) offsets(%dma_start3A_100 : memref<128xi32, #tpu.memory_space<vmem>>) semaphore(%arg13 : memref<!tpu.dma_semaphore, #tpu.memory_space<semaphore_mem>>)
          %mul3A_108 = arith.constant 2 : i32
          %mul3A_109 = arith.muli %mul3A_108, %scan3A_92 : i32
          "tpu.region"() ({
            %run_scoped3A = tpu.sem_alloc : memref<!tpu.dma_semaphore, #tpu.memory_space<semaphore_mem>>
            %dma_start3A_118 = arith.constant 0 : i32
            %dma_start3A_119 = tpu.memref_slice %arg8[%mul3A_109, %dma_start3A_118] : memref<32x128xi32, #tpu.memory_space<vmem>> -> memref<1x128xi32, #tpu.memory_space<vmem>>
            %dma_start3A_120 = tpu.memref_squeeze %dma_start3A_119 : memref<1x128xi32, #tpu.memory_space<vmem>> -> memref<128xi32, #tpu.memory_space<vmem>>
            %dma_start3A_121 = arith.constant 0 : i32
            %dma_start3A_122 = arith.constant 0 : i32
            %dma_start3A_123 = tpu.memref_slice %arg11[%dma_start3A_121, %dma_start3A_122] : memref<10240x128xf32, #tpu.memory_space<vmem_shared>> -> memref<10240x128xf32, #tpu.memory_space<vmem_shared>>
            tpu.enqueue_indirect_dma source(%arg9 : memref<128x128xf32, #tpu.memory_space<vmem>>) target(%dma_start3A_123 : memref<10240x128xf32, #tpu.memory_space<vmem_shared>>) offsets(%dma_start3A_120 : memref<128xi32, #tpu.memory_space<vmem>>) semaphore(%run_scoped3A : memref<!tpu.dma_semaphore, #tpu.memory_space<semaphore_mem>>) {add = true}
            %dma_wait3A = arith.constant 0 : i32
            %dma_wait3A_124 = tpu.memref_slice %arg8[%mul3A_109, %dma_wait3A] : memref<32x128xi32, #tpu.memory_space<vmem>> -> memref<1x128xi32, #tpu.memory_space<vmem>>
            %dma_wait3A_125 = tpu.memref_squeeze %dma_wait3A_124 : memref<1x128xi32, #tpu.memory_space<vmem>> -> memref<128xi32, #tpu.memory_space<vmem>>
            %dma_wait3A_126 = arith.constant 0 : i32
            %dma_wait3A_127 = arith.constant 0 : i32
            %dma_wait3A_128 = tpu.memref_slice %arg11[%dma_wait3A_126, %dma_wait3A_127] : memref<10240x128xf32, #tpu.memory_space<vmem_shared>> -> memref<10240x128xf32, #tpu.memory_space<vmem_shared>>
            tpu.wait_indirect_dma semaphore(%run_scoped3A : memref<!tpu.dma_semaphore, #tpu.memory_space<semaphore_mem>>) src(%arg9 : memref<128x128xf32, #tpu.memory_space<vmem>>) dst(%dma_wait3A_128 : memref<10240x128xf32, #tpu.memory_space<vmem_shared>>)
            tpu.yield
          }) : () -> ()
          tpu.wait_dma2 semaphore(%arg13 : memref<!tpu.dma_semaphore, #tpu.memory_space<semaphore_mem>>) src(%arg5 : memref<128x128xf32, #tpu.memory_space<hbm>>) dst(%arg10 : memref<128x128xf32, #tpu.memory_space<vmem>>)
          %lt3A = arith.constant 15 : i32
          %lt3A_110 = arith.cmpi slt, %scan3A_92, %lt3A : i32
          %convert_element_type3A_111 = arith.extui %lt3A_110 : i1 to i32
          %cond3A_112 = arith.constant 0 : i32
          %cond3A_113 = arith.cmpi ne, %convert_element_type3A_111, %cond3A_112 : i32
          scf.if %cond3A_113 {
            %mul3A_118 = arith.constant 2 : i32
            %mul3A_119 = arith.muli %mul3A_118, %scan3A_92 : i32
            %add3A_120 = arith.constant 2 : i32
            %add3A_121 = arith.addi %mul3A_119, %add3A_120 : i32
            %dma_start3A_122 = arith.constant 3 : i32
            %dma_start3A_123 = arith.constant 0 : i32
            %dma_start3A_124 = tpu.memref_slice %arg7[%add3A_121, %dma_start3A_123] : memref<32x128xi32, #tpu.memory_space<vmem>> -> memref<1x128xi32, #tpu.memory_space<vmem>>
            %dma_start3A_125 = tpu.memref_squeeze %dma_start3A_124 : memref<1x128xi32, #tpu.memory_space<vmem>> -> memref<128xi32, #tpu.memory_space<vmem>>
            %dma_start3A_126 = arith.constant 0 : i32
            %dma_start3A_127 = arith.constant 0 : i32
            %dma_start3A_128 = tpu.memref_slice %arg2[%dma_start3A_122, %dma_start3A_126, %dma_start3A_127] : memref<4x10000x128xf32, #tpu.memory_space<hbm>> -> memref<1x10000x128xf32, #tpu.memory_space<hbm>>
            %dma_start3A_129 = tpu.memref_squeeze %dma_start3A_128 : memref<1x10000x128xf32, #tpu.memory_space<hbm>> -> memref<10000x128xf32, #tpu.memory_space<hbm>>
            %dma_start3A_130 = arith.constant 0 : i32
            %dma_start3A_131 = arith.constant 0 : i32
            %dma_start3A_132 = tpu.memref_slice %dma_start3A_129[%dma_start3A_130, %dma_start3A_131] : memref<10000x128xf32, #tpu.memory_space<hbm>> -> memref<10000x128xf32, #tpu.memory_space<hbm>>
            tpu.enqueue_indirect_dma source(%dma_start3A_132 : memref<10000x128xf32, #tpu.memory_space<hbm>>) target(%arg9 : memref<128x128xf32, #tpu.memory_space<vmem>>) offsets(%dma_start3A_125 : memref<128xi32, #tpu.memory_space<vmem>>) semaphore(%arg12 : memref<!tpu.dma_semaphore, #tpu.memory_space<semaphore_mem>>)
          } else {
          }
          %mul3A_114 = arith.constant 2 : i32
          %mul3A_115 = arith.muli %mul3A_114, %scan3A_92 : i32
          %add3A_116 = arith.constant 1 : i32
          %add3A_117 = arith.addi %mul3A_115, %add3A_116 : i32
          "tpu.region"() ({
            %run_scoped3A = tpu.sem_alloc : memref<!tpu.dma_semaphore, #tpu.memory_space<semaphore_mem>>
            %dma_start3A_118 = arith.constant 0 : i32
            %dma_start3A_119 = tpu.memref_slice %arg8[%add3A_117, %dma_start3A_118] : memref<32x128xi32, #tpu.memory_space<vmem>> -> memref<1x128xi32, #tpu.memory_space<vmem>>
            %dma_start3A_120 = tpu.memref_squeeze %dma_start3A_119 : memref<1x128xi32, #tpu.memory_space<vmem>> -> memref<128xi32, #tpu.memory_space<vmem>>
            %dma_start3A_121 = arith.constant 0 : i32
            %dma_start3A_122 = arith.constant 0 : i32
            %dma_start3A_123 = tpu.memref_slice %arg11[%dma_start3A_121, %dma_start3A_122] : memref<10240x128xf32, #tpu.memory_space<vmem_shared>> -> memref<10240x128xf32, #tpu.memory_space<vmem_shared>>
            tpu.enqueue_indirect_dma source(%arg10 : memref<128x128xf32, #tpu.memory_space<vmem>>) target(%dma_start3A_123 : memref<10240x128xf32, #tpu.memory_space<vmem_shared>>) offsets(%dma_start3A_120 : memref<128xi32, #tpu.memory_space<vmem>>) semaphore(%run_scoped3A : memref<!tpu.dma_semaphore, #tpu.memory_space<semaphore_mem>>) {add = true}
            %dma_wait3A = arith.constant 0 : i32
            %dma_wait3A_124 = tpu.memref_slice %arg8[%add3A_117, %dma_wait3A] : memref<32x128xi32, #tpu.memory_space<vmem>> -> memref<1x128xi32, #tpu.memory_space<vmem>>
            %dma_wait3A_125 = tpu.memref_squeeze %dma_wait3A_124 : memref<1x128xi32, #tpu.memory_space<vmem>> -> memref<128xi32, #tpu.memory_space<vmem>>
            %dma_wait3A_126 = arith.constant 0 : i32
            %dma_wait3A_127 = arith.constant 0 : i32
            %dma_wait3A_128 = tpu.memref_slice %arg11[%dma_wait3A_126, %dma_wait3A_127] : memref<10240x128xf32, #tpu.memory_space<vmem_shared>> -> memref<10240x128xf32, #tpu.memory_space<vmem_shared>>
            tpu.wait_indirect_dma semaphore(%run_scoped3A : memref<!tpu.dma_semaphore, #tpu.memory_space<semaphore_mem>>) src(%arg10 : memref<128x128xf32, #tpu.memory_space<vmem>>) dst(%dma_wait3A_128 : memref<10240x128xf32, #tpu.memory_space<vmem_shared>>)
            tpu.yield
          }) : () -> ()
        }
        %scan3A_91 = arith.constant 16 : i32
      }
      %scan3A_31 = arith.constant 5 : i32
      %barrier3A_32 = arith.constant 0 : index
      tpu.barrier barrier_id(%barrier3A_32)
      %add3A_33 = arith.constant 0 : i32
      %add3A_34 = arith.addi %mul3A_0, %add3A_33 : i32
      "tpu.region"() ({
        %run_scoped3A = tpu.sem_alloc : memref<!tpu.dma_semaphore, #tpu.memory_space<semaphore_mem>>
        %dma_start3A = arith.constant 0 : i32
        %dma_start3A_64 = tpu.memref_slice %arg11[%add3A_34, %dma_start3A] : memref<10240x128xf32, #tpu.memory_space<vmem_shared>> -> memref<128x128xf32, #tpu.memory_space<vmem_shared>>
        %dma_start3A_65 = arith.constant 0 : i32
        %dma_start3A_66 = tpu.memref_slice %arg11[%add3A_34, %dma_start3A_65] : memref<10240x128xf32, #tpu.memory_space<vmem_shared>> -> memref<128x128xf32, #tpu.memory_space<vmem_shared>>
        tpu.enqueue_dma source(%dma_start3A_66 : memref<128x128xf32, #tpu.memory_space<vmem_shared>>) target(%arg9 : memref<128x128xf32, #tpu.memory_space<vmem>>) target_semaphore(%run_scoped3A : memref<!tpu.dma_semaphore, #tpu.memory_space<semaphore_mem>>)
        %dma_wait3A = arith.constant 0 : i32
        %dma_wait3A_67 = tpu.memref_slice %arg11[%add3A_34, %dma_wait3A] : memref<10240x128xf32, #tpu.memory_space<vmem_shared>> -> memref<128x128xf32, #tpu.memory_space<vmem_shared>>
        %dma_wait3A_68 = arith.constant 0 : i32
        %dma_wait3A_69 = tpu.memref_slice %arg11[%add3A_34, %dma_wait3A_68] : memref<10240x128xf32, #tpu.memory_space<vmem_shared>> -> memref<128x128xf32, #tpu.memory_space<vmem_shared>>
        tpu.wait_dma2 semaphore(%run_scoped3A : memref<!tpu.dma_semaphore, #tpu.memory_space<semaphore_mem>>) src(%dma_wait3A_69 : memref<128x128xf32, #tpu.memory_space<vmem_shared>>) dst(%arg9 : memref<128x128xf32, #tpu.memory_space<vmem>>)
        tpu.yield
      }) : () -> ()
      %add3A_35 = arith.constant 30720 : i32
      %add3A_36 = arith.addi %add3A_35, %mul3A_0 : i32
      %add3A_37 = arith.constant 0 : i32
      %add3A_38 = arith.addi %add3A_36, %add3A_37 : i32
      "tpu.region"() ({
        %run_scoped3A = tpu.sem_alloc : memref<!tpu.dma_semaphore, #tpu.memory_space<semaphore_mem>>
        %dma_start3A = arith.constant 0 : i32
        %dma_start3A_64 = tpu.memref_slice %arg6[%add3A_38, %dma_start3A] : memref<40960x128xf32, #tpu.memory_space<hbm>> -> memref<128x128xf32, #tpu.memory_space<hbm>>
        %dma_start3A_65 = arith.constant 0 : i32
        %dma_start3A_66 = tpu.memref_slice %arg6[%add3A_38, %dma_start3A_65] : memref<40960x128xf32, #tpu.memory_space<hbm>> -> memref<128x128xf32, #tpu.memory_space<hbm>>
        tpu.enqueue_dma source(%arg9 : memref<128x128xf32, #tpu.memory_space<vmem>>) target(%dma_start3A_66 : memref<128x128xf32, #tpu.memory_space<hbm>>) target_semaphore(%run_scoped3A : memref<!tpu.dma_semaphore, #tpu.memory_space<semaphore_mem>>)
        %dma_wait3A = arith.constant 0 : i32
        %dma_wait3A_67 = tpu.memref_slice %arg6[%add3A_38, %dma_wait3A] : memref<40960x128xf32, #tpu.memory_space<hbm>> -> memref<128x128xf32, #tpu.memory_space<hbm>>
        %dma_wait3A_68 = arith.constant 0 : i32
        %dma_wait3A_69 = tpu.memref_slice %arg6[%add3A_38, %dma_wait3A_68] : memref<40960x128xf32, #tpu.memory_space<hbm>> -> memref<128x128xf32, #tpu.memory_space<hbm>>
        tpu.wait_dma2 semaphore(%run_scoped3A : memref<!tpu.dma_semaphore, #tpu.memory_space<semaphore_mem>>) src(%arg9 : memref<128x128xf32, #tpu.memory_space<vmem>>) dst(%dma_wait3A_69 : memref<128x128xf32, #tpu.memory_space<hbm>>)
        tpu.yield
      }) : () -> ()
      %add3A_39 = arith.constant 128 : i32
      %add3A_40 = arith.addi %mul3A_0, %add3A_39 : i32
      "tpu.region"() ({
        %run_scoped3A = tpu.sem_alloc : memref<!tpu.dma_semaphore, #tpu.memory_space<semaphore_mem>>
        %dma_start3A = arith.constant 0 : i32
        %dma_start3A_64 = tpu.memref_slice %arg11[%add3A_40, %dma_start3A] : memref<10240x128xf32, #tpu.memory_space<vmem_shared>> -> memref<128x128xf32, #tpu.memory_space<vmem_shared>>
        %dma_start3A_65 = arith.constant 0 : i32
        %dma_start3A_66 = tpu.memref_slice %arg11[%add3A_40, %dma_start3A_65] : memref<10240x128xf32, #tpu.memory_space<vmem_shared>> -> memref<128x128xf32, #tpu.memory_space<vmem_shared>>
        tpu.enqueue_dma source(%dma_start3A_66 : memref<128x128xf32, #tpu.memory_space<vmem_shared>>) target(%arg9 : memref<128x128xf32, #tpu.memory_space<vmem>>) target_semaphore(%run_scoped3A : memref<!tpu.dma_semaphore, #tpu.memory_space<semaphore_mem>>)
        %dma_wait3A = arith.constant 0 : i32
        %dma_wait3A_67 = tpu.memref_slice %arg11[%add3A_40, %dma_wait3A] : memref<10240x128xf32, #tpu.memory_space<vmem_shared>> -> memref<128x128xf32, #tpu.memory_space<vmem_shared>>
        %dma_wait3A_68 = arith.constant 0 : i32
        %dma_wait3A_69 = tpu.memref_slice %arg11[%add3A_40, %dma_wait3A_68] : memref<10240x128xf32, #tpu.memory_space<vmem_shared>> -> memref<128x128xf32, #tpu.memory_space<vmem_shared>>
        tpu.wait_dma2 semaphore(%run_scoped3A : memref<!tpu.dma_semaphore, #tpu.memory_space<semaphore_mem>>) src(%dma_wait3A_69 : memref<128x128xf32, #tpu.memory_space<vmem_shared>>) dst(%arg9 : memref<128x128xf32, #tpu.memory_space<vmem>>)
        tpu.yield
      }) : () -> ()
      %add3A_41 = arith.constant 30720 : i32
      %add3A_42 = arith.addi %add3A_41, %mul3A_0 : i32
      %add3A_43 = arith.constant 128 : i32
      %add3A_44 = arith.addi %add3A_42, %add3A_43 : i32
      "tpu.region"() ({
        %run_scoped3A = tpu.sem_alloc : memref<!tpu.dma_semaphore, #tpu.memory_space<semaphore_mem>>
        %dma_start3A = arith.constant 0 : i32
        %dma_start3A_64 = tpu.memref_slice %arg6[%add3A_44, %dma_start3A] : memref<40960x128xf32, #tpu.memory_space<hbm>> -> memref<128x128xf32, #tpu.memory_space<hbm>>
        %dma_start3A_65 = arith.constant 0 : i32
        %dma_start3A_66 = tpu.memref_slice %arg6[%add3A_44, %dma_start3A_65] : memref<40960x128xf32, #tpu.memory_space<hbm>> -> memref<128x128xf32, #tpu.memory_space<hbm>>
        tpu.enqueue_dma source(%arg9 : memref<128x128xf32, #tpu.memory_space<vmem>>) target(%dma_start3A_66 : memref<128x128xf32, #tpu.memory_space<hbm>>) target_semaphore(%run_scoped3A : memref<!tpu.dma_semaphore, #tpu.memory_space<semaphore_mem>>)
        %dma_wait3A = arith.constant 0 : i32
        %dma_wait3A_67 = tpu.memref_slice %arg6[%add3A_44, %dma_wait3A] : memref<40960x128xf32, #tpu.memory_space<hbm>> -> memref<128x128xf32, #tpu.memory_space<hbm>>
        %dma_wait3A_68 = arith.constant 0 : i32
        %dma_wait3A_69 = tpu.memref_slice %arg6[%add3A_44, %dma_wait3A_68] : memref<40960x128xf32, #tpu.memory_space<hbm>> -> memref<128x128xf32, #tpu.memory_space<hbm>>
        tpu.wait_dma2 semaphore(%run_scoped3A : memref<!tpu.dma_semaphore, #tpu.memory_space<semaphore_mem>>) src(%arg9 : memref<128x128xf32, #tpu.memory_space<vmem>>) dst(%dma_wait3A_69 : memref<128x128xf32, #tpu.memory_space<hbm>>)
        tpu.yield
      }) : () -> ()
      %add3A_45 = arith.constant 256 : i32
      %add3A_46 = arith.addi %mul3A_0, %add3A_45 : i32
      "tpu.region"() ({
        %run_scoped3A = tpu.sem_alloc : memref<!tpu.dma_semaphore, #tpu.memory_space<semaphore_mem>>
        %dma_start3A = arith.constant 0 : i32
        %dma_start3A_64 = tpu.memref_slice %arg11[%add3A_46, %dma_start3A] : memref<10240x128xf32, #tpu.memory_space<vmem_shared>> -> memref<128x128xf32, #tpu.memory_space<vmem_shared>>
        %dma_start3A_65 = arith.constant 0 : i32
        %dma_start3A_66 = tpu.memref_slice %arg11[%add3A_46, %dma_start3A_65] : memref<10240x128xf32, #tpu.memory_space<vmem_shared>> -> memref<128x128xf32, #tpu.memory_space<vmem_shared>>
        tpu.enqueue_dma source(%dma_start3A_66 : memref<128x128xf32, #tpu.memory_space<vmem_shared>>) target(%arg9 : memref<128x128xf32, #tpu.memory_space<vmem>>) target_semaphore(%run_scoped3A : memref<!tpu.dma_semaphore, #tpu.memory_space<semaphore_mem>>)
        %dma_wait3A = arith.constant 0 : i32
        %dma_wait3A_67 = tpu.memref_slice %arg11[%add3A_46, %dma_wait3A] : memref<10240x128xf32, #tpu.memory_space<vmem_shared>> -> memref<128x128xf32, #tpu.memory_space<vmem_shared>>
        %dma_wait3A_68 = arith.constant 0 : i32
        %dma_wait3A_69 = tpu.memref_slice %arg11[%add3A_46, %dma_wait3A_68] : memref<10240x128xf32, #tpu.memory_space<vmem_shared>> -> memref<128x128xf32, #tpu.memory_space<vmem_shared>>
        tpu.wait_dma2 semaphore(%run_scoped3A : memref<!tpu.dma_semaphore, #tpu.memory_space<semaphore_mem>>) src(%dma_wait3A_69 : memref<128x128xf32, #tpu.memory_space<vmem_shared>>) dst(%arg9 : memref<128x128xf32, #tpu.memory_space<vmem>>)
        tpu.yield
      }) : () -> ()
      %add3A_47 = arith.constant 30720 : i32
      %add3A_48 = arith.addi %add3A_47, %mul3A_0 : i32
      %add3A_49 = arith.constant 256 : i32
      %add3A_50 = arith.addi %add3A_48, %add3A_49 : i32
      "tpu.region"() ({
        %run_scoped3A = tpu.sem_alloc : memref<!tpu.dma_semaphore, #tpu.memory_space<semaphore_mem>>
        %dma_start3A = arith.constant 0 : i32
        %dma_start3A_64 = tpu.memref_slice %arg6[%add3A_50, %dma_start3A] : memref<40960x128xf32, #tpu.memory_space<hbm>> -> memref<128x128xf32, #tpu.memory_space<hbm>>
        %dma_start3A_65 = arith.constant 0 : i32
        %dma_start3A_66 = tpu.memref_slice %arg6[%add3A_50, %dma_start3A_65] : memref<40960x128xf32, #tpu.memory_space<hbm>> -> memref<128x128xf32, #tpu.memory_space<hbm>>
        tpu.enqueue_dma source(%arg9 : memref<128x128xf32, #tpu.memory_space<vmem>>) target(%dma_start3A_66 : memref<128x128xf32, #tpu.memory_space<hbm>>) target_semaphore(%run_scoped3A : memref<!tpu.dma_semaphore, #tpu.memory_space<semaphore_mem>>)
        %dma_wait3A = arith.constant 0 : i32
        %dma_wait3A_67 = tpu.memref_slice %arg6[%add3A_50, %dma_wait3A] : memref<40960x128xf32, #tpu.memory_space<hbm>> -> memref<128x128xf32, #tpu.memory_space<hbm>>
        %dma_wait3A_68 = arith.constant 0 : i32
        %dma_wait3A_69 = tpu.memref_slice %arg6[%add3A_50, %dma_wait3A_68] : memref<40960x128xf32, #tpu.memory_space<hbm>> -> memref<128x128xf32, #tpu.memory_space<hbm>>
        tpu.wait_dma2 semaphore(%run_scoped3A : memref<!tpu.dma_semaphore, #tpu.memory_space<semaphore_mem>>) src(%arg9 : memref<128x128xf32, #tpu.memory_space<vmem>>) dst(%dma_wait3A_69 : memref<128x128xf32, #tpu.memory_space<hbm>>)
        tpu.yield
      }) : () -> ()
      %add3A_51 = arith.constant 384 : i32
      %add3A_52 = arith.addi %mul3A_0, %add3A_51 : i32
      "tpu.region"() ({
        %run_scoped3A = tpu.sem_alloc : memref<!tpu.dma_semaphore, #tpu.memory_space<semaphore_mem>>
        %dma_start3A = arith.constant 0 : i32
        %dma_start3A_64 = tpu.memref_slice %arg11[%add3A_52, %dma_start3A] : memref<10240x128xf32, #tpu.memory_space<vmem_shared>> -> memref<128x128xf32, #tpu.memory_space<vmem_shared>>
        %dma_start3A_65 = arith.constant 0 : i32
        %dma_start3A_66 = tpu.memref_slice %arg11[%add3A_52, %dma_start3A_65] : memref<10240x128xf32, #tpu.memory_space<vmem_shared>> -> memref<128x128xf32, #tpu.memory_space<vmem_shared>>
        tpu.enqueue_dma source(%dma_start3A_66 : memref<128x128xf32, #tpu.memory_space<vmem_shared>>) target(%arg9 : memref<128x128xf32, #tpu.memory_space<vmem>>) target_semaphore(%run_scoped3A : memref<!tpu.dma_semaphore, #tpu.memory_space<semaphore_mem>>)
        %dma_wait3A = arith.constant 0 : i32
        %dma_wait3A_67 = tpu.memref_slice %arg11[%add3A_52, %dma_wait3A] : memref<10240x128xf32, #tpu.memory_space<vmem_shared>> -> memref<128x128xf32, #tpu.memory_space<vmem_shared>>
        %dma_wait3A_68 = arith.constant 0 : i32
        %dma_wait3A_69 = tpu.memref_slice %arg11[%add3A_52, %dma_wait3A_68] : memref<10240x128xf32, #tpu.memory_space<vmem_shared>> -> memref<128x128xf32, #tpu.memory_space<vmem_shared>>
        tpu.wait_dma2 semaphore(%run_scoped3A : memref<!tpu.dma_semaphore, #tpu.memory_space<semaphore_mem>>) src(%dma_wait3A_69 : memref<128x128xf32, #tpu.memory_space<vmem_shared>>) dst(%arg9 : memref<128x128xf32, #tpu.memory_space<vmem>>)
        tpu.yield
      }) : () -> ()
      %add3A_53 = arith.constant 30720 : i32
      %add3A_54 = arith.addi %add3A_53, %mul3A_0 : i32
      %add3A_55 = arith.constant 384 : i32
      %add3A_56 = arith.addi %add3A_54, %add3A_55 : i32
      "tpu.region"() ({
        %run_scoped3A = tpu.sem_alloc : memref<!tpu.dma_semaphore, #tpu.memory_space<semaphore_mem>>
        %dma_start3A = arith.constant 0 : i32
        %dma_start3A_64 = tpu.memref_slice %arg6[%add3A_56, %dma_start3A] : memref<40960x128xf32, #tpu.memory_space<hbm>> -> memref<128x128xf32, #tpu.memory_space<hbm>>
        %dma_start3A_65 = arith.constant 0 : i32
        %dma_start3A_66 = tpu.memref_slice %arg6[%add3A_56, %dma_start3A_65] : memref<40960x128xf32, #tpu.memory_space<hbm>> -> memref<128x128xf32, #tpu.memory_space<hbm>>
        tpu.enqueue_dma source(%arg9 : memref<128x128xf32, #tpu.memory_space<vmem>>) target(%dma_start3A_66 : memref<128x128xf32, #tpu.memory_space<hbm>>) target_semaphore(%run_scoped3A : memref<!tpu.dma_semaphore, #tpu.memory_space<semaphore_mem>>)
        %dma_wait3A = arith.constant 0 : i32
        %dma_wait3A_67 = tpu.memref_slice %arg6[%add3A_56, %dma_wait3A] : memref<40960x128xf32, #tpu.memory_space<hbm>> -> memref<128x128xf32, #tpu.memory_space<hbm>>
        %dma_wait3A_68 = arith.constant 0 : i32
        %dma_wait3A_69 = tpu.memref_slice %arg6[%add3A_56, %dma_wait3A_68] : memref<40960x128xf32, #tpu.memory_space<hbm>> -> memref<128x128xf32, #tpu.memory_space<hbm>>
        tpu.wait_dma2 semaphore(%run_scoped3A : memref<!tpu.dma_semaphore, #tpu.memory_space<semaphore_mem>>) src(%arg9 : memref<128x128xf32, #tpu.memory_space<vmem>>) dst(%dma_wait3A_69 : memref<128x128xf32, #tpu.memory_space<hbm>>)
        tpu.yield
      }) : () -> ()
      %add3A_57 = arith.constant 512 : i32
      %add3A_58 = arith.addi %mul3A_0, %add3A_57 : i32
      "tpu.region"() ({
        %run_scoped3A = tpu.sem_alloc : memref<!tpu.dma_semaphore, #tpu.memory_space<semaphore_mem>>
        %dma_start3A = arith.constant 0 : i32
        %dma_start3A_64 = tpu.memref_slice %arg11[%add3A_58, %dma_start3A] : memref<10240x128xf32, #tpu.memory_space<vmem_shared>> -> memref<128x128xf32, #tpu.memory_space<vmem_shared>>
        %dma_start3A_65 = arith.constant 0 : i32
        %dma_start3A_66 = tpu.memref_slice %arg11[%add3A_58, %dma_start3A_65] : memref<10240x128xf32, #tpu.memory_space<vmem_shared>> -> memref<128x128xf32, #tpu.memory_space<vmem_shared>>
        tpu.enqueue_dma source(%dma_start3A_66 : memref<128x128xf32, #tpu.memory_space<vmem_shared>>) target(%arg9 : memref<128x128xf32, #tpu.memory_space<vmem>>) target_semaphore(%run_scoped3A : memref<!tpu.dma_semaphore, #tpu.memory_space<semaphore_mem>>)
        %dma_wait3A = arith.constant 0 : i32
        %dma_wait3A_67 = tpu.memref_slice %arg11[%add3A_58, %dma_wait3A] : memref<10240x128xf32, #tpu.memory_space<vmem_shared>> -> memref<128x128xf32, #tpu.memory_space<vmem_shared>>
        %dma_wait3A_68 = arith.constant 0 : i32
        %dma_wait3A_69 = tpu.memref_slice %arg11[%add3A_58, %dma_wait3A_68] : memref<10240x128xf32, #tpu.memory_space<vmem_shared>> -> memref<128x128xf32, #tpu.memory_space<vmem_shared>>
        tpu.wait_dma2 semaphore(%run_scoped3A : memref<!tpu.dma_semaphore, #tpu.memory_space<semaphore_mem>>) src(%dma_wait3A_69 : memref<128x128xf32, #tpu.memory_space<vmem_shared>>) dst(%arg9 : memref<128x128xf32, #tpu.memory_space<vmem>>)
        tpu.yield
      }) : () -> ()
      %add3A_59 = arith.constant 30720 : i32
      %add3A_60 = arith.addi %add3A_59, %mul3A_0 : i32
      %add3A_61 = arith.constant 512 : i32
      %add3A_62 = arith.addi %add3A_60, %add3A_61 : i32
      "tpu.region"() ({
        %run_scoped3A = tpu.sem_alloc : memref<!tpu.dma_semaphore, #tpu.memory_space<semaphore_mem>>
        %dma_start3A = arith.constant 0 : i32
        %dma_start3A_64 = tpu.memref_slice %arg6[%add3A_62, %dma_start3A] : memref<40960x128xf32, #tpu.memory_space<hbm>> -> memref<128x128xf32, #tpu.memory_space<hbm>>
        %dma_start3A_65 = arith.constant 0 : i32
        %dma_start3A_66 = tpu.memref_slice %arg6[%add3A_62, %dma_start3A_65] : memref<40960x128xf32, #tpu.memory_space<hbm>> -> memref<128x128xf32, #tpu.memory_space<hbm>>
        tpu.enqueue_dma source(%arg9 : memref<128x128xf32, #tpu.memory_space<vmem>>) target(%dma_start3A_66 : memref<128x128xf32, #tpu.memory_space<hbm>>) target_semaphore(%run_scoped3A : memref<!tpu.dma_semaphore, #tpu.memory_space<semaphore_mem>>)
        %dma_wait3A = arith.constant 0 : i32
        %dma_wait3A_67 = tpu.memref_slice %arg6[%add3A_62, %dma_wait3A] : memref<40960x128xf32, #tpu.memory_space<hbm>> -> memref<128x128xf32, #tpu.memory_space<hbm>>
        %dma_wait3A_68 = arith.constant 0 : i32
        %dma_wait3A_69 = tpu.memref_slice %arg6[%add3A_62, %dma_wait3A_68] : memref<40960x128xf32, #tpu.memory_space<hbm>> -> memref<128x128xf32, #tpu.memory_space<hbm>>
        tpu.wait_dma2 semaphore(%run_scoped3A : memref<!tpu.dma_semaphore, #tpu.memory_space<semaphore_mem>>) src(%arg9 : memref<128x128xf32, #tpu.memory_space<vmem>>) dst(%dma_wait3A_69 : memref<128x128xf32, #tpu.memory_space<hbm>>)
        tpu.yield
      }) : () -> ()
      %barrier3A_63 = arith.constant 0 : index
      tpu.barrier barrier_id(%barrier3A_63)
    } else {
    }
    return
  }
}

#map = affine_map<(d0, d1) -> (0, 0, 0)>
#map1 = affine_map<(d0, d1) -> (0, 0)>
module attributes {stable_mosaic.version = 14 : i64} {
  func.func @scatter_kernel(%arg0: i32, %arg1: i32, %arg2: memref<2x10000x128xf32, #tpu.memory_space<hbm>>, %arg3: memref<2560x128xi32, #tpu.memory_space<hbm>>, %arg4: memref<2560x128xi32, #tpu.memory_space<hbm>>, %arg5: memref<128x128xf32, #tpu.memory_space<hbm>>, %arg6: memref<20480x128xf32, #tpu.memory_space<hbm>>, %arg7: memref<32x128xi32, #tpu.memory_space<vmem>>, %arg8: memref<32x128xi32, #tpu.memory_space<vmem>>, %arg9: memref<128x128xf32, #tpu.memory_space<vmem>>, %arg10: memref<128x128xf32, #tpu.memory_space<vmem>>, %arg11: memref<10240x128xf32, #tpu.memory_space<vmem_shared>>, %arg12: memref<!tpu.dma_semaphore, #tpu.memory_space<semaphore_mem>>, %arg13: memref<!tpu.dma_semaphore, #tpu.memory_space<semaphore_mem>>) attributes {dimension_semantics = [#tpu.dimension_semantics<core_parallel>, #tpu.dimension_semantics<subcore_parallel>], iteration_bounds = array<i64: 2, 16>, scalar_prefetch = 0 : i64, scratch_operands = 7 : i64, tpu.core_type = #tpu.core_type<sc_vector_subcore>, window_params = [{transform_indices = #map}, {transform_indices = #map1}, {transform_indices = #map1}, {transform_indices = #map1}, {transform_indices = #map1}]} {
    %mul3A = arith.constant 640 : i32
    %mul3A_0 = arith.muli %arg1, %mul3A : i32
    %eq3A = arith.constant 0 : i32
    %eq3A_1 = arith.cmpi eq, %arg0, %eq3A : i32
    %convert_element_type3A = arith.extui %eq3A_1 : i1 to i32
    %cond3A = arith.constant 0 : i32
    %cond3A_2 = arith.cmpi ne, %convert_element_type3A, %cond3A : i32
    scf.if %cond3A_2 {
      "tpu.region"() ({
        %run_scoped3A = tpu.sem_alloc : memref<!tpu.dma_semaphore, #tpu.memory_space<semaphore_mem>>
        tpu.enqueue_dma source(%arg5 : memref<128x128xf32, #tpu.memory_space<hbm>>) target(%arg9 : memref<128x128xf32, #tpu.memory_space<vmem>>) target_semaphore(%run_scoped3A : memref<!tpu.dma_semaphore, #tpu.memory_space<semaphore_mem>>)
        tpu.wait_dma2 semaphore(%run_scoped3A : memref<!tpu.dma_semaphore, #tpu.memory_space<semaphore_mem>>) src(%arg5 : memref<128x128xf32, #tpu.memory_space<hbm>>) dst(%arg9 : memref<128x128xf32, #tpu.memory_space<vmem>>)
        tpu.yield
      }) : () -> ()
      %add3A = arith.constant 0 : i32
      %add3A_8 = arith.addi %mul3A_0, %add3A : i32
      "tpu.region"() ({
        %run_scoped3A = tpu.sem_alloc : memref<!tpu.dma_semaphore, #tpu.memory_space<semaphore_mem>>
        %dma_start3A = arith.constant 0 : i32
        %dma_start3A_54 = tpu.memref_slice %arg11[%add3A_8, %dma_start3A] : memref<10240x128xf32, #tpu.memory_space<vmem_shared>> -> memref<128x128xf32, #tpu.memory_space<vmem_shared>>
        %dma_start3A_55 = arith.constant 0 : i32
        %dma_start3A_56 = tpu.memref_slice %arg11[%add3A_8, %dma_start3A_55] : memref<10240x128xf32, #tpu.memory_space<vmem_shared>> -> memref<128x128xf32, #tpu.memory_space<vmem_shared>>
        tpu.enqueue_dma source(%arg9 : memref<128x128xf32, #tpu.memory_space<vmem>>) target(%dma_start3A_56 : memref<128x128xf32, #tpu.memory_space<vmem_shared>>) target_semaphore(%run_scoped3A : memref<!tpu.dma_semaphore, #tpu.memory_space<semaphore_mem>>)
        %dma_wait3A = arith.constant 0 : i32
        %dma_wait3A_57 = tpu.memref_slice %arg11[%add3A_8, %dma_wait3A] : memref<10240x128xf32, #tpu.memory_space<vmem_shared>> -> memref<128x128xf32, #tpu.memory_space<vmem_shared>>
        %dma_wait3A_58 = arith.constant 0 : i32
        %dma_wait3A_59 = tpu.memref_slice %arg11[%add3A_8, %dma_wait3A_58] : memref<10240x128xf32, #tpu.memory_space<vmem_shared>> -> memref<128x128xf32, #tpu.memory_space<vmem_shared>>
        tpu.wait_dma2 semaphore(%run_scoped3A : memref<!tpu.dma_semaphore, #tpu.memory_space<semaphore_mem>>) src(%arg9 : memref<128x128xf32, #tpu.memory_space<vmem>>) dst(%dma_wait3A_59 : memref<128x128xf32, #tpu.memory_space<vmem_shared>>)
        tpu.yield
      }) : () -> ()
      %add3A_9 = arith.constant 128 : i32
      %add3A_10 = arith.addi %mul3A_0, %add3A_9 : i32
      "tpu.region"() ({
        %run_scoped3A = tpu.sem_alloc : memref<!tpu.dma_semaphore, #tpu.memory_space<semaphore_mem>>
        %dma_start3A = arith.constant 0 : i32
        %dma_start3A_54 = tpu.memref_slice %arg11[%add3A_10, %dma_start3A] : memref<10240x128xf32, #tpu.memory_space<vmem_shared>> -> memref<128x128xf32, #tpu.memory_space<vmem_shared>>
        %dma_start3A_55 = arith.constant 0 : i32
        %dma_start3A_56 = tpu.memref_slice %arg11[%add3A_10, %dma_start3A_55] : memref<10240x128xf32, #tpu.memory_space<vmem_shared>> -> memref<128x128xf32, #tpu.memory_space<vmem_shared>>
        tpu.enqueue_dma source(%arg9 : memref<128x128xf32, #tpu.memory_space<vmem>>) target(%dma_start3A_56 : memref<128x128xf32, #tpu.memory_space<vmem_shared>>) target_semaphore(%run_scoped3A : memref<!tpu.dma_semaphore, #tpu.memory_space<semaphore_mem>>)
        %dma_wait3A = arith.constant 0 : i32
        %dma_wait3A_57 = tpu.memref_slice %arg11[%add3A_10, %dma_wait3A] : memref<10240x128xf32, #tpu.memory_space<vmem_shared>> -> memref<128x128xf32, #tpu.memory_space<vmem_shared>>
        %dma_wait3A_58 = arith.constant 0 : i32
        %dma_wait3A_59 = tpu.memref_slice %arg11[%add3A_10, %dma_wait3A_58] : memref<10240x128xf32, #tpu.memory_space<vmem_shared>> -> memref<128x128xf32, #tpu.memory_space<vmem_shared>>
        tpu.wait_dma2 semaphore(%run_scoped3A : memref<!tpu.dma_semaphore, #tpu.memory_space<semaphore_mem>>) src(%arg9 : memref<128x128xf32, #tpu.memory_space<vmem>>) dst(%dma_wait3A_59 : memref<128x128xf32, #tpu.memory_space<vmem_shared>>)
        tpu.yield
      }) : () -> ()
      %add3A_11 = arith.constant 256 : i32
      %add3A_12 = arith.addi %mul3A_0, %add3A_11 : i32
      "tpu.region"() ({
        %run_scoped3A = tpu.sem_alloc : memref<!tpu.dma_semaphore, #tpu.memory_space<semaphore_mem>>
        %dma_start3A = arith.constant 0 : i32
        %dma_start3A_54 = tpu.memref_slice %arg11[%add3A_12, %dma_start3A] : memref<10240x128xf32, #tpu.memory_space<vmem_shared>> -> memref<128x128xf32, #tpu.memory_space<vmem_shared>>
        %dma_start3A_55 = arith.constant 0 : i32
        %dma_start3A_56 = tpu.memref_slice %arg11[%add3A_12, %dma_start3A_55] : memref<10240x128xf32, #tpu.memory_space<vmem_shared>> -> memref<128x128xf32, #tpu.memory_space<vmem_shared>>
        tpu.enqueue_dma source(%arg9 : memref<128x128xf32, #tpu.memory_space<vmem>>) target(%dma_start3A_56 : memref<128x128xf32, #tpu.memory_space<vmem_shared>>) target_semaphore(%run_scoped3A : memref<!tpu.dma_semaphore, #tpu.memory_space<semaphore_mem>>)
        %dma_wait3A = arith.constant 0 : i32
        %dma_wait3A_57 = tpu.memref_slice %arg11[%add3A_12, %dma_wait3A] : memref<10240x128xf32, #tpu.memory_space<vmem_shared>> -> memref<128x128xf32, #tpu.memory_space<vmem_shared>>
        %dma_wait3A_58 = arith.constant 0 : i32
        %dma_wait3A_59 = tpu.memref_slice %arg11[%add3A_12, %dma_wait3A_58] : memref<10240x128xf32, #tpu.memory_space<vmem_shared>> -> memref<128x128xf32, #tpu.memory_space<vmem_shared>>
        tpu.wait_dma2 semaphore(%run_scoped3A : memref<!tpu.dma_semaphore, #tpu.memory_space<semaphore_mem>>) src(%arg9 : memref<128x128xf32, #tpu.memory_space<vmem>>) dst(%dma_wait3A_59 : memref<128x128xf32, #tpu.memory_space<vmem_shared>>)
        tpu.yield
      }) : () -> ()
      %add3A_13 = arith.constant 384 : i32
      %add3A_14 = arith.addi %mul3A_0, %add3A_13 : i32
      "tpu.region"() ({
        %run_scoped3A = tpu.sem_alloc : memref<!tpu.dma_semaphore, #tpu.memory_space<semaphore_mem>>
        %dma_start3A = arith.constant 0 : i32
        %dma_start3A_54 = tpu.memref_slice %arg11[%add3A_14, %dma_start3A] : memref<10240x128xf32, #tpu.memory_space<vmem_shared>> -> memref<128x128xf32, #tpu.memory_space<vmem_shared>>
        %dma_start3A_55 = arith.constant 0 : i32
        %dma_start3A_56 = tpu.memref_slice %arg11[%add3A_14, %dma_start3A_55] : memref<10240x128xf32, #tpu.memory_space<vmem_shared>> -> memref<128x128xf32, #tpu.memory_space<vmem_shared>>
        tpu.enqueue_dma source(%arg9 : memref<128x128xf32, #tpu.memory_space<vmem>>) target(%dma_start3A_56 : memref<128x128xf32, #tpu.memory_space<vmem_shared>>) target_semaphore(%run_scoped3A : memref<!tpu.dma_semaphore, #tpu.memory_space<semaphore_mem>>)
        %dma_wait3A = arith.constant 0 : i32
        %dma_wait3A_57 = tpu.memref_slice %arg11[%add3A_14, %dma_wait3A] : memref<10240x128xf32, #tpu.memory_space<vmem_shared>> -> memref<128x128xf32, #tpu.memory_space<vmem_shared>>
        %dma_wait3A_58 = arith.constant 0 : i32
        %dma_wait3A_59 = tpu.memref_slice %arg11[%add3A_14, %dma_wait3A_58] : memref<10240x128xf32, #tpu.memory_space<vmem_shared>> -> memref<128x128xf32, #tpu.memory_space<vmem_shared>>
        tpu.wait_dma2 semaphore(%run_scoped3A : memref<!tpu.dma_semaphore, #tpu.memory_space<semaphore_mem>>) src(%arg9 : memref<128x128xf32, #tpu.memory_space<vmem>>) dst(%dma_wait3A_59 : memref<128x128xf32, #tpu.memory_space<vmem_shared>>)
        tpu.yield
      }) : () -> ()
      %add3A_15 = arith.constant 512 : i32
      %add3A_16 = arith.addi %mul3A_0, %add3A_15 : i32
      "tpu.region"() ({
        %run_scoped3A = tpu.sem_alloc : memref<!tpu.dma_semaphore, #tpu.memory_space<semaphore_mem>>
        %dma_start3A = arith.constant 0 : i32
        %dma_start3A_54 = tpu.memref_slice %arg11[%add3A_16, %dma_start3A] : memref<10240x128xf32, #tpu.memory_space<vmem_shared>> -> memref<128x128xf32, #tpu.memory_space<vmem_shared>>
        %dma_start3A_55 = arith.constant 0 : i32
        %dma_start3A_56 = tpu.memref_slice %arg11[%add3A_16, %dma_start3A_55] : memref<10240x128xf32, #tpu.memory_space<vmem_shared>> -> memref<128x128xf32, #tpu.memory_space<vmem_shared>>
        tpu.enqueue_dma source(%arg9 : memref<128x128xf32, #tpu.memory_space<vmem>>) target(%dma_start3A_56 : memref<128x128xf32, #tpu.memory_space<vmem_shared>>) target_semaphore(%run_scoped3A : memref<!tpu.dma_semaphore, #tpu.memory_space<semaphore_mem>>)
        %dma_wait3A = arith.constant 0 : i32
        %dma_wait3A_57 = tpu.memref_slice %arg11[%add3A_16, %dma_wait3A] : memref<10240x128xf32, #tpu.memory_space<vmem_shared>> -> memref<128x128xf32, #tpu.memory_space<vmem_shared>>
        %dma_wait3A_58 = arith.constant 0 : i32
        %dma_wait3A_59 = tpu.memref_slice %arg11[%add3A_16, %dma_wait3A_58] : memref<10240x128xf32, #tpu.memory_space<vmem_shared>> -> memref<128x128xf32, #tpu.memory_space<vmem_shared>>
        tpu.wait_dma2 semaphore(%run_scoped3A : memref<!tpu.dma_semaphore, #tpu.memory_space<semaphore_mem>>) src(%arg9 : memref<128x128xf32, #tpu.memory_space<vmem>>) dst(%dma_wait3A_59 : memref<128x128xf32, #tpu.memory_space<vmem_shared>>)
        tpu.yield
      }) : () -> ()
      %barrier3A = arith.constant 0 : index
      tpu.barrier barrier_id(%barrier3A)
      %scan3A = arith.constant 0 : i32
      %scan3A_17 = arith.constant 0 : i32
      %scan3A_18 = arith.constant 5 : i32
      %scan3A_19 = arith.addi %scan3A_17, %scan3A_18 : i32
      %scan3A_20 = arith.constant 1 : i32
      scf.for %scan3A_54 = %scan3A_17 to %scan3A_19 step %scan3A_20  : i32 {
        %mul3A_55 = arith.constant 160 : i32
        %mul3A_56 = arith.muli %arg1, %mul3A_55 : i32
        %mul3A_57 = arith.constant 32 : i32
        %mul3A_58 = arith.muli %scan3A_54, %mul3A_57 : i32
        %add3A_59 = arith.addi %mul3A_56, %mul3A_58 : i32
        "tpu.region"() ({
          %run_scoped3A = tpu.sem_alloc : memref<!tpu.dma_semaphore, #tpu.memory_space<semaphore_mem>>
          %dma_start3A_82 = arith.constant 0 : i32
          %dma_start3A_83 = tpu.memref_slice %arg3[%add3A_59, %dma_start3A_82] : memref<2560x128xi32, #tpu.memory_space<hbm>> -> memref<32x128xi32, #tpu.memory_space<hbm>>
          %dma_start3A_84 = arith.constant 0 : i32
          %dma_start3A_85 = tpu.memref_slice %arg3[%add3A_59, %dma_start3A_84] : memref<2560x128xi32, #tpu.memory_space<hbm>> -> memref<32x128xi32, #tpu.memory_space<hbm>>
          tpu.enqueue_dma source(%dma_start3A_85 : memref<32x128xi32, #tpu.memory_space<hbm>>) target(%arg7 : memref<32x128xi32, #tpu.memory_space<vmem>>) target_semaphore(%run_scoped3A : memref<!tpu.dma_semaphore, #tpu.memory_space<semaphore_mem>>)
          %dma_wait3A = arith.constant 0 : i32
          %dma_wait3A_86 = tpu.memref_slice %arg3[%add3A_59, %dma_wait3A] : memref<2560x128xi32, #tpu.memory_space<hbm>> -> memref<32x128xi32, #tpu.memory_space<hbm>>
          %dma_wait3A_87 = arith.constant 0 : i32
          %dma_wait3A_88 = tpu.memref_slice %arg3[%add3A_59, %dma_wait3A_87] : memref<2560x128xi32, #tpu.memory_space<hbm>> -> memref<32x128xi32, #tpu.memory_space<hbm>>
          tpu.wait_dma2 semaphore(%run_scoped3A : memref<!tpu.dma_semaphore, #tpu.memory_space<semaphore_mem>>) src(%dma_wait3A_88 : memref<32x128xi32, #tpu.memory_space<hbm>>) dst(%arg7 : memref<32x128xi32, #tpu.memory_space<vmem>>)
          tpu.yield
        }) : () -> ()
        %mul3A_60 = arith.constant 160 : i32
        %mul3A_61 = arith.muli %arg1, %mul3A_60 : i32
        %mul3A_62 = arith.constant 32 : i32
        %mul3A_63 = arith.muli %scan3A_54, %mul3A_62 : i32
        %add3A_64 = arith.addi %mul3A_61, %mul3A_63 : i32
        "tpu.region"() ({
          %run_scoped3A = tpu.sem_alloc : memref<!tpu.dma_semaphore, #tpu.memory_space<semaphore_mem>>
          %dma_start3A_82 = arith.constant 0 : i32
          %dma_start3A_83 = tpu.memref_slice %arg4[%add3A_64, %dma_start3A_82] : memref<2560x128xi32, #tpu.memory_space<hbm>> -> memref<32x128xi32, #tpu.memory_space<hbm>>
          %dma_start3A_84 = arith.constant 0 : i32
          %dma_start3A_85 = tpu.memref_slice %arg4[%add3A_64, %dma_start3A_84] : memref<2560x128xi32, #tpu.memory_space<hbm>> -> memref<32x128xi32, #tpu.memory_space<hbm>>
          tpu.enqueue_dma source(%dma_start3A_85 : memref<32x128xi32, #tpu.memory_space<hbm>>) target(%arg8 : memref<32x128xi32, #tpu.memory_space<vmem>>) target_semaphore(%run_scoped3A : memref<!tpu.dma_semaphore, #tpu.memory_space<semaphore_mem>>)
          %dma_wait3A = arith.constant 0 : i32
          %dma_wait3A_86 = tpu.memref_slice %arg4[%add3A_64, %dma_wait3A] : memref<2560x128xi32, #tpu.memory_space<hbm>> -> memref<32x128xi32, #tpu.memory_space<hbm>>
          %dma_wait3A_87 = arith.constant 0 : i32
          %dma_wait3A_88 = tpu.memref_slice %arg4[%add3A_64, %dma_wait3A_87] : memref<2560x128xi32, #tpu.memory_space<hbm>> -> memref<32x128xi32, #tpu.memory_space<hbm>>
          tpu.wait_dma2 semaphore(%run_scoped3A : memref<!tpu.dma_semaphore, #tpu.memory_space<semaphore_mem>>) src(%dma_wait3A_88 : memref<32x128xi32, #tpu.memory_space<hbm>>) dst(%arg8 : memref<32x128xi32, #tpu.memory_space<vmem>>)
          tpu.yield
        }) : () -> ()
        %dma_start3A = arith.constant 0 : i32
        %dma_start3A_65 = arith.constant 0 : i32
        %dma_start3A_66 = arith.constant 0 : i32
        %dma_start3A_67 = tpu.memref_slice %arg7[%dma_start3A_65, %dma_start3A_66] : memref<32x128xi32, #tpu.memory_space<vmem>> -> memref<1x128xi32, #tpu.memory_space<vmem>>
        %dma_start3A_68 = tpu.memref_squeeze %dma_start3A_67 : memref<1x128xi32, #tpu.memory_space<vmem>> -> memref<128xi32, #tpu.memory_space<vmem>>
        %dma_start3A_69 = arith.constant 0 : i32
        %dma_start3A_70 = arith.constant 0 : i32
        %dma_start3A_71 = tpu.memref_slice %arg2[%dma_start3A, %dma_start3A_69, %dma_start3A_70] : memref<2x10000x128xf32, #tpu.memory_space<hbm>> -> memref<1x10000x128xf32, #tpu.memory_space<hbm>>
        %dma_start3A_72 = tpu.memref_squeeze %dma_start3A_71 : memref<1x10000x128xf32, #tpu.memory_space<hbm>> -> memref<10000x128xf32, #tpu.memory_space<hbm>>
        %dma_start3A_73 = arith.constant 0 : i32
        %dma_start3A_74 = arith.constant 0 : i32
        %dma_start3A_75 = tpu.memref_slice %dma_start3A_72[%dma_start3A_73, %dma_start3A_74] : memref<10000x128xf32, #tpu.memory_space<hbm>> -> memref<10000x128xf32, #tpu.memory_space<hbm>>
        tpu.enqueue_indirect_dma source(%dma_start3A_75 : memref<10000x128xf32, #tpu.memory_space<hbm>>) target(%arg9 : memref<128x128xf32, #tpu.memory_space<vmem>>) offsets(%dma_start3A_68 : memref<128xi32, #tpu.memory_space<vmem>>) semaphore(%arg12 : memref<!tpu.dma_semaphore, #tpu.memory_space<semaphore_mem>>)
        %scan3A_76 = arith.constant 0 : i32
        %scan3A_77 = arith.constant 0 : i32
        %scan3A_78 = arith.constant 16 : i32
        %scan3A_79 = arith.addi %scan3A_77, %scan3A_78 : i32
        %scan3A_80 = arith.constant 1 : i32
        scf.for %scan3A_82 = %scan3A_77 to %scan3A_79 step %scan3A_80  : i32 {
          tpu.wait_dma2 semaphore(%arg12 : memref<!tpu.dma_semaphore, #tpu.memory_space<semaphore_mem>>) src(%arg5 : memref<128x128xf32, #tpu.memory_space<hbm>>) dst(%arg9 : memref<128x128xf32, #tpu.memory_space<vmem>>)
          %mul3A_83 = arith.constant 2 : i32
          %mul3A_84 = arith.muli %mul3A_83, %scan3A_82 : i32
          %add3A_85 = arith.constant 1 : i32
          %add3A_86 = arith.addi %mul3A_84, %add3A_85 : i32
          %dma_start3A_87 = arith.constant 0 : i32
          %dma_start3A_88 = arith.constant 0 : i32
          %dma_start3A_89 = tpu.memref_slice %arg7[%add3A_86, %dma_start3A_88] : memref<32x128xi32, #tpu.memory_space<vmem>> -> memref<1x128xi32, #tpu.memory_space<vmem>>
          %dma_start3A_90 = tpu.memref_squeeze %dma_start3A_89 : memref<1x128xi32, #tpu.memory_space<vmem>> -> memref<128xi32, #tpu.memory_space<vmem>>
          %dma_start3A_91 = arith.constant 0 : i32
          %dma_start3A_92 = arith.constant 0 : i32
          %dma_start3A_93 = tpu.memref_slice %arg2[%dma_start3A_87, %dma_start3A_91, %dma_start3A_92] : memref<2x10000x128xf32, #tpu.memory_space<hbm>> -> memref<1x10000x128xf32, #tpu.memory_space<hbm>>
          %dma_start3A_94 = tpu.memref_squeeze %dma_start3A_93 : memref<1x10000x128xf32, #tpu.memory_space<hbm>> -> memref<10000x128xf32, #tpu.memory_space<hbm>>
          %dma_start3A_95 = arith.constant 0 : i32
          %dma_start3A_96 = arith.constant 0 : i32
          %dma_start3A_97 = tpu.memref_slice %dma_start3A_94[%dma_start3A_95, %dma_start3A_96] : memref<10000x128xf32, #tpu.memory_space<hbm>> -> memref<10000x128xf32, #tpu.memory_space<hbm>>
          tpu.enqueue_indirect_dma source(%dma_start3A_97 : memref<10000x128xf32, #tpu.memory_space<hbm>>) target(%arg10 : memref<128x128xf32, #tpu.memory_space<vmem>>) offsets(%dma_start3A_90 : memref<128xi32, #tpu.memory_space<vmem>>) semaphore(%arg13 : memref<!tpu.dma_semaphore, #tpu.memory_space<semaphore_mem>>)
          %mul3A_98 = arith.constant 2 : i32
          %mul3A_99 = arith.muli %mul3A_98, %scan3A_82 : i32
          "tpu.region"() ({
            %run_scoped3A = tpu.sem_alloc : memref<!tpu.dma_semaphore, #tpu.memory_space<semaphore_mem>>
            %dma_start3A_108 = arith.constant 0 : i32
            %dma_start3A_109 = tpu.memref_slice %arg8[%mul3A_99, %dma_start3A_108] : memref<32x128xi32, #tpu.memory_space<vmem>> -> memref<1x128xi32, #tpu.memory_space<vmem>>
            %dma_start3A_110 = tpu.memref_squeeze %dma_start3A_109 : memref<1x128xi32, #tpu.memory_space<vmem>> -> memref<128xi32, #tpu.memory_space<vmem>>
            %dma_start3A_111 = arith.constant 0 : i32
            %dma_start3A_112 = arith.constant 0 : i32
            %dma_start3A_113 = tpu.memref_slice %arg11[%dma_start3A_111, %dma_start3A_112] : memref<10240x128xf32, #tpu.memory_space<vmem_shared>> -> memref<10240x128xf32, #tpu.memory_space<vmem_shared>>
            tpu.enqueue_indirect_dma source(%arg9 : memref<128x128xf32, #tpu.memory_space<vmem>>) target(%dma_start3A_113 : memref<10240x128xf32, #tpu.memory_space<vmem_shared>>) offsets(%dma_start3A_110 : memref<128xi32, #tpu.memory_space<vmem>>) semaphore(%run_scoped3A : memref<!tpu.dma_semaphore, #tpu.memory_space<semaphore_mem>>) {add = true}
            %dma_wait3A = arith.constant 0 : i32
            %dma_wait3A_114 = tpu.memref_slice %arg8[%mul3A_99, %dma_wait3A] : memref<32x128xi32, #tpu.memory_space<vmem>> -> memref<1x128xi32, #tpu.memory_space<vmem>>
            %dma_wait3A_115 = tpu.memref_squeeze %dma_wait3A_114 : memref<1x128xi32, #tpu.memory_space<vmem>> -> memref<128xi32, #tpu.memory_space<vmem>>
            %dma_wait3A_116 = arith.constant 0 : i32
            %dma_wait3A_117 = arith.constant 0 : i32
            %dma_wait3A_118 = tpu.memref_slice %arg11[%dma_wait3A_116, %dma_wait3A_117] : memref<10240x128xf32, #tpu.memory_space<vmem_shared>> -> memref<10240x128xf32, #tpu.memory_space<vmem_shared>>
            tpu.wait_indirect_dma semaphore(%run_scoped3A : memref<!tpu.dma_semaphore, #tpu.memory_space<semaphore_mem>>) src(%arg9 : memref<128x128xf32, #tpu.memory_space<vmem>>) dst(%dma_wait3A_118 : memref<10240x128xf32, #tpu.memory_space<vmem_shared>>)
            tpu.yield
          }) : () -> ()
          tpu.wait_dma2 semaphore(%arg13 : memref<!tpu.dma_semaphore, #tpu.memory_space<semaphore_mem>>) src(%arg5 : memref<128x128xf32, #tpu.memory_space<hbm>>) dst(%arg10 : memref<128x128xf32, #tpu.memory_space<vmem>>)
          %lt3A = arith.constant 15 : i32
          %lt3A_100 = arith.cmpi slt, %scan3A_82, %lt3A : i32
          %convert_element_type3A_101 = arith.extui %lt3A_100 : i1 to i32
          %cond3A_102 = arith.constant 0 : i32
          %cond3A_103 = arith.cmpi ne, %convert_element_type3A_101, %cond3A_102 : i32
          scf.if %cond3A_103 {
            %mul3A_108 = arith.constant 2 : i32
            %mul3A_109 = arith.muli %mul3A_108, %scan3A_82 : i32
            %add3A_110 = arith.constant 2 : i32
            %add3A_111 = arith.addi %mul3A_109, %add3A_110 : i32
            %dma_start3A_112 = arith.constant 0 : i32
            %dma_start3A_113 = arith.constant 0 : i32
            %dma_start3A_114 = tpu.memref_slice %arg7[%add3A_111, %dma_start3A_113] : memref<32x128xi32, #tpu.memory_space<vmem>> -> memref<1x128xi32, #tpu.memory_space<vmem>>
            %dma_start3A_115 = tpu.memref_squeeze %dma_start3A_114 : memref<1x128xi32, #tpu.memory_space<vmem>> -> memref<128xi32, #tpu.memory_space<vmem>>
            %dma_start3A_116 = arith.constant 0 : i32
            %dma_start3A_117 = arith.constant 0 : i32
            %dma_start3A_118 = tpu.memref_slice %arg2[%dma_start3A_112, %dma_start3A_116, %dma_start3A_117] : memref<2x10000x128xf32, #tpu.memory_space<hbm>> -> memref<1x10000x128xf32, #tpu.memory_space<hbm>>
            %dma_start3A_119 = tpu.memref_squeeze %dma_start3A_118 : memref<1x10000x128xf32, #tpu.memory_space<hbm>> -> memref<10000x128xf32, #tpu.memory_space<hbm>>
            %dma_start3A_120 = arith.constant 0 : i32
            %dma_start3A_121 = arith.constant 0 : i32
            %dma_start3A_122 = tpu.memref_slice %dma_start3A_119[%dma_start3A_120, %dma_start3A_121] : memref<10000x128xf32, #tpu.memory_space<hbm>> -> memref<10000x128xf32, #tpu.memory_space<hbm>>
            tpu.enqueue_indirect_dma source(%dma_start3A_122 : memref<10000x128xf32, #tpu.memory_space<hbm>>) target(%arg9 : memref<128x128xf32, #tpu.memory_space<vmem>>) offsets(%dma_start3A_115 : memref<128xi32, #tpu.memory_space<vmem>>) semaphore(%arg12 : memref<!tpu.dma_semaphore, #tpu.memory_space<semaphore_mem>>)
          } else {
          }
          %mul3A_104 = arith.constant 2 : i32
          %mul3A_105 = arith.muli %mul3A_104, %scan3A_82 : i32
          %add3A_106 = arith.constant 1 : i32
          %add3A_107 = arith.addi %mul3A_105, %add3A_106 : i32
          "tpu.region"() ({
            %run_scoped3A = tpu.sem_alloc : memref<!tpu.dma_semaphore, #tpu.memory_space<semaphore_mem>>
            %dma_start3A_108 = arith.constant 0 : i32
            %dma_start3A_109 = tpu.memref_slice %arg8[%add3A_107, %dma_start3A_108] : memref<32x128xi32, #tpu.memory_space<vmem>> -> memref<1x128xi32, #tpu.memory_space<vmem>>
            %dma_start3A_110 = tpu.memref_squeeze %dma_start3A_109 : memref<1x128xi32, #tpu.memory_space<vmem>> -> memref<128xi32, #tpu.memory_space<vmem>>
            %dma_start3A_111 = arith.constant 0 : i32
            %dma_start3A_112 = arith.constant 0 : i32
            %dma_start3A_113 = tpu.memref_slice %arg11[%dma_start3A_111, %dma_start3A_112] : memref<10240x128xf32, #tpu.memory_space<vmem_shared>> -> memref<10240x128xf32, #tpu.memory_space<vmem_shared>>
            tpu.enqueue_indirect_dma source(%arg10 : memref<128x128xf32, #tpu.memory_space<vmem>>) target(%dma_start3A_113 : memref<10240x128xf32, #tpu.memory_space<vmem_shared>>) offsets(%dma_start3A_110 : memref<128xi32, #tpu.memory_space<vmem>>) semaphore(%run_scoped3A : memref<!tpu.dma_semaphore, #tpu.memory_space<semaphore_mem>>) {add = true}
            %dma_wait3A = arith.constant 0 : i32
            %dma_wait3A_114 = tpu.memref_slice %arg8[%add3A_107, %dma_wait3A] : memref<32x128xi32, #tpu.memory_space<vmem>> -> memref<1x128xi32, #tpu.memory_space<vmem>>
            %dma_wait3A_115 = tpu.memref_squeeze %dma_wait3A_114 : memref<1x128xi32, #tpu.memory_space<vmem>> -> memref<128xi32, #tpu.memory_space<vmem>>
            %dma_wait3A_116 = arith.constant 0 : i32
            %dma_wait3A_117 = arith.constant 0 : i32
            %dma_wait3A_118 = tpu.memref_slice %arg11[%dma_wait3A_116, %dma_wait3A_117] : memref<10240x128xf32, #tpu.memory_space<vmem_shared>> -> memref<10240x128xf32, #tpu.memory_space<vmem_shared>>
            tpu.wait_indirect_dma semaphore(%run_scoped3A : memref<!tpu.dma_semaphore, #tpu.memory_space<semaphore_mem>>) src(%arg10 : memref<128x128xf32, #tpu.memory_space<vmem>>) dst(%dma_wait3A_118 : memref<10240x128xf32, #tpu.memory_space<vmem_shared>>)
            tpu.yield
          }) : () -> ()
        }
        %scan3A_81 = arith.constant 16 : i32
      }
      %scan3A_21 = arith.constant 5 : i32
      %barrier3A_22 = arith.constant 0 : index
      tpu.barrier barrier_id(%barrier3A_22)
      %add3A_23 = arith.constant 0 : i32
      %add3A_24 = arith.addi %mul3A_0, %add3A_23 : i32
      "tpu.region"() ({
        %run_scoped3A = tpu.sem_alloc : memref<!tpu.dma_semaphore, #tpu.memory_space<semaphore_mem>>
        %dma_start3A = arith.constant 0 : i32
        %dma_start3A_54 = tpu.memref_slice %arg11[%add3A_24, %dma_start3A] : memref<10240x128xf32, #tpu.memory_space<vmem_shared>> -> memref<128x128xf32, #tpu.memory_space<vmem_shared>>
        %dma_start3A_55 = arith.constant 0 : i32
        %dma_start3A_56 = tpu.memref_slice %arg11[%add3A_24, %dma_start3A_55] : memref<10240x128xf32, #tpu.memory_space<vmem_shared>> -> memref<128x128xf32, #tpu.memory_space<vmem_shared>>
        tpu.enqueue_dma source(%dma_start3A_56 : memref<128x128xf32, #tpu.memory_space<vmem_shared>>) target(%arg9 : memref<128x128xf32, #tpu.memory_space<vmem>>) target_semaphore(%run_scoped3A : memref<!tpu.dma_semaphore, #tpu.memory_space<semaphore_mem>>)
        %dma_wait3A = arith.constant 0 : i32
        %dma_wait3A_57 = tpu.memref_slice %arg11[%add3A_24, %dma_wait3A] : memref<10240x128xf32, #tpu.memory_space<vmem_shared>> -> memref<128x128xf32, #tpu.memory_space<vmem_shared>>
        %dma_wait3A_58 = arith.constant 0 : i32
        %dma_wait3A_59 = tpu.memref_slice %arg11[%add3A_24, %dma_wait3A_58] : memref<10240x128xf32, #tpu.memory_space<vmem_shared>> -> memref<128x128xf32, #tpu.memory_space<vmem_shared>>
        tpu.wait_dma2 semaphore(%run_scoped3A : memref<!tpu.dma_semaphore, #tpu.memory_space<semaphore_mem>>) src(%dma_wait3A_59 : memref<128x128xf32, #tpu.memory_space<vmem_shared>>) dst(%arg9 : memref<128x128xf32, #tpu.memory_space<vmem>>)
        tpu.yield
      }) : () -> ()
      %add3A_25 = arith.constant 0 : i32
      %add3A_26 = arith.addi %add3A_25, %mul3A_0 : i32
      %add3A_27 = arith.constant 0 : i32
      %add3A_28 = arith.addi %add3A_26, %add3A_27 : i32
      "tpu.region"() ({
        %run_scoped3A = tpu.sem_alloc : memref<!tpu.dma_semaphore, #tpu.memory_space<semaphore_mem>>
        %dma_start3A = arith.constant 0 : i32
        %dma_start3A_54 = tpu.memref_slice %arg6[%add3A_28, %dma_start3A] : memref<20480x128xf32, #tpu.memory_space<hbm>> -> memref<128x128xf32, #tpu.memory_space<hbm>>
        %dma_start3A_55 = arith.constant 0 : i32
        %dma_start3A_56 = tpu.memref_slice %arg6[%add3A_28, %dma_start3A_55] : memref<20480x128xf32, #tpu.memory_space<hbm>> -> memref<128x128xf32, #tpu.memory_space<hbm>>
        tpu.enqueue_dma source(%arg9 : memref<128x128xf32, #tpu.memory_space<vmem>>) target(%dma_start3A_56 : memref<128x128xf32, #tpu.memory_space<hbm>>) target_semaphore(%run_scoped3A : memref<!tpu.dma_semaphore, #tpu.memory_space<semaphore_mem>>)
        %dma_wait3A = arith.constant 0 : i32
        %dma_wait3A_57 = tpu.memref_slice %arg6[%add3A_28, %dma_wait3A] : memref<20480x128xf32, #tpu.memory_space<hbm>> -> memref<128x128xf32, #tpu.memory_space<hbm>>
        %dma_wait3A_58 = arith.constant 0 : i32
        %dma_wait3A_59 = tpu.memref_slice %arg6[%add3A_28, %dma_wait3A_58] : memref<20480x128xf32, #tpu.memory_space<hbm>> -> memref<128x128xf32, #tpu.memory_space<hbm>>
        tpu.wait_dma2 semaphore(%run_scoped3A : memref<!tpu.dma_semaphore, #tpu.memory_space<semaphore_mem>>) src(%arg9 : memref<128x128xf32, #tpu.memory_space<vmem>>) dst(%dma_wait3A_59 : memref<128x128xf32, #tpu.memory_space<hbm>>)
        tpu.yield
      }) : () -> ()
      %add3A_29 = arith.constant 128 : i32
      %add3A_30 = arith.addi %mul3A_0, %add3A_29 : i32
      "tpu.region"() ({
        %run_scoped3A = tpu.sem_alloc : memref<!tpu.dma_semaphore, #tpu.memory_space<semaphore_mem>>
        %dma_start3A = arith.constant 0 : i32
        %dma_start3A_54 = tpu.memref_slice %arg11[%add3A_30, %dma_start3A] : memref<10240x128xf32, #tpu.memory_space<vmem_shared>> -> memref<128x128xf32, #tpu.memory_space<vmem_shared>>
        %dma_start3A_55 = arith.constant 0 : i32
        %dma_start3A_56 = tpu.memref_slice %arg11[%add3A_30, %dma_start3A_55] : memref<10240x128xf32, #tpu.memory_space<vmem_shared>> -> memref<128x128xf32, #tpu.memory_space<vmem_shared>>
        tpu.enqueue_dma source(%dma_start3A_56 : memref<128x128xf32, #tpu.memory_space<vmem_shared>>) target(%arg9 : memref<128x128xf32, #tpu.memory_space<vmem>>) target_semaphore(%run_scoped3A : memref<!tpu.dma_semaphore, #tpu.memory_space<semaphore_mem>>)
        %dma_wait3A = arith.constant 0 : i32
        %dma_wait3A_57 = tpu.memref_slice %arg11[%add3A_30, %dma_wait3A] : memref<10240x128xf32, #tpu.memory_space<vmem_shared>> -> memref<128x128xf32, #tpu.memory_space<vmem_shared>>
        %dma_wait3A_58 = arith.constant 0 : i32
        %dma_wait3A_59 = tpu.memref_slice %arg11[%add3A_30, %dma_wait3A_58] : memref<10240x128xf32, #tpu.memory_space<vmem_shared>> -> memref<128x128xf32, #tpu.memory_space<vmem_shared>>
        tpu.wait_dma2 semaphore(%run_scoped3A : memref<!tpu.dma_semaphore, #tpu.memory_space<semaphore_mem>>) src(%dma_wait3A_59 : memref<128x128xf32, #tpu.memory_space<vmem_shared>>) dst(%arg9 : memref<128x128xf32, #tpu.memory_space<vmem>>)
        tpu.yield
      }) : () -> ()
      %add3A_31 = arith.constant 0 : i32
      %add3A_32 = arith.addi %add3A_31, %mul3A_0 : i32
      %add3A_33 = arith.constant 128 : i32
      %add3A_34 = arith.addi %add3A_32, %add3A_33 : i32
      "tpu.region"() ({
        %run_scoped3A = tpu.sem_alloc : memref<!tpu.dma_semaphore, #tpu.memory_space<semaphore_mem>>
        %dma_start3A = arith.constant 0 : i32
        %dma_start3A_54 = tpu.memref_slice %arg6[%add3A_34, %dma_start3A] : memref<20480x128xf32, #tpu.memory_space<hbm>> -> memref<128x128xf32, #tpu.memory_space<hbm>>
        %dma_start3A_55 = arith.constant 0 : i32
        %dma_start3A_56 = tpu.memref_slice %arg6[%add3A_34, %dma_start3A_55] : memref<20480x128xf32, #tpu.memory_space<hbm>> -> memref<128x128xf32, #tpu.memory_space<hbm>>
        tpu.enqueue_dma source(%arg9 : memref<128x128xf32, #tpu.memory_space<vmem>>) target(%dma_start3A_56 : memref<128x128xf32, #tpu.memory_space<hbm>>) target_semaphore(%run_scoped3A : memref<!tpu.dma_semaphore, #tpu.memory_space<semaphore_mem>>)
        %dma_wait3A = arith.constant 0 : i32
        %dma_wait3A_57 = tpu.memref_slice %arg6[%add3A_34, %dma_wait3A] : memref<20480x128xf32, #tpu.memory_space<hbm>> -> memref<128x128xf32, #tpu.memory_space<hbm>>
        %dma_wait3A_58 = arith.constant 0 : i32
        %dma_wait3A_59 = tpu.memref_slice %arg6[%add3A_34, %dma_wait3A_58] : memref<20480x128xf32, #tpu.memory_space<hbm>> -> memref<128x128xf32, #tpu.memory_space<hbm>>
        tpu.wait_dma2 semaphore(%run_scoped3A : memref<!tpu.dma_semaphore, #tpu.memory_space<semaphore_mem>>) src(%arg9 : memref<128x128xf32, #tpu.memory_space<vmem>>) dst(%dma_wait3A_59 : memref<128x128xf32, #tpu.memory_space<hbm>>)
        tpu.yield
      }) : () -> ()
      %add3A_35 = arith.constant 256 : i32
      %add3A_36 = arith.addi %mul3A_0, %add3A_35 : i32
      "tpu.region"() ({
        %run_scoped3A = tpu.sem_alloc : memref<!tpu.dma_semaphore, #tpu.memory_space<semaphore_mem>>
        %dma_start3A = arith.constant 0 : i32
        %dma_start3A_54 = tpu.memref_slice %arg11[%add3A_36, %dma_start3A] : memref<10240x128xf32, #tpu.memory_space<vmem_shared>> -> memref<128x128xf32, #tpu.memory_space<vmem_shared>>
        %dma_start3A_55 = arith.constant 0 : i32
        %dma_start3A_56 = tpu.memref_slice %arg11[%add3A_36, %dma_start3A_55] : memref<10240x128xf32, #tpu.memory_space<vmem_shared>> -> memref<128x128xf32, #tpu.memory_space<vmem_shared>>
        tpu.enqueue_dma source(%dma_start3A_56 : memref<128x128xf32, #tpu.memory_space<vmem_shared>>) target(%arg9 : memref<128x128xf32, #tpu.memory_space<vmem>>) target_semaphore(%run_scoped3A : memref<!tpu.dma_semaphore, #tpu.memory_space<semaphore_mem>>)
        %dma_wait3A = arith.constant 0 : i32
        %dma_wait3A_57 = tpu.memref_slice %arg11[%add3A_36, %dma_wait3A] : memref<10240x128xf32, #tpu.memory_space<vmem_shared>> -> memref<128x128xf32, #tpu.memory_space<vmem_shared>>
        %dma_wait3A_58 = arith.constant 0 : i32
        %dma_wait3A_59 = tpu.memref_slice %arg11[%add3A_36, %dma_wait3A_58] : memref<10240x128xf32, #tpu.memory_space<vmem_shared>> -> memref<128x128xf32, #tpu.memory_space<vmem_shared>>
        tpu.wait_dma2 semaphore(%run_scoped3A : memref<!tpu.dma_semaphore, #tpu.memory_space<semaphore_mem>>) src(%dma_wait3A_59 : memref<128x128xf32, #tpu.memory_space<vmem_shared>>) dst(%arg9 : memref<128x128xf32, #tpu.memory_space<vmem>>)
        tpu.yield
      }) : () -> ()
      %add3A_37 = arith.constant 0 : i32
      %add3A_38 = arith.addi %add3A_37, %mul3A_0 : i32
      %add3A_39 = arith.constant 256 : i32
      %add3A_40 = arith.addi %add3A_38, %add3A_39 : i32
      "tpu.region"() ({
        %run_scoped3A = tpu.sem_alloc : memref<!tpu.dma_semaphore, #tpu.memory_space<semaphore_mem>>
        %dma_start3A = arith.constant 0 : i32
        %dma_start3A_54 = tpu.memref_slice %arg6[%add3A_40, %dma_start3A] : memref<20480x128xf32, #tpu.memory_space<hbm>> -> memref<128x128xf32, #tpu.memory_space<hbm>>
        %dma_start3A_55 = arith.constant 0 : i32
        %dma_start3A_56 = tpu.memref_slice %arg6[%add3A_40, %dma_start3A_55] : memref<20480x128xf32, #tpu.memory_space<hbm>> -> memref<128x128xf32, #tpu.memory_space<hbm>>
        tpu.enqueue_dma source(%arg9 : memref<128x128xf32, #tpu.memory_space<vmem>>) target(%dma_start3A_56 : memref<128x128xf32, #tpu.memory_space<hbm>>) target_semaphore(%run_scoped3A : memref<!tpu.dma_semaphore, #tpu.memory_space<semaphore_mem>>)
        %dma_wait3A = arith.constant 0 : i32
        %dma_wait3A_57 = tpu.memref_slice %arg6[%add3A_40, %dma_wait3A] : memref<20480x128xf32, #tpu.memory_space<hbm>> -> memref<128x128xf32, #tpu.memory_space<hbm>>
        %dma_wait3A_58 = arith.constant 0 : i32
        %dma_wait3A_59 = tpu.memref_slice %arg6[%add3A_40, %dma_wait3A_58] : memref<20480x128xf32, #tpu.memory_space<hbm>> -> memref<128x128xf32, #tpu.memory_space<hbm>>
        tpu.wait_dma2 semaphore(%run_scoped3A : memref<!tpu.dma_semaphore, #tpu.memory_space<semaphore_mem>>) src(%arg9 : memref<128x128xf32, #tpu.memory_space<vmem>>) dst(%dma_wait3A_59 : memref<128x128xf32, #tpu.memory_space<hbm>>)
        tpu.yield
      }) : () -> ()
      %add3A_41 = arith.constant 384 : i32
      %add3A_42 = arith.addi %mul3A_0, %add3A_41 : i32
      "tpu.region"() ({
        %run_scoped3A = tpu.sem_alloc : memref<!tpu.dma_semaphore, #tpu.memory_space<semaphore_mem>>
        %dma_start3A = arith.constant 0 : i32
        %dma_start3A_54 = tpu.memref_slice %arg11[%add3A_42, %dma_start3A] : memref<10240x128xf32, #tpu.memory_space<vmem_shared>> -> memref<128x128xf32, #tpu.memory_space<vmem_shared>>
        %dma_start3A_55 = arith.constant 0 : i32
        %dma_start3A_56 = tpu.memref_slice %arg11[%add3A_42, %dma_start3A_55] : memref<10240x128xf32, #tpu.memory_space<vmem_shared>> -> memref<128x128xf32, #tpu.memory_space<vmem_shared>>
        tpu.enqueue_dma source(%dma_start3A_56 : memref<128x128xf32, #tpu.memory_space<vmem_shared>>) target(%arg9 : memref<128x128xf32, #tpu.memory_space<vmem>>) target_semaphore(%run_scoped3A : memref<!tpu.dma_semaphore, #tpu.memory_space<semaphore_mem>>)
        %dma_wait3A = arith.constant 0 : i32
        %dma_wait3A_57 = tpu.memref_slice %arg11[%add3A_42, %dma_wait3A] : memref<10240x128xf32, #tpu.memory_space<vmem_shared>> -> memref<128x128xf32, #tpu.memory_space<vmem_shared>>
        %dma_wait3A_58 = arith.constant 0 : i32
        %dma_wait3A_59 = tpu.memref_slice %arg11[%add3A_42, %dma_wait3A_58] : memref<10240x128xf32, #tpu.memory_space<vmem_shared>> -> memref<128x128xf32, #tpu.memory_space<vmem_shared>>
        tpu.wait_dma2 semaphore(%run_scoped3A : memref<!tpu.dma_semaphore, #tpu.memory_space<semaphore_mem>>) src(%dma_wait3A_59 : memref<128x128xf32, #tpu.memory_space<vmem_shared>>) dst(%arg9 : memref<128x128xf32, #tpu.memory_space<vmem>>)
        tpu.yield
      }) : () -> ()
      %add3A_43 = arith.constant 0 : i32
      %add3A_44 = arith.addi %add3A_43, %mul3A_0 : i32
      %add3A_45 = arith.constant 384 : i32
      %add3A_46 = arith.addi %add3A_44, %add3A_45 : i32
      "tpu.region"() ({
        %run_scoped3A = tpu.sem_alloc : memref<!tpu.dma_semaphore, #tpu.memory_space<semaphore_mem>>
        %dma_start3A = arith.constant 0 : i32
        %dma_start3A_54 = tpu.memref_slice %arg6[%add3A_46, %dma_start3A] : memref<20480x128xf32, #tpu.memory_space<hbm>> -> memref<128x128xf32, #tpu.memory_space<hbm>>
        %dma_start3A_55 = arith.constant 0 : i32
        %dma_start3A_56 = tpu.memref_slice %arg6[%add3A_46, %dma_start3A_55] : memref<20480x128xf32, #tpu.memory_space<hbm>> -> memref<128x128xf32, #tpu.memory_space<hbm>>
        tpu.enqueue_dma source(%arg9 : memref<128x128xf32, #tpu.memory_space<vmem>>) target(%dma_start3A_56 : memref<128x128xf32, #tpu.memory_space<hbm>>) target_semaphore(%run_scoped3A : memref<!tpu.dma_semaphore, #tpu.memory_space<semaphore_mem>>)
        %dma_wait3A = arith.constant 0 : i32
        %dma_wait3A_57 = tpu.memref_slice %arg6[%add3A_46, %dma_wait3A] : memref<20480x128xf32, #tpu.memory_space<hbm>> -> memref<128x128xf32, #tpu.memory_space<hbm>>
        %dma_wait3A_58 = arith.constant 0 : i32
        %dma_wait3A_59 = tpu.memref_slice %arg6[%add3A_46, %dma_wait3A_58] : memref<20480x128xf32, #tpu.memory_space<hbm>> -> memref<128x128xf32, #tpu.memory_space<hbm>>
        tpu.wait_dma2 semaphore(%run_scoped3A : memref<!tpu.dma_semaphore, #tpu.memory_space<semaphore_mem>>) src(%arg9 : memref<128x128xf32, #tpu.memory_space<vmem>>) dst(%dma_wait3A_59 : memref<128x128xf32, #tpu.memory_space<hbm>>)
        tpu.yield
      }) : () -> ()
      %add3A_47 = arith.constant 512 : i32
      %add3A_48 = arith.addi %mul3A_0, %add3A_47 : i32
      "tpu.region"() ({
        %run_scoped3A = tpu.sem_alloc : memref<!tpu.dma_semaphore, #tpu.memory_space<semaphore_mem>>
        %dma_start3A = arith.constant 0 : i32
        %dma_start3A_54 = tpu.memref_slice %arg11[%add3A_48, %dma_start3A] : memref<10240x128xf32, #tpu.memory_space<vmem_shared>> -> memref<128x128xf32, #tpu.memory_space<vmem_shared>>
        %dma_start3A_55 = arith.constant 0 : i32
        %dma_start3A_56 = tpu.memref_slice %arg11[%add3A_48, %dma_start3A_55] : memref<10240x128xf32, #tpu.memory_space<vmem_shared>> -> memref<128x128xf32, #tpu.memory_space<vmem_shared>>
        tpu.enqueue_dma source(%dma_start3A_56 : memref<128x128xf32, #tpu.memory_space<vmem_shared>>) target(%arg9 : memref<128x128xf32, #tpu.memory_space<vmem>>) target_semaphore(%run_scoped3A : memref<!tpu.dma_semaphore, #tpu.memory_space<semaphore_mem>>)
        %dma_wait3A = arith.constant 0 : i32
        %dma_wait3A_57 = tpu.memref_slice %arg11[%add3A_48, %dma_wait3A] : memref<10240x128xf32, #tpu.memory_space<vmem_shared>> -> memref<128x128xf32, #tpu.memory_space<vmem_shared>>
        %dma_wait3A_58 = arith.constant 0 : i32
        %dma_wait3A_59 = tpu.memref_slice %arg11[%add3A_48, %dma_wait3A_58] : memref<10240x128xf32, #tpu.memory_space<vmem_shared>> -> memref<128x128xf32, #tpu.memory_space<vmem_shared>>
        tpu.wait_dma2 semaphore(%run_scoped3A : memref<!tpu.dma_semaphore, #tpu.memory_space<semaphore_mem>>) src(%dma_wait3A_59 : memref<128x128xf32, #tpu.memory_space<vmem_shared>>) dst(%arg9 : memref<128x128xf32, #tpu.memory_space<vmem>>)
        tpu.yield
      }) : () -> ()
      %add3A_49 = arith.constant 0 : i32
      %add3A_50 = arith.addi %add3A_49, %mul3A_0 : i32
      %add3A_51 = arith.constant 512 : i32
      %add3A_52 = arith.addi %add3A_50, %add3A_51 : i32
      "tpu.region"() ({
        %run_scoped3A = tpu.sem_alloc : memref<!tpu.dma_semaphore, #tpu.memory_space<semaphore_mem>>
        %dma_start3A = arith.constant 0 : i32
        %dma_start3A_54 = tpu.memref_slice %arg6[%add3A_52, %dma_start3A] : memref<20480x128xf32, #tpu.memory_space<hbm>> -> memref<128x128xf32, #tpu.memory_space<hbm>>
        %dma_start3A_55 = arith.constant 0 : i32
        %dma_start3A_56 = tpu.memref_slice %arg6[%add3A_52, %dma_start3A_55] : memref<20480x128xf32, #tpu.memory_space<hbm>> -> memref<128x128xf32, #tpu.memory_space<hbm>>
        tpu.enqueue_dma source(%arg9 : memref<128x128xf32, #tpu.memory_space<vmem>>) target(%dma_start3A_56 : memref<128x128xf32, #tpu.memory_space<hbm>>) target_semaphore(%run_scoped3A : memref<!tpu.dma_semaphore, #tpu.memory_space<semaphore_mem>>)
        %dma_wait3A = arith.constant 0 : i32
        %dma_wait3A_57 = tpu.memref_slice %arg6[%add3A_52, %dma_wait3A] : memref<20480x128xf32, #tpu.memory_space<hbm>> -> memref<128x128xf32, #tpu.memory_space<hbm>>
        %dma_wait3A_58 = arith.constant 0 : i32
        %dma_wait3A_59 = tpu.memref_slice %arg6[%add3A_52, %dma_wait3A_58] : memref<20480x128xf32, #tpu.memory_space<hbm>> -> memref<128x128xf32, #tpu.memory_space<hbm>>
        tpu.wait_dma2 semaphore(%run_scoped3A : memref<!tpu.dma_semaphore, #tpu.memory_space<semaphore_mem>>) src(%arg9 : memref<128x128xf32, #tpu.memory_space<vmem>>) dst(%dma_wait3A_59 : memref<128x128xf32, #tpu.memory_space<hbm>>)
        tpu.yield
      }) : () -> ()
      %barrier3A_53 = arith.constant 0 : index
      tpu.barrier barrier_id(%barrier3A_53)
    } else {
    }
    %eq3A_3 = arith.constant 1 : i32
    %eq3A_4 = arith.cmpi eq, %arg0, %eq3A_3 : i32
    %convert_element_type3A_5 = arith.extui %eq3A_4 : i1 to i32
    %cond3A_6 = arith.constant 0 : i32
    %cond3A_7 = arith.cmpi ne, %convert_element_type3A_5, %cond3A_6 : i32
    scf.if %cond3A_7 {
      "tpu.region"() ({
        %run_scoped3A = tpu.sem_alloc : memref<!tpu.dma_semaphore, #tpu.memory_space<semaphore_mem>>
        tpu.enqueue_dma source(%arg5 : memref<128x128xf32, #tpu.memory_space<hbm>>) target(%arg9 : memref<128x128xf32, #tpu.memory_space<vmem>>) target_semaphore(%run_scoped3A : memref<!tpu.dma_semaphore, #tpu.memory_space<semaphore_mem>>)
        tpu.wait_dma2 semaphore(%run_scoped3A : memref<!tpu.dma_semaphore, #tpu.memory_space<semaphore_mem>>) src(%arg5 : memref<128x128xf32, #tpu.memory_space<hbm>>) dst(%arg9 : memref<128x128xf32, #tpu.memory_space<vmem>>)
        tpu.yield
      }) : () -> ()
      %add3A = arith.constant 0 : i32
      %add3A_8 = arith.addi %mul3A_0, %add3A : i32
      "tpu.region"() ({
        %run_scoped3A = tpu.sem_alloc : memref<!tpu.dma_semaphore, #tpu.memory_space<semaphore_mem>>
        %dma_start3A = arith.constant 0 : i32
        %dma_start3A_54 = tpu.memref_slice %arg11[%add3A_8, %dma_start3A] : memref<10240x128xf32, #tpu.memory_space<vmem_shared>> -> memref<128x128xf32, #tpu.memory_space<vmem_shared>>
        %dma_start3A_55 = arith.constant 0 : i32
        %dma_start3A_56 = tpu.memref_slice %arg11[%add3A_8, %dma_start3A_55] : memref<10240x128xf32, #tpu.memory_space<vmem_shared>> -> memref<128x128xf32, #tpu.memory_space<vmem_shared>>
        tpu.enqueue_dma source(%arg9 : memref<128x128xf32, #tpu.memory_space<vmem>>) target(%dma_start3A_56 : memref<128x128xf32, #tpu.memory_space<vmem_shared>>) target_semaphore(%run_scoped3A : memref<!tpu.dma_semaphore, #tpu.memory_space<semaphore_mem>>)
        %dma_wait3A = arith.constant 0 : i32
        %dma_wait3A_57 = tpu.memref_slice %arg11[%add3A_8, %dma_wait3A] : memref<10240x128xf32, #tpu.memory_space<vmem_shared>> -> memref<128x128xf32, #tpu.memory_space<vmem_shared>>
        %dma_wait3A_58 = arith.constant 0 : i32
        %dma_wait3A_59 = tpu.memref_slice %arg11[%add3A_8, %dma_wait3A_58] : memref<10240x128xf32, #tpu.memory_space<vmem_shared>> -> memref<128x128xf32, #tpu.memory_space<vmem_shared>>
        tpu.wait_dma2 semaphore(%run_scoped3A : memref<!tpu.dma_semaphore, #tpu.memory_space<semaphore_mem>>) src(%arg9 : memref<128x128xf32, #tpu.memory_space<vmem>>) dst(%dma_wait3A_59 : memref<128x128xf32, #tpu.memory_space<vmem_shared>>)
        tpu.yield
      }) : () -> ()
      %add3A_9 = arith.constant 128 : i32
      %add3A_10 = arith.addi %mul3A_0, %add3A_9 : i32
      "tpu.region"() ({
        %run_scoped3A = tpu.sem_alloc : memref<!tpu.dma_semaphore, #tpu.memory_space<semaphore_mem>>
        %dma_start3A = arith.constant 0 : i32
        %dma_start3A_54 = tpu.memref_slice %arg11[%add3A_10, %dma_start3A] : memref<10240x128xf32, #tpu.memory_space<vmem_shared>> -> memref<128x128xf32, #tpu.memory_space<vmem_shared>>
        %dma_start3A_55 = arith.constant 0 : i32
        %dma_start3A_56 = tpu.memref_slice %arg11[%add3A_10, %dma_start3A_55] : memref<10240x128xf32, #tpu.memory_space<vmem_shared>> -> memref<128x128xf32, #tpu.memory_space<vmem_shared>>
        tpu.enqueue_dma source(%arg9 : memref<128x128xf32, #tpu.memory_space<vmem>>) target(%dma_start3A_56 : memref<128x128xf32, #tpu.memory_space<vmem_shared>>) target_semaphore(%run_scoped3A : memref<!tpu.dma_semaphore, #tpu.memory_space<semaphore_mem>>)
        %dma_wait3A = arith.constant 0 : i32
        %dma_wait3A_57 = tpu.memref_slice %arg11[%add3A_10, %dma_wait3A] : memref<10240x128xf32, #tpu.memory_space<vmem_shared>> -> memref<128x128xf32, #tpu.memory_space<vmem_shared>>
        %dma_wait3A_58 = arith.constant 0 : i32
        %dma_wait3A_59 = tpu.memref_slice %arg11[%add3A_10, %dma_wait3A_58] : memref<10240x128xf32, #tpu.memory_space<vmem_shared>> -> memref<128x128xf32, #tpu.memory_space<vmem_shared>>
        tpu.wait_dma2 semaphore(%run_scoped3A : memref<!tpu.dma_semaphore, #tpu.memory_space<semaphore_mem>>) src(%arg9 : memref<128x128xf32, #tpu.memory_space<vmem>>) dst(%dma_wait3A_59 : memref<128x128xf32, #tpu.memory_space<vmem_shared>>)
        tpu.yield
      }) : () -> ()
      %add3A_11 = arith.constant 256 : i32
      %add3A_12 = arith.addi %mul3A_0, %add3A_11 : i32
      "tpu.region"() ({
        %run_scoped3A = tpu.sem_alloc : memref<!tpu.dma_semaphore, #tpu.memory_space<semaphore_mem>>
        %dma_start3A = arith.constant 0 : i32
        %dma_start3A_54 = tpu.memref_slice %arg11[%add3A_12, %dma_start3A] : memref<10240x128xf32, #tpu.memory_space<vmem_shared>> -> memref<128x128xf32, #tpu.memory_space<vmem_shared>>
        %dma_start3A_55 = arith.constant 0 : i32
        %dma_start3A_56 = tpu.memref_slice %arg11[%add3A_12, %dma_start3A_55] : memref<10240x128xf32, #tpu.memory_space<vmem_shared>> -> memref<128x128xf32, #tpu.memory_space<vmem_shared>>
        tpu.enqueue_dma source(%arg9 : memref<128x128xf32, #tpu.memory_space<vmem>>) target(%dma_start3A_56 : memref<128x128xf32, #tpu.memory_space<vmem_shared>>) target_semaphore(%run_scoped3A : memref<!tpu.dma_semaphore, #tpu.memory_space<semaphore_mem>>)
        %dma_wait3A = arith.constant 0 : i32
        %dma_wait3A_57 = tpu.memref_slice %arg11[%add3A_12, %dma_wait3A] : memref<10240x128xf32, #tpu.memory_space<vmem_shared>> -> memref<128x128xf32, #tpu.memory_space<vmem_shared>>
        %dma_wait3A_58 = arith.constant 0 : i32
        %dma_wait3A_59 = tpu.memref_slice %arg11[%add3A_12, %dma_wait3A_58] : memref<10240x128xf32, #tpu.memory_space<vmem_shared>> -> memref<128x128xf32, #tpu.memory_space<vmem_shared>>
        tpu.wait_dma2 semaphore(%run_scoped3A : memref<!tpu.dma_semaphore, #tpu.memory_space<semaphore_mem>>) src(%arg9 : memref<128x128xf32, #tpu.memory_space<vmem>>) dst(%dma_wait3A_59 : memref<128x128xf32, #tpu.memory_space<vmem_shared>>)
        tpu.yield
      }) : () -> ()
      %add3A_13 = arith.constant 384 : i32
      %add3A_14 = arith.addi %mul3A_0, %add3A_13 : i32
      "tpu.region"() ({
        %run_scoped3A = tpu.sem_alloc : memref<!tpu.dma_semaphore, #tpu.memory_space<semaphore_mem>>
        %dma_start3A = arith.constant 0 : i32
        %dma_start3A_54 = tpu.memref_slice %arg11[%add3A_14, %dma_start3A] : memref<10240x128xf32, #tpu.memory_space<vmem_shared>> -> memref<128x128xf32, #tpu.memory_space<vmem_shared>>
        %dma_start3A_55 = arith.constant 0 : i32
        %dma_start3A_56 = tpu.memref_slice %arg11[%add3A_14, %dma_start3A_55] : memref<10240x128xf32, #tpu.memory_space<vmem_shared>> -> memref<128x128xf32, #tpu.memory_space<vmem_shared>>
        tpu.enqueue_dma source(%arg9 : memref<128x128xf32, #tpu.memory_space<vmem>>) target(%dma_start3A_56 : memref<128x128xf32, #tpu.memory_space<vmem_shared>>) target_semaphore(%run_scoped3A : memref<!tpu.dma_semaphore, #tpu.memory_space<semaphore_mem>>)
        %dma_wait3A = arith.constant 0 : i32
        %dma_wait3A_57 = tpu.memref_slice %arg11[%add3A_14, %dma_wait3A] : memref<10240x128xf32, #tpu.memory_space<vmem_shared>> -> memref<128x128xf32, #tpu.memory_space<vmem_shared>>
        %dma_wait3A_58 = arith.constant 0 : i32
        %dma_wait3A_59 = tpu.memref_slice %arg11[%add3A_14, %dma_wait3A_58] : memref<10240x128xf32, #tpu.memory_space<vmem_shared>> -> memref<128x128xf32, #tpu.memory_space<vmem_shared>>
        tpu.wait_dma2 semaphore(%run_scoped3A : memref<!tpu.dma_semaphore, #tpu.memory_space<semaphore_mem>>) src(%arg9 : memref<128x128xf32, #tpu.memory_space<vmem>>) dst(%dma_wait3A_59 : memref<128x128xf32, #tpu.memory_space<vmem_shared>>)
        tpu.yield
      }) : () -> ()
      %add3A_15 = arith.constant 512 : i32
      %add3A_16 = arith.addi %mul3A_0, %add3A_15 : i32
      "tpu.region"() ({
        %run_scoped3A = tpu.sem_alloc : memref<!tpu.dma_semaphore, #tpu.memory_space<semaphore_mem>>
        %dma_start3A = arith.constant 0 : i32
        %dma_start3A_54 = tpu.memref_slice %arg11[%add3A_16, %dma_start3A] : memref<10240x128xf32, #tpu.memory_space<vmem_shared>> -> memref<128x128xf32, #tpu.memory_space<vmem_shared>>
        %dma_start3A_55 = arith.constant 0 : i32
        %dma_start3A_56 = tpu.memref_slice %arg11[%add3A_16, %dma_start3A_55] : memref<10240x128xf32, #tpu.memory_space<vmem_shared>> -> memref<128x128xf32, #tpu.memory_space<vmem_shared>>
        tpu.enqueue_dma source(%arg9 : memref<128x128xf32, #tpu.memory_space<vmem>>) target(%dma_start3A_56 : memref<128x128xf32, #tpu.memory_space<vmem_shared>>) target_semaphore(%run_scoped3A : memref<!tpu.dma_semaphore, #tpu.memory_space<semaphore_mem>>)
        %dma_wait3A = arith.constant 0 : i32
        %dma_wait3A_57 = tpu.memref_slice %arg11[%add3A_16, %dma_wait3A] : memref<10240x128xf32, #tpu.memory_space<vmem_shared>> -> memref<128x128xf32, #tpu.memory_space<vmem_shared>>
        %dma_wait3A_58 = arith.constant 0 : i32
        %dma_wait3A_59 = tpu.memref_slice %arg11[%add3A_16, %dma_wait3A_58] : memref<10240x128xf32, #tpu.memory_space<vmem_shared>> -> memref<128x128xf32, #tpu.memory_space<vmem_shared>>
        tpu.wait_dma2 semaphore(%run_scoped3A : memref<!tpu.dma_semaphore, #tpu.memory_space<semaphore_mem>>) src(%arg9 : memref<128x128xf32, #tpu.memory_space<vmem>>) dst(%dma_wait3A_59 : memref<128x128xf32, #tpu.memory_space<vmem_shared>>)
        tpu.yield
      }) : () -> ()
      %barrier3A = arith.constant 0 : index
      tpu.barrier barrier_id(%barrier3A)
      %scan3A = arith.constant 0 : i32
      %scan3A_17 = arith.constant 0 : i32
      %scan3A_18 = arith.constant 5 : i32
      %scan3A_19 = arith.addi %scan3A_17, %scan3A_18 : i32
      %scan3A_20 = arith.constant 1 : i32
      scf.for %scan3A_54 = %scan3A_17 to %scan3A_19 step %scan3A_20  : i32 {
        %mul3A_55 = arith.constant 160 : i32
        %mul3A_56 = arith.muli %arg1, %mul3A_55 : i32
        %mul3A_57 = arith.constant 32 : i32
        %mul3A_58 = arith.muli %scan3A_54, %mul3A_57 : i32
        %add3A_59 = arith.addi %mul3A_56, %mul3A_58 : i32
        "tpu.region"() ({
          %run_scoped3A = tpu.sem_alloc : memref<!tpu.dma_semaphore, #tpu.memory_space<semaphore_mem>>
          %dma_start3A_82 = arith.constant 0 : i32
          %dma_start3A_83 = tpu.memref_slice %arg3[%add3A_59, %dma_start3A_82] : memref<2560x128xi32, #tpu.memory_space<hbm>> -> memref<32x128xi32, #tpu.memory_space<hbm>>
          %dma_start3A_84 = arith.constant 0 : i32
          %dma_start3A_85 = tpu.memref_slice %arg3[%add3A_59, %dma_start3A_84] : memref<2560x128xi32, #tpu.memory_space<hbm>> -> memref<32x128xi32, #tpu.memory_space<hbm>>
          tpu.enqueue_dma source(%dma_start3A_85 : memref<32x128xi32, #tpu.memory_space<hbm>>) target(%arg7 : memref<32x128xi32, #tpu.memory_space<vmem>>) target_semaphore(%run_scoped3A : memref<!tpu.dma_semaphore, #tpu.memory_space<semaphore_mem>>)
          %dma_wait3A = arith.constant 0 : i32
          %dma_wait3A_86 = tpu.memref_slice %arg3[%add3A_59, %dma_wait3A] : memref<2560x128xi32, #tpu.memory_space<hbm>> -> memref<32x128xi32, #tpu.memory_space<hbm>>
          %dma_wait3A_87 = arith.constant 0 : i32
          %dma_wait3A_88 = tpu.memref_slice %arg3[%add3A_59, %dma_wait3A_87] : memref<2560x128xi32, #tpu.memory_space<hbm>> -> memref<32x128xi32, #tpu.memory_space<hbm>>
          tpu.wait_dma2 semaphore(%run_scoped3A : memref<!tpu.dma_semaphore, #tpu.memory_space<semaphore_mem>>) src(%dma_wait3A_88 : memref<32x128xi32, #tpu.memory_space<hbm>>) dst(%arg7 : memref<32x128xi32, #tpu.memory_space<vmem>>)
          tpu.yield
        }) : () -> ()
        %mul3A_60 = arith.constant 160 : i32
        %mul3A_61 = arith.muli %arg1, %mul3A_60 : i32
        %mul3A_62 = arith.constant 32 : i32
        %mul3A_63 = arith.muli %scan3A_54, %mul3A_62 : i32
        %add3A_64 = arith.addi %mul3A_61, %mul3A_63 : i32
        "tpu.region"() ({
          %run_scoped3A = tpu.sem_alloc : memref<!tpu.dma_semaphore, #tpu.memory_space<semaphore_mem>>
          %dma_start3A_82 = arith.constant 0 : i32
          %dma_start3A_83 = tpu.memref_slice %arg4[%add3A_64, %dma_start3A_82] : memref<2560x128xi32, #tpu.memory_space<hbm>> -> memref<32x128xi32, #tpu.memory_space<hbm>>
          %dma_start3A_84 = arith.constant 0 : i32
          %dma_start3A_85 = tpu.memref_slice %arg4[%add3A_64, %dma_start3A_84] : memref<2560x128xi32, #tpu.memory_space<hbm>> -> memref<32x128xi32, #tpu.memory_space<hbm>>
          tpu.enqueue_dma source(%dma_start3A_85 : memref<32x128xi32, #tpu.memory_space<hbm>>) target(%arg8 : memref<32x128xi32, #tpu.memory_space<vmem>>) target_semaphore(%run_scoped3A : memref<!tpu.dma_semaphore, #tpu.memory_space<semaphore_mem>>)
          %dma_wait3A = arith.constant 0 : i32
          %dma_wait3A_86 = tpu.memref_slice %arg4[%add3A_64, %dma_wait3A] : memref<2560x128xi32, #tpu.memory_space<hbm>> -> memref<32x128xi32, #tpu.memory_space<hbm>>
          %dma_wait3A_87 = arith.constant 0 : i32
          %dma_wait3A_88 = tpu.memref_slice %arg4[%add3A_64, %dma_wait3A_87] : memref<2560x128xi32, #tpu.memory_space<hbm>> -> memref<32x128xi32, #tpu.memory_space<hbm>>
          tpu.wait_dma2 semaphore(%run_scoped3A : memref<!tpu.dma_semaphore, #tpu.memory_space<semaphore_mem>>) src(%dma_wait3A_88 : memref<32x128xi32, #tpu.memory_space<hbm>>) dst(%arg8 : memref<32x128xi32, #tpu.memory_space<vmem>>)
          tpu.yield
        }) : () -> ()
        %dma_start3A = arith.constant 1 : i32
        %dma_start3A_65 = arith.constant 0 : i32
        %dma_start3A_66 = arith.constant 0 : i32
        %dma_start3A_67 = tpu.memref_slice %arg7[%dma_start3A_65, %dma_start3A_66] : memref<32x128xi32, #tpu.memory_space<vmem>> -> memref<1x128xi32, #tpu.memory_space<vmem>>
        %dma_start3A_68 = tpu.memref_squeeze %dma_start3A_67 : memref<1x128xi32, #tpu.memory_space<vmem>> -> memref<128xi32, #tpu.memory_space<vmem>>
        %dma_start3A_69 = arith.constant 0 : i32
        %dma_start3A_70 = arith.constant 0 : i32
        %dma_start3A_71 = tpu.memref_slice %arg2[%dma_start3A, %dma_start3A_69, %dma_start3A_70] : memref<2x10000x128xf32, #tpu.memory_space<hbm>> -> memref<1x10000x128xf32, #tpu.memory_space<hbm>>
        %dma_start3A_72 = tpu.memref_squeeze %dma_start3A_71 : memref<1x10000x128xf32, #tpu.memory_space<hbm>> -> memref<10000x128xf32, #tpu.memory_space<hbm>>
        %dma_start3A_73 = arith.constant 0 : i32
        %dma_start3A_74 = arith.constant 0 : i32
        %dma_start3A_75 = tpu.memref_slice %dma_start3A_72[%dma_start3A_73, %dma_start3A_74] : memref<10000x128xf32, #tpu.memory_space<hbm>> -> memref<10000x128xf32, #tpu.memory_space<hbm>>
        tpu.enqueue_indirect_dma source(%dma_start3A_75 : memref<10000x128xf32, #tpu.memory_space<hbm>>) target(%arg9 : memref<128x128xf32, #tpu.memory_space<vmem>>) offsets(%dma_start3A_68 : memref<128xi32, #tpu.memory_space<vmem>>) semaphore(%arg12 : memref<!tpu.dma_semaphore, #tpu.memory_space<semaphore_mem>>)
        %scan3A_76 = arith.constant 0 : i32
        %scan3A_77 = arith.constant 0 : i32
        %scan3A_78 = arith.constant 16 : i32
        %scan3A_79 = arith.addi %scan3A_77, %scan3A_78 : i32
        %scan3A_80 = arith.constant 1 : i32
        scf.for %scan3A_82 = %scan3A_77 to %scan3A_79 step %scan3A_80  : i32 {
          tpu.wait_dma2 semaphore(%arg12 : memref<!tpu.dma_semaphore, #tpu.memory_space<semaphore_mem>>) src(%arg5 : memref<128x128xf32, #tpu.memory_space<hbm>>) dst(%arg9 : memref<128x128xf32, #tpu.memory_space<vmem>>)
          %mul3A_83 = arith.constant 2 : i32
          %mul3A_84 = arith.muli %mul3A_83, %scan3A_82 : i32
          %add3A_85 = arith.constant 1 : i32
          %add3A_86 = arith.addi %mul3A_84, %add3A_85 : i32
          %dma_start3A_87 = arith.constant 1 : i32
          %dma_start3A_88 = arith.constant 0 : i32
          %dma_start3A_89 = tpu.memref_slice %arg7[%add3A_86, %dma_start3A_88] : memref<32x128xi32, #tpu.memory_space<vmem>> -> memref<1x128xi32, #tpu.memory_space<vmem>>
          %dma_start3A_90 = tpu.memref_squeeze %dma_start3A_89 : memref<1x128xi32, #tpu.memory_space<vmem>> -> memref<128xi32, #tpu.memory_space<vmem>>
          %dma_start3A_91 = arith.constant 0 : i32
          %dma_start3A_92 = arith.constant 0 : i32
          %dma_start3A_93 = tpu.memref_slice %arg2[%dma_start3A_87, %dma_start3A_91, %dma_start3A_92] : memref<2x10000x128xf32, #tpu.memory_space<hbm>> -> memref<1x10000x128xf32, #tpu.memory_space<hbm>>
          %dma_start3A_94 = tpu.memref_squeeze %dma_start3A_93 : memref<1x10000x128xf32, #tpu.memory_space<hbm>> -> memref<10000x128xf32, #tpu.memory_space<hbm>>
          %dma_start3A_95 = arith.constant 0 : i32
          %dma_start3A_96 = arith.constant 0 : i32
          %dma_start3A_97 = tpu.memref_slice %dma_start3A_94[%dma_start3A_95, %dma_start3A_96] : memref<10000x128xf32, #tpu.memory_space<hbm>> -> memref<10000x128xf32, #tpu.memory_space<hbm>>
          tpu.enqueue_indirect_dma source(%dma_start3A_97 : memref<10000x128xf32, #tpu.memory_space<hbm>>) target(%arg10 : memref<128x128xf32, #tpu.memory_space<vmem>>) offsets(%dma_start3A_90 : memref<128xi32, #tpu.memory_space<vmem>>) semaphore(%arg13 : memref<!tpu.dma_semaphore, #tpu.memory_space<semaphore_mem>>)
          %mul3A_98 = arith.constant 2 : i32
          %mul3A_99 = arith.muli %mul3A_98, %scan3A_82 : i32
          "tpu.region"() ({
            %run_scoped3A = tpu.sem_alloc : memref<!tpu.dma_semaphore, #tpu.memory_space<semaphore_mem>>
            %dma_start3A_108 = arith.constant 0 : i32
            %dma_start3A_109 = tpu.memref_slice %arg8[%mul3A_99, %dma_start3A_108] : memref<32x128xi32, #tpu.memory_space<vmem>> -> memref<1x128xi32, #tpu.memory_space<vmem>>
            %dma_start3A_110 = tpu.memref_squeeze %dma_start3A_109 : memref<1x128xi32, #tpu.memory_space<vmem>> -> memref<128xi32, #tpu.memory_space<vmem>>
            %dma_start3A_111 = arith.constant 0 : i32
            %dma_start3A_112 = arith.constant 0 : i32
            %dma_start3A_113 = tpu.memref_slice %arg11[%dma_start3A_111, %dma_start3A_112] : memref<10240x128xf32, #tpu.memory_space<vmem_shared>> -> memref<10240x128xf32, #tpu.memory_space<vmem_shared>>
            tpu.enqueue_indirect_dma source(%arg9 : memref<128x128xf32, #tpu.memory_space<vmem>>) target(%dma_start3A_113 : memref<10240x128xf32, #tpu.memory_space<vmem_shared>>) offsets(%dma_start3A_110 : memref<128xi32, #tpu.memory_space<vmem>>) semaphore(%run_scoped3A : memref<!tpu.dma_semaphore, #tpu.memory_space<semaphore_mem>>) {add = true}
            %dma_wait3A = arith.constant 0 : i32
            %dma_wait3A_114 = tpu.memref_slice %arg8[%mul3A_99, %dma_wait3A] : memref<32x128xi32, #tpu.memory_space<vmem>> -> memref<1x128xi32, #tpu.memory_space<vmem>>
            %dma_wait3A_115 = tpu.memref_squeeze %dma_wait3A_114 : memref<1x128xi32, #tpu.memory_space<vmem>> -> memref<128xi32, #tpu.memory_space<vmem>>
            %dma_wait3A_116 = arith.constant 0 : i32
            %dma_wait3A_117 = arith.constant 0 : i32
            %dma_wait3A_118 = tpu.memref_slice %arg11[%dma_wait3A_116, %dma_wait3A_117] : memref<10240x128xf32, #tpu.memory_space<vmem_shared>> -> memref<10240x128xf32, #tpu.memory_space<vmem_shared>>
            tpu.wait_indirect_dma semaphore(%run_scoped3A : memref<!tpu.dma_semaphore, #tpu.memory_space<semaphore_mem>>) src(%arg9 : memref<128x128xf32, #tpu.memory_space<vmem>>) dst(%dma_wait3A_118 : memref<10240x128xf32, #tpu.memory_space<vmem_shared>>)
            tpu.yield
          }) : () -> ()
          tpu.wait_dma2 semaphore(%arg13 : memref<!tpu.dma_semaphore, #tpu.memory_space<semaphore_mem>>) src(%arg5 : memref<128x128xf32, #tpu.memory_space<hbm>>) dst(%arg10 : memref<128x128xf32, #tpu.memory_space<vmem>>)
          %lt3A = arith.constant 15 : i32
          %lt3A_100 = arith.cmpi slt, %scan3A_82, %lt3A : i32
          %convert_element_type3A_101 = arith.extui %lt3A_100 : i1 to i32
          %cond3A_102 = arith.constant 0 : i32
          %cond3A_103 = arith.cmpi ne, %convert_element_type3A_101, %cond3A_102 : i32
          scf.if %cond3A_103 {
            %mul3A_108 = arith.constant 2 : i32
            %mul3A_109 = arith.muli %mul3A_108, %scan3A_82 : i32
            %add3A_110 = arith.constant 2 : i32
            %add3A_111 = arith.addi %mul3A_109, %add3A_110 : i32
            %dma_start3A_112 = arith.constant 1 : i32
            %dma_start3A_113 = arith.constant 0 : i32
            %dma_start3A_114 = tpu.memref_slice %arg7[%add3A_111, %dma_start3A_113] : memref<32x128xi32, #tpu.memory_space<vmem>> -> memref<1x128xi32, #tpu.memory_space<vmem>>
            %dma_start3A_115 = tpu.memref_squeeze %dma_start3A_114 : memref<1x128xi32, #tpu.memory_space<vmem>> -> memref<128xi32, #tpu.memory_space<vmem>>
            %dma_start3A_116 = arith.constant 0 : i32
            %dma_start3A_117 = arith.constant 0 : i32
            %dma_start3A_118 = tpu.memref_slice %arg2[%dma_start3A_112, %dma_start3A_116, %dma_start3A_117] : memref<2x10000x128xf32, #tpu.memory_space<hbm>> -> memref<1x10000x128xf32, #tpu.memory_space<hbm>>
            %dma_start3A_119 = tpu.memref_squeeze %dma_start3A_118 : memref<1x10000x128xf32, #tpu.memory_space<hbm>> -> memref<10000x128xf32, #tpu.memory_space<hbm>>
            %dma_start3A_120 = arith.constant 0 : i32
            %dma_start3A_121 = arith.constant 0 : i32
            %dma_start3A_122 = tpu.memref_slice %dma_start3A_119[%dma_start3A_120, %dma_start3A_121] : memref<10000x128xf32, #tpu.memory_space<hbm>> -> memref<10000x128xf32, #tpu.memory_space<hbm>>
            tpu.enqueue_indirect_dma source(%dma_start3A_122 : memref<10000x128xf32, #tpu.memory_space<hbm>>) target(%arg9 : memref<128x128xf32, #tpu.memory_space<vmem>>) offsets(%dma_start3A_115 : memref<128xi32, #tpu.memory_space<vmem>>) semaphore(%arg12 : memref<!tpu.dma_semaphore, #tpu.memory_space<semaphore_mem>>)
          } else {
          }
          %mul3A_104 = arith.constant 2 : i32
          %mul3A_105 = arith.muli %mul3A_104, %scan3A_82 : i32
          %add3A_106 = arith.constant 1 : i32
          %add3A_107 = arith.addi %mul3A_105, %add3A_106 : i32
          "tpu.region"() ({
            %run_scoped3A = tpu.sem_alloc : memref<!tpu.dma_semaphore, #tpu.memory_space<semaphore_mem>>
            %dma_start3A_108 = arith.constant 0 : i32
            %dma_start3A_109 = tpu.memref_slice %arg8[%add3A_107, %dma_start3A_108] : memref<32x128xi32, #tpu.memory_space<vmem>> -> memref<1x128xi32, #tpu.memory_space<vmem>>
            %dma_start3A_110 = tpu.memref_squeeze %dma_start3A_109 : memref<1x128xi32, #tpu.memory_space<vmem>> -> memref<128xi32, #tpu.memory_space<vmem>>
            %dma_start3A_111 = arith.constant 0 : i32
            %dma_start3A_112 = arith.constant 0 : i32
            %dma_start3A_113 = tpu.memref_slice %arg11[%dma_start3A_111, %dma_start3A_112] : memref<10240x128xf32, #tpu.memory_space<vmem_shared>> -> memref<10240x128xf32, #tpu.memory_space<vmem_shared>>
            tpu.enqueue_indirect_dma source(%arg10 : memref<128x128xf32, #tpu.memory_space<vmem>>) target(%dma_start3A_113 : memref<10240x128xf32, #tpu.memory_space<vmem_shared>>) offsets(%dma_start3A_110 : memref<128xi32, #tpu.memory_space<vmem>>) semaphore(%run_scoped3A : memref<!tpu.dma_semaphore, #tpu.memory_space<semaphore_mem>>) {add = true}
            %dma_wait3A = arith.constant 0 : i32
            %dma_wait3A_114 = tpu.memref_slice %arg8[%add3A_107, %dma_wait3A] : memref<32x128xi32, #tpu.memory_space<vmem>> -> memref<1x128xi32, #tpu.memory_space<vmem>>
            %dma_wait3A_115 = tpu.memref_squeeze %dma_wait3A_114 : memref<1x128xi32, #tpu.memory_space<vmem>> -> memref<128xi32, #tpu.memory_space<vmem>>
            %dma_wait3A_116 = arith.constant 0 : i32
            %dma_wait3A_117 = arith.constant 0 : i32
            %dma_wait3A_118 = tpu.memref_slice %arg11[%dma_wait3A_116, %dma_wait3A_117] : memref<10240x128xf32, #tpu.memory_space<vmem_shared>> -> memref<10240x128xf32, #tpu.memory_space<vmem_shared>>
            tpu.wait_indirect_dma semaphore(%run_scoped3A : memref<!tpu.dma_semaphore, #tpu.memory_space<semaphore_mem>>) src(%arg10 : memref<128x128xf32, #tpu.memory_space<vmem>>) dst(%dma_wait3A_118 : memref<10240x128xf32, #tpu.memory_space<vmem_shared>>)
            tpu.yield
          }) : () -> ()
        }
        %scan3A_81 = arith.constant 16 : i32
      }
      %scan3A_21 = arith.constant 5 : i32
      %barrier3A_22 = arith.constant 0 : index
      tpu.barrier barrier_id(%barrier3A_22)
      %add3A_23 = arith.constant 0 : i32
      %add3A_24 = arith.addi %mul3A_0, %add3A_23 : i32
      "tpu.region"() ({
        %run_scoped3A = tpu.sem_alloc : memref<!tpu.dma_semaphore, #tpu.memory_space<semaphore_mem>>
        %dma_start3A = arith.constant 0 : i32
        %dma_start3A_54 = tpu.memref_slice %arg11[%add3A_24, %dma_start3A] : memref<10240x128xf32, #tpu.memory_space<vmem_shared>> -> memref<128x128xf32, #tpu.memory_space<vmem_shared>>
        %dma_start3A_55 = arith.constant 0 : i32
        %dma_start3A_56 = tpu.memref_slice %arg11[%add3A_24, %dma_start3A_55] : memref<10240x128xf32, #tpu.memory_space<vmem_shared>> -> memref<128x128xf32, #tpu.memory_space<vmem_shared>>
        tpu.enqueue_dma source(%dma_start3A_56 : memref<128x128xf32, #tpu.memory_space<vmem_shared>>) target(%arg9 : memref<128x128xf32, #tpu.memory_space<vmem>>) target_semaphore(%run_scoped3A : memref<!tpu.dma_semaphore, #tpu.memory_space<semaphore_mem>>)
        %dma_wait3A = arith.constant 0 : i32
        %dma_wait3A_57 = tpu.memref_slice %arg11[%add3A_24, %dma_wait3A] : memref<10240x128xf32, #tpu.memory_space<vmem_shared>> -> memref<128x128xf32, #tpu.memory_space<vmem_shared>>
        %dma_wait3A_58 = arith.constant 0 : i32
        %dma_wait3A_59 = tpu.memref_slice %arg11[%add3A_24, %dma_wait3A_58] : memref<10240x128xf32, #tpu.memory_space<vmem_shared>> -> memref<128x128xf32, #tpu.memory_space<vmem_shared>>
        tpu.wait_dma2 semaphore(%run_scoped3A : memref<!tpu.dma_semaphore, #tpu.memory_space<semaphore_mem>>) src(%dma_wait3A_59 : memref<128x128xf32, #tpu.memory_space<vmem_shared>>) dst(%arg9 : memref<128x128xf32, #tpu.memory_space<vmem>>)
        tpu.yield
      }) : () -> ()
      %add3A_25 = arith.constant 10240 : i32
      %add3A_26 = arith.addi %add3A_25, %mul3A_0 : i32
      %add3A_27 = arith.constant 0 : i32
      %add3A_28 = arith.addi %add3A_26, %add3A_27 : i32
      "tpu.region"() ({
        %run_scoped3A = tpu.sem_alloc : memref<!tpu.dma_semaphore, #tpu.memory_space<semaphore_mem>>
        %dma_start3A = arith.constant 0 : i32
        %dma_start3A_54 = tpu.memref_slice %arg6[%add3A_28, %dma_start3A] : memref<20480x128xf32, #tpu.memory_space<hbm>> -> memref<128x128xf32, #tpu.memory_space<hbm>>
        %dma_start3A_55 = arith.constant 0 : i32
        %dma_start3A_56 = tpu.memref_slice %arg6[%add3A_28, %dma_start3A_55] : memref<20480x128xf32, #tpu.memory_space<hbm>> -> memref<128x128xf32, #tpu.memory_space<hbm>>
        tpu.enqueue_dma source(%arg9 : memref<128x128xf32, #tpu.memory_space<vmem>>) target(%dma_start3A_56 : memref<128x128xf32, #tpu.memory_space<hbm>>) target_semaphore(%run_scoped3A : memref<!tpu.dma_semaphore, #tpu.memory_space<semaphore_mem>>)
        %dma_wait3A = arith.constant 0 : i32
        %dma_wait3A_57 = tpu.memref_slice %arg6[%add3A_28, %dma_wait3A] : memref<20480x128xf32, #tpu.memory_space<hbm>> -> memref<128x128xf32, #tpu.memory_space<hbm>>
        %dma_wait3A_58 = arith.constant 0 : i32
        %dma_wait3A_59 = tpu.memref_slice %arg6[%add3A_28, %dma_wait3A_58] : memref<20480x128xf32, #tpu.memory_space<hbm>> -> memref<128x128xf32, #tpu.memory_space<hbm>>
        tpu.wait_dma2 semaphore(%run_scoped3A : memref<!tpu.dma_semaphore, #tpu.memory_space<semaphore_mem>>) src(%arg9 : memref<128x128xf32, #tpu.memory_space<vmem>>) dst(%dma_wait3A_59 : memref<128x128xf32, #tpu.memory_space<hbm>>)
        tpu.yield
      }) : () -> ()
      %add3A_29 = arith.constant 128 : i32
      %add3A_30 = arith.addi %mul3A_0, %add3A_29 : i32
      "tpu.region"() ({
        %run_scoped3A = tpu.sem_alloc : memref<!tpu.dma_semaphore, #tpu.memory_space<semaphore_mem>>
        %dma_start3A = arith.constant 0 : i32
        %dma_start3A_54 = tpu.memref_slice %arg11[%add3A_30, %dma_start3A] : memref<10240x128xf32, #tpu.memory_space<vmem_shared>> -> memref<128x128xf32, #tpu.memory_space<vmem_shared>>
        %dma_start3A_55 = arith.constant 0 : i32
        %dma_start3A_56 = tpu.memref_slice %arg11[%add3A_30, %dma_start3A_55] : memref<10240x128xf32, #tpu.memory_space<vmem_shared>> -> memref<128x128xf32, #tpu.memory_space<vmem_shared>>
        tpu.enqueue_dma source(%dma_start3A_56 : memref<128x128xf32, #tpu.memory_space<vmem_shared>>) target(%arg9 : memref<128x128xf32, #tpu.memory_space<vmem>>) target_semaphore(%run_scoped3A : memref<!tpu.dma_semaphore, #tpu.memory_space<semaphore_mem>>)
        %dma_wait3A = arith.constant 0 : i32
        %dma_wait3A_57 = tpu.memref_slice %arg11[%add3A_30, %dma_wait3A] : memref<10240x128xf32, #tpu.memory_space<vmem_shared>> -> memref<128x128xf32, #tpu.memory_space<vmem_shared>>
        %dma_wait3A_58 = arith.constant 0 : i32
        %dma_wait3A_59 = tpu.memref_slice %arg11[%add3A_30, %dma_wait3A_58] : memref<10240x128xf32, #tpu.memory_space<vmem_shared>> -> memref<128x128xf32, #tpu.memory_space<vmem_shared>>
        tpu.wait_dma2 semaphore(%run_scoped3A : memref<!tpu.dma_semaphore, #tpu.memory_space<semaphore_mem>>) src(%dma_wait3A_59 : memref<128x128xf32, #tpu.memory_space<vmem_shared>>) dst(%arg9 : memref<128x128xf32, #tpu.memory_space<vmem>>)
        tpu.yield
      }) : () -> ()
      %add3A_31 = arith.constant 10240 : i32
      %add3A_32 = arith.addi %add3A_31, %mul3A_0 : i32
      %add3A_33 = arith.constant 128 : i32
      %add3A_34 = arith.addi %add3A_32, %add3A_33 : i32
      "tpu.region"() ({
        %run_scoped3A = tpu.sem_alloc : memref<!tpu.dma_semaphore, #tpu.memory_space<semaphore_mem>>
        %dma_start3A = arith.constant 0 : i32
        %dma_start3A_54 = tpu.memref_slice %arg6[%add3A_34, %dma_start3A] : memref<20480x128xf32, #tpu.memory_space<hbm>> -> memref<128x128xf32, #tpu.memory_space<hbm>>
        %dma_start3A_55 = arith.constant 0 : i32
        %dma_start3A_56 = tpu.memref_slice %arg6[%add3A_34, %dma_start3A_55] : memref<20480x128xf32, #tpu.memory_space<hbm>> -> memref<128x128xf32, #tpu.memory_space<hbm>>
        tpu.enqueue_dma source(%arg9 : memref<128x128xf32, #tpu.memory_space<vmem>>) target(%dma_start3A_56 : memref<128x128xf32, #tpu.memory_space<hbm>>) target_semaphore(%run_scoped3A : memref<!tpu.dma_semaphore, #tpu.memory_space<semaphore_mem>>)
        %dma_wait3A = arith.constant 0 : i32
        %dma_wait3A_57 = tpu.memref_slice %arg6[%add3A_34, %dma_wait3A] : memref<20480x128xf32, #tpu.memory_space<hbm>> -> memref<128x128xf32, #tpu.memory_space<hbm>>
        %dma_wait3A_58 = arith.constant 0 : i32
        %dma_wait3A_59 = tpu.memref_slice %arg6[%add3A_34, %dma_wait3A_58] : memref<20480x128xf32, #tpu.memory_space<hbm>> -> memref<128x128xf32, #tpu.memory_space<hbm>>
        tpu.wait_dma2 semaphore(%run_scoped3A : memref<!tpu.dma_semaphore, #tpu.memory_space<semaphore_mem>>) src(%arg9 : memref<128x128xf32, #tpu.memory_space<vmem>>) dst(%dma_wait3A_59 : memref<128x128xf32, #tpu.memory_space<hbm>>)
        tpu.yield
      }) : () -> ()
      %add3A_35 = arith.constant 256 : i32
      %add3A_36 = arith.addi %mul3A_0, %add3A_35 : i32
      "tpu.region"() ({
        %run_scoped3A = tpu.sem_alloc : memref<!tpu.dma_semaphore, #tpu.memory_space<semaphore_mem>>
        %dma_start3A = arith.constant 0 : i32
        %dma_start3A_54 = tpu.memref_slice %arg11[%add3A_36, %dma_start3A] : memref<10240x128xf32, #tpu.memory_space<vmem_shared>> -> memref<128x128xf32, #tpu.memory_space<vmem_shared>>
        %dma_start3A_55 = arith.constant 0 : i32
        %dma_start3A_56 = tpu.memref_slice %arg11[%add3A_36, %dma_start3A_55] : memref<10240x128xf32, #tpu.memory_space<vmem_shared>> -> memref<128x128xf32, #tpu.memory_space<vmem_shared>>
        tpu.enqueue_dma source(%dma_start3A_56 : memref<128x128xf32, #tpu.memory_space<vmem_shared>>) target(%arg9 : memref<128x128xf32, #tpu.memory_space<vmem>>) target_semaphore(%run_scoped3A : memref<!tpu.dma_semaphore, #tpu.memory_space<semaphore_mem>>)
        %dma_wait3A = arith.constant 0 : i32
        %dma_wait3A_57 = tpu.memref_slice %arg11[%add3A_36, %dma_wait3A] : memref<10240x128xf32, #tpu.memory_space<vmem_shared>> -> memref<128x128xf32, #tpu.memory_space<vmem_shared>>
        %dma_wait3A_58 = arith.constant 0 : i32
        %dma_wait3A_59 = tpu.memref_slice %arg11[%add3A_36, %dma_wait3A_58] : memref<10240x128xf32, #tpu.memory_space<vmem_shared>> -> memref<128x128xf32, #tpu.memory_space<vmem_shared>>
        tpu.wait_dma2 semaphore(%run_scoped3A : memref<!tpu.dma_semaphore, #tpu.memory_space<semaphore_mem>>) src(%dma_wait3A_59 : memref<128x128xf32, #tpu.memory_space<vmem_shared>>) dst(%arg9 : memref<128x128xf32, #tpu.memory_space<vmem>>)
        tpu.yield
      }) : () -> ()
      %add3A_37 = arith.constant 10240 : i32
      %add3A_38 = arith.addi %add3A_37, %mul3A_0 : i32
      %add3A_39 = arith.constant 256 : i32
      %add3A_40 = arith.addi %add3A_38, %add3A_39 : i32
      "tpu.region"() ({
        %run_scoped3A = tpu.sem_alloc : memref<!tpu.dma_semaphore, #tpu.memory_space<semaphore_mem>>
        %dma_start3A = arith.constant 0 : i32
        %dma_start3A_54 = tpu.memref_slice %arg6[%add3A_40, %dma_start3A] : memref<20480x128xf32, #tpu.memory_space<hbm>> -> memref<128x128xf32, #tpu.memory_space<hbm>>
        %dma_start3A_55 = arith.constant 0 : i32
        %dma_start3A_56 = tpu.memref_slice %arg6[%add3A_40, %dma_start3A_55] : memref<20480x128xf32, #tpu.memory_space<hbm>> -> memref<128x128xf32, #tpu.memory_space<hbm>>
        tpu.enqueue_dma source(%arg9 : memref<128x128xf32, #tpu.memory_space<vmem>>) target(%dma_start3A_56 : memref<128x128xf32, #tpu.memory_space<hbm>>) target_semaphore(%run_scoped3A : memref<!tpu.dma_semaphore, #tpu.memory_space<semaphore_mem>>)
        %dma_wait3A = arith.constant 0 : i32
        %dma_wait3A_57 = tpu.memref_slice %arg6[%add3A_40, %dma_wait3A] : memref<20480x128xf32, #tpu.memory_space<hbm>> -> memref<128x128xf32, #tpu.memory_space<hbm>>
        %dma_wait3A_58 = arith.constant 0 : i32
        %dma_wait3A_59 = tpu.memref_slice %arg6[%add3A_40, %dma_wait3A_58] : memref<20480x128xf32, #tpu.memory_space<hbm>> -> memref<128x128xf32, #tpu.memory_space<hbm>>
        tpu.wait_dma2 semaphore(%run_scoped3A : memref<!tpu.dma_semaphore, #tpu.memory_space<semaphore_mem>>) src(%arg9 : memref<128x128xf32, #tpu.memory_space<vmem>>) dst(%dma_wait3A_59 : memref<128x128xf32, #tpu.memory_space<hbm>>)
        tpu.yield
      }) : () -> ()
      %add3A_41 = arith.constant 384 : i32
      %add3A_42 = arith.addi %mul3A_0, %add3A_41 : i32
      "tpu.region"() ({
        %run_scoped3A = tpu.sem_alloc : memref<!tpu.dma_semaphore, #tpu.memory_space<semaphore_mem>>
        %dma_start3A = arith.constant 0 : i32
        %dma_start3A_54 = tpu.memref_slice %arg11[%add3A_42, %dma_start3A] : memref<10240x128xf32, #tpu.memory_space<vmem_shared>> -> memref<128x128xf32, #tpu.memory_space<vmem_shared>>
        %dma_start3A_55 = arith.constant 0 : i32
        %dma_start3A_56 = tpu.memref_slice %arg11[%add3A_42, %dma_start3A_55] : memref<10240x128xf32, #tpu.memory_space<vmem_shared>> -> memref<128x128xf32, #tpu.memory_space<vmem_shared>>
        tpu.enqueue_dma source(%dma_start3A_56 : memref<128x128xf32, #tpu.memory_space<vmem_shared>>) target(%arg9 : memref<128x128xf32, #tpu.memory_space<vmem>>) target_semaphore(%run_scoped3A : memref<!tpu.dma_semaphore, #tpu.memory_space<semaphore_mem>>)
        %dma_wait3A = arith.constant 0 : i32
        %dma_wait3A_57 = tpu.memref_slice %arg11[%add3A_42, %dma_wait3A] : memref<10240x128xf32, #tpu.memory_space<vmem_shared>> -> memref<128x128xf32, #tpu.memory_space<vmem_shared>>
        %dma_wait3A_58 = arith.constant 0 : i32
        %dma_wait3A_59 = tpu.memref_slice %arg11[%add3A_42, %dma_wait3A_58] : memref<10240x128xf32, #tpu.memory_space<vmem_shared>> -> memref<128x128xf32, #tpu.memory_space<vmem_shared>>
        tpu.wait_dma2 semaphore(%run_scoped3A : memref<!tpu.dma_semaphore, #tpu.memory_space<semaphore_mem>>) src(%dma_wait3A_59 : memref<128x128xf32, #tpu.memory_space<vmem_shared>>) dst(%arg9 : memref<128x128xf32, #tpu.memory_space<vmem>>)
        tpu.yield
      }) : () -> ()
      %add3A_43 = arith.constant 10240 : i32
      %add3A_44 = arith.addi %add3A_43, %mul3A_0 : i32
      %add3A_45 = arith.constant 384 : i32
      %add3A_46 = arith.addi %add3A_44, %add3A_45 : i32
      "tpu.region"() ({
        %run_scoped3A = tpu.sem_alloc : memref<!tpu.dma_semaphore, #tpu.memory_space<semaphore_mem>>
        %dma_start3A = arith.constant 0 : i32
        %dma_start3A_54 = tpu.memref_slice %arg6[%add3A_46, %dma_start3A] : memref<20480x128xf32, #tpu.memory_space<hbm>> -> memref<128x128xf32, #tpu.memory_space<hbm>>
        %dma_start3A_55 = arith.constant 0 : i32
        %dma_start3A_56 = tpu.memref_slice %arg6[%add3A_46, %dma_start3A_55] : memref<20480x128xf32, #tpu.memory_space<hbm>> -> memref<128x128xf32, #tpu.memory_space<hbm>>
        tpu.enqueue_dma source(%arg9 : memref<128x128xf32, #tpu.memory_space<vmem>>) target(%dma_start3A_56 : memref<128x128xf32, #tpu.memory_space<hbm>>) target_semaphore(%run_scoped3A : memref<!tpu.dma_semaphore, #tpu.memory_space<semaphore_mem>>)
        %dma_wait3A = arith.constant 0 : i32
        %dma_wait3A_57 = tpu.memref_slice %arg6[%add3A_46, %dma_wait3A] : memref<20480x128xf32, #tpu.memory_space<hbm>> -> memref<128x128xf32, #tpu.memory_space<hbm>>
        %dma_wait3A_58 = arith.constant 0 : i32
        %dma_wait3A_59 = tpu.memref_slice %arg6[%add3A_46, %dma_wait3A_58] : memref<20480x128xf32, #tpu.memory_space<hbm>> -> memref<128x128xf32, #tpu.memory_space<hbm>>
        tpu.wait_dma2 semaphore(%run_scoped3A : memref<!tpu.dma_semaphore, #tpu.memory_space<semaphore_mem>>) src(%arg9 : memref<128x128xf32, #tpu.memory_space<vmem>>) dst(%dma_wait3A_59 : memref<128x128xf32, #tpu.memory_space<hbm>>)
        tpu.yield
      }) : () -> ()
      %add3A_47 = arith.constant 512 : i32
      %add3A_48 = arith.addi %mul3A_0, %add3A_47 : i32
      "tpu.region"() ({
        %run_scoped3A = tpu.sem_alloc : memref<!tpu.dma_semaphore, #tpu.memory_space<semaphore_mem>>
        %dma_start3A = arith.constant 0 : i32
        %dma_start3A_54 = tpu.memref_slice %arg11[%add3A_48, %dma_start3A] : memref<10240x128xf32, #tpu.memory_space<vmem_shared>> -> memref<128x128xf32, #tpu.memory_space<vmem_shared>>
        %dma_start3A_55 = arith.constant 0 : i32
        %dma_start3A_56 = tpu.memref_slice %arg11[%add3A_48, %dma_start3A_55] : memref<10240x128xf32, #tpu.memory_space<vmem_shared>> -> memref<128x128xf32, #tpu.memory_space<vmem_shared>>
        tpu.enqueue_dma source(%dma_start3A_56 : memref<128x128xf32, #tpu.memory_space<vmem_shared>>) target(%arg9 : memref<128x128xf32, #tpu.memory_space<vmem>>) target_semaphore(%run_scoped3A : memref<!tpu.dma_semaphore, #tpu.memory_space<semaphore_mem>>)
        %dma_wait3A = arith.constant 0 : i32
        %dma_wait3A_57 = tpu.memref_slice %arg11[%add3A_48, %dma_wait3A] : memref<10240x128xf32, #tpu.memory_space<vmem_shared>> -> memref<128x128xf32, #tpu.memory_space<vmem_shared>>
        %dma_wait3A_58 = arith.constant 0 : i32
        %dma_wait3A_59 = tpu.memref_slice %arg11[%add3A_48, %dma_wait3A_58] : memref<10240x128xf32, #tpu.memory_space<vmem_shared>> -> memref<128x128xf32, #tpu.memory_space<vmem_shared>>
        tpu.wait_dma2 semaphore(%run_scoped3A : memref<!tpu.dma_semaphore, #tpu.memory_space<semaphore_mem>>) src(%dma_wait3A_59 : memref<128x128xf32, #tpu.memory_space<vmem_shared>>) dst(%arg9 : memref<128x128xf32, #tpu.memory_space<vmem>>)
        tpu.yield
      }) : () -> ()
      %add3A_49 = arith.constant 10240 : i32
      %add3A_50 = arith.addi %add3A_49, %mul3A_0 : i32
      %add3A_51 = arith.constant 512 : i32
      %add3A_52 = arith.addi %add3A_50, %add3A_51 : i32
      "tpu.region"() ({
        %run_scoped3A = tpu.sem_alloc : memref<!tpu.dma_semaphore, #tpu.memory_space<semaphore_mem>>
        %dma_start3A = arith.constant 0 : i32
        %dma_start3A_54 = tpu.memref_slice %arg6[%add3A_52, %dma_start3A] : memref<20480x128xf32, #tpu.memory_space<hbm>> -> memref<128x128xf32, #tpu.memory_space<hbm>>
        %dma_start3A_55 = arith.constant 0 : i32
        %dma_start3A_56 = tpu.memref_slice %arg6[%add3A_52, %dma_start3A_55] : memref<20480x128xf32, #tpu.memory_space<hbm>> -> memref<128x128xf32, #tpu.memory_space<hbm>>
        tpu.enqueue_dma source(%arg9 : memref<128x128xf32, #tpu.memory_space<vmem>>) target(%dma_start3A_56 : memref<128x128xf32, #tpu.memory_space<hbm>>) target_semaphore(%run_scoped3A : memref<!tpu.dma_semaphore, #tpu.memory_space<semaphore_mem>>)
        %dma_wait3A = arith.constant 0 : i32
        %dma_wait3A_57 = tpu.memref_slice %arg6[%add3A_52, %dma_wait3A] : memref<20480x128xf32, #tpu.memory_space<hbm>> -> memref<128x128xf32, #tpu.memory_space<hbm>>
        %dma_wait3A_58 = arith.constant 0 : i32
        %dma_wait3A_59 = tpu.memref_slice %arg6[%add3A_52, %dma_wait3A_58] : memref<20480x128xf32, #tpu.memory_space<hbm>> -> memref<128x128xf32, #tpu.memory_space<hbm>>
        tpu.wait_dma2 semaphore(%run_scoped3A : memref<!tpu.dma_semaphore, #tpu.memory_space<semaphore_mem>>) src(%arg9 : memref<128x128xf32, #tpu.memory_space<vmem>>) dst(%dma_wait3A_59 : memref<128x128xf32, #tpu.memory_space<hbm>>)
        tpu.yield
      }) : () -> ()
      %barrier3A_53 = arith.constant 0 : index
      tpu.barrier barrier_id(%barrier3A_53)
    } else {
    }
    return
  }
}

module attributes {stable_mosaic.version = 14 : i64} {
  func.func @_mlp_body(%arg0: i32, %arg1: memref<1000x128xf32, #tpu.memory_space<vmem>>, %arg2: memref<128x512xf32, #tpu.memory_space<vmem>>, %arg3: memref<1x512xf32, #tpu.memory_space<vmem>>, %arg4: memref<1x1xf32, #tpu.memory_space<vmem>>, %arg5: memref<512x512xf32, #tpu.memory_space<vmem>>, %arg6: memref<1x512xf32, #tpu.memory_space<vmem>>, %arg7: memref<512x512xf32, #tpu.memory_space<vmem>>, %arg8: memref<1000x512xf32, #tpu.memory_space<vmem>>) attributes {dimension_semantics = [#tpu.dimension_semantics<arbitrary>], iteration_bounds = array<i64: 10>, scalar_prefetch = 0 : i64, scratch_operands = 0 : i64, tpu.core_type = #tpu.core_type<tc>, window_params = [{transform_indices = @transform_0, window_bounds = array<i64: 1000, 128>}, {pipeline_mode = #tpu.pipeline_mode<synchronous>, transform_indices = @transform_1, window_bounds = array<i64: 128, 512>}, {pipeline_mode = #tpu.pipeline_mode<synchronous>, transform_indices = @transform_2, window_bounds = array<i64: 1, 512>}, {pipeline_mode = #tpu.pipeline_mode<synchronous>, transform_indices = @transform_3, window_bounds = array<i64: 1, 1>}, {pipeline_mode = #tpu.pipeline_mode<synchronous>, transform_indices = @transform_4, window_bounds = array<i64: 512, 512>}, {pipeline_mode = #tpu.pipeline_mode<synchronous>, transform_indices = @transform_5, window_bounds = array<i64: 1, 512>}, {pipeline_mode = #tpu.pipeline_mode<synchronous>, transform_indices = @transform_6, window_bounds = array<i64: 512, 512>}, {transform_indices = @transform_7, window_bounds = array<i64: 1000, 512>}]} {
    %get3A = arith.constant 0 : index
    %get3A_0 = arith.constant 0 : index
    %get3A_1 = vector.load %arg1[%get3A, %get3A_0] : memref<1000x128xf32, #tpu.memory_space<vmem>>, vector<1000x128xf32>
    %get3A_2 = arith.constant 0 : index
    %get3A_3 = arith.constant 0 : index
    %get3A_4 = vector.load %arg2[%get3A_2, %get3A_3] : memref<128x512xf32, #tpu.memory_space<vmem>>, vector<128x512xf32>
    %dot_general3A = arith.constant dense<0.000000e+00> : vector<1000x512xf32>
    %dot_general3A_5 = tpu.matmul %get3A_1, %get3A_4, %dot_general3A {dimension_numbers = #tpu.dot_dimension_numbers<[1], [0], [0], [1], [0, 0, 1, 1], [], []>, transpose_lhs_hint = false} : vector<1000x128xf32>, vector<128x512xf32>, vector<1000x512xf32> -> vector<1000x512xf32>
    %get3A_6 = arith.constant 0 : index
    %get3A_7 = arith.constant 0 : index
    %get3A_8 = vector.load %arg3[%get3A_6, %get3A_7] : memref<1x512xf32, #tpu.memory_space<vmem>>, vector<1x512xf32>
    %add3A = vector.broadcast %get3A_8 : vector<1x512xf32> to vector<1000x512xf32>
    %add3A_9 = arith.addf %dot_general3A_5, %add3A : vector<1000x512xf32>
    %ge3A = arith.constant 0.000000e+00 : f32
    %ge3A_10 = vector.broadcast %ge3A : f32 to vector<1000x512xf32>
    %ge3A_11 = arith.cmpf oge, %add3A_9, %ge3A_10 : vector<1000x512xf32>
    %get3A_12 = arith.constant 0 : index
    %get3A_13 = arith.constant 0 : index
    %get3A_14 = vector.load %arg4[%get3A_12, %get3A_13] : memref<1x1xf32, #tpu.memory_space<vmem>>, vector<1x1xf32>
    %get3A_15 = vector.extract %get3A_14[0, 0] : f32 from vector<1x1xf32>
    %mul3A = vector.broadcast %get3A_15 : f32 to vector<1000x512xf32>
    %mul3A_16 = arith.mulf %mul3A, %add3A_9 : vector<1000x512xf32>
    %select_n3A = arith.select %ge3A_11, %add3A_9, %mul3A_16 : vector<1000x512xi1>, vector<1000x512xf32>
    %get3A_17 = arith.constant 0 : index
    %get3A_18 = arith.constant 0 : index
    %get3A_19 = vector.load %arg5[%get3A_17, %get3A_18] : memref<512x512xf32, #tpu.memory_space<vmem>>, vector<512x512xf32>
    %dot_general3A_20 = arith.constant dense<0.000000e+00> : vector<1000x512xf32>
    %dot_general3A_21 = tpu.matmul %select_n3A, %get3A_19, %dot_general3A_20 {dimension_numbers = #tpu.dot_dimension_numbers<[1], [0], [0], [1], [0, 0, 1, 1], [], []>, transpose_lhs_hint = false} : vector<1000x512xf32>, vector<512x512xf32>, vector<1000x512xf32> -> vector<1000x512xf32>
    %get3A_22 = arith.constant 0 : index
    %get3A_23 = arith.constant 0 : index
    %get3A_24 = vector.load %arg6[%get3A_22, %get3A_23] : memref<1x512xf32, #tpu.memory_space<vmem>>, vector<1x512xf32>
    %add3A_25 = vector.broadcast %get3A_24 : vector<1x512xf32> to vector<1000x512xf32>
    %add3A_26 = arith.addf %dot_general3A_21, %add3A_25 : vector<1000x512xf32>
    %get3A_27 = arith.constant 0 : index
    %get3A_28 = arith.constant 0 : index
    %get3A_29 = vector.load %arg7[%get3A_27, %get3A_28] : memref<512x512xf32, #tpu.memory_space<vmem>>, vector<512x512xf32>
    %dot_general3A_30 = arith.constant dense<0.000000e+00> : vector<1000x512xf32>
    %dot_general3A_31 = tpu.matmul %add3A_26, %get3A_29, %dot_general3A_30 {dimension_numbers = #tpu.dot_dimension_numbers<[1], [0], [0], [1], [0, 0, 1, 1], [], []>, transpose_lhs_hint = false} : vector<1000x512xf32>, vector<512x512xf32>, vector<1000x512xf32> -> vector<1000x512xf32>
    %swap3A = arith.constant 0 : index
    %swap3A_32 = arith.constant 0 : index
    %swap3A_33 = vector.load %arg8[%swap3A, %swap3A_32] : memref<1000x512xf32, #tpu.memory_space<vmem>>, vector<1000x512xf32>
    tpu.vector_store %arg8[%swap3A, %swap3A_32], %dot_general3A_31 {strides = array<i32>} : memref<1000x512xf32, #tpu.memory_space<vmem>>, vector<1000x512xf32>,
    return
  }
  func.func @transform_0(%arg0: i32) -> (i32, i32) {
    %c0_i32 = arith.constant 0 : i32
    %c0_i32_0 = arith.constant 0 : i32
    return %arg0, %c0_i32 : i32, i32
  }
  func.func @transform_1(%arg0: i32) -> (i32, i32) {
    %c0_i32 = arith.constant 0 : i32
    %c0_i32_0 = arith.constant 0 : i32
    %c0_i32_1 = arith.constant 0 : i32
    return %c0_i32, %c0_i32_0 : i32, i32
  }
  func.func @transform_2(%arg0: i32) -> (i32, i32) {
    %c0_i32 = arith.constant 0 : i32
    %c0_i32_0 = arith.constant 0 : i32
    %c0_i32_1 = arith.constant 0 : i32
    return %c0_i32, %c0_i32_0 : i32, i32
  }
  func.func @transform_3(%arg0: i32) -> (i32, i32) {
    %c0_i32 = arith.constant 0 : i32
    %c0_i32_0 = arith.constant 0 : i32
    %c0_i32_1 = arith.constant 0 : i32
    return %c0_i32, %c0_i32_0 : i32, i32
  }
  func.func @transform_4(%arg0: i32) -> (i32, i32) {
    %c0_i32 = arith.constant 0 : i32
    %c0_i32_0 = arith.constant 0 : i32
    %c0_i32_1 = arith.constant 0 : i32
    return %c0_i32, %c0_i32_0 : i32, i32
  }
  func.func @transform_5(%arg0: i32) -> (i32, i32) {
    %c0_i32 = arith.constant 0 : i32
    %c0_i32_0 = arith.constant 0 : i32
    %c0_i32_1 = arith.constant 0 : i32
    return %c0_i32, %c0_i32_0 : i32, i32
  }
  func.func @transform_6(%arg0: i32) -> (i32, i32) {
    %c0_i32 = arith.constant 0 : i32
    %c0_i32_0 = arith.constant 0 : i32
    %c0_i32_1 = arith.constant 0 : i32
    return %c0_i32, %c0_i32_0 : i32, i32
  }
  func.func @transform_7(%arg0: i32) -> (i32, i32) {
    %c0_i32 = arith.constant 0 : i32
    %c0_i32_0 = arith.constant 0 : i32
    return %arg0, %c0_i32 : i32, i32
  }
}

module attributes {stable_mosaic.version = 14 : i64} {
  func.func @_scale_chunk_body(%arg0: i32, %arg1: memref<1000x32xf32, #tpu.memory_space<vmem>>, %arg2: memref<1000x512xf32, #tpu.memory_space<vmem>>, %arg3: memref<4x1000x128xf32, #tpu.memory_space<vmem>>) attributes {dimension_semantics = [#tpu.dimension_semantics<arbitrary>], iteration_bounds = array<i64: 10>, scalar_prefetch = 0 : i64, scratch_operands = 0 : i64, tpu.core_type = #tpu.core_type<tc>, window_params = [{transform_indices = @transform_0, window_bounds = array<i64: 1000, 32>}, {transform_indices = @transform_1, window_bounds = array<i64: 1000, 512>}, {transform_indices = @transform_2, window_bounds = array<i64: 4, 1000, 128>}]} {
    %get3A = arith.constant 0 : index
    %get3A_0 = arith.constant 0 : index
    %get3A_1 = vector.load %arg1[%get3A, %get3A_0] : memref<1000x32xf32, #tpu.memory_space<vmem>>, vector<1000x32xf32>
    %reduce_sum3A = arith.constant dense<0.000000e+00> : vector<1000xf32>
    %reduce_sum3A_2 = vector.multi_reduction <add>, %get3A_1, %reduce_sum3A [1] : vector<1000x32xf32> to vector<1000xf32>
    %add3A = arith.constant 1.000000e+00 : f32
    %add3A_3 = vector.broadcast %add3A : f32 to vector<1000xf32>
    %add3A_4 = arith.addf %reduce_sum3A_2, %add3A_3 : vector<1000xf32>
    %sqrt3A = math.sqrt %add3A_4 : vector<1000xf32>
    %div3A = arith.constant 1.000000e+00 : f32
    %div3A_5 = vector.broadcast %div3A : f32 to vector<1000xf32>
    %div3A_6 = arith.divf %div3A_5, %sqrt3A : vector<1000xf32>
    %broadcast_in_dim3A = vector.shape_cast %div3A_6 : vector<1000xf32> to vector<1000x1xf32>
    %get3A_7 = arith.constant 0 : index
    %get3A_8 = arith.constant 0 : index
    %get3A_9 = vector.load %arg2[%get3A_7, %get3A_8] : memref<1000x512xf32, #tpu.memory_space<vmem>>, vector<1000x512xf32>
    %mul3A = vector.broadcast %broadcast_in_dim3A : vector<1000x1xf32> to vector<1000x512xf32>
    %mul3A_10 = arith.mulf %get3A_9, %mul3A : vector<1000x512xf32>
    %slice3A = vector.extract_strided_slice %mul3A_10 {offsets = [0, 0], sizes = [1000, 128], strides = [1, 1]} : vector<1000x512xf32> to vector<1000x128xf32>
    %swap3A = arith.constant 0 : index
    %swap3A_11 = arith.constant 0 : index
    %swap3A_12 = arith.constant 0 : index
    %swap3A_13 = vector.load %arg3[%swap3A, %swap3A_11, %swap3A_12] : memref<4x1000x128xf32, #tpu.memory_space<vmem>>, vector<1x1000x128xf32>
    %swap3A_14 = vector.shape_cast %swap3A_13 : vector<1x1000x128xf32> to vector<1000x128xf32>
    %swap3A_15 = vector.shape_cast %slice3A : vector<1000x128xf32> to vector<1x1000x128xf32>
    tpu.vector_store %arg3[%swap3A, %swap3A_11, %swap3A_12], %swap3A_15 {strides = array<i32>} : memref<4x1000x128xf32, #tpu.memory_space<vmem>>, vector<1x1000x128xf32>,
    %slice3A_16 = vector.extract_strided_slice %mul3A_10 {offsets = [0, 128], sizes = [1000, 128], strides = [1, 1]} : vector<1000x512xf32> to vector<1000x128xf32>
    %swap3A_17 = arith.constant 1 : index
    %swap3A_18 = arith.constant 0 : index
    %swap3A_19 = arith.constant 0 : index
    %swap3A_20 = vector.load %arg3[%swap3A_17, %swap3A_18, %swap3A_19] : memref<4x1000x128xf32, #tpu.memory_space<vmem>>, vector<1x1000x128xf32>
    %swap3A_21 = vector.shape_cast %swap3A_20 : vector<1x1000x128xf32> to vector<1000x128xf32>
    %swap3A_22 = vector.shape_cast %slice3A_16 : vector<1000x128xf32> to vector<1x1000x128xf32>
    tpu.vector_store %arg3[%swap3A_17, %swap3A_18, %swap3A_19], %swap3A_22 {strides = array<i32>} : memref<4x1000x128xf32, #tpu.memory_space<vmem>>, vector<1x1000x128xf32>,
    %slice3A_23 = vector.extract_strided_slice %mul3A_10 {offsets = [0, 256], sizes = [1000, 128], strides = [1, 1]} : vector<1000x512xf32> to vector<1000x128xf32>
    %swap3A_24 = arith.constant 2 : index
    %swap3A_25 = arith.constant 0 : index
    %swap3A_26 = arith.constant 0 : index
    %swap3A_27 = vector.load %arg3[%swap3A_24, %swap3A_25, %swap3A_26] : memref<4x1000x128xf32, #tpu.memory_space<vmem>>, vector<1x1000x128xf32>
    %swap3A_28 = vector.shape_cast %swap3A_27 : vector<1x1000x128xf32> to vector<1000x128xf32>
    %swap3A_29 = vector.shape_cast %slice3A_23 : vector<1000x128xf32> to vector<1x1000x128xf32>
    tpu.vector_store %arg3[%swap3A_24, %swap3A_25, %swap3A_26], %swap3A_29 {strides = array<i32>} : memref<4x1000x128xf32, #tpu.memory_space<vmem>>, vector<1x1000x128xf32>,
    %slice3A_30 = vector.extract_strided_slice %mul3A_10 {offsets = [0, 384], sizes = [1000, 128], strides = [1, 1]} : vector<1000x512xf32> to vector<1000x128xf32>
    %swap3A_31 = arith.constant 3 : index
    %swap3A_32 = arith.constant 0 : index
    %swap3A_33 = arith.constant 0 : index
    %swap3A_34 = vector.load %arg3[%swap3A_31, %swap3A_32, %swap3A_33] : memref<4x1000x128xf32, #tpu.memory_space<vmem>>, vector<1x1000x128xf32>
    %swap3A_35 = vector.shape_cast %swap3A_34 : vector<1x1000x128xf32> to vector<1000x128xf32>
    %swap3A_36 = vector.shape_cast %slice3A_30 : vector<1000x128xf32> to vector<1x1000x128xf32>
    tpu.vector_store %arg3[%swap3A_31, %swap3A_32, %swap3A_33], %swap3A_36 {strides = array<i32>} : memref<4x1000x128xf32, #tpu.memory_space<vmem>>, vector<1x1000x128xf32>,
    return
  }
  func.func @transform_0(%arg0: i32) -> (i32, i32) {
    %c0_i32 = arith.constant 0 : i32
    %c0_i32_0 = arith.constant 0 : i32
    return %arg0, %c0_i32 : i32, i32
  }
  func.func @transform_1(%arg0: i32) -> (i32, i32) {
    %c0_i32 = arith.constant 0 : i32
    %c0_i32_0 = arith.constant 0 : i32
    return %arg0, %c0_i32 : i32, i32
  }
  func.func @transform_2(%arg0: i32) -> (i32, i32, i32) {
    %c0_i32 = arith.constant 0 : i32
    %c0_i32_0 = arith.constant 0 : i32
    %c0_i32_1 = arith.constant 0 : i32
    return %c0_i32, %arg0, %c0_i32_0 : i32, i32, i32
  }
}

module attributes {stable_mosaic.version = 14 : i64} {
  func.func @_mid_body(%arg0: i32, %arg1: memref<1000x32xf32, #tpu.memory_space<vmem>>, %arg2: memref<4x1000x128xf32, #tpu.memory_space<vmem>>, %arg3: memref<4x1000x128xf32, #tpu.memory_space<vmem>>, %arg4: memref<1x512xf32, #tpu.memory_space<vmem>>, %arg5: memref<1x1xf32, #tpu.memory_space<vmem>>, %arg6: memref<512x256xf32, #tpu.memory_space<vmem>>, %arg7: memref<2x1000x128xf32, #tpu.memory_space<vmem>>) attributes {dimension_semantics = [#tpu.dimension_semantics<arbitrary>], iteration_bounds = array<i64: 10>, scalar_prefetch = 0 : i64, scratch_operands = 0 : i64, tpu.core_type = #tpu.core_type<tc>, window_params = [{transform_indices = @transform_0, window_bounds = array<i64: 1000, 32>}, {transform_indices = @transform_1, window_bounds = array<i64: 4, 1000, 128>}, {transform_indices = @transform_2, window_bounds = array<i64: 4, 1000, 128>}, {pipeline_mode = #tpu.pipeline_mode<synchronous>, transform_indices = @transform_3, window_bounds = array<i64: 1, 512>}, {pipeline_mode = #tpu.pipeline_mode<synchronous>, transform_indices = @transform_4, window_bounds = array<i64: 1, 1>}, {pipeline_mode = #tpu.pipeline_mode<synchronous>, transform_indices = @transform_5, window_bounds = array<i64: 512, 256>}, {transform_indices = @transform_6, window_bounds = array<i64: 2, 1000, 128>}]} {
    %get3A = arith.constant 0 : index
    %get3A_0 = arith.constant 0 : index
    %get3A_1 = vector.load %arg1[%get3A, %get3A_0] : memref<1000x32xf32, #tpu.memory_space<vmem>>, vector<1000x32xf32>
    %reduce_sum3A = arith.constant dense<0.000000e+00> : vector<1000xf32>
    %reduce_sum3A_2 = vector.multi_reduction <add>, %get3A_1, %reduce_sum3A [1] : vector<1000x32xf32> to vector<1000xf32>
    %add3A = arith.constant 1.000000e+00 : f32
    %add3A_3 = vector.broadcast %add3A : f32 to vector<1000xf32>
    %add3A_4 = arith.addf %reduce_sum3A_2, %add3A_3 : vector<1000xf32>
    %sqrt3A = math.sqrt %add3A_4 : vector<1000xf32>
    %div3A = arith.constant 1.000000e+00 : f32
    %div3A_5 = vector.broadcast %div3A : f32 to vector<1000xf32>
    %div3A_6 = arith.divf %div3A_5, %sqrt3A : vector<1000xf32>
    %broadcast_in_dim3A = vector.shape_cast %div3A_6 : vector<1000xf32> to vector<1000x1xf32>
    %get3A_7 = arith.constant 0 : index
    %get3A_8 = arith.constant 0 : index
    %get3A_9 = arith.constant 0 : index
    %get3A_10 = vector.load %arg2[%get3A_7, %get3A_8, %get3A_9] : memref<4x1000x128xf32, #tpu.memory_space<vmem>>, vector<1x1000x128xf32>
    %get3A_11 = vector.shape_cast %get3A_10 : vector<1x1000x128xf32> to vector<1000x128xf32>
    %get3A_12 = arith.constant 0 : index
    %get3A_13 = arith.constant 0 : index
    %get3A_14 = arith.constant 0 : index
    %get3A_15 = vector.load %arg3[%get3A_12, %get3A_13, %get3A_14] : memref<4x1000x128xf32, #tpu.memory_space<vmem>>, vector<1x1000x128xf32>
    %get3A_16 = vector.shape_cast %get3A_15 : vector<1x1000x128xf32> to vector<1000x128xf32>
    %add3A_17 = arith.addf %get3A_11, %get3A_16 : vector<1000x128xf32>
    %get3A_18 = arith.constant 1 : index
    %get3A_19 = arith.constant 0 : index
    %get3A_20 = arith.constant 0 : index
    %get3A_21 = vector.load %arg2[%get3A_18, %get3A_19, %get3A_20] : memref<4x1000x128xf32, #tpu.memory_space<vmem>>, vector<1x1000x128xf32>
    %get3A_22 = vector.shape_cast %get3A_21 : vector<1x1000x128xf32> to vector<1000x128xf32>
    %get3A_23 = arith.constant 1 : index
    %get3A_24 = arith.constant 0 : index
    %get3A_25 = arith.constant 0 : index
    %get3A_26 = vector.load %arg3[%get3A_23, %get3A_24, %get3A_25] : memref<4x1000x128xf32, #tpu.memory_space<vmem>>, vector<1x1000x128xf32>
    %get3A_27 = vector.shape_cast %get3A_26 : vector<1x1000x128xf32> to vector<1000x128xf32>
    %add3A_28 = arith.addf %get3A_22, %get3A_27 : vector<1000x128xf32>
    %get3A_29 = arith.constant 2 : index
    %get3A_30 = arith.constant 0 : index
    %get3A_31 = arith.constant 0 : index
    %get3A_32 = vector.load %arg2[%get3A_29, %get3A_30, %get3A_31] : memref<4x1000x128xf32, #tpu.memory_space<vmem>>, vector<1x1000x128xf32>
    %get3A_33 = vector.shape_cast %get3A_32 : vector<1x1000x128xf32> to vector<1000x128xf32>
    %get3A_34 = arith.constant 2 : index
    %get3A_35 = arith.constant 0 : index
    %get3A_36 = arith.constant 0 : index
    %get3A_37 = vector.load %arg3[%get3A_34, %get3A_35, %get3A_36] : memref<4x1000x128xf32, #tpu.memory_space<vmem>>, vector<1x1000x128xf32>
    %get3A_38 = vector.shape_cast %get3A_37 : vector<1x1000x128xf32> to vector<1000x128xf32>
    %add3A_39 = arith.addf %get3A_33, %get3A_38 : vector<1000x128xf32>
    %get3A_40 = arith.constant 3 : index
    %get3A_41 = arith.constant 0 : index
    %get3A_42 = arith.constant 0 : index
    %get3A_43 = vector.load %arg2[%get3A_40, %get3A_41, %get3A_42] : memref<4x1000x128xf32, #tpu.memory_space<vmem>>, vector<1x1000x128xf32>
    %get3A_44 = vector.shape_cast %get3A_43 : vector<1x1000x128xf32> to vector<1000x128xf32>
    %get3A_45 = arith.constant 3 : index
    %get3A_46 = arith.constant 0 : index
    %get3A_47 = arith.constant 0 : index
    %get3A_48 = vector.load %arg3[%get3A_45, %get3A_46, %get3A_47] : memref<4x1000x128xf32, #tpu.memory_space<vmem>>, vector<1x1000x128xf32>
    %get3A_49 = vector.shape_cast %get3A_48 : vector<1x1000x128xf32> to vector<1000x128xf32>
    %add3A_50 = arith.addf %get3A_44, %get3A_49 : vector<1000x128xf32>
    %concatenate3A = tpu.concatenate %add3A_17, %add3A_28, %add3A_39, %add3A_50 in 1 : vector<1000x128xf32>, vector<1000x128xf32>, vector<1000x128xf32>, vector<1000x128xf32> -> vector<1000x512xf32>
    %mul3A = vector.broadcast %broadcast_in_dim3A : vector<1000x1xf32> to vector<1000x512xf32>
    %mul3A_51 = arith.mulf %mul3A, %concatenate3A : vector<1000x512xf32>
    %get3A_52 = arith.constant 0 : index
    %get3A_53 = arith.constant 0 : index
    %get3A_54 = vector.load %arg4[%get3A_52, %get3A_53] : memref<1x512xf32, #tpu.memory_space<vmem>>, vector<1x512xf32>
    %add3A_55 = vector.broadcast %get3A_54 : vector<1x512xf32> to vector<1000x512xf32>
    %add3A_56 = arith.addf %mul3A_51, %add3A_55 : vector<1000x512xf32>
    %ge3A = arith.constant 0.000000e+00 : f32
    %ge3A_57 = vector.broadcast %ge3A : f32 to vector<1000x512xf32>
    %ge3A_58 = arith.cmpf oge, %add3A_56, %ge3A_57 : vector<1000x512xf32>
    %get3A_59 = arith.constant 0 : index
    %get3A_60 = arith.constant 0 : index
    %get3A_61 = vector.load %arg5[%get3A_59, %get3A_60] : memref<1x1xf32, #tpu.memory_space<vmem>>, vector<1x1xf32>
    %get3A_62 = vector.extract %get3A_61[0, 0] : f32 from vector<1x1xf32>
    %mul3A_63 = vector.broadcast %get3A_62 : f32 to vector<1000x512xf32>
    %mul3A_64 = arith.mulf %mul3A_63, %add3A_56 : vector<1000x512xf32>
    %select_n3A = arith.select %ge3A_58, %add3A_56, %mul3A_64 : vector<1000x512xi1>, vector<1000x512xf32>
    %get3A_65 = arith.constant 0 : index
    %get3A_66 = arith.constant 0 : index
    %get3A_67 = vector.load %arg6[%get3A_65, %get3A_66] : memref<512x256xf32, #tpu.memory_space<vmem>>, vector<512x256xf32>
    %dot_general3A = arith.constant dense<0.000000e+00> : vector<1000x256xf32>
    %dot_general3A_68 = tpu.matmul %select_n3A, %get3A_67, %dot_general3A {dimension_numbers = #tpu.dot_dimension_numbers<[1], [0], [0], [1], [0, 0, 1, 1], [], []>, transpose_lhs_hint = false} : vector<1000x512xf32>, vector<512x256xf32>, vector<1000x256xf32> -> vector<1000x256xf32>
    %mul3A_69 = vector.broadcast %broadcast_in_dim3A : vector<1000x1xf32> to vector<1000x256xf32>
    %mul3A_70 = arith.mulf %dot_general3A_68, %mul3A_69 : vector<1000x256xf32>
    %slice3A = vector.extract_strided_slice %mul3A_70 {offsets = [0, 0], sizes = [1000, 128], strides = [1, 1]} : vector<1000x256xf32> to vector<1000x128xf32>
    %swap3A = arith.constant 0 : index
    %swap3A_71 = arith.constant 0 : index
    %swap3A_72 = arith.constant 0 : index
    %swap3A_73 = vector.load %arg7[%swap3A, %swap3A_71, %swap3A_72] : memref<2x1000x128xf32, #tpu.memory_space<vmem>>, vector<1x1000x128xf32>
    %swap3A_74 = vector.shape_cast %swap3A_73 : vector<1x1000x128xf32> to vector<1000x128xf32>
    %swap3A_75 = vector.shape_cast %slice3A : vector<1000x128xf32> to vector<1x1000x128xf32>
    tpu.vector_store %arg7[%swap3A, %swap3A_71, %swap3A_72], %swap3A_75 {strides = array<i32>} : memref<2x1000x128xf32, #tpu.memory_space<vmem>>, vector<1x1000x128xf32>,
    %slice3A_76 = vector.extract_strided_slice %mul3A_70 {offsets = [0, 128], sizes = [1000, 128], strides = [1, 1]} : vector<1000x256xf32> to vector<1000x128xf32>
    %swap3A_77 = arith.constant 1 : index
    %swap3A_78 = arith.constant 0 : index
    %swap3A_79 = arith.constant 0 : index
    %swap3A_80 = vector.load %arg7[%swap3A_77, %swap3A_78, %swap3A_79] : memref<2x1000x128xf32, #tpu.memory_space<vmem>>, vector<1x1000x128xf32>
    %swap3A_81 = vector.shape_cast %swap3A_80 : vector<1x1000x128xf32> to vector<1000x128xf32>
    %swap3A_82 = vector.shape_cast %slice3A_76 : vector<1000x128xf32> to vector<1x1000x128xf32>
    tpu.vector_store %arg7[%swap3A_77, %swap3A_78, %swap3A_79], %swap3A_82 {strides = array<i32>} : memref<2x1000x128xf32, #tpu.memory_space<vmem>>, vector<1x1000x128xf32>,
    return
  }
  func.func @transform_0(%arg0: i32) -> (i32, i32) {
    %c0_i32 = arith.constant 0 : i32
    %c0_i32_0 = arith.constant 0 : i32
    return %arg0, %c0_i32 : i32, i32
  }
  func.func @transform_1(%arg0: i32) -> (i32, i32, i32) {
    %c0_i32 = arith.constant 0 : i32
    %c0_i32_0 = arith.constant 0 : i32
    %c0_i32_1 = arith.constant 0 : i32
    return %c0_i32, %arg0, %c0_i32_0 : i32, i32, i32
  }
  func.func @transform_2(%arg0: i32) -> (i32, i32, i32) {
    %c0_i32 = arith.constant 0 : i32
    %c0_i32_0 = arith.constant 0 : i32
    %c0_i32_1 = arith.constant 0 : i32
    return %c0_i32, %arg0, %c0_i32_0 : i32, i32, i32
  }
  func.func @transform_3(%arg0: i32) -> (i32, i32) {
    %c0_i32 = arith.constant 0 : i32
    %c0_i32_0 = arith.constant 0 : i32
    %c0_i32_1 = arith.constant 0 : i32
    return %c0_i32, %c0_i32_0 : i32, i32
  }
  func.func @transform_4(%arg0: i32) -> (i32, i32) {
    %c0_i32 = arith.constant 0 : i32
    %c0_i32_0 = arith.constant 0 : i32
    %c0_i32_1 = arith.constant 0 : i32
    return %c0_i32, %c0_i32_0 : i32, i32
  }
  func.func @transform_5(%arg0: i32) -> (i32, i32) {
    %c0_i32 = arith.constant 0 : i32
    %c0_i32_0 = arith.constant 0 : i32
    %c0_i32_1 = arith.constant 0 : i32
    return %c0_i32, %c0_i32_0 : i32, i32
  }
  func.func @transform_6(%arg0: i32) -> (i32, i32, i32) {
    %c0_i32 = arith.constant 0 : i32
    %c0_i32_0 = arith.constant 0 : i32
    %c0_i32_1 = arith.constant 0 : i32
    return %c0_i32, %arg0, %c0_i32_0 : i32, i32, i32
  }
}

module attributes {stable_mosaic.version = 14 : i64} {
  func.func @_final_body(%arg0: i32, %arg1: memref<1000x32xf32, #tpu.memory_space<vmem>>, %arg2: memref<2x1000x128xf32, #tpu.memory_space<vmem>>, %arg3: memref<2x1000x128xf32, #tpu.memory_space<vmem>>, %arg4: memref<1x256xf32, #tpu.memory_space<vmem>>, %arg5: memref<1000x256xf32, #tpu.memory_space<vmem>>) attributes {dimension_semantics = [#tpu.dimension_semantics<arbitrary>], iteration_bounds = array<i64: 10>, scalar_prefetch = 0 : i64, scratch_operands = 0 : i64, tpu.core_type = #tpu.core_type<tc>, window_params = [{transform_indices = @transform_0, window_bounds = array<i64: 1000, 32>}, {transform_indices = @transform_1, window_bounds = array<i64: 2, 1000, 128>}, {transform_indices = @transform_2, window_bounds = array<i64: 2, 1000, 128>}, {pipeline_mode = #tpu.pipeline_mode<synchronous>, transform_indices = @transform_3, window_bounds = array<i64: 1, 256>}, {transform_indices = @transform_4, window_bounds = array<i64: 1000, 256>}]} {
    %get3A = arith.constant 0 : index
    %get3A_0 = arith.constant 0 : index
    %get3A_1 = vector.load %arg1[%get3A, %get3A_0] : memref<1000x32xf32, #tpu.memory_space<vmem>>, vector<1000x32xf32>
    %reduce_sum3A = arith.constant dense<0.000000e+00> : vector<1000xf32>
    %reduce_sum3A_2 = vector.multi_reduction <add>, %get3A_1, %reduce_sum3A [1] : vector<1000x32xf32> to vector<1000xf32>
    %add3A = arith.constant 1.000000e+00 : f32
    %add3A_3 = vector.broadcast %add3A : f32 to vector<1000xf32>
    %add3A_4 = arith.addf %reduce_sum3A_2, %add3A_3 : vector<1000xf32>
    %sqrt3A = math.sqrt %add3A_4 : vector<1000xf32>
    %div3A = arith.constant 1.000000e+00 : f32
    %div3A_5 = vector.broadcast %div3A : f32 to vector<1000xf32>
    %div3A_6 = arith.divf %div3A_5, %sqrt3A : vector<1000xf32>
    %broadcast_in_dim3A = vector.shape_cast %div3A_6 : vector<1000xf32> to vector<1000x1xf32>
    %get3A_7 = arith.constant 0 : index
    %get3A_8 = arith.constant 0 : index
    %get3A_9 = arith.constant 0 : index
    %get3A_10 = vector.load %arg2[%get3A_7, %get3A_8, %get3A_9] : memref<2x1000x128xf32, #tpu.memory_space<vmem>>, vector<1x1000x128xf32>
    %get3A_11 = vector.shape_cast %get3A_10 : vector<1x1000x128xf32> to vector<1000x128xf32>
    %get3A_12 = arith.constant 0 : index
    %get3A_13 = arith.constant 0 : index
    %get3A_14 = arith.constant 0 : index
    %get3A_15 = vector.load %arg3[%get3A_12, %get3A_13, %get3A_14] : memref<2x1000x128xf32, #tpu.memory_space<vmem>>, vector<1x1000x128xf32>
    %get3A_16 = vector.shape_cast %get3A_15 : vector<1x1000x128xf32> to vector<1000x128xf32>
    %add3A_17 = arith.addf %get3A_11, %get3A_16 : vector<1000x128xf32>
    %get3A_18 = arith.constant 1 : index
    %get3A_19 = arith.constant 0 : index
    %get3A_20 = arith.constant 0 : index
    %get3A_21 = vector.load %arg2[%get3A_18, %get3A_19, %get3A_20] : memref<2x1000x128xf32, #tpu.memory_space<vmem>>, vector<1x1000x128xf32>
    %get3A_22 = vector.shape_cast %get3A_21 : vector<1x1000x128xf32> to vector<1000x128xf32>
    %get3A_23 = arith.constant 1 : index
    %get3A_24 = arith.constant 0 : index
    %get3A_25 = arith.constant 0 : index
    %get3A_26 = vector.load %arg3[%get3A_23, %get3A_24, %get3A_25] : memref<2x1000x128xf32, #tpu.memory_space<vmem>>, vector<1x1000x128xf32>
    %get3A_27 = vector.shape_cast %get3A_26 : vector<1x1000x128xf32> to vector<1000x128xf32>
    %add3A_28 = arith.addf %get3A_22, %get3A_27 : vector<1000x128xf32>
    %concatenate3A = tpu.concatenate %add3A_17, %add3A_28 in 1 : vector<1000x128xf32>, vector<1000x128xf32> -> vector<1000x256xf32>
    %mul3A = vector.broadcast %broadcast_in_dim3A : vector<1000x1xf32> to vector<1000x256xf32>
    %mul3A_29 = arith.mulf %mul3A, %concatenate3A : vector<1000x256xf32>
    %get3A_30 = arith.constant 0 : index
    %get3A_31 = arith.constant 0 : index
    %get3A_32 = vector.load %arg4[%get3A_30, %get3A_31] : memref<1x256xf32, #tpu.memory_space<vmem>>, vector<1x256xf32>
    %add3A_33 = vector.broadcast %get3A_32 : vector<1x256xf32> to vector<1000x256xf32>
    %add3A_34 = arith.addf %mul3A_29, %add3A_33 : vector<1000x256xf32>
    %swap3A = arith.constant 0 : index
    %swap3A_35 = arith.constant 0 : index
    %swap3A_36 = vector.load %arg5[%swap3A, %swap3A_35] : memref<1000x256xf32, #tpu.memory_space<vmem>>, vector<1000x256xf32>
    tpu.vector_store %arg5[%swap3A, %swap3A_35], %add3A_34 {strides = array<i32>} : memref<1000x256xf32, #tpu.memory_space<vmem>>, vector<1000x256xf32>,
    return
  }
  func.func @transform_0(%arg0: i32) -> (i32, i32) {
    %c0_i32 = arith.constant 0 : i32
    %c0_i32_0 = arith.constant 0 : i32
    return %arg0, %c0_i32 : i32, i32
  }
  func.func @transform_1(%arg0: i32) -> (i32, i32, i32) {
    %c0_i32 = arith.constant 0 : i32
    %c0_i32_0 = arith.constant 0 : i32
    %c0_i32_1 = arith.constant 0 : i32
    return %c0_i32, %arg0, %c0_i32_0 : i32, i32, i32
  }
  func.func @transform_2(%arg0: i32) -> (i32, i32, i32) {
    %c0_i32 = arith.constant 0 : i32
    %c0_i32_0 = arith.constant 0 : i32
    %c0_i32_1 = arith.constant 0 : i32
    return %c0_i32, %arg0, %c0_i32_0 : i32, i32, i32
  }
  func.func @transform_3(%arg0: i32) -> (i32, i32) {
    %c0_i32 = arith.constant 0 : i32
    %c0_i32_0 = arith.constant 0 : i32
    %c0_i32_1 = arith.constant 0 : i32
    return %c0_i32, %c0_i32_0 : i32, i32
  }
  func.func @transform_4(%arg0: i32) -> (i32, i32) {
    %c0_i32 = arith.constant 0 : i32
    %c0_i32_0 = arith.constant 0 : i32
    return %arg0, %c0_i32 : i32, i32
  }
}

</mosaic_0001>

<sc_bundles>
// kernel: kernel.12.cloned.1.call-start
scs
__scs_entry_jumppad:
0x0: {  	(pc) =	sbr.rel $0x88, $3  }
0x1: {  	(tag) =	ssettag $0x0;
	lr =	simm.s32 $0x1  }
0x2: {  	[smem:$0x3F95] =	sst lr;
	_ =	strace $0xD0000000  }
0x3: {  	_ = 	snop  }
0x4: {  	_ = 	snop  }
0x5: {  	_ = 	snop  }
0x6: {  	_ = 	snop  }
0x7: {  	_ = 	snop  }
__scs_overlays_trampoline_lowered:
0x8: {  	[smem:$0x3FA4] =	sst s0  }
0x9: {  	[smem:$0x3FA5] =	sst s1  }
0xa: {  	[smem:$0x3FA6] =	sst s2  }
0xb: {  	[smem:$0x3FA7] =	sst s3  }
0xc: {  	[smem:$0x3FA8] =	sst s4  }
0xd: {  	[smem:$0x3FA9] =	sst s5  }
0xe: {  	[smem:$0x3FAA] =	sst s6  }
0xf: {  	[smem:$0x3FAB] =	sst s7  }
0x10: {  	[smem:$0x3FAC] =	sst s8  }
0x11: {  	[smem:$0x3FAD] =	sst s9;
	s0 =	simm.s32 @!p0 $0x0  }
0x12: {  	s1 =	sld [smem:$0x3F93];
	s0 =	simm.s32 @p0 $0x1  }
0x13: {  	[smem:$0x3FAE] =	sst s0;
	s0 =	simm.s32 @!p1 $0x0  }
0x14: {  	s2 =	sld [smem:$0x3F92];
	s0 =	simm.s32 @p1 $0x1  }
0x15: {  	[smem:$0x3FAF] =	sst s0;
	s0 =	simm.s32 @!p2 $0x0  }
0x16: {  	s3 =	sld [smem:$0x3FDB];
	s0 =	simm.s32 @p2 $0x1  }
0x17: {  	s4 =	simm.s32 $0x1BF5;
	[smem:$0x3FB1] =	sst s0  }
0x18: {  	s0 =	sld [smem:$0x3F94];
	_ =	swait.ge [sflag:s4], $0x0  }
0x19: {  	s7 =	sld [smem:$0x3F95]  }
0x1a: {  	s8 =	sadd.s32 $0xFFFFE003, lr  }
0x1b: {  	s9 =	sadd.s32 $0xFFFFFEF7, lr;
	s5 =	simm.s32 $0xFFFFFFFF;
	p2 =	slt.u32 s8, $0xFFFFF086  }
0x1c: {  	p1 =	slt.u32 s9, $0xF7A;
	s5 =	simm.s32 @!p2 $0x0  }
0x1d: {  	s5 =	simm.s32 @p1 $0x1;
	p0 =	seq.s32 s7, s2  }
0x1e: {  	s7 =	smul.u32 @!p0 $0xF7A, s2;
	p2 =	seq.s32 @!p0 s5, $0x0  }
0x1f: {  	s9 =	smul.u32 $0xF7A, s1;
	s8 =	simm.s32 @!p0 $0x1BF5;
	p2 =	por !p2, p0  }
0x20: {  	[sflag:s8] =	ssyncset.s32 @!p0 $0xFFFFF086;
	s6 =	sadd.s32 @!p0 s3, s7;
	s7 =	simm.s32 @!p0 $0x108  }
0x21: {  	s3 =	sadd.s32 s3, s9;
	s6 =	sadd.s32 @!p0 $0x88, s6;
	s7 =	simm.s32 @p2 $0x1082  }
0x22: {  	[simem:s7], [sflag:s8] =	dma.local @!p0 [hbm:s6], $0xF7A  }
0x23: {  	s9 =	sor.u32 $0xD0000000, s2;
	s6 =	simm.s32 $0x108;
	_ =	swait.ge @!p0 [sflag:s8], $0x0  }
0x24: {  	s3 =	sadd.s32 $0x88, s3;
	s6 =	simm.s32 @!p1 $0x1082;
	[sflag:s4] =	ssyncset.s32 $0xFFFFF086  }
0x25: {  	[simem:s6], [sflag:s4] =	dma.local [hbm:s3], $0xF7A  }
0x26: {  	[smem:$0x3F95] =	sst s1;
	(tag) =	ssettag s2;
	_ =	strace s9  }
0x27: {  	s1 =	sld [smem:$0x3FA5]  }
0x28: {  	s2 =	sld [smem:$0x3FA6]  }
0x29: {  	s4 =	sld [smem:$0x3FA8]  }
0x2a: {  	p0 =	seq.s32 s5, $0x0;
	s5 =	sld [smem:$0x3FA9]  }
0x2b: {  	s6 =	sld [smem:$0x3FAA]  }
0x2c: {  	s7 =	sld [smem:$0x3FAB]  }
0x2d: {  	s3 =	simm.s32 $0x108;
	s8 =	sld [smem:$0x3FAC]  }
0x2e: {  	s3 =	simm.s32 @!p0 $0x1082;
	s9 =	sld [smem:$0x3FAD]  }
0x2f: {  	lr =	sadd.s32 s0, s3;
	s0 =	sld [smem:$0x3FA4]  }
0x30: {  	s3 =	sld [smem:$0x3FA7]  }
0x31: {  	[smem:$0x3FB0] =	sst s10  }
0x32: {  	s10 =	sld [smem:$0x3FAE];
	_ =	sdelay $0x3  }
0x33: {  	p0 =	seq.s32 s10, $0x1;
	s10 =	sld [smem:$0x3FB0];
	_ =	sdelay $0x3  }
0x34: {  	[smem:$0x3FB0] =	sst s10  }
0x35: {  	s10 =	sld [smem:$0x3FAF];
	_ =	sdelay $0x3  }
0x36: {  	p1 =	seq.s32 s10, $0x1;
	s10 =	sld [smem:$0x3FB0];
	_ =	sdelay $0x3  }
0x37: {  	[smem:$0x3FB0] =	sst s10  }
0x38: {  	s10 =	sld [smem:$0x3FB1]  }
0x39: {  	_ = 	snop;
	(pc) =	sbr.ind lr, $3  }
0x3a: {  	_ = 	snop  }
0x3b: {  	_ = 	snop  }
0x3c: {  	p2 =	seq.s32 s10, $0x1;
	s10 =	sld [smem:$0x3FB0]  }
0x3d: {  	_ =	shalt  }
0x3e: {  	_ =	shalt  }
0x3f: {  	_ =	shalt  }
0x40: {  	_ =	shalt  }
0x41: {  	_ =	shalt  }
0x42: {  	_ =	shalt  }
0x43: {  	_ =	shalt  }
0x44: {  	_ =	shalt  }
0x45: {  	_ =	shalt  }
0x46: {  	_ =	shalt  }
0x47: {  	_ =	shalt  }
0x48: {  	_ =	shalt  }
0x49: {  	_ =	shalt  }
0x4a: {  	_ =	shalt  }
0x4b: {  	_ =	shalt  }
0x4c: {  	_ =	shalt  }
0x4d: {  	_ =	shalt  }
0x4e: {  	_ =	shalt  }
0x4f: {  	_ =	shalt  }
0x50: {  	_ =	shalt  }
0x51: {  	_ =	shalt  }
0x52: {  	_ =	shalt  }
0x53: {  	_ =	shalt  }
0x54: {  	_ =	shalt  }
0x55: {  	_ =	shalt  }
0x56: {  	_ =	shalt  }
0x57: {  	_ =	shalt  }
0x58: {  	_ =	shalt  }
0x59: {  	_ =	shalt  }
0x5a: {  	_ =	shalt  }
0x5b: {  	_ =	shalt  }
0x5c: {  	_ =	shalt  }
0x5d: {  	_ =	shalt  }
0x5e: {  	_ =	shalt  }
0x5f: {  	_ =	shalt  }
0x60: {  	_ =	shalt  }
0x61: {  	_ =	shalt  }
0x62: {  	_ =	shalt  }
0x63: {  	_ =	shalt  }
0x64: {  	_ =	shalt  }
0x65: {  	_ =	shalt  }
0x66: {  	_ =	shalt  }
0x67: {  	_ =	shalt  }
0x68: {  	_ =	shalt  }
0x69: {  	_ =	shalt  }
0x6a: {  	_ =	shalt  }
0x6b: {  	_ =	shalt  }
0x6c: {  	_ =	shalt  }
0x6d: {  	_ =	shalt  }
0x6e: {  	_ =	shalt  }
0x6f: {  	_ =	shalt  }
0x70: {  	_ =	shalt  }
0x71: {  	_ =	shalt  }
0x72: {  	_ =	shalt  }
0x73: {  	_ =	shalt  }
0x74: {  	_ =	shalt  }
0x75: {  	_ =	shalt  }
0x76: {  	_ =	shalt  }
0x77: {  	_ =	shalt  }
0x78: {  	_ =	shalt  }
0x79: {  	_ =	shalt  }
0x7a: {  	_ =	shalt  }
0x7b: {  	_ =	shalt  }
0x7c: {  	_ =	shalt  }
0x7d: {  	_ =	shalt  }
0x7e: {  	_ =	shalt  }
0x7f: {  	_ =	shalt  }
0x80: {  	_ =	shalt  }
0x81: {  	_ =	shalt  }
0x82: {  	_ =	shalt  }
0x83: {  	_ =	shalt  }
0x84: {  	_ =	shalt  }
0x85: {  	_ =	shalt  }
0x86: {  	_ =	shalt  }
0x87: {  	_ =	shalt  }
.Lfunc_end0:
.L_simem_size_0:
called_computation.1_lowered:
.L_overlay_start_0:
0x88: {  	s2 =	sld [smem:$0x3FD9]  }
0x89: {  	s3 =	sld [smem:$0x3FFE];
	_ =	sdelay $0x1  }
0x8a: {  	s1 =	srdreg.scid  }
0x8b: {  	s0 =	sand.u32 $0x1, s1  }
0x8c: {  	s17 =	sshll.u32 s0, $0xA;
	s2 =	sadd.s32 s3, s2  }
0x8d: {  	s2 =	sadd.s32 s2, s17  }
0x8e: {  	[smem:$0x3FBC] =	sst s2  }
0x8f: {  	_ = 	snop  }
0x90: {  	s2 =	sld [smem:$0x3FD0];
	(tm) =	ssettm $0x1  }
0x91: {  	s18 =	sld [smem:$0x3FFB];
	_ =	sdelay $0x3  }
0x92: {  	_ =	strace s18  }
0x93: {  	s3 =	sld [smem:$0x3FFC];
	_ =	sdelay $0x3  }
0x94: {  	_ =	strace s3  }
0x95: {  	s3 =	sld [smem:$0x3FFD];
	_ =	sdelay $0x3  }
0x96: {  	_ =	strace s3  }
0x97: {  	_ =	strace $0x8FFFFFFF  }
0x98: {  	s19 =	sld [smem:$0x3FDB];
	_ =	sdelay $0x1  }
0x99: {  	s4 =	simm.s32 $_scs_section_size  }
0x9a: {  	s5 =	simm.s32 $_size__tile_overlayer_lowered;
	s6 =	simm.s32 $_tile_overlayer_lowered  }
0x9b: {  	s22 =	simm.s32 $0x1BFF;
	s21 =	sshll.u32 s6, $0x1;
	s3 =	sadd.s32 s4, s19  }
0x9c: {  	s7 =	simm.s32 $0x0;
	s20 =	sshll.u32 s5, $0x1;
	s5 =	sadd.s32 s21, s3  }
0x9d: {  	[timem:s7], [sflag:s22] =	dma.local [hbm:s5], s20  }
0x9e: {  	_ =	swait.ge [sflag:s22], s20  }
0x9f: {  	s4 =	ssub.s32 $0x0, s20;
	[sflag:s22] =	ssyncset.done $0x0  }
0xa0: {  	[sflag:s22] =	ssyncadd.s32 s4;
	_ =	sdelay $0x1  }
0xa1: {  	s23 =	simm.s32 $0x1B8B  }
0xa2: {  	_ =	swait.ge [sflag:s23], $0x1  }
0xa3: {  	[sflag:s23] =	ssyncset.done $0x0  }
0xa4: {  	s25 =	simm.s32 $0x1B8E;
	s24 =	sld [smem:$0x3FFE];
	[sflag:s23] =	ssyncadd.s32 $0xFFFFFFFF  }
0xa5: {  	s26 =	simm.s32 $execute0_lowered;
	[smem:$0x3FD2] =	sst s25  }
0xa6: {  	s5 =	sshll.u32 s26, $0x1;
	_ =	strace $0x80000049;
	[dreg:$0x1] =	wrdreg $0xFFFFFFFF  }
0xa7: {  	s28 =	simm.s32 $_size_execute0_lowered;
	s3 =	sadd.s32 s3, s5;
	[dreg:$0x0] =	wrdreg $0x0  }
0xa8: {  	s5 =	sshll.u32 s28, $0x1;
	[dreg:$0x2] =	wrdreg s3  }
0xa9: {  	[dreg:$0x3] =	wrdreg s5  }
0xaa: {  	[dreg:$0x4] =	wrdreg $0xC0  }
0xab: {  	_ =	task [dreg:s7], $0x5FFFF  }
0xac: {  	[dreg:$0x1] =	wrdreg $0xFFFFFFFF  }
0xad: {  	[dreg:$0x0] =	wrdreg $0x60  }
0xae: {  	[dreg:$0x2] =	wrdreg s24  }
0xaf: {  	[dreg:$0x3] =	wrdreg s2  }
0xb0: {  	[dreg:$0x4] =	wrdreg $0xA0000  }
0xb1: {  	[dreg:$0x5] =	wrdreg $0x9  }
0xb2: {  	_ =	task.clear_ibuf [dreg:s7], $0x6FFFF;
	_ =	strace $0x90000049  }
0xb3: {  	s29 =	simm.s32 $0x9;
	_ =	strace $0x8000004B  }
0xb4: {  	_ =	swait.ge [sflag:s29], $0x1  }
0xb5: {  	[sflag:s29] =	ssyncadd.s32 $0xFFFFFFFF  }
0xb6: {  	_ =	strace $0x9000004B  }
0xb7: {  	_ =	sfence  }
0xb8: {  	s30 =	sld [smem:$0x0];
	_ =	sdelay $0x2  }
0xb9: {  	s31 =	sshll.u32 s1, $0xD;
	s1 =	sshrl.u32 s1, $0x2  }
0xba: {  	s3 =	sand.u32 $0x4000, s31;
	s1 =	sadd.s32 s1, s30  }
0xbb: {  	s0 =	sor.u32 s3, s0;
	s1 =	sshll.u32 s1, $0x11  }
0xbc: {  	s0 =	sor.u32 s1, s0  }
0xbd: {  	s0 =	sadd.s32 $0x8F2B, s0  }
0xbe: {  	[sflag:s0] =	ssyncadd.remote.s32 $0x1  }
0xbf: {  	_ =	sfence.sel $0xFFFF  }
0xc0: {  	[dreg:$0x0] =	wrdreg $0xFFFFFFFF;
	(pc) =	sbr.abs _section_cstart, $3  }
0xc1: {  	[dreg:$0x1] =	wrdreg $0xFFFFFFFF  }
0xc2: {  	_ =	task.clear_ibuf [dreg:s7], $0x2FFFF;
	_ =	strace $0x9FFFFFFF  }
0xc3: {  	(tm) =	ssettm $0x7FFFFFFF  }
tec
execute0_lowered:
.L_overlay_start_1:
0x0: {  	(tag) =	ssettag $0x1  }
0x1: {  	s0 =	rddreg [dreg:$0x0]  }
0x2: {  	s1 =	rddreg [dreg:$0x1]  }
0x3: {  	s2 =	rddreg [dreg:$0x2];
	s16 =	stileid.u32  }
0x4: {  	s4 =	simm.s32 $0x0;
	s3 =	srdreg.scid;
	s9 =	smul.u32 $0x280, s16  }
0x5: {  	[smem:$0x7FF] =	sst s4;
	s11 =	smul.u32 $0x50000, s16  }
0x6: {  	s3 =	sand.u32 $0x1, s3;
	s7 =	sadd.s32 $0x2800, s0;
	s14 =	smul.u32 $0x2800, s16  }
0x7: {  	s15 =	smul.u32 $0x14000, s16;
	_ =	strace $0x8000004A;
	s8 =	ssub.s32 $0x2, s3  }
0x8: {  	p0 =	seq.s32 s3, $0x1;
	s10 =	sshrl.u32 s8, $0x1;
	s17 =	sshrl.u32 s11, $0x2  }
0x9: {  	s18 =	sadd.s32 $0x80, s9;
	s12 =	sadd.s32 $0x100, s9;
	s21 =	sadd.s32 $0x180, s9  }
0xa: {  	s24 =	sadd.s32 s7, s14;
	s26 =	sshrl.u32 s15, $0x3;
	s19 =	sshll.u32 s18, $0x7  }
0xb: {  	s13 =	sshll.u32 s12, $0x7;
	[dreg:$0x8] =	wrdreg s24;
	s24 =	sadd.s32 $0x148000, s15  }
0xc: {  	s22 =	sshll.u32 s21, $0x7;
	s3 =	sadd.s32 s19, s2;
	[dreg:$0x15] =	wrdreg s24  }
0xd: {  	s11 =	sshll.u32 s18, $0x4;
	s20 =	sadd.s32 s13, s2;
	[dreg:$0x4] =	wrdreg s3  }
0xe: {  	s25 =	sshll.u32 s12, $0x4;
	s13 =	sadd.s32 s22, s2;
	[dreg:$0x5] =	wrdreg s20  }
0xf: {  	s12 =	sadd.s32 s7, s26;
	s11 =	sadd.s32 s7, s11;
	[dreg:$0x6] =	wrdreg s13  }
0x10: {  	s10 =	ssub.s32 s8, s10;
	s14 =	sadd.s32 $0x50000, s12;
	[dreg:$0x9] =	wrdreg s11  }
0x11: {  	s8 =	sadd.s32 s17, s2;
	s17 =	sadd.s32 $0x50800, s12;
	[dreg:$0xc] =	wrdreg s14  }
0x12: {  	s18 =	sadd.s32 $0x51000, s12;
	[dreg:$0xd] =	wrdreg s17  }
0x13: {  	s19 =	sadd.s32 $0x51800, s12;
	[dreg:$0xe] =	wrdreg s18  }
0x14: {  	s9 =	sadd.s32 $0x200, s9;
	s22 =	sadd.s32 $0x144000, s15;
	[dreg:$0xf] =	wrdreg s19  }
0x15: {  	s23 =	sshll.u32 s9, $0x7;
	s24 =	sadd.s32 $0x10000, s8;
	[dreg:$0x14] =	wrdreg s22  }
0x16: {  	s28 =	simm.s32 $0x2000;
	s13 =	sadd.s32 s23, s2;
	[smem:$0x7FD] =	sst s24  }
0x17: {  	s29 =	simm.s32 $0x3;
	s11 =	sadd.s32 s7, s25;
	[dreg:$0x7] =	wrdreg s13  }
0x18: {  	s30 =	simm.s32 $0x1000;
	s20 =	sadd.s32 $0x52000, s12;
	[dreg:$0xa] =	wrdreg s11  }
0x19: {  	s3 =	sshll.u32 s21, $0x4;
	s21 =	sadd.s32 $0x140000, s15;
	[dreg:$0x10] =	wrdreg s20  }
0x1a: {  	s31 =	simm.s32 $0x80;
	s12 =	sadd.s32 $0x3C4000, s15;
	[dreg:$0x13] =	wrdreg s21  }
0x1b: {  	s5 =	sadd.s32 $0xBCC00, s0;
	s14 =	sadd.s32 $0x3CC000, s15;
	[dreg:$0x19] =	wrdreg s12  }
0x1c: {  	s6 =	sadd.s32 $0xB2C00, s0;
	s17 =	sadd.s32 $0x3D0000, s15;
	[dreg:$0x1b] =	wrdreg s14  }
0x1d: {  	s26 =	sadd.s32 $0x131F00, s0;
	s18 =	smax.u32 s10, $0x1;
	[dreg:$0x1c] =	wrdreg s17  }
0x1e: {  	s23 =	sadd.s32 $0xE3D00, s0;
	s19 =	sadd.s32 $0x4000, s8;
	[dreg:$0x1d] =	wrdreg s18  }
0x1f: {  	s25 =	sadd.s32 $0x10AE00, s0;
	s22 =	sadd.s32 $0xC000, s8;
	[dreg:$0x1e] =	wrdreg s19  }
0x20: {  	s3 =	sadd.s32 s7, s3;
	s13 =	sshll.u32 s9, $0x4;
	[smem:$0x7FC] =	sst s22  }
0x21: {  	s20 =	sadd.s32 $0x2000, s0;
	s9 =	sadd.s32 $0x150000, s15;
	[dreg:$0xb] =	wrdreg s3  }
0x22: {  	s11 =	sadd.s32 $0x3C0000, s15;
	s18 =	smul.u32 $0x5000, s16;
	[dreg:$0x17] =	wrdreg s9  }
0x23: {  	s21 =	sadd.s32 $0x8000, s8;
	s0 =	simm.s32 $0x1;
	[dreg:$0x18] =	wrdreg s11  }
.Ltmp0:
0x24: {  	s14 =	simm.s32 $0xF80;
	[dreg:$0x1f] =	wrdreg s21;
	(pc) =	sbr.rel .LBB2_1-.Ltmp0, $4  }
0x25: {  	s16 =	simm.s32 $0x1F80;
	s3 =	sadd.s32 s7, s13;
	[dreg:$0x11] =	wrdreg s20  }
0x26: {  	s17 =	simm.s32 $0x0;
	s13 =	sadd.s32 $0x3C8000, s15;
	[dreg:$0x12] =	wrdreg s3  }
0x27: {  	s3 =	sadd.s32 $0x14C000, s15;
	[dreg:$0x1a] =	wrdreg s13;
	s13 =	simm.s32 $0x2  }
0x28: {  	s15 =	simm.s32 $0x1F00;
	[dreg:$0x16] =	wrdreg s3;
	s3 =	simm.s32 $0x6000  }
.LBB2_20:
0x29: {  	[bflag:$0x0] =	sbarrier.arrive $0xFFFF  }
0x2a: {  	[tilespmem:s28], [sflag:$0x3] =	stream.linear.gather [spmem:s8], $0x4000, $0x38;
	[tilespmem:$0x1E000] =	vst v63  }
0x2b: {  	_ =	swait.ge [sflag:s29], $0x4000  }
0x2c: {  	s24 =	sshrl.u32 s24, $0x3;
	[sflag:s29] =	ssyncset.done $0x0  }
0x2d: {  	s24 =	sadd.s32 s7, s24;
	[sflag:s29] =	ssyncadd.s32 $0xFFFFC000  }
0x2e: {  	[hbm4b:s24+s4] =	stream.linear.scatter [tilespmem:s28], [sflag:$0x3], $0x4000, $0x38;
	[tilespmem:$0x1E000] =	vst v63  }
0x2f: {  	_ =	swait.ge [sflag:s29], $0x4000  }
0x30: {  	[sflag:s29] =	ssyncset.done $0x0  }
0x31: {  	[sflag:s29] =	ssyncadd.s32 $0xFFFFC000  }
0x32: {  	[tilespmem:s28], [sflag:$0x3] =	stream.linear.gather [spmem:s22], $0x4000, $0x38;
	[tilespmem:$0x1E000] =	vst v63  }
0x33: {  	_ =	swait.ge [sflag:s29], $0x4000  }
0x34: {  	s21 =	sshrl.u32 s21, $0x3;
	[sflag:s29] =	ssyncset.done $0x0  }
0x35: {  	s21 =	sadd.s32 s7, s21;
	[sflag:s29] =	ssyncadd.s32 $0xFFFFC000  }
0x36: {  	[hbm4b:s21+s4] =	stream.linear.scatter [tilespmem:s28], [sflag:$0x3], $0x4000, $0x38;
	[tilespmem:$0x1E000] =	vst v63  }
0x37: {  	_ =	swait.ge [sflag:s29], $0x4000  }
0x38: {  	[sflag:s29] =	ssyncset.done $0x0  }
0x39: {  	[sflag:s29] =	ssyncadd.s32 $0xFFFFC000  }
0x3a: {  	[tilespmem:s28], [sflag:$0x3] =	stream.linear.gather [spmem:s20], $0x4000, $0x38;
	[tilespmem:$0x1E000] =	vst v63  }
0x3b: {  	_ =	swait.ge [sflag:s29], $0x4000  }
0x3c: {  	s19 =	sshrl.u32 s19, $0x3;
	[sflag:s29] =	ssyncset.done $0x0  }
0x3d: {  	s19 =	sadd.s32 s7, s19;
	[sflag:s29] =	ssyncadd.s32 $0xFFFFC000  }
0x3e: {  	[hbm4b:s19+s4] =	stream.linear.scatter [tilespmem:s28], [sflag:$0x3], $0x4000, $0x38;
	[tilespmem:$0x1E000] =	vst v63  }
0x3f: {  	_ =	swait.ge [sflag:s29], $0x4000  }
0x40: {  	[sflag:s29] =	ssyncset.done $0x0  }
0x41: {  	[sflag:s29] =	ssyncadd.s32 $0xFFFFC000  }
0x42: {  	[tilespmem:s28], [sflag:$0x3] =	stream.linear.gather [spmem:s11], $0x4000, $0x38;
	[tilespmem:$0x1E000] =	vst v63  }
0x43: {  	_ =	swait.ge [sflag:s29], $0x4000  }
0x44: {  	s21 =	sshrl.u32 s12, $0x3;
	[sflag:s29] =	ssyncset.done $0x0  }
0x45: {  	s11 =	sadd.s32 s7, s21;
	[sflag:s29] =	ssyncadd.s32 $0xFFFFC000  }
0x46: {  	[hbm4b:s11+s4] =	stream.linear.scatter [tilespmem:s28], [sflag:$0x3], $0x4000, $0x38;
	[tilespmem:$0x1E000] =	vst v63  }
0x47: {  	_ =	swait.ge [sflag:s29], $0x4000  }
0x48: {  	[sflag:s29] =	ssyncset.done $0x0  }
0x49: {  	[sflag:s29] =	ssyncadd.s32 $0xFFFFC000  }
0x4a: {  	[tilespmem:s28], [sflag:$0x3] =	stream.linear.gather [spmem:s9], $0x4000, $0x38;
	[tilespmem:$0x1E000] =	vst v63  }
0x4b: {  	_ =	swait.ge [sflag:s29], $0x4000  }
0x4c: {  	s22 =	sshrl.u32 s10, $0x3;
	[sflag:s29] =	ssyncset.done $0x0  }
0x4d: {  	s9 =	sadd.s32 s7, s22;
	[sflag:s29] =	ssyncadd.s32 $0xFFFFC000  }
0x4e: {  	[hbm4b:s9+s4] =	stream.linear.scatter [tilespmem:s28], [sflag:$0x3], $0x4000, $0x38;
	[tilespmem:$0x1E000] =	vst v63  }
0x4f: {  	_ =	swait.ge [sflag:s29], $0x4000  }
0x50: {  	s17 =	sadd.s32 $0x1, s17;
	s24 =	rddreg [dreg:$0x1d]  }
0x51: {  	p1 =	sne.s32 s17, s24  }
.Ltmp1:
0x52: {  	_ = 	snop;
	(pc) =	sbr.rel @!p1 .LBB2_21-.Ltmp1, $4  }
0x53: {  	[sflag:s29] =	ssyncset.done $0x0  }
0x54: {  	[sflag:s29] =	ssyncadd.s32 $0xFFFFC000  }
0x55: {  	[bflag:$0x0] =	sbarrier.arrive $0xFFFF  }
0x56: {  	s20 =	rddreg [dreg:$0x11]  }
.LBB2_1:
0x57: {  	[tilespmem:s28], [sflag:$0x3] =	stream.linear.gather [hbm4b:s20+s4], $0x4000, $0x38;
	[tilespmem:$0x1E000] =	vst v63  }
0x58: {  	_ =	swait.ge [sflag:s29], $0x4000  }
0x59: {  	[sflag:s29] =	ssyncset.done $0x0  }
.Ltmp2:
0x5a: {  	[sflag:s29] =	ssyncadd.s32 $0xFFFFC000;
	(pc) =	sbr.rel @!p0 .LBB2_2-.Ltmp2, $4  }
0x5b: {  	[spmem:s8] =	stream.linear.scatter [tilespmem:s28], [sflag:$0x3], $0x4000, $0x38;
	[tilespmem:$0x1E000] =	vst v63  }
0x5c: {  	_ =	swait.ge [sflag:s29], $0x4000  }
0x5d: {  	[sflag:s29] =	ssyncset.done $0x0  }
0x5e: {  	[sflag:s29] =	ssyncadd.s32 $0xFFFFC000  }
0x5f: {  	s9 =	rddreg [dreg:$0x1e]  }
0x60: {  	[spmem:s9] =	stream.linear.scatter [tilespmem:s28], [sflag:$0x3], $0x4000, $0x38;
	[tilespmem:$0x1E000] =	vst v63  }
0x61: {  	_ =	swait.ge [sflag:s29], $0x4000  }
0x62: {  	[sflag:s29] =	ssyncset.done $0x0  }
0x63: {  	s21 =	rddreg [dreg:$0x1f];
	[sflag:s29] =	ssyncadd.s32 $0xFFFFC000  }
0x64: {  	[spmem:s21] =	stream.linear.scatter [tilespmem:s28], [sflag:$0x3], $0x4000, $0x38;
	[tilespmem:$0x1E000] =	vst v63  }
0x65: {  	_ =	swait.ge [sflag:s29], $0x4000  }
0x66: {  	s22 =	sld [smem:$0x7FC]  }
0x67: {  	[sflag:s29] =	ssyncset.done $0x0  }
0x68: {  	[sflag:s29] =	ssyncadd.s32 $0xFFFFC000  }
0x69: {  	[spmem:s22] =	stream.linear.scatter [tilespmem:s28], [sflag:$0x3], $0x4000, $0x38;
	[tilespmem:$0x1E000] =	vst v63  }
0x6a: {  	_ =	swait.ge [sflag:s29], $0x4000  }
0x6b: {  	s24 =	sld [smem:$0x7FD]  }
0x6c: {  	[sflag:s29] =	ssyncset.done $0x0  }
0x6d: {  	[sflag:s29] =	ssyncadd.s32 $0xFFFFC000  }
0x6e: {  	[spmem:s24] =	stream.linear.scatter [tilespmem:s28], [sflag:$0x3], $0x4000, $0x38;
	[tilespmem:$0x1E000] =	vst v63  }
0x6f: {  	_ =	swait.ge [sflag:s29], $0x4000  }
0x70: {  	[sflag:s29] =	ssyncset.done $0x0  }
0x71: {  	[sflag:s29] =	ssyncadd.s32 $0xFFFFC000  }
0x72: {  	s10 =	simm.s32 $0x0;
	s9 =	simm.s32 $0x0;
	[bflag:$0x0] =	sbarrier.arrive $0xFFFF  }
.LBB2_12:
0x73: {  	s11 =	sshll.u32 s10, $0xC  }
0x74: {  	s11 =	sadd.s32 s18, s11  }
0x75: {  	s11 =	sshrl.u32 s11, $0x3  }
0x76: {  	s12 =	sadd.s32 s6, s11  }
0x77: {  	[tilespmem:s9], [sflag:$0x3] =	stream.linear.gather [hbm4b:s12+s9], $0x1000, $0x38;
	[tilespmem:$0x1E000] =	vst v63  }
0x78: {  	_ =	swait.ge [sflag:s29], $0x1000  }
0x79: {  	[sflag:s29] =	ssyncset.done $0x0  }
0x7a: {  	s11 =	sadd.s32 s1, s11;
	[sflag:s29] =	ssyncadd.s32 $0xFFFFF000  }
0x7b: {  	[tilespmem:s30], [sflag:$0x3] =	stream.linear.gather [hbm4b:s11+s9], $0x1000, $0x38;
	[tilespmem:$0x1E000] =	vst v63  }
0x7c: {  	_ =	swait.ge [sflag:s29], $0x1000  }
0x7d: {  	[sflag:s29] =	ssyncset.done $0x0  }
0x7e: {  	[sflag:s29] =	ssyncadd.s32 $0xFFFFF000  }
0x7f: {  	[tilespmem:s28], [sflag:$0x1] =	stream.indirect.gather [hbm4b:s25+s31], $0x80, s9, s31, $0xb8;
	[tilespmem:$0x1E000] =	vst v63  }
0x80: {  	_ =	swait.ge [sflag:s0], $0x4000  }
0x81: {  	[sflag:s0] =	ssyncset.done $0x0  }
0x82: {  	s19 =	simm.s32 $0x80;
	[sflag:s0] =	ssyncadd.s32 $0xFFFFC000  }
0x83: {  	[tilespmem:s3], [sflag:$0x2] =	stream.indirect.gather [hbm4b:s25+s31], $0x80, s19, s31, $0xb8;
	[tilespmem:$0x1E000] =	vst v63  }
0x84: {  	s21 =	simm.s32 $0x1000  }
0x85: {  	[spmem:s2] =	stream.indirect.scatter.add.f32 [tilespmem:s28], [sflag:$0x3], $0x80, s21, s31, $0xb8;
	[tilespmem:$0x1E000] =	vst v63  }
0x86: {  	_ =	swait.ge [sflag:s29], $0x4000  }
0x87: {  	[sflag:s29] =	ssyncset.done $0x0  }
0x88: {  	[sflag:s29] =	ssyncadd.s32 $0xFFFFC000  }
0x89: {  	_ =	swait.ge [sflag:s13], $0x4000  }
0x8a: {  	[sflag:s13] =	ssyncset.done $0x0  }
0x8b: {  	s22 =	simm.s32 $0x100;
	[sflag:s13] =	ssyncadd.s32 $0xFFFFC000  }
0x8c: {  	[tilespmem:s28], [sflag:$0x1] =	stream.indirect.gather [hbm4b:s25+s31], $0x80, s22, s31, $0xb8;
	[tilespmem:$0x1E000] =	vst v63  }
0x8d: {  	s24 =	simm.s32 $0x1080  }
0x8e: {  	[spmem:s2] =	stream.indirect.scatter.add.f32 [tilespmem:s3], [sflag:$0x3], $0x80, s24, s31, $0xb8;
	[tilespmem:$0x1E000] =	vst v63  }
0x8f: {  	_ =	swait.ge [sflag:s29], $0x4000  }
0x90: {  	s11 =	simm.s32 $0x400;
	[sflag:s29] =	ssyncset.done $0x0  }
.LBB2_13:
0x91: {  	p1 =	sne.s32 s11, $0x3800  }
0x92: {  	[sflag:s29] =	ssyncadd.s32 $0xFFFFC000;
	s12 =	smov.u32 s11;
	s11 =	sadd.s32 $0x400, s11  }
0x93: {  	_ = 	snop  }
0x94: {  	_ =	swait.ge [sflag:s0], $0x4000  }
0x95: {  	s12 =	sshra.s32 s12, $0x2;
	[sflag:s0] =	ssyncset.done $0x0  }
0x96: {  	s19 =	sadd.s32 $0x80, s12;
	[sflag:s0] =	ssyncadd.s32 $0xFFFFC000  }
0x97: {  	[tilespmem:s3], [sflag:$0x2] =	stream.indirect.gather [hbm4b:s25+s31], $0x80, s19, s31, $0xb8;
	[tilespmem:$0x1E000] =	vst v63  }
0x98: {  	s19 =	sadd.s32 $0x1000, s12  }
0x99: {  	[spmem:s2] =	stream.indirect.scatter.add.f32 [tilespmem:s28], [sflag:$0x3], $0x80, s19, s31, $0xb8;
	[tilespmem:$0x1E000] =	vst v63  }
0x9a: {  	_ =	swait.ge [sflag:s29], $0x4000  }
0x9b: {  	[sflag:s29] =	ssyncset.done $0x0  }
0x9c: {  	[sflag:s29] =	ssyncadd.s32 $0xFFFFC000  }
0x9d: {  	_ =	swait.ge [sflag:s13], $0x4000  }
0x9e: {  	[sflag:s13] =	ssyncset.done $0x0  }
0x9f: {  	s19 =	sadd.s32 $0x100, s12;
	[sflag:s13] =	ssyncadd.s32 $0xFFFFC000  }
0xa0: {  	[tilespmem:s28], [sflag:$0x1] =	stream.indirect.gather [hbm4b:s25+s31], $0x80, s19, s31, $0xb8;
	[tilespmem:$0x1E000] =	vst v63  }
.Ltmp3:
0xa1: {  	_ = 	snop;
	(pc) =	sbr.rel @p1 .LBB2_13-.Ltmp3, $4  }
0xa2: {  	s12 =	sadd.s32 $0x1080, s12  }
0xa3: {  	[spmem:s2] =	stream.indirect.scatter.add.f32 [tilespmem:s3], [sflag:$0x3], $0x80, s12, s31, $0xb8;
	[tilespmem:$0x1E000] =	vst v63  }
0xa4: {  	_ =	swait.ge [sflag:s29], $0x4000  }
0xa5: {  	[sflag:s29] =	ssyncset.done $0x0  }
0xa6: {  	[sflag:s29] =	ssyncadd.s32 $0xFFFFC000  }
0xa7: {  	_ =	swait.ge [sflag:s0], $0x4000  }
0xa8: {  	[sflag:s0] =	ssyncset.done $0x0  }
0xa9: {  	[sflag:s0] =	ssyncadd.s32 $0xFFFFC000  }
0xaa: {  	[tilespmem:s3], [sflag:$0x2] =	stream.indirect.gather [hbm4b:s25+s31], $0x80, s14, s31, $0xb8;
	[tilespmem:$0x1E000] =	vst v63  }
0xab: {  	_ = 	snop  }
0xac: {  	[spmem:s2] =	stream.indirect.scatter.add.f32 [tilespmem:s28], [sflag:$0x3], $0x80, s15, s31, $0xb8;
	[tilespmem:$0x1E000] =	vst v63  }
0xad: {  	_ =	swait.ge [sflag:s29], $0x4000  }
0xae: {  	[sflag:s29] =	ssyncset.done $0x0  }
0xaf: {  	[sflag:s29] =	ssyncadd.s32 $0xFFFFC000  }
0xb0: {  	s10 =	sadd.s32 $0x1, s10;
	_ =	swait.ge [sflag:s13], $0x4000  }
0xb1: {  	p1 =	sne.s32 s10, $0x5;
	[sflag:s13] =	ssyncset.done $0x0  }
.Ltmp4:
0xb2: {  	[sflag:s13] =	ssyncadd.s32 $0xFFFFC000;
	(pc) =	sbr.rel @p1 .LBB2_12-.Ltmp4, $4  }
0xb3: {  	[spmem:s2] =	stream.indirect.scatter.add.f32 [tilespmem:s3], [sflag:$0x3], $0x80, s16, s31, $0xb8;
	[tilespmem:$0x1E000] =	vst v63  }
0xb4: {  	_ =	swait.ge [sflag:s29], $0x4000  }
0xb5: {  	[sflag:s29] =	ssyncset.done $0x0  }
0xb6: {  	[sflag:s29] =	ssyncadd.s32 $0xFFFFC000  }
0xb7: {  	[bflag:$0x0] =	sbarrier.arrive $0xFFFF  }
0xb8: {  	[tilespmem:s28], [sflag:$0x3] =	stream.linear.gather [spmem:s8], $0x4000, $0x38;
	[tilespmem:$0x1E000] =	vst v63  }
0xb9: {  	_ =	swait.ge [sflag:s29], $0x4000  }
0xba: {  	[sflag:s29] =	ssyncset.done $0x0  }
0xbb: {  	s9 =	simm.s32 $0x0;
	s10 =	rddreg [dreg:$0xc];
	[sflag:s29] =	ssyncadd.s32 $0xFFFFC000  }
0xbc: {  	[hbm4b:s10+s9] =	stream.linear.scatter [tilespmem:s28], [sflag:$0x3], $0x4000, $0x38;
	[tilespmem:$0x1E000] =	vst v63  }
0xbd: {  	_ =	swait.ge [sflag:s29], $0x4000  }
0xbe: {  	[sflag:s29] =	ssyncset.done $0x0  }
0xbf: {  	s11 =	rddreg [dreg:$0x1e];
	[sflag:s29] =	ssyncadd.s32 $0xFFFFC000  }
0xc0: {  	[tilespmem:s28], [sflag:$0x3] =	stream.linear.gather [spmem:s11], $0x4000, $0x38;
	[tilespmem:$0x1E000] =	vst v63  }
0xc1: {  	_ =	swait.ge [sflag:s29], $0x4000  }
0xc2: {  	[sflag:s29] =	ssyncset.done $0x0  }
0xc3: {  	s19 =	rddreg [dreg:$0xd];
	[sflag:s29] =	ssyncadd.s32 $0xFFFFC000  }
0xc4: {  	[hbm4b:s19+s9] =	stream.linear.scatter [tilespmem:s28], [sflag:$0x3], $0x4000, $0x38;
	[tilespmem:$0x1E000] =	vst v63  }
0xc5: {  	_ =	swait.ge [sflag:s29], $0x4000  }
0xc6: {  	[sflag:s29] =	ssyncset.done $0x0  }
0xc7: {  	s12 =	rddreg [dreg:$0x1f];
	[sflag:s29] =	ssyncadd.s32 $0xFFFFC000  }
0xc8: {  	[tilespmem:s28], [sflag:$0x3] =	stream.linear.gather [spmem:s12], $0x4000, $0x38;
	[tilespmem:$0x1E000] =	vst v63  }
0xc9: {  	_ =	swait.ge [sflag:s29], $0x4000  }
0xca: {  	[sflag:s29] =	ssyncset.done $0x0  }
0xcb: {  	s21 =	rddreg [dreg:$0xe];
	[sflag:s29] =	ssyncadd.s32 $0xFFFFC000  }
0xcc: {  	[hbm4b:s21+s9] =	stream.linear.scatter [tilespmem:s28], [sflag:$0x3], $0x4000, $0x38;
	[tilespmem:$0x1E000] =	vst v63  }
0xcd: {  	_ =	swait.ge [sflag:s29], $0x4000  }
0xce: {  	s19 =	sld [smem:$0x7FC]  }
0xcf: {  	[sflag:s29] =	ssyncset.done $0x0  }
0xd0: {  	[sflag:s29] =	ssyncadd.s32 $0xFFFFC000  }
0xd1: {  	[tilespmem:s28], [sflag:$0x3] =	stream.linear.gather [spmem:s19], $0x4000, $0x38;
	[tilespmem:$0x1E000] =	vst v63  }
0xd2: {  	_ =	swait.ge [sflag:s29], $0x4000  }
0xd3: {  	[sflag:s29] =	ssyncset.done $0x0  }
0xd4: {  	s22 =	rddreg [dreg:$0xf];
	[sflag:s29] =	ssyncadd.s32 $0xFFFFC000  }
0xd5: {  	[hbm4b:s22+s9] =	stream.linear.scatter [tilespmem:s28], [sflag:$0x3], $0x4000, $0x38;
	[tilespmem:$0x1E000] =	vst v63  }
0xd6: {  	_ =	swait.ge [sflag:s29], $0x4000  }
0xd7: {  	s21 =	sld [smem:$0x7FD]  }
0xd8: {  	[sflag:s29] =	ssyncset.done $0x0  }
0xd9: {  	[sflag:s29] =	ssyncadd.s32 $0xFFFFC000  }
0xda: {  	[tilespmem:s28], [sflag:$0x3] =	stream.linear.gather [spmem:s21], $0x4000, $0x38;
	[tilespmem:$0x1E000] =	vst v63  }
0xdb: {  	_ =	swait.ge [sflag:s29], $0x4000  }
0xdc: {  	[sflag:s29] =	ssyncset.done $0x0  }
0xdd: {  	s24 =	rddreg [dreg:$0x10];
	[sflag:s29] =	ssyncadd.s32 $0xFFFFC000  }
0xde: {  	[hbm4b:s24+s9] =	stream.linear.scatter [tilespmem:s28], [sflag:$0x3], $0x4000, $0x38;
	[tilespmem:$0x1E000] =	vst v63  }
0xdf: {  	_ =	swait.ge [sflag:s29], $0x4000  }
0xe0: {  	[sflag:s29] =	ssyncset.done $0x0  }
0xe1: {  	[sflag:s29] =	ssyncadd.s32 $0xFFFFC000  }
0xe2: {  	[bflag:$0x0] =	sbarrier.arrive $0xFFFF  }
0xe3: {  	[tilespmem:s28], [sflag:$0x3] =	stream.linear.gather [hbm4b:s20+s9], $0x4000, $0x38;
	[tilespmem:$0x1E000] =	vst v63  }
0xe4: {  	_ =	swait.ge [sflag:s29], $0x4000  }
0xe5: {  	[sflag:s29] =	ssyncset.done $0x0  }
0xe6: {  	[sflag:s29] =	ssyncadd.s32 $0xFFFFC000  }
0xe7: {  	[spmem:s8] =	stream.linear.scatter [tilespmem:s28], [sflag:$0x3], $0x4000, $0x38;
	[tilespmem:$0x1E000] =	vst v63  }
0xe8: {  	_ =	swait.ge [sflag:s29], $0x4000  }
0xe9: {  	[sflag:s29] =	ssyncset.done $0x0  }
0xea: {  	[sflag:s29] =	ssyncadd.s32 $0xFFFFC000  }
0xeb: {  	[spmem:s11] =	stream.linear.scatter [tilespmem:s28], [sflag:$0x3], $0x4000, $0x38;
	[tilespmem:$0x1E000] =	vst v63  }
0xec: {  	_ =	swait.ge [sflag:s29], $0x4000  }
0xed: {  	[sflag:s29] =	ssyncset.done $0x0  }
0xee: {  	[sflag:s29] =	ssyncadd.s32 $0xFFFFC000  }
0xef: {  	[spmem:s12] =	stream.linear.scatter [tilespmem:s28], [sflag:$0x3], $0x4000, $0x38;
	[tilespmem:$0x1E000] =	vst v63  }
0xf0: {  	_ =	swait.ge [sflag:s29], $0x4000  }
0xf1: {  	[sflag:s29] =	ssyncset.done $0x0  }
0xf2: {  	[sflag:s29] =	ssyncadd.s32 $0xFFFFC000  }
0xf3: {  	[spmem:s19] =	stream.linear.scatter [tilespmem:s28], [sflag:$0x3], $0x4000, $0x38;
	[tilespmem:$0x1E000] =	vst v63  }
0xf4: {  	_ =	swait.ge [sflag:s29], $0x4000  }
0xf5: {  	[sflag:s29] =	ssyncset.done $0x0  }
0xf6: {  	[sflag:s29] =	ssyncadd.s32 $0xFFFFC000  }
0xf7: {  	[spmem:s21] =	stream.linear.scatter [tilespmem:s28], [sflag:$0x3], $0x4000, $0x38;
	[tilespmem:$0x1E000] =	vst v63  }
0xf8: {  	_ =	swait.ge [sflag:s29], $0x4000  }
0xf9: {  	[sflag:s29] =	ssyncset.done $0x0  }
0xfa: {  	[sflag:s29] =	ssyncadd.s32 $0xFFFFC000  }
0xfb: {  	s10 =	simm.s32 $0x0;
	[bflag:$0x0] =	sbarrier.arrive $0xFFFF  }
.LBB2_16:
0xfc: {  	s11 =	sshll.u32 s10, $0xC  }
0xfd: {  	s11 =	sadd.s32 s18, s11  }
0xfe: {  	s11 =	sshrl.u32 s11, $0x3  }
0xff: {  	s12 =	sadd.s32 s6, s11  }
0x100: {  	[tilespmem:s9], [sflag:$0x3] =	stream.linear.gather [hbm4b:s12+s9], $0x1000, $0x38;
	[tilespmem:$0x1E000] =	vst v63  }
0x101: {  	_ =	swait.ge [sflag:s29], $0x1000  }
0x102: {  	[sflag:s29] =	ssyncset.done $0x0  }
0x103: {  	s11 =	sadd.s32 s1, s11;
	[sflag:s29] =	ssyncadd.s32 $0xFFFFF000  }
0x104: {  	[tilespmem:s30], [sflag:$0x3] =	stream.linear.gather [hbm4b:s11+s9], $0x1000, $0x38;
	[tilespmem:$0x1E000] =	vst v63  }
0x105: {  	_ =	swait.ge [sflag:s29], $0x1000  }
0x106: {  	[sflag:s29] =	ssyncset.done $0x0  }
0x107: {  	[sflag:s29] =	ssyncadd.s32 $0xFFFFF000  }
0x108: {  	[tilespmem:s28], [sflag:$0x1] =	stream.indirect.gather [hbm4b:s26+s31], $0x80, s9, s31, $0xb8;
	[tilespmem:$0x1E000] =	vst v63  }
0x109: {  	_ =	swait.ge [sflag:s0], $0x4000  }
0x10a: {  	[sflag:s0] =	ssyncset.done $0x0  }
0x10b: {  	s20 =	simm.s32 $0x80;
	[sflag:s0] =	ssyncadd.s32 $0xFFFFC000  }
0x10c: {  	[tilespmem:s3], [sflag:$0x2] =	stream.indirect.gather [hbm4b:s26+s31], $0x80, s20, s31, $0xb8;
	[tilespmem:$0x1E000] =	vst v63  }
0x10d: {  	s21 =	simm.s32 $0x1000  }
0x10e: {  	[spmem:s2] =	stream.indirect.scatter.add.f32 [tilespmem:s28], [sflag:$0x3], $0x80, s21, s31, $0xb8;
	[tilespmem:$0x1E000] =	vst v63  }
0x10f: {  	_ =	swait.ge [sflag:s29], $0x4000  }
0x110: {  	[sflag:s29] =	ssyncset.done $0x0  }
0x111: {  	[sflag:s29] =	ssyncadd.s32 $0xFFFFC000  }
0x112: {  	_ =	swait.ge [sflag:s13], $0x4000  }
0x113: {  	[sflag:s13] =	ssyncset.done $0x0  }
0x114: {  	s22 =	simm.s32 $0x100;
	[sflag:s13] =	ssyncadd.s32 $0xFFFFC000  }
0x115: {  	[tilespmem:s28], [sflag:$0x1] =	stream.indirect.gather [hbm4b:s26+s31], $0x80, s22, s31, $0xb8;
	[tilespmem:$0x1E000] =	vst v63  }
0x116: {  	s24 =	simm.s32 $0x1080  }
0x117: {  	[spmem:s2] =	stream.indirect.scatter.add.f32 [tilespmem:s3], [sflag:$0x3], $0x80, s24, s31, $0xb8;
	[tilespmem:$0x1E000] =	vst v63  }
0x118: {  	_ =	swait.ge [sflag:s29], $0x4000  }
0x119: {  	s11 =	simm.s32 $0x400;
	[sflag:s29] =	ssyncset.done $0x0  }
.LBB2_17:
0x11a: {  	p1 =	sne.s32 s11, $0x3800  }
0x11b: {  	[sflag:s29] =	ssyncadd.s32 $0xFFFFC000;
	s12 =	smov.u32 s11;
	s11 =	sadd.s32 $0x400, s11  }
0x11c: {  	_ = 	snop  }
0x11d: {  	_ =	swait.ge [sflag:s0], $0x4000  }
0x11e: {  	s12 =	sshra.s32 s12, $0x2;
	[sflag:s0] =	ssyncset.done $0x0  }
0x11f: {  	s19 =	sadd.s32 $0x80, s12;
	[sflag:s0] =	ssyncadd.s32 $0xFFFFC000  }
0x120: {  	[tilespmem:s3], [sflag:$0x2] =	stream.indirect.gather [hbm4b:s26+s31], $0x80, s19, s31, $0xb8;
	[tilespmem:$0x1E000] =	vst v63  }
0x121: {  	s19 =	sadd.s32 $0x1000, s12  }
0x122: {  	[spmem:s2] =	stream.indirect.scatter.add.f32 [tilespmem:s28], [sflag:$0x3], $0x80, s19, s31, $0xb8;
	[tilespmem:$0x1E000] =	vst v63  }
0x123: {  	_ =	swait.ge [sflag:s29], $0x4000  }
0x124: {  	[sflag:s29] =	ssyncset.done $0x0  }
0x125: {  	[sflag:s29] =	ssyncadd.s32 $0xFFFFC000  }
0x126: {  	_ =	swait.ge [sflag:s13], $0x4000  }
0x127: {  	[sflag:s13] =	ssyncset.done $0x0  }
0x128: {  	s19 =	sadd.s32 $0x100, s12;
	[sflag:s13] =	ssyncadd.s32 $0xFFFFC000  }
0x129: {  	[tilespmem:s28], [sflag:$0x1] =	stream.indirect.gather [hbm4b:s26+s31], $0x80, s19, s31, $0xb8;
	[tilespmem:$0x1E000] =	vst v63  }
.Ltmp5:
0x12a: {  	_ = 	snop;
	(pc) =	sbr.rel @p1 .LBB2_17-.Ltmp5, $4  }
0x12b: {  	s12 =	sadd.s32 $0x1080, s12  }
0x12c: {  	[spmem:s2] =	stream.indirect.scatter.add.f32 [tilespmem:s3], [sflag:$0x3], $0x80, s12, s31, $0xb8;
	[tilespmem:$0x1E000] =	vst v63  }
0x12d: {  	_ =	swait.ge [sflag:s29], $0x4000  }
0x12e: {  	[sflag:s29] =	ssyncset.done $0x0  }
0x12f: {  	[sflag:s29] =	ssyncadd.s32 $0xFFFFC000  }
0x130: {  	_ =	swait.ge [sflag:s0], $0x4000  }
0x131: {  	[sflag:s0] =	ssyncset.done $0x0  }
0x132: {  	[sflag:s0] =	ssyncadd.s32 $0xFFFFC000  }
0x133: {  	[tilespmem:s3], [sflag:$0x2] =	stream.indirect.gather [hbm4b:s26+s31], $0x80, s14, s31, $0xb8;
	[tilespmem:$0x1E000] =	vst v63  }
0x134: {  	_ = 	snop  }
0x135: {  	[spmem:s2] =	stream.indirect.scatter.add.f32 [tilespmem:s28], [sflag:$0x3], $0x80, s15, s31, $0xb8;
	[tilespmem:$0x1E000] =	vst v63  }
0x136: {  	_ =	swait.ge [sflag:s29], $0x4000  }
0x137: {  	[sflag:s29] =	ssyncset.done $0x0  }
0x138: {  	[sflag:s29] =	ssyncadd.s32 $0xFFFFC000  }
0x139: {  	s10 =	sadd.s32 $0x1, s10;
	_ =	swait.ge [sflag:s13], $0x4000  }
0x13a: {  	p1 =	sne.s32 s10, $0x5;
	[sflag:s13] =	ssyncset.done $0x0  }
.Ltmp6:
0x13b: {  	[sflag:s13] =	ssyncadd.s32 $0xFFFFC000;
	(pc) =	sbr.rel @p1 .LBB2_16-.Ltmp6, $4  }
0x13c: {  	[spmem:s2] =	stream.indirect.scatter.add.f32 [tilespmem:s3], [sflag:$0x3], $0x80, s16, s31, $0xb8;
	[tilespmem:$0x1E000] =	vst v63  }
0x13d: {  	_ =	swait.ge [sflag:s29], $0x4000  }
0x13e: {  	[sflag:s29] =	ssyncset.done $0x0  }
0x13f: {  	[sflag:s29] =	ssyncadd.s32 $0xFFFFC000  }
0x140: {  	s24 =	rddreg [dreg:$0x18]  }
0x141: {  	s22 =	rddreg [dreg:$0x1e]  }
0x142: {  	s21 =	rddreg [dreg:$0x19]  }
0x143: {  	s20 =	rddreg [dreg:$0x1f]  }
.Ltmp7:
0x144: {  	s19 =	rddreg [dreg:$0x1a];
	(pc) =	sbr.rel .LBB2_20-.Ltmp7, $4  }
0x145: {  	s11 =	sld [smem:$0x7FC]  }
0x146: {  	s12 =	rddreg [dreg:$0x1b]  }
0x147: {  	s9 =	sld [smem:$0x7FD]  }
0x148: {  	s10 =	rddreg [dreg:$0x1c]  }
.LBB2_2:
0x149: {  	s9 =	rddreg [dreg:$0x4]  }
0x14a: {  	[spmem:s9] =	stream.linear.scatter [tilespmem:s28], [sflag:$0x3], $0x4000, $0x38;
	[tilespmem:$0x1E000] =	vst v63  }
0x14b: {  	_ =	swait.ge [sflag:s29], $0x4000  }
0x14c: {  	[sflag:s29] =	ssyncset.done $0x0  }
0x14d: {  	s21 =	rddreg [dreg:$0x5];
	[sflag:s29] =	ssyncadd.s32 $0xFFFFC000  }
0x14e: {  	[spmem:s21] =	stream.linear.scatter [tilespmem:s28], [sflag:$0x3], $0x4000, $0x38;
	[tilespmem:$0x1E000] =	vst v63  }
0x14f: {  	_ =	swait.ge [sflag:s29], $0x4000  }
0x150: {  	[sflag:s29] =	ssyncset.done $0x0  }
0x151: {  	s22 =	rddreg [dreg:$0x6];
	[sflag:s29] =	ssyncadd.s32 $0xFFFFC000  }
0x152: {  	[spmem:s22] =	stream.linear.scatter [tilespmem:s28], [sflag:$0x3], $0x4000, $0x38;
	[tilespmem:$0x1E000] =	vst v63  }
0x153: {  	_ =	swait.ge [sflag:s29], $0x4000  }
0x154: {  	[sflag:s29] =	ssyncset.done $0x0  }
0x155: {  	s24 =	rddreg [dreg:$0x7];
	[sflag:s29] =	ssyncadd.s32 $0xFFFFC000  }
0x156: {  	[spmem:s24] =	stream.linear.scatter [tilespmem:s28], [sflag:$0x3], $0x4000, $0x38;
	[tilespmem:$0x1E000] =	vst v63  }
0x157: {  	_ =	swait.ge [sflag:s29], $0x4000  }
0x158: {  	[sflag:s29] =	ssyncset.done $0x0  }
0x159: {  	[sflag:s29] =	ssyncadd.s32 $0xFFFFC000  }
0x15a: {  	s10 =	simm.s32 $0x0;
	s9 =	simm.s32 $0x0;
	[bflag:$0x0] =	sbarrier.arrive $0xFFFF  }
.LBB2_3:
0x15b: {  	s11 =	sshll.u32 s10, $0xC  }
0x15c: {  	s11 =	sadd.s32 s18, s11  }
0x15d: {  	s11 =	sshrl.u32 s11, $0x3  }
0x15e: {  	s12 =	sadd.s32 s6, s11  }
0x15f: {  	[tilespmem:s9], [sflag:$0x3] =	stream.linear.gather [hbm4b:s12+s9], $0x1000, $0x38;
	[tilespmem:$0x1E000] =	vst v63  }
0x160: {  	_ =	swait.ge [sflag:s29], $0x1000  }
0x161: {  	[sflag:s29] =	ssyncset.done $0x0  }
0x162: {  	s11 =	sadd.s32 s1, s11;
	[sflag:s29] =	ssyncadd.s32 $0xFFFFF000  }
0x163: {  	[tilespmem:s30], [sflag:$0x3] =	stream.linear.gather [hbm4b:s11+s9], $0x1000, $0x38;
	[tilespmem:$0x1E000] =	vst v63  }
0x164: {  	_ =	swait.ge [sflag:s29], $0x1000  }
0x165: {  	[sflag:s29] =	ssyncset.done $0x0  }
0x166: {  	[sflag:s29] =	ssyncadd.s32 $0xFFFFF000  }
0x167: {  	[tilespmem:s28], [sflag:$0x1] =	stream.indirect.gather [hbm4b:s5+s31], $0x80, s9, s31, $0xb8;
	[tilespmem:$0x1E000] =	vst v63  }
0x168: {  	_ =	swait.ge [sflag:s0], $0x4000  }
0x169: {  	[sflag:s0] =	ssyncset.done $0x0  }
0x16a: {  	s19 =	simm.s32 $0x80;
	[sflag:s0] =	ssyncadd.s32 $0xFFFFC000  }
0x16b: {  	[tilespmem:s3], [sflag:$0x2] =	stream.indirect.gather [hbm4b:s5+s31], $0x80, s19, s31, $0xb8;
	[tilespmem:$0x1E000] =	vst v63  }
0x16c: {  	s21 =	simm.s32 $0x1000  }
0x16d: {  	[spmem:s2] =	stream.indirect.scatter.add.f32 [tilespmem:s28], [sflag:$0x3], $0x80, s21, s31, $0xb8;
	[tilespmem:$0x1E000] =	vst v63  }
0x16e: {  	_ =	swait.ge [sflag:s29], $0x4000  }
0x16f: {  	[sflag:s29] =	ssyncset.done $0x0  }
0x170: {  	[sflag:s29] =	ssyncadd.s32 $0xFFFFC000  }
0x171: {  	_ =	swait.ge [sflag:s13], $0x4000  }
0x172: {  	[sflag:s13] =	ssyncset.done $0x0  }
0x173: {  	s22 =	simm.s32 $0x100;
	[sflag:s13] =	ssyncadd.s32 $0xFFFFC000  }
0x174: {  	[tilespmem:s28], [sflag:$0x1] =	stream.indirect.gather [hbm4b:s5+s31], $0x80, s22, s31, $0xb8;
	[tilespmem:$0x1E000] =	vst v63  }
0x175: {  	s24 =	simm.s32 $0x1080  }
0x176: {  	[spmem:s2] =	stream.indirect.scatter.add.f32 [tilespmem:s3], [sflag:$0x3], $0x80, s24, s31, $0xb8;
	[tilespmem:$0x1E000] =	vst v63  }
0x177: {  	_ =	swait.ge [sflag:s29], $0x4000  }
0x178: {  	s11 =	simm.s32 $0x400;
	[sflag:s29] =	ssyncset.done $0x0  }
.LBB2_4:
0x179: {  	p1 =	sne.s32 s11, $0x3800  }
0x17a: {  	[sflag:s29] =	ssyncadd.s32 $0xFFFFC000;
	s12 =	smov.u32 s11;
	s11 =	sadd.s32 $0x400, s11  }
0x17b: {  	_ = 	snop  }
0x17c: {  	_ =	swait.ge [sflag:s0], $0x4000  }
0x17d: {  	s12 =	sshra.s32 s12, $0x2;
	[sflag:s0] =	ssyncset.done $0x0  }
0x17e: {  	s19 =	sadd.s32 $0x80, s12;
	[sflag:s0] =	ssyncadd.s32 $0xFFFFC000  }
0x17f: {  	[tilespmem:s3], [sflag:$0x2] =	stream.indirect.gather [hbm4b:s5+s31], $0x80, s19, s31, $0xb8;
	[tilespmem:$0x1E000] =	vst v63  }
0x180: {  	s19 =	sadd.s32 $0x1000, s12  }
0x181: {  	[spmem:s2] =	stream.indirect.scatter.add.f32 [tilespmem:s28], [sflag:$0x3], $0x80, s19, s31, $0xb8;
	[tilespmem:$0x1E000] =	vst v63  }
0x182: {  	_ =	swait.ge [sflag:s29], $0x4000  }
0x183: {  	[sflag:s29] =	ssyncset.done $0x0  }
0x184: {  	[sflag:s29] =	ssyncadd.s32 $0xFFFFC000  }
0x185: {  	_ =	swait.ge [sflag:s13], $0x4000  }
0x186: {  	[sflag:s13] =	ssyncset.done $0x0  }
0x187: {  	s19 =	sadd.s32 $0x100, s12;
	[sflag:s13] =	ssyncadd.s32 $0xFFFFC000  }
0x188: {  	[tilespmem:s28], [sflag:$0x1] =	stream.indirect.gather [hbm4b:s5+s31], $0x80, s19, s31, $0xb8;
	[tilespmem:$0x1E000] =	vst v63  }
.Ltmp8:
0x189: {  	_ = 	snop;
	(pc) =	sbr.rel @p1 .LBB2_4-.Ltmp8, $4  }
0x18a: {  	s12 =	sadd.s32 $0x1080, s12  }
0x18b: {  	[spmem:s2] =	stream.indirect.scatter.add.f32 [tilespmem:s3], [sflag:$0x3], $0x80, s12, s31, $0xb8;
	[tilespmem:$0x1E000] =	vst v63  }
0x18c: {  	_ =	swait.ge [sflag:s29], $0x4000  }
0x18d: {  	[sflag:s29] =	ssyncset.done $0x0  }
0x18e: {  	[sflag:s29] =	ssyncadd.s32 $0xFFFFC000  }
0x18f: {  	_ =	swait.ge [sflag:s0], $0x4000  }
0x190: {  	[sflag:s0] =	ssyncset.done $0x0  }
0x191: {  	[sflag:s0] =	ssyncadd.s32 $0xFFFFC000  }
0x192: {  	[tilespmem:s3], [sflag:$0x2] =	stream.indirect.gather [hbm4b:s5+s31], $0x80, s14, s31, $0xb8;
	[tilespmem:$0x1E000] =	vst v63  }
0x193: {  	_ = 	snop  }
0x194: {  	[spmem:s2] =	stream.indirect.scatter.add.f32 [tilespmem:s28], [sflag:$0x3], $0x80, s15, s31, $0xb8;
	[tilespmem:$0x1E000] =	vst v63  }
0x195: {  	_ =	swait.ge [sflag:s29], $0x4000  }
0x196: {  	[sflag:s29] =	ssyncset.done $0x0  }
0x197: {  	[sflag:s29] =	ssyncadd.s32 $0xFFFFC000  }
0x198: {  	s10 =	sadd.s32 $0x1, s10;
	_ =	swait.ge [sflag:s13], $0x4000  }
0x199: {  	p1 =	sne.s32 s10, $0x5;
	[sflag:s13] =	ssyncset.done $0x0  }
.Ltmp9:
0x19a: {  	[sflag:s13] =	ssyncadd.s32 $0xFFFFC000;
	(pc) =	sbr.rel @p1 .LBB2_3-.Ltmp9, $4  }
0x19b: {  	[spmem:s2] =	stream.indirect.scatter.add.f32 [tilespmem:s3], [sflag:$0x3], $0x80, s16, s31, $0xb8;
	[tilespmem:$0x1E000] =	vst v63  }
0x19c: {  	_ =	swait.ge [sflag:s29], $0x4000  }
0x19d: {  	[sflag:s29] =	ssyncset.done $0x0  }
0x19e: {  	[sflag:s29] =	ssyncadd.s32 $0xFFFFC000  }
0x19f: {  	[bflag:$0x0] =	sbarrier.arrive $0xFFFF  }
0x1a0: {  	[tilespmem:s28], [sflag:$0x3] =	stream.linear.gather [spmem:s8], $0x4000, $0x38;
	[tilespmem:$0x1E000] =	vst v63  }
0x1a1: {  	_ =	swait.ge [sflag:s29], $0x4000  }
0x1a2: {  	[sflag:s29] =	ssyncset.done $0x0  }
0x1a3: {  	s9 =	simm.s32 $0x0;
	s10 =	rddreg [dreg:$0x8];
	[sflag:s29] =	ssyncadd.s32 $0xFFFFC000  }
0x1a4: {  	[hbm4b:s10+s9] =	stream.linear.scatter [tilespmem:s28], [sflag:$0x3], $0x4000, $0x38;
	[tilespmem:$0x1E000] =	vst v63  }
0x1a5: {  	_ =	swait.ge [sflag:s29], $0x4000  }
0x1a6: {  	[sflag:s29] =	ssyncset.done $0x0  }
0x1a7: {  	s10 =	rddreg [dreg:$0x4];
	[sflag:s29] =	ssyncadd.s32 $0xFFFFC000  }
0x1a8: {  	[tilespmem:s28], [sflag:$0x3] =	stream.linear.gather [spmem:s10], $0x4000, $0x38;
	[tilespmem:$0x1E000] =	vst v63  }
0x1a9: {  	_ =	swait.ge [sflag:s29], $0x4000  }
0x1aa: {  	[sflag:s29] =	ssyncset.done $0x0  }
0x1ab: {  	s11 =	rddreg [dreg:$0x9];
	[sflag:s29] =	ssyncadd.s32 $0xFFFFC000  }
0x1ac: {  	[hbm4b:s11+s9] =	stream.linear.scatter [tilespmem:s28], [sflag:$0x3], $0x4000, $0x38;
	[tilespmem:$0x1E000] =	vst v63  }
0x1ad: {  	_ =	swait.ge [sflag:s29], $0x4000  }
0x1ae: {  	[sflag:s29] =	ssyncset.done $0x0  }
0x1af: {  	s11 =	rddreg [dreg:$0x5];
	[sflag:s29] =	ssyncadd.s32 $0xFFFFC000  }
0x1b0: {  	[tilespmem:s28], [sflag:$0x3] =	stream.linear.gather [spmem:s11], $0x4000, $0x38;
	[tilespmem:$0x1E000] =	vst v63  }
0x1b1: {  	_ =	swait.ge [sflag:s29], $0x4000  }
0x1b2: {  	[sflag:s29] =	ssyncset.done $0x0  }
0x1b3: {  	s12 =	rddreg [dreg:$0xa];
	[sflag:s29] =	ssyncadd.s32 $0xFFFFC000  }
0x1b4: {  	[hbm4b:s12+s9] =	stream.linear.scatter [tilespmem:s28], [sflag:$0x3], $0x4000, $0x38;
	[tilespmem:$0x1E000] =	vst v63  }
0x1b5: {  	_ =	swait.ge [sflag:s29], $0x4000  }
0x1b6: {  	[sflag:s29] =	ssyncset.done $0x0  }
0x1b7: {  	s22 =	rddreg [dreg:$0x6];
	[sflag:s29] =	ssyncadd.s32 $0xFFFFC000  }
0x1b8: {  	[tilespmem:s28], [sflag:$0x3] =	stream.linear.gather [spmem:s22], $0x4000, $0x38;
	[tilespmem:$0x1E000] =	vst v63  }
0x1b9: {  	_ =	swait.ge [sflag:s29], $0x4000  }
0x1ba: {  	[sflag:s29] =	ssyncset.done $0x0  }
0x1bb: {  	s19 =	rddreg [dreg:$0xb];
	[sflag:s29] =	ssyncadd.s32 $0xFFFFC000  }
0x1bc: {  	[hbm4b:s19+s9] =	stream.linear.scatter [tilespmem:s28], [sflag:$0x3], $0x4000, $0x38;
	[tilespmem:$0x1E000] =	vst v63  }
0x1bd: {  	_ =	swait.ge [sflag:s29], $0x4000  }
0x1be: {  	[sflag:s29] =	ssyncset.done $0x0  }
0x1bf: {  	s24 =	rddreg [dreg:$0x7];
	[sflag:s29] =	ssyncadd.s32 $0xFFFFC000  }
0x1c0: {  	[tilespmem:s28], [sflag:$0x3] =	stream.linear.gather [spmem:s24], $0x4000, $0x38;
	[tilespmem:$0x1E000] =	vst v63  }
0x1c1: {  	_ =	swait.ge [sflag:s29], $0x4000  }
0x1c2: {  	[sflag:s29] =	ssyncset.done $0x0  }
0x1c3: {  	s21 =	rddreg [dreg:$0x12];
	[sflag:s29] =	ssyncadd.s32 $0xFFFFC000  }
0x1c4: {  	[hbm4b:s21+s9] =	stream.linear.scatter [tilespmem:s28], [sflag:$0x3], $0x4000, $0x38;
	[tilespmem:$0x1E000] =	vst v63  }
0x1c5: {  	_ =	swait.ge [sflag:s29], $0x4000  }
0x1c6: {  	[sflag:s29] =	ssyncset.done $0x0  }
0x1c7: {  	[sflag:s29] =	ssyncadd.s32 $0xFFFFC000  }
0x1c8: {  	[bflag:$0x0] =	sbarrier.arrive $0xFFFF  }
0x1c9: {  	[tilespmem:s28], [sflag:$0x3] =	stream.linear.gather [hbm4b:s20+s9], $0x4000, $0x38;
	[tilespmem:$0x1E000] =	vst v63  }
0x1ca: {  	_ =	swait.ge [sflag:s29], $0x4000  }
0x1cb: {  	[sflag:s29] =	ssyncset.done $0x0  }
0x1cc: {  	[sflag:s29] =	ssyncadd.s32 $0xFFFFC000  }
0x1cd: {  	[spmem:s8] =	stream.linear.scatter [tilespmem:s28], [sflag:$0x3], $0x4000, $0x38;
	[tilespmem:$0x1E000] =	vst v63  }
0x1ce: {  	_ =	swait.ge [sflag:s29], $0x4000  }
0x1cf: {  	[sflag:s29] =	ssyncset.done $0x0  }
0x1d0: {  	[sflag:s29] =	ssyncadd.s32 $0xFFFFC000  }
0x1d1: {  	[spmem:s10] =	stream.linear.scatter [tilespmem:s28], [sflag:$0x3], $0x4000, $0x38;
	[tilespmem:$0x1E000] =	vst v63  }
0x1d2: {  	_ =	swait.ge [sflag:s29], $0x4000  }
0x1d3: {  	[sflag:s29] =	ssyncset.done $0x0  }
0x1d4: {  	[sflag:s29] =	ssyncadd.s32 $0xFFFFC000  }
0x1d5: {  	[spmem:s11] =	stream.linear.scatter [tilespmem:s28], [sflag:$0x3], $0x4000, $0x38;
	[tilespmem:$0x1E000] =	vst v63  }
0x1d6: {  	_ =	swait.ge [sflag:s29], $0x4000  }
0x1d7: {  	[sflag:s29] =	ssyncset.done $0x0  }
0x1d8: {  	[sflag:s29] =	ssyncadd.s32 $0xFFFFC000  }
0x1d9: {  	[spmem:s22] =	stream.linear.scatter [tilespmem:s28], [sflag:$0x3], $0x4000, $0x38;
	[tilespmem:$0x1E000] =	vst v63  }
0x1da: {  	_ =	swait.ge [sflag:s29], $0x4000  }
0x1db: {  	[sflag:s29] =	ssyncset.done $0x0  }
0x1dc: {  	[sflag:s29] =	ssyncadd.s32 $0xFFFFC000  }
0x1dd: {  	[spmem:s24] =	stream.linear.scatter [tilespmem:s28], [sflag:$0x3], $0x4000, $0x38;
	[tilespmem:$0x1E000] =	vst v63  }
0x1de: {  	_ =	swait.ge [sflag:s29], $0x4000  }
0x1df: {  	[sflag:s29] =	ssyncset.done $0x0  }
0x1e0: {  	[sflag:s29] =	ssyncadd.s32 $0xFFFFC000  }
0x1e1: {  	s10 =	simm.s32 $0x0;
	[bflag:$0x0] =	sbarrier.arrive $0xFFFF  }
.LBB2_7:
0x1e2: {  	s11 =	sshll.u32 s10, $0xC  }
0x1e3: {  	s11 =	sadd.s32 s18, s11  }
0x1e4: {  	s11 =	sshrl.u32 s11, $0x3  }
0x1e5: {  	s12 =	sadd.s32 s6, s11  }
0x1e6: {  	[tilespmem:s9], [sflag:$0x3] =	stream.linear.gather [hbm4b:s12+s9], $0x1000, $0x38;
	[tilespmem:$0x1E000] =	vst v63  }
0x1e7: {  	_ =	swait.ge [sflag:s29], $0x1000  }
0x1e8: {  	[sflag:s29] =	ssyncset.done $0x0  }
0x1e9: {  	s11 =	sadd.s32 s1, s11;
	[sflag:s29] =	ssyncadd.s32 $0xFFFFF000  }
0x1ea: {  	[tilespmem:s30], [sflag:$0x3] =	stream.linear.gather [hbm4b:s11+s9], $0x1000, $0x38;
	[tilespmem:$0x1E000] =	vst v63  }
0x1eb: {  	_ =	swait.ge [sflag:s29], $0x1000  }
0x1ec: {  	[sflag:s29] =	ssyncset.done $0x0  }
0x1ed: {  	[sflag:s29] =	ssyncadd.s32 $0xFFFFF000  }
0x1ee: {  	[tilespmem:s28], [sflag:$0x1] =	stream.indirect.gather [hbm4b:s23+s31], $0x80, s9, s31, $0xb8;
	[tilespmem:$0x1E000] =	vst v63  }
0x1ef: {  	_ =	swait.ge [sflag:s0], $0x4000  }
0x1f0: {  	[sflag:s0] =	ssyncset.done $0x0  }
0x1f1: {  	s20 =	simm.s32 $0x80;
	[sflag:s0] =	ssyncadd.s32 $0xFFFFC000  }
0x1f2: {  	[tilespmem:s3], [sflag:$0x2] =	stream.indirect.gather [hbm4b:s23+s31], $0x80, s20, s31, $0xb8;
	[tilespmem:$0x1E000] =	vst v63  }
0x1f3: {  	s21 =	simm.s32 $0x1000  }
0x1f4: {  	[spmem:s2] =	stream.indirect.scatter.add.f32 [tilespmem:s28], [sflag:$0x3], $0x80, s21, s31, $0xb8;
	[tilespmem:$0x1E000] =	vst v63  }
0x1f5: {  	_ =	swait.ge [sflag:s29], $0x4000  }
0x1f6: {  	[sflag:s29] =	ssyncset.done $0x0  }
0x1f7: {  	[sflag:s29] =	ssyncadd.s32 $0xFFFFC000  }
0x1f8: {  	_ =	swait.ge [sflag:s13], $0x4000  }
0x1f9: {  	[sflag:s13] =	ssyncset.done $0x0  }
0x1fa: {  	s22 =	simm.s32 $0x100;
	[sflag:s13] =	ssyncadd.s32 $0xFFFFC000  }
0x1fb: {  	[tilespmem:s28], [sflag:$0x1] =	stream.indirect.gather [hbm4b:s23+s31], $0x80, s22, s31, $0xb8;
	[tilespmem:$0x1E000] =	vst v63  }
0x1fc: {  	s24 =	simm.s32 $0x1080  }
0x1fd: {  	[spmem:s2] =	stream.indirect.scatter.add.f32 [tilespmem:s3], [sflag:$0x3], $0x80, s24, s31, $0xb8;
	[tilespmem:$0x1E000] =	vst v63  }
0x1fe: {  	_ =	swait.ge [sflag:s29], $0x4000  }
0x1ff: {  	s11 =	simm.s32 $0x400;
	[sflag:s29] =	ssyncset.done $0x0  }
.LBB2_8:
0x200: {  	p1 =	sne.s32 s11, $0x3800  }
0x201: {  	[sflag:s29] =	ssyncadd.s32 $0xFFFFC000;
	s12 =	smov.u32 s11;
	s11 =	sadd.s32 $0x400, s11  }
0x202: {  	_ = 	snop  }
0x203: {  	_ =	swait.ge [sflag:s0], $0x4000  }
0x204: {  	s12 =	sshra.s32 s12, $0x2;
	[sflag:s0] =	ssyncset.done $0x0  }
0x205: {  	s19 =	sadd.s32 $0x80, s12;
	[sflag:s0] =	ssyncadd.s32 $0xFFFFC000  }
0x206: {  	[tilespmem:s3], [sflag:$0x2] =	stream.indirect.gather [hbm4b:s23+s31], $0x80, s19, s31, $0xb8;
	[tilespmem:$0x1E000] =	vst v63  }
0x207: {  	s19 =	sadd.s32 $0x1000, s12  }
0x208: {  	[spmem:s2] =	stream.indirect.scatter.add.f32 [tilespmem:s28], [sflag:$0x3], $0x80, s19, s31, $0xb8;
	[tilespmem:$0x1E000] =	vst v63  }
0x209: {  	_ =	swait.ge [sflag:s29], $0x4000  }
0x20a: {  	[sflag:s29] =	ssyncset.done $0x0  }
0x20b: {  	[sflag:s29] =	ssyncadd.s32 $0xFFFFC000  }
0x20c: {  	_ =	swait.ge [sflag:s13], $0x4000  }
0x20d: {  	[sflag:s13] =	ssyncset.done $0x0  }
0x20e: {  	s19 =	sadd.s32 $0x100, s12;
	[sflag:s13] =	ssyncadd.s32 $0xFFFFC000  }
0x20f: {  	[tilespmem:s28], [sflag:$0x1] =	stream.indirect.gather [hbm4b:s23+s31], $0x80, s19, s31, $0xb8;
	[tilespmem:$0x1E000] =	vst v63  }
.Ltmp10:
0x210: {  	_ = 	snop;
	(pc) =	sbr.rel @p1 .LBB2_8-.Ltmp10, $4  }
0x211: {  	s12 =	sadd.s32 $0x1080, s12  }
0x212: {  	[spmem:s2] =	stream.indirect.scatter.add.f32 [tilespmem:s3], [sflag:$0x3], $0x80, s12, s31, $0xb8;
	[tilespmem:$0x1E000] =	vst v63  }
0x213: {  	_ =	swait.ge [sflag:s29], $0x4000  }
0x214: {  	[sflag:s29] =	ssyncset.done $0x0  }
0x215: {  	[sflag:s29] =	ssyncadd.s32 $0xFFFFC000  }
0x216: {  	_ =	swait.ge [sflag:s0], $0x4000  }
0x217: {  	[sflag:s0] =	ssyncset.done $0x0  }
0x218: {  	[sflag:s0] =	ssyncadd.s32 $0xFFFFC000  }
0x219: {  	[tilespmem:s3], [sflag:$0x2] =	stream.indirect.gather [hbm4b:s23+s31], $0x80, s14, s31, $0xb8;
	[tilespmem:$0x1E000] =	vst v63  }
0x21a: {  	_ = 	snop  }
0x21b: {  	[spmem:s2] =	stream.indirect.scatter.add.f32 [tilespmem:s28], [sflag:$0x3], $0x80, s15, s31, $0xb8;
	[tilespmem:$0x1E000] =	vst v63  }
0x21c: {  	_ =	swait.ge [sflag:s29], $0x4000  }
0x21d: {  	[sflag:s29] =	ssyncset.done $0x0  }
0x21e: {  	[sflag:s29] =	ssyncadd.s32 $0xFFFFC000  }
0x21f: {  	s10 =	sadd.s32 $0x1, s10;
	_ =	swait.ge [sflag:s13], $0x4000  }
0x220: {  	p1 =	seq.s32 s10, $0x5;
	[sflag:s13] =	ssyncset.done $0x0  }
.Ltmp11:
0x221: {  	[sflag:s13] =	ssyncadd.s32 $0xFFFFC000;
	(pc) =	sbr.rel @!p1 .LBB2_7-.Ltmp11, $4  }
0x222: {  	[spmem:s2] =	stream.indirect.scatter.add.f32 [tilespmem:s3], [sflag:$0x3], $0x80, s16, s31, $0xb8;
	[tilespmem:$0x1E000] =	vst v63  }
0x223: {  	_ =	swait.ge [sflag:s29], $0x4000  }
0x224: {  	[sflag:s29] =	ssyncset.done $0x0  }
0x225: {  	[sflag:s29] =	ssyncadd.s32 $0xFFFFC000  }
0x226: {  	s24 =	rddreg [dreg:$0x13]  }
0x227: {  	s22 =	rddreg [dreg:$0x4]  }
0x228: {  	s21 =	rddreg [dreg:$0x14]  }
0x229: {  	s20 =	rddreg [dreg:$0x5]  }
.Ltmp12:
0x22a: {  	s19 =	rddreg [dreg:$0x15];
	(pc) =	sbr.rel .LBB2_20-.Ltmp12, $4  }
0x22b: {  	s11 =	rddreg [dreg:$0x6]  }
0x22c: {  	s12 =	rddreg [dreg:$0x16]  }
0x22d: {  	s9 =	rddreg [dreg:$0x7]  }
0x22e: {  	s10 =	rddreg [dreg:$0x17]  }
.LBB2_21:
0x22f: {  	_ =	sfence.sel $0x180000  }
0x230: {  	[bflag:$0x0] =	sbarrier.arrive $0xFFFF  }
0x231: {  	_ =	strace $0x9000004A  }
0x232: {  	s0 =	stileid.u32;
	[bflag:$0x2] =	sbarrier.arrive $0xFFFF  }
0x233: {  	p0 =	sne.s32 s0, $0x0;
	s0 =	rddreg [dreg:$0x3]  }
0x234: {  	s0 =	sadd.s32 @!p0 $0x100000, s0  }
0x235: {  	[sflag:s0] =	ssyncadd.tile.s32 @!p0 $0x1;
	_ =	shalt  }
.Lfunc_end2:
_tile_overlayer_lowered:
.L_overlay_start_2:
0x236: {  	(tag) =	ssettag $0x2  }
0x237: {  	s0 =	rddreg [dreg:$0x0];
	s2 =	stileid.u32  }
0x238: {  	s1 =	rddreg [dreg:$0x1];
	p0 =	sne.s32 s2, $0x0  }
0x239: {  	s3 =	rddreg [dreg:$0x2];
	[bflag:$0x3] =	sbarrier.arrive $0xFFFF;
	s2 =	simm.s32 @!p0 $0x1C03  }
0x23a: {  	[timem:s3], [sflag:s2] =	dma.local @!p0 [hbm:s0], s1  }
0x23b: {  	s0 =	simm.s32 @!p0 $0x3  }
0x23c: {  	_ =	swait.ge @!p0 [sflag:s0], s1  }
0x23d: {  	s1 =	ssub.s32 @!p0 $0x0, s1;
	[sflag:s0] =	ssyncset.done @!p0 $0x0  }
0x23e: {  	[sflag:s0] =	ssyncadd.s32 @!p0 s1  }
0x23f: {  	[bflag:$0x3] =	sbarrier.arrive $0xFFFF  }
0x240: {  	_ =	shalt  }

// kernel: kernel.15.cloned.1.call-start
scs
__scs_entry_jumppad:
0x0: {  	(pc) =	sbr.rel $0x88, $3  }
0x1: {  	(tag) =	ssettag $0x0;
	lr =	simm.s32 $0x1  }
0x2: {  	[smem:$0x3F95] =	sst lr;
	_ =	strace $0xD0000000  }
0x3: {  	_ = 	snop  }
0x4: {  	_ = 	snop  }
0x5: {  	_ = 	snop  }
0x6: {  	_ = 	snop  }
0x7: {  	_ = 	snop  }
__scs_overlays_trampoline_lowered:
0x8: {  	[smem:$0x3FA4] =	sst s0  }
0x9: {  	[smem:$0x3FA5] =	sst s1  }
0xa: {  	[smem:$0x3FA6] =	sst s2  }
0xb: {  	[smem:$0x3FA7] =	sst s3  }
0xc: {  	[smem:$0x3FA8] =	sst s4  }
0xd: {  	[smem:$0x3FA9] =	sst s5  }
0xe: {  	[smem:$0x3FAA] =	sst s6  }
0xf: {  	[smem:$0x3FAB] =	sst s7  }
0x10: {  	[smem:$0x3FAC] =	sst s8  }
0x11: {  	[smem:$0x3FAD] =	sst s9;
	s0 =	simm.s32 @!p0 $0x0  }
0x12: {  	s1 =	sld [smem:$0x3F93];
	s0 =	simm.s32 @p0 $0x1  }
0x13: {  	[smem:$0x3FAE] =	sst s0;
	s0 =	simm.s32 @!p1 $0x0  }
0x14: {  	s2 =	sld [smem:$0x3F92];
	s0 =	simm.s32 @p1 $0x1  }
0x15: {  	[smem:$0x3FAF] =	sst s0;
	s0 =	simm.s32 @!p2 $0x0  }
0x16: {  	s3 =	sld [smem:$0x3FDB];
	s0 =	simm.s32 @p2 $0x1  }
0x17: {  	s4 =	simm.s32 $0x1BF5;
	[smem:$0x3FB1] =	sst s0  }
0x18: {  	s0 =	sld [smem:$0x3F94];
	_ =	swait.ge [sflag:s4], $0x0  }
0x19: {  	s7 =	sld [smem:$0x3F95]  }
0x1a: {  	s8 =	sadd.s32 $0xFFFFE003, lr  }
0x1b: {  	s9 =	sadd.s32 $0xFFFFFEF7, lr;
	s5 =	simm.s32 $0xFFFFFFFF;
	p2 =	slt.u32 s8, $0xFFFFF086  }
0x1c: {  	p1 =	slt.u32 s9, $0xF7A;
	s5 =	simm.s32 @!p2 $0x0  }
0x1d: {  	s5 =	simm.s32 @p1 $0x1;
	p0 =	seq.s32 s7, s2  }
0x1e: {  	s7 =	smul.u32 @!p0 $0xF7A, s2;
	p2 =	seq.s32 @!p0 s5, $0x0  }
0x1f: {  	s9 =	smul.u32 $0xF7A, s1;
	s8 =	simm.s32 @!p0 $0x1BF5;
	p2 =	por !p2, p0  }
0x20: {  	[sflag:s8] =	ssyncset.s32 @!p0 $0xFFFFF086;
	s6 =	sadd.s32 @!p0 s3, s7;
	s7 =	simm.s32 @!p0 $0x108  }
0x21: {  	s3 =	sadd.s32 s3, s9;
	s6 =	sadd.s32 @!p0 $0x88, s6;
	s7 =	simm.s32 @p2 $0x1082  }
0x22: {  	[simem:s7], [sflag:s8] =	dma.local @!p0 [hbm:s6], $0xF7A  }
0x23: {  	s9 =	sor.u32 $0xD0000000, s2;
	s6 =	simm.s32 $0x108;
	_ =	swait.ge @!p0 [sflag:s8], $0x0  }
0x24: {  	s3 =	sadd.s32 $0x88, s3;
	s6 =	simm.s32 @!p1 $0x1082;
	[sflag:s4] =	ssyncset.s32 $0xFFFFF086  }
0x25: {  	[simem:s6], [sflag:s4] =	dma.local [hbm:s3], $0xF7A  }
0x26: {  	[smem:$0x3F95] =	sst s1;
	(tag) =	ssettag s2;
	_ =	strace s9  }
0x27: {  	s1 =	sld [smem:$0x3FA5]  }
0x28: {  	s2 =	sld [smem:$0x3FA6]  }
0x29: {  	s4 =	sld [smem:$0x3FA8]  }
0x2a: {  	p0 =	seq.s32 s5, $0x0;
	s5 =	sld [smem:$0x3FA9]  }
0x2b: {  	s6 =	sld [smem:$0x3FAA]  }
0x2c: {  	s7 =	sld [smem:$0x3FAB]  }
0x2d: {  	s3 =	simm.s32 $0x108;
	s8 =	sld [smem:$0x3FAC]  }
0x2e: {  	s3 =	simm.s32 @!p0 $0x1082;
	s9 =	sld [smem:$0x3FAD]  }
0x2f: {  	lr =	sadd.s32 s0, s3;
	s0 =	sld [smem:$0x3FA4]  }
0x30: {  	s3 =	sld [smem:$0x3FA7]  }
0x31: {  	[smem:$0x3FB0] =	sst s10  }
0x32: {  	s10 =	sld [smem:$0x3FAE];
	_ =	sdelay $0x3  }
0x33: {  	p0 =	seq.s32 s10, $0x1;
	s10 =	sld [smem:$0x3FB0];
	_ =	sdelay $0x3  }
0x34: {  	[smem:$0x3FB0] =	sst s10  }
0x35: {  	s10 =	sld [smem:$0x3FAF];
	_ =	sdelay $0x3  }
0x36: {  	p1 =	seq.s32 s10, $0x1;
	s10 =	sld [smem:$0x3FB0];
	_ =	sdelay $0x3  }
0x37: {  	[smem:$0x3FB0] =	sst s10  }
0x38: {  	s10 =	sld [smem:$0x3FB1]  }
0x39: {  	_ = 	snop;
	(pc) =	sbr.ind lr, $3  }
0x3a: {  	_ = 	snop  }
0x3b: {  	_ = 	snop  }
0x3c: {  	p2 =	seq.s32 s10, $0x1;
	s10 =	sld [smem:$0x3FB0]  }
0x3d: {  	_ =	shalt  }
0x3e: {  	_ =	shalt  }
0x3f: {  	_ =	shalt  }
0x40: {  	_ =	shalt  }
0x41: {  	_ =	shalt  }
0x42: {  	_ =	shalt  }
0x43: {  	_ =	shalt  }
0x44: {  	_ =	shalt  }
0x45: {  	_ =	shalt  }
0x46: {  	_ =	shalt  }
0x47: {  	_ =	shalt  }
0x48: {  	_ =	shalt  }
0x49: {  	_ =	shalt  }
0x4a: {  	_ =	shalt  }
0x4b: {  	_ =	shalt  }
0x4c: {  	_ =	shalt  }
0x4d: {  	_ =	shalt  }
0x4e: {  	_ =	shalt  }
0x4f: {  	_ =	shalt  }
0x50: {  	_ =	shalt  }
0x51: {  	_ =	shalt  }
0x52: {  	_ =	shalt  }
0x53: {  	_ =	shalt  }
0x54: {  	_ =	shalt  }
0x55: {  	_ =	shalt  }
0x56: {  	_ =	shalt  }
0x57: {  	_ =	shalt  }
0x58: {  	_ =	shalt  }
0x59: {  	_ =	shalt  }
0x5a: {  	_ =	shalt  }
0x5b: {  	_ =	shalt  }
0x5c: {  	_ =	shalt  }
0x5d: {  	_ =	shalt  }
0x5e: {  	_ =	shalt  }
0x5f: {  	_ =	shalt  }
0x60: {  	_ =	shalt  }
0x61: {  	_ =	shalt  }
0x62: {  	_ =	shalt  }
0x63: {  	_ =	shalt  }
0x64: {  	_ =	shalt  }
0x65: {  	_ =	shalt  }
0x66: {  	_ =	shalt  }
0x67: {  	_ =	shalt  }
0x68: {  	_ =	shalt  }
0x69: {  	_ =	shalt  }
0x6a: {  	_ =	shalt  }
0x6b: {  	_ =	shalt  }
0x6c: {  	_ =	shalt  }
0x6d: {  	_ =	shalt  }
0x6e: {  	_ =	shalt  }
0x6f: {  	_ =	shalt  }
0x70: {  	_ =	shalt  }
0x71: {  	_ =	shalt  }
0x72: {  	_ =	shalt  }
0x73: {  	_ =	shalt  }
0x74: {  	_ =	shalt  }
0x75: {  	_ =	shalt  }
0x76: {  	_ =	shalt  }
0x77: {  	_ =	shalt  }
0x78: {  	_ =	shalt  }
0x79: {  	_ =	shalt  }
0x7a: {  	_ =	shalt  }
0x7b: {  	_ =	shalt  }
0x7c: {  	_ =	shalt  }
0x7d: {  	_ =	shalt  }
0x7e: {  	_ =	shalt  }
0x7f: {  	_ =	shalt  }
0x80: {  	_ =	shalt  }
0x81: {  	_ =	shalt  }
0x82: {  	_ =	shalt  }
0x83: {  	_ =	shalt  }
0x84: {  	_ =	shalt  }
0x85: {  	_ =	shalt  }
0x86: {  	_ =	shalt  }
0x87: {  	_ =	shalt  }
.Lfunc_end0:
.L_simem_size_0:
called_computation.2_lowered:
.L_overlay_start_0:
0x88: {  	s2 =	sld [smem:$0x3FD9]  }
0x89: {  	s3 =	sld [smem:$0x3FFE];
	_ =	sdelay $0x1  }
0x8a: {  	s1 =	srdreg.scid  }
0x8b: {  	s0 =	sand.u32 $0x1, s1  }
0x8c: {  	s17 =	sshll.u32 s0, $0xA;
	s2 =	sadd.s32 s3, s2  }
0x8d: {  	s2 =	sadd.s32 s2, s17  }
0x8e: {  	[smem:$0x3FBC] =	sst s2  }
0x8f: {  	_ = 	snop  }
0x90: {  	s2 =	sld [smem:$0x3FD0];
	(tm) =	ssettm $0x1  }
0x91: {  	s18 =	sld [smem:$0x3FFB];
	_ =	sdelay $0x3  }
0x92: {  	_ =	strace s18  }
0x93: {  	s3 =	sld [smem:$0x3FFC];
	_ =	sdelay $0x3  }
0x94: {  	_ =	strace s3  }
0x95: {  	s3 =	sld [smem:$0x3FFD];
	_ =	sdelay $0x3  }
0x96: {  	_ =	strace s3  }
0x97: {  	_ =	strace $0x8FFFFFFF  }
0x98: {  	s19 =	sld [smem:$0x3FDB];
	_ =	sdelay $0x1  }
0x99: {  	s4 =	simm.s32 $_scs_section_size  }
0x9a: {  	s5 =	simm.s32 $_size__tile_overlayer_lowered;
	s6 =	simm.s32 $_tile_overlayer_lowered  }
0x9b: {  	s22 =	simm.s32 $0x1BFF;
	s21 =	sshll.u32 s6, $0x1;
	s3 =	sadd.s32 s4, s19  }
0x9c: {  	s7 =	simm.s32 $0x0;
	s20 =	sshll.u32 s5, $0x1;
	s5 =	sadd.s32 s21, s3  }
0x9d: {  	[timem:s7], [sflag:s22] =	dma.local [hbm:s5], s20  }
0x9e: {  	_ =	swait.ge [sflag:s22], s20  }
0x9f: {  	s4 =	ssub.s32 $0x0, s20;
	[sflag:s22] =	ssyncset.done $0x0  }
0xa0: {  	[sflag:s22] =	ssyncadd.s32 s4;
	_ =	sdelay $0x1  }
0xa1: {  	s23 =	simm.s32 $0x1B8B  }
0xa2: {  	_ =	swait.ge [sflag:s23], $0x1  }
0xa3: {  	[sflag:s23] =	ssyncset.done $0x0  }
0xa4: {  	s25 =	simm.s32 $0x1B8E;
	s24 =	sld [smem:$0x3FFE];
	[sflag:s23] =	ssyncadd.s32 $0xFFFFFFFF  }
0xa5: {  	s26 =	simm.s32 $execute0_lowered;
	[smem:$0x3FD2] =	sst s25  }
0xa6: {  	s5 =	sshll.u32 s26, $0x1;
	_ =	strace $0x8000004C;
	[dreg:$0x1] =	wrdreg $0xFFFFFFFF  }
0xa7: {  	s28 =	simm.s32 $_size_execute0_lowered;
	s3 =	sadd.s32 s3, s5;
	[dreg:$0x0] =	wrdreg $0x0  }
0xa8: {  	s5 =	sshll.u32 s28, $0x1;
	[dreg:$0x2] =	wrdreg s3  }
0xa9: {  	[dreg:$0x3] =	wrdreg s5  }
0xaa: {  	[dreg:$0x4] =	wrdreg $0xC0  }
0xab: {  	_ =	task [dreg:s7], $0x5FFFF  }
0xac: {  	[dreg:$0x1] =	wrdreg $0xFFFFFFFF  }
0xad: {  	[dreg:$0x0] =	wrdreg $0x60  }
0xae: {  	[dreg:$0x2] =	wrdreg s24  }
0xaf: {  	[dreg:$0x3] =	wrdreg s2  }
0xb0: {  	[dreg:$0x4] =	wrdreg $0xA0000  }
0xb1: {  	[dreg:$0x5] =	wrdreg $0x9  }
0xb2: {  	_ =	task.clear_ibuf [dreg:s7], $0x6FFFF;
	_ =	strace $0x9000004C  }
0xb3: {  	s29 =	simm.s32 $0x9;
	_ =	strace $0x8000004E  }
0xb4: {  	_ =	swait.ge [sflag:s29], $0x1  }
0xb5: {  	[sflag:s29] =	ssyncadd.s32 $0xFFFFFFFF  }
0xb6: {  	_ =	strace $0x9000004E  }
0xb7: {  	_ =	sfence  }
0xb8: {  	s30 =	sld [smem:$0x0];
	_ =	sdelay $0x2  }
0xb9: {  	s31 =	sshll.u32 s1, $0xD;
	s1 =	sshrl.u32 s1, $0x2  }
0xba: {  	s3 =	sand.u32 $0x4000, s31;
	s1 =	sadd.s32 s1, s30  }
0xbb: {  	s0 =	sor.u32 s3, s0;
	s1 =	sshll.u32 s1, $0x11  }
0xbc: {  	s0 =	sor.u32 s1, s0  }
0xbd: {  	s0 =	sadd.s32 $0x8F2B, s0  }
0xbe: {  	[sflag:s0] =	ssyncadd.remote.s32 $0x1  }
0xbf: {  	_ =	sfence.sel $0xFFFF  }
0xc0: {  	[dreg:$0x0] =	wrdreg $0xFFFFFFFF;
	(pc) =	sbr.abs _section_cstart, $3  }
0xc1: {  	[dreg:$0x1] =	wrdreg $0xFFFFFFFF  }
0xc2: {  	_ =	task.clear_ibuf [dreg:s7], $0x2FFFF;
	_ =	strace $0x9FFFFFFF  }
0xc3: {  	(tm) =	ssettm $0x7FFFFFFF  }
tec
execute0_lowered:
.L_overlay_start_1:
0x0: {  	(tag) =	ssettag $0x1  }
0x1: {  	s0 =	rddreg [dreg:$0x0]  }
0x2: {  	s1 =	rddreg [dreg:$0x1]  }
0x3: {  	s2 =	rddreg [dreg:$0x2];
	s16 =	stileid.u32  }
0x4: {  	s4 =	simm.s32 $0x0;
	s3 =	srdreg.scid;
	s10 =	smul.u32 $0x280, s16  }
0x5: {  	[smem:$0x7FF] =	sst s4;
	s3 =	sand.u32 $0x1, s3;
	s11 =	smul.u32 $0x50000, s16  }
0x6: {  	s5 =	sadd.s32 $0x2800, s0;
	s6 =	sadd.s32 $0xB2C00, s0;
	s15 =	smul.u32 $0x14000, s16  }
0x7: {  	s8 =	sadd.s32 $0x2000, s0;
	s14 =	smul.u32 $0x5000, s16;
	s19 =	sadd.s32 $0x29900, s0  }
0x8: {  	_ =	strace $0x8000004D;
	s7 =	ssub.s32 $0x2, s3;
	[dreg:$0x4] =	wrdreg s8  }
0x9: {  	s8 =	sadd.s32 $0x50A00, s0;
	p0 =	seq.s32 s3, $0x1;
	s0 =	simm.s32 $0x2000  }
0xa: {  	s9 =	sshrl.u32 s7, $0x1;
	s23 =	sshrl.u32 s11, $0x2;
	s24 =	sadd.s32 $0x80, s10  }
0xb: {  	s12 =	sadd.s32 $0x100, s10;
	s13 =	sadd.s32 $0x180, s10;
	s10 =	sadd.s32 $0x200, s10  }
0xc: {  	s18 =	sshrl.u32 s15, $0x3;
	s15 =	simm.s32 $0x1000;
	s11 =	sshll.u32 s24, $0x4  }
0xd: {  	s26 =	sshll.u32 s12, $0x7;
	s12 =	sshll.u32 s12, $0x4;
	[dreg:$0x9] =	wrdreg s11  }
0xe: {  	s7 =	ssub.s32 s7, s9;
	s17 =	sshll.u32 s13, $0x4;
	[dreg:$0xa] =	wrdreg s12  }
0xf: {  	s29 =	sshll.u32 s10, $0x7;
	s10 =	sshll.u32 s10, $0x4;
	[dreg:$0xb] =	wrdreg s17  }
0x10: {  	s9 =	sadd.s32 s23, s2;
	s20 =	sadd.s32 $0x28000, s18;
	[dreg:$0xc] =	wrdreg s10  }
0x11: {  	s25 =	sshll.u32 s24, $0x7;
	s21 =	sadd.s32 $0x28800, s18;
	[dreg:$0xd] =	wrdreg s20  }
0x12: {  	s28 =	sshll.u32 s13, $0x7;
	s22 =	sadd.s32 $0x29000, s18;
	[dreg:$0xe] =	wrdreg s21  }
0x13: {  	s23 =	sadd.s32 $0x29800, s18;
	s24 =	sadd.s32 $0x2A000, s18;
	[dreg:$0xf] =	wrdreg s22  }
0x14: {  	s18 =	simm.s32 $0x6000;
	s3 =	sadd.s32 s25, s2;
	[dreg:$0x10] =	wrdreg s23  }
0x15: {  	[dreg:$0x11] =	wrdreg s24;
	s25 =	smax.u32 s7, $0x1;
	s30 =	sadd.s32 $0xC000, s9  }
0x16: {  	s31 =	sadd.s32 $0x10000, s9;
	s17 =	simm.s32 $0x1;
	[dreg:$0x5] =	wrdreg s3  }
0x17: {  	s20 =	simm.s32 $0x2;
	s3 =	sadd.s32 s26, s2;
	[dreg:$0x12] =	wrdreg s25  }
0x18: {  	s26 =	smul.u32 $0x2800, s16;
	[dreg:$0x6] =	wrdreg s3;
	s3 =	sadd.s32 s28, s2  }
.Ltmp0:
0x19: {  	s21 =	simm.s32 $0xF80;
	[dreg:$0x7] =	wrdreg s3;
	(pc) =	sbr.rel .LBB2_1-.Ltmp0, $4  }
0x1a: {  	s22 =	simm.s32 $0x1F00;
	s28 =	sadd.s32 $0x4000, s9;
	[dreg:$0x13] =	wrdreg s26  }
0x1b: {  	s23 =	simm.s32 $0x1F80;
	s3 =	sadd.s32 s29, s2;
	[dreg:$0x14] =	wrdreg s28  }
0x1c: {  	s24 =	simm.s32 $0x0;
	s29 =	sadd.s32 $0x8000, s9;
	[dreg:$0x8] =	wrdreg s3  }
0x1d: {  	s16 =	simm.s32 $0x80;
	[dreg:$0x15] =	wrdreg s29;
	s3 =	simm.s32 $0x3  }
.LBB2_12:
0x1e: {  	[bflag:$0x0] =	sbarrier.arrive $0xFFFF  }
0x1f: {  	[tilespmem:s0], [sflag:$0x3] =	stream.linear.gather [spmem:s9], $0x4000, $0x38;
	[tilespmem:$0x1E000] =	vst v63  }
0x20: {  	_ =	swait.ge [sflag:s3], $0x4000  }
0x21: {  	[sflag:s3] =	ssyncset.done $0x0  }
0x22: {  	s13 =	sadd.s32 s8, s13;
	[sflag:s3] =	ssyncadd.s32 $0xFFFFC000  }
0x23: {  	[hbm4b:s13+s4] =	stream.linear.scatter [tilespmem:s0], [sflag:$0x3], $0x4000, $0x38;
	[tilespmem:$0x1E000] =	vst v63  }
0x24: {  	_ =	swait.ge [sflag:s3], $0x4000  }
0x25: {  	[sflag:s3] =	ssyncset.done $0x0  }
0x26: {  	[sflag:s3] =	ssyncadd.s32 $0xFFFFC000  }
0x27: {  	[tilespmem:s0], [sflag:$0x3] =	stream.linear.gather [spmem:s28], $0x4000, $0x38;
	[tilespmem:$0x1E000] =	vst v63  }
0x28: {  	_ =	swait.ge [sflag:s3], $0x4000  }
0x29: {  	[sflag:s3] =	ssyncset.done $0x0  }
0x2a: {  	s25 =	sadd.s32 s8, s25;
	[sflag:s3] =	ssyncadd.s32 $0xFFFFC000  }
0x2b: {  	[hbm4b:s25+s4] =	stream.linear.scatter [tilespmem:s0], [sflag:$0x3], $0x4000, $0x38;
	[tilespmem:$0x1E000] =	vst v63  }
0x2c: {  	_ =	swait.ge [sflag:s3], $0x4000  }
0x2d: {  	[sflag:s3] =	ssyncset.done $0x0  }
0x2e: {  	[sflag:s3] =	ssyncadd.s32 $0xFFFFC000  }
0x2f: {  	[tilespmem:s0], [sflag:$0x3] =	stream.linear.gather [spmem:s29], $0x4000, $0x38;
	[tilespmem:$0x1E000] =	vst v63  }
0x30: {  	_ =	swait.ge [sflag:s3], $0x4000  }
0x31: {  	[sflag:s3] =	ssyncset.done $0x0  }
0x32: {  	s11 =	sadd.s32 s8, s11;
	[sflag:s3] =	ssyncadd.s32 $0xFFFFC000  }
0x33: {  	[hbm4b:s11+s4] =	stream.linear.scatter [tilespmem:s0], [sflag:$0x3], $0x4000, $0x38;
	[tilespmem:$0x1E000] =	vst v63  }
0x34: {  	_ =	swait.ge [sflag:s3], $0x4000  }
0x35: {  	[sflag:s3] =	ssyncset.done $0x0  }
0x36: {  	[sflag:s3] =	ssyncadd.s32 $0xFFFFC000  }
0x37: {  	[tilespmem:s0], [sflag:$0x3] =	stream.linear.gather [spmem:s12], $0x4000, $0x38;
	[tilespmem:$0x1E000] =	vst v63  }
0x38: {  	_ =	swait.ge [sflag:s3], $0x4000  }
0x39: {  	[sflag:s3] =	ssyncset.done $0x0  }
0x3a: {  	s28 =	sadd.s32 s8, s26;
	[sflag:s3] =	ssyncadd.s32 $0xFFFFC000  }
0x3b: {  	[hbm4b:s28+s4] =	stream.linear.scatter [tilespmem:s0], [sflag:$0x3], $0x4000, $0x38;
	[tilespmem:$0x1E000] =	vst v63  }
0x3c: {  	_ =	swait.ge [sflag:s3], $0x4000  }
0x3d: {  	[sflag:s3] =	ssyncset.done $0x0  }
0x3e: {  	[sflag:s3] =	ssyncadd.s32 $0xFFFFC000  }
0x3f: {  	[tilespmem:s0], [sflag:$0x3] =	stream.linear.gather [spmem:s10], $0x4000, $0x38;
	[tilespmem:$0x1E000] =	vst v63  }
0x40: {  	_ =	swait.ge [sflag:s3], $0x4000  }
0x41: {  	[sflag:s3] =	ssyncset.done $0x0  }
0x42: {  	s7 =	sadd.s32 s8, s7;
	[sflag:s3] =	ssyncadd.s32 $0xFFFFC000  }
0x43: {  	[hbm4b:s7+s4] =	stream.linear.scatter [tilespmem:s0], [sflag:$0x3], $0x4000, $0x38;
	[tilespmem:$0x1E000] =	vst v63  }
0x44: {  	_ =	swait.ge [sflag:s3], $0x4000  }
0x45: {  	s24 =	sadd.s32 $0x1, s24;
	s29 =	rddreg [dreg:$0x12]  }
0x46: {  	p1 =	sne.s32 s24, s29  }
.Ltmp1:
0x47: {  	_ = 	snop;
	(pc) =	sbr.rel @!p1 .LBB2_13-.Ltmp1, $3  }
0x48: {  	[sflag:s3] =	ssyncset.done $0x0  }
0x49: {  	[sflag:s3] =	ssyncadd.s32 $0xFFFFC000  }
0x4a: {  	[bflag:$0x0] =	sbarrier.arrive $0xFFFF;
	_ =	sdelay $0x1  }
.LBB2_1:
0x4b: {  	s7 =	rddreg [dreg:$0x4]  }
0x4c: {  	[tilespmem:s0], [sflag:$0x3] =	stream.linear.gather [hbm4b:s7+s4], $0x4000, $0x38;
	[tilespmem:$0x1E000] =	vst v63  }
0x4d: {  	_ =	swait.ge [sflag:s3], $0x4000  }
0x4e: {  	[sflag:s3] =	ssyncset.done $0x0  }
.Ltmp2:
0x4f: {  	[sflag:s3] =	ssyncadd.s32 $0xFFFFC000;
	(pc) =	sbr.rel @!p0 .LBB2_2-.Ltmp2, $4  }
0x50: {  	[spmem:s9] =	stream.linear.scatter [tilespmem:s0], [sflag:$0x3], $0x4000, $0x38;
	[tilespmem:$0x1E000] =	vst v63  }
0x51: {  	_ =	swait.ge [sflag:s3], $0x4000  }
0x52: {  	[sflag:s3] =	ssyncset.done $0x0  }
0x53: {  	[sflag:s3] =	ssyncadd.s32 $0xFFFFC000  }
0x54: {  	s7 =	rddreg [dreg:$0x14]  }
0x55: {  	[spmem:s7] =	stream.linear.scatter [tilespmem:s0], [sflag:$0x3], $0x4000, $0x38;
	[tilespmem:$0x1E000] =	vst v63  }
0x56: {  	_ =	swait.ge [sflag:s3], $0x4000  }
0x57: {  	[sflag:s3] =	ssyncset.done $0x0  }
0x58: {  	s29 =	rddreg [dreg:$0x15];
	[sflag:s3] =	ssyncadd.s32 $0xFFFFC000  }
0x59: {  	[spmem:s29] =	stream.linear.scatter [tilespmem:s0], [sflag:$0x3], $0x4000, $0x38;
	[tilespmem:$0x1E000] =	vst v63  }
0x5a: {  	_ =	swait.ge [sflag:s3], $0x4000  }
0x5b: {  	[sflag:s3] =	ssyncset.done $0x0  }
0x5c: {  	[sflag:s3] =	ssyncadd.s32 $0xFFFFC000  }
0x5d: {  	[spmem:s30] =	stream.linear.scatter [tilespmem:s0], [sflag:$0x3], $0x4000, $0x38;
	[tilespmem:$0x1E000] =	vst v63  }
0x5e: {  	_ =	swait.ge [sflag:s3], $0x4000  }
0x5f: {  	[sflag:s3] =	ssyncset.done $0x0  }
0x60: {  	[sflag:s3] =	ssyncadd.s32 $0xFFFFC000  }
0x61: {  	[spmem:s31] =	stream.linear.scatter [tilespmem:s0], [sflag:$0x3], $0x4000, $0x38;
	[tilespmem:$0x1E000] =	vst v63  }
0x62: {  	_ =	swait.ge [sflag:s3], $0x4000  }
0x63: {  	[sflag:s3] =	ssyncset.done $0x0  }
0x64: {  	[sflag:s3] =	ssyncadd.s32 $0xFFFFC000  }
0x65: {  	s26 =	simm.s32 $0x0;
	s7 =	simm.s32 $0x0;
	[bflag:$0x0] =	sbarrier.arrive $0xFFFF  }
.LBB2_8:
0x66: {  	s10 =	sshll.u32 s7, $0xC  }
0x67: {  	s10 =	sadd.s32 s14, s10  }
0x68: {  	s10 =	sshrl.u32 s10, $0x3  }
0x69: {  	s11 =	sadd.s32 s6, s10  }
0x6a: {  	[tilespmem:s26], [sflag:$0x3] =	stream.linear.gather [hbm4b:s11+s26], $0x1000, $0x38;
	[tilespmem:$0x1E000] =	vst v63  }
0x6b: {  	_ =	swait.ge [sflag:s3], $0x1000  }
0x6c: {  	[sflag:s3] =	ssyncset.done $0x0  }
0x6d: {  	s10 =	sadd.s32 s1, s10;
	[sflag:s3] =	ssyncadd.s32 $0xFFFFF000  }
0x6e: {  	[tilespmem:s15], [sflag:$0x3] =	stream.linear.gather [hbm4b:s10+s26], $0x1000, $0x38;
	[tilespmem:$0x1E000] =	vst v63  }
0x6f: {  	_ =	swait.ge [sflag:s3], $0x1000  }
0x70: {  	[sflag:s3] =	ssyncset.done $0x0  }
0x71: {  	[sflag:s3] =	ssyncadd.s32 $0xFFFFF000  }
0x72: {  	[tilespmem:s0], [sflag:$0x1] =	stream.indirect.gather [hbm4b:s19+s16], $0x80, s26, s16, $0xb8;
	[tilespmem:$0x1E000] =	vst v63  }
0x73: {  	_ =	swait.ge [sflag:s17], $0x4000  }
0x74: {  	[sflag:s17] =	ssyncset.done $0x0  }
0x75: {  	s13 =	simm.s32 $0x80;
	[sflag:s17] =	ssyncadd.s32 $0xFFFFC000  }
0x76: {  	[tilespmem:s18], [sflag:$0x2] =	stream.indirect.gather [hbm4b:s19+s16], $0x80, s13, s16, $0xb8;
	[tilespmem:$0x1E000] =	vst v63  }
0x77: {  	s25 =	simm.s32 $0x1000  }
0x78: {  	[spmem:s2] =	stream.indirect.scatter.add.f32 [tilespmem:s0], [sflag:$0x3], $0x80, s25, s16, $0xb8;
	[tilespmem:$0x1E000] =	vst v63  }
0x79: {  	_ =	swait.ge [sflag:s3], $0x4000  }
0x7a: {  	[sflag:s3] =	ssyncset.done $0x0  }
0x7b: {  	[sflag:s3] =	ssyncadd.s32 $0xFFFFC000  }
0x7c: {  	_ =	swait.ge [sflag:s20], $0x4000  }
0x7d: {  	[sflag:s20] =	ssyncset.done $0x0  }
0x7e: {  	s28 =	simm.s32 $0x100;
	[sflag:s20] =	ssyncadd.s32 $0xFFFFC000  }
0x7f: {  	[tilespmem:s0], [sflag:$0x1] =	stream.indirect.gather [hbm4b:s19+s16], $0x80, s28, s16, $0xb8;
	[tilespmem:$0x1E000] =	vst v63  }
0x80: {  	s29 =	simm.s32 $0x1080  }
0x81: {  	[spmem:s2] =	stream.indirect.scatter.add.f32 [tilespmem:s18], [sflag:$0x3], $0x80, s29, s16, $0xb8;
	[tilespmem:$0x1E000] =	vst v63  }
0x82: {  	_ =	swait.ge [sflag:s3], $0x4000  }
0x83: {  	s10 =	simm.s32 $0x400;
	[sflag:s3] =	ssyncset.done $0x0  }
.LBB2_9:
0x84: {  	p1 =	sne.s32 s10, $0x3800  }
0x85: {  	[sflag:s3] =	ssyncadd.s32 $0xFFFFC000;
	s11 =	smov.u32 s10;
	s10 =	sadd.s32 $0x400, s10  }
0x86: {  	_ = 	snop  }
0x87: {  	_ =	swait.ge [sflag:s17], $0x4000  }
0x88: {  	s11 =	sshra.s32 s11, $0x2;
	[sflag:s17] =	ssyncset.done $0x0  }
0x89: {  	s12 =	sadd.s32 $0x80, s11;
	[sflag:s17] =	ssyncadd.s32 $0xFFFFC000  }
0x8a: {  	[tilespmem:s18], [sflag:$0x2] =	stream.indirect.gather [hbm4b:s19+s16], $0x80, s12, s16, $0xb8;
	[tilespmem:$0x1E000] =	vst v63  }
0x8b: {  	s12 =	sadd.s32 $0x1000, s11  }
0x8c: {  	[spmem:s2] =	stream.indirect.scatter.add.f32 [tilespmem:s0], [sflag:$0x3], $0x80, s12, s16, $0xb8;
	[tilespmem:$0x1E000] =	vst v63  }
0x8d: {  	_ =	swait.ge [sflag:s3], $0x4000  }
0x8e: {  	[sflag:s3] =	ssyncset.done $0x0  }
0x8f: {  	[sflag:s3] =	ssyncadd.s32 $0xFFFFC000  }
0x90: {  	_ =	swait.ge [sflag:s20], $0x4000  }
0x91: {  	[sflag:s20] =	ssyncset.done $0x0  }
0x92: {  	s12 =	sadd.s32 $0x100, s11;
	[sflag:s20] =	ssyncadd.s32 $0xFFFFC000  }
0x93: {  	[tilespmem:s0], [sflag:$0x1] =	stream.indirect.gather [hbm4b:s19+s16], $0x80, s12, s16, $0xb8;
	[tilespmem:$0x1E000] =	vst v63  }
.Ltmp3:
0x94: {  	_ = 	snop;
	(pc) =	sbr.rel @p1 .LBB2_9-.Ltmp3, $4  }
0x95: {  	s11 =	sadd.s32 $0x1080, s11  }
0x96: {  	[spmem:s2] =	stream.indirect.scatter.add.f32 [tilespmem:s18], [sflag:$0x3], $0x80, s11, s16, $0xb8;
	[tilespmem:$0x1E000] =	vst v63  }
0x97: {  	_ =	swait.ge [sflag:s3], $0x4000  }
0x98: {  	[sflag:s3] =	ssyncset.done $0x0  }
0x99: {  	[sflag:s3] =	ssyncadd.s32 $0xFFFFC000  }
0x9a: {  	_ =	swait.ge [sflag:s17], $0x4000  }
0x9b: {  	[sflag:s17] =	ssyncset.done $0x0  }
0x9c: {  	[sflag:s17] =	ssyncadd.s32 $0xFFFFC000  }
0x9d: {  	[tilespmem:s18], [sflag:$0x2] =	stream.indirect.gather [hbm4b:s19+s16], $0x80, s21, s16, $0xb8;
	[tilespmem:$0x1E000] =	vst v63  }
0x9e: {  	_ = 	snop  }
0x9f: {  	[spmem:s2] =	stream.indirect.scatter.add.f32 [tilespmem:s0], [sflag:$0x3], $0x80, s22, s16, $0xb8;
	[tilespmem:$0x1E000] =	vst v63  }
0xa0: {  	_ =	swait.ge [sflag:s3], $0x4000  }
0xa1: {  	[sflag:s3] =	ssyncset.done $0x0  }
0xa2: {  	[sflag:s3] =	ssyncadd.s32 $0xFFFFC000  }
0xa3: {  	s7 =	sadd.s32 $0x1, s7;
	_ =	swait.ge [sflag:s20], $0x4000  }
0xa4: {  	p1 =	sne.s32 s7, $0x5;
	[sflag:s20] =	ssyncset.done $0x0  }
.Ltmp4:
0xa5: {  	[sflag:s20] =	ssyncadd.s32 $0xFFFFC000;
	(pc) =	sbr.rel @p1 .LBB2_8-.Ltmp4, $4  }
0xa6: {  	[spmem:s2] =	stream.indirect.scatter.add.f32 [tilespmem:s18], [sflag:$0x3], $0x80, s23, s16, $0xb8;
	[tilespmem:$0x1E000] =	vst v63  }
0xa7: {  	_ =	swait.ge [sflag:s3], $0x4000  }
0xa8: {  	[sflag:s3] =	ssyncset.done $0x0  }
0xa9: {  	[sflag:s3] =	ssyncadd.s32 $0xFFFFC000  }
0xaa: {  	s13 =	rddreg [dreg:$0xd]  }
0xab: {  	s28 =	rddreg [dreg:$0x14]  }
.Ltmp5:
0xac: {  	s25 =	rddreg [dreg:$0xe];
	(pc) =	sbr.rel .LBB2_12-.Ltmp5, $4  }
0xad: {  	s29 =	rddreg [dreg:$0x15]  }
0xae: {  	s11 =	rddreg [dreg:$0xf]  }
0xaf: {  	s26 =	rddreg [dreg:$0x10]  }
0xb0: {  	s12 =	smov.u32 s30;
	s10 =	smov.u32 s31;
	s7 =	rddreg [dreg:$0x11]  }
.LBB2_2:
0xb1: {  	s7 =	rddreg [dreg:$0x5]  }
0xb2: {  	[spmem:s7] =	stream.linear.scatter [tilespmem:s0], [sflag:$0x3], $0x4000, $0x38;
	[tilespmem:$0x1E000] =	vst v63  }
0xb3: {  	_ =	swait.ge [sflag:s3], $0x4000  }
0xb4: {  	[sflag:s3] =	ssyncset.done $0x0  }
0xb5: {  	s26 =	rddreg [dreg:$0x6];
	[sflag:s3] =	ssyncadd.s32 $0xFFFFC000  }
0xb6: {  	[spmem:s26] =	stream.linear.scatter [tilespmem:s0], [sflag:$0x3], $0x4000, $0x38;
	[tilespmem:$0x1E000] =	vst v63  }
0xb7: {  	_ =	swait.ge [sflag:s3], $0x4000  }
0xb8: {  	[sflag:s3] =	ssyncset.done $0x0  }
0xb9: {  	s28 =	rddreg [dreg:$0x7];
	[sflag:s3] =	ssyncadd.s32 $0xFFFFC000  }
0xba: {  	[spmem:s28] =	stream.linear.scatter [tilespmem:s0], [sflag:$0x3], $0x4000, $0x38;
	[tilespmem:$0x1E000] =	vst v63  }
0xbb: {  	_ =	swait.ge [sflag:s3], $0x4000  }
0xbc: {  	[sflag:s3] =	ssyncset.done $0x0  }
0xbd: {  	s29 =	rddreg [dreg:$0x8];
	[sflag:s3] =	ssyncadd.s32 $0xFFFFC000  }
0xbe: {  	[spmem:s29] =	stream.linear.scatter [tilespmem:s0], [sflag:$0x3], $0x4000, $0x38;
	[tilespmem:$0x1E000] =	vst v63  }
0xbf: {  	_ =	swait.ge [sflag:s3], $0x4000  }
0xc0: {  	[sflag:s3] =	ssyncset.done $0x0  }
0xc1: {  	[sflag:s3] =	ssyncadd.s32 $0xFFFFC000  }
0xc2: {  	s7 =	simm.s32 $0x0;
	s26 =	simm.s32 $0x0;
	[bflag:$0x0] =	sbarrier.arrive $0xFFFF  }
.LBB2_3:
0xc3: {  	s10 =	sshll.u32 s7, $0xC  }
0xc4: {  	s10 =	sadd.s32 s14, s10  }
0xc5: {  	s10 =	sshrl.u32 s10, $0x3  }
0xc6: {  	s11 =	sadd.s32 s6, s10  }
0xc7: {  	[tilespmem:s26], [sflag:$0x3] =	stream.linear.gather [hbm4b:s11+s26], $0x1000, $0x38;
	[tilespmem:$0x1E000] =	vst v63  }
0xc8: {  	_ =	swait.ge [sflag:s3], $0x1000  }
0xc9: {  	[sflag:s3] =	ssyncset.done $0x0  }
0xca: {  	s10 =	sadd.s32 s1, s10;
	[sflag:s3] =	ssyncadd.s32 $0xFFFFF000  }
0xcb: {  	[tilespmem:s15], [sflag:$0x3] =	stream.linear.gather [hbm4b:s10+s26], $0x1000, $0x38;
	[tilespmem:$0x1E000] =	vst v63  }
0xcc: {  	_ =	swait.ge [sflag:s3], $0x1000  }
0xcd: {  	[sflag:s3] =	ssyncset.done $0x0  }
0xce: {  	[sflag:s3] =	ssyncadd.s32 $0xFFFFF000  }
0xcf: {  	[tilespmem:s0], [sflag:$0x1] =	stream.indirect.gather [hbm4b:s5+s16], $0x80, s26, s16, $0xb8;
	[tilespmem:$0x1E000] =	vst v63  }
0xd0: {  	_ =	swait.ge [sflag:s17], $0x4000  }
0xd1: {  	[sflag:s17] =	ssyncset.done $0x0  }
0xd2: {  	s13 =	simm.s32 $0x80;
	[sflag:s17] =	ssyncadd.s32 $0xFFFFC000  }
0xd3: {  	[tilespmem:s18], [sflag:$0x2] =	stream.indirect.gather [hbm4b:s5+s16], $0x80, s13, s16, $0xb8;
	[tilespmem:$0x1E000] =	vst v63  }
0xd4: {  	s25 =	simm.s32 $0x1000  }
0xd5: {  	[spmem:s2] =	stream.indirect.scatter.add.f32 [tilespmem:s0], [sflag:$0x3], $0x80, s25, s16, $0xb8;
	[tilespmem:$0x1E000] =	vst v63  }
0xd6: {  	_ =	swait.ge [sflag:s3], $0x4000  }
0xd7: {  	[sflag:s3] =	ssyncset.done $0x0  }
0xd8: {  	[sflag:s3] =	ssyncadd.s32 $0xFFFFC000  }
0xd9: {  	_ =	swait.ge [sflag:s20], $0x4000  }
0xda: {  	[sflag:s20] =	ssyncset.done $0x0  }
0xdb: {  	s28 =	simm.s32 $0x100;
	[sflag:s20] =	ssyncadd.s32 $0xFFFFC000  }
0xdc: {  	[tilespmem:s0], [sflag:$0x1] =	stream.indirect.gather [hbm4b:s5+s16], $0x80, s28, s16, $0xb8;
	[tilespmem:$0x1E000] =	vst v63  }
0xdd: {  	s29 =	simm.s32 $0x1080  }
0xde: {  	[spmem:s2] =	stream.indirect.scatter.add.f32 [tilespmem:s18], [sflag:$0x3], $0x80, s29, s16, $0xb8;
	[tilespmem:$0x1E000] =	vst v63  }
0xdf: {  	_ =	swait.ge [sflag:s3], $0x4000  }
0xe0: {  	s10 =	simm.s32 $0x400;
	[sflag:s3] =	ssyncset.done $0x0  }
.LBB2_4:
0xe1: {  	p1 =	sne.s32 s10, $0x3800  }
0xe2: {  	[sflag:s3] =	ssyncadd.s32 $0xFFFFC000;
	s11 =	smov.u32 s10;
	s10 =	sadd.s32 $0x400, s10  }
0xe3: {  	_ = 	snop  }
0xe4: {  	_ =	swait.ge [sflag:s17], $0x4000  }
0xe5: {  	s11 =	sshra.s32 s11, $0x2;
	[sflag:s17] =	ssyncset.done $0x0  }
0xe6: {  	s12 =	sadd.s32 $0x80, s11;
	[sflag:s17] =	ssyncadd.s32 $0xFFFFC000  }
0xe7: {  	[tilespmem:s18], [sflag:$0x2] =	stream.indirect.gather [hbm4b:s5+s16], $0x80, s12, s16, $0xb8;
	[tilespmem:$0x1E000] =	vst v63  }
0xe8: {  	s12 =	sadd.s32 $0x1000, s11  }
0xe9: {  	[spmem:s2] =	stream.indirect.scatter.add.f32 [tilespmem:s0], [sflag:$0x3], $0x80, s12, s16, $0xb8;
	[tilespmem:$0x1E000] =	vst v63  }
0xea: {  	_ =	swait.ge [sflag:s3], $0x4000  }
0xeb: {  	[sflag:s3] =	ssyncset.done $0x0  }
0xec: {  	[sflag:s3] =	ssyncadd.s32 $0xFFFFC000  }
0xed: {  	_ =	swait.ge [sflag:s20], $0x4000  }
0xee: {  	[sflag:s20] =	ssyncset.done $0x0  }
0xef: {  	s12 =	sadd.s32 $0x100, s11;
	[sflag:s20] =	ssyncadd.s32 $0xFFFFC000  }
0xf0: {  	[tilespmem:s0], [sflag:$0x1] =	stream.indirect.gather [hbm4b:s5+s16], $0x80, s12, s16, $0xb8;
	[tilespmem:$0x1E000] =	vst v63  }
.Ltmp6:
0xf1: {  	_ = 	snop;
	(pc) =	sbr.rel @p1 .LBB2_4-.Ltmp6, $4  }
0xf2: {  	s11 =	sadd.s32 $0x1080, s11  }
0xf3: {  	[spmem:s2] =	stream.indirect.scatter.add.f32 [tilespmem:s18], [sflag:$0x3], $0x80, s11, s16, $0xb8;
	[tilespmem:$0x1E000] =	vst v63  }
0xf4: {  	_ =	swait.ge [sflag:s3], $0x4000  }
0xf5: {  	[sflag:s3] =	ssyncset.done $0x0  }
0xf6: {  	[sflag:s3] =	ssyncadd.s32 $0xFFFFC000  }
0xf7: {  	_ =	swait.ge [sflag:s17], $0x4000  }
0xf8: {  	[sflag:s17] =	ssyncset.done $0x0  }
0xf9: {  	[sflag:s17] =	ssyncadd.s32 $0xFFFFC000  }
0xfa: {  	[tilespmem:s18], [sflag:$0x2] =	stream.indirect.gather [hbm4b:s5+s16], $0x80, s21, s16, $0xb8;
	[tilespmem:$0x1E000] =	vst v63  }
0xfb: {  	_ = 	snop  }
0xfc: {  	[spmem:s2] =	stream.indirect.scatter.add.f32 [tilespmem:s0], [sflag:$0x3], $0x80, s22, s16, $0xb8;
	[tilespmem:$0x1E000] =	vst v63  }
0xfd: {  	_ =	swait.ge [sflag:s3], $0x4000  }
0xfe: {  	[sflag:s3] =	ssyncset.done $0x0  }
0xff: {  	[sflag:s3] =	ssyncadd.s32 $0xFFFFC000  }
0x100: {  	s7 =	sadd.s32 $0x1, s7;
	_ =	swait.ge [sflag:s20], $0x4000  }
0x101: {  	p1 =	seq.s32 s7, $0x5;
	[sflag:s20] =	ssyncset.done $0x0  }
.Ltmp7:
0x102: {  	[sflag:s20] =	ssyncadd.s32 $0xFFFFC000;
	(pc) =	sbr.rel @!p1 .LBB2_3-.Ltmp7, $4  }
0x103: {  	[spmem:s2] =	stream.indirect.scatter.add.f32 [tilespmem:s18], [sflag:$0x3], $0x80, s23, s16, $0xb8;
	[tilespmem:$0x1E000] =	vst v63  }
0x104: {  	_ =	swait.ge [sflag:s3], $0x4000  }
0x105: {  	[sflag:s3] =	ssyncset.done $0x0  }
0x106: {  	[sflag:s3] =	ssyncadd.s32 $0xFFFFC000  }
0x107: {  	s13 =	rddreg [dreg:$0x13]  }
0x108: {  	s28 =	rddreg [dreg:$0x5]  }
0x109: {  	s25 =	rddreg [dreg:$0x9]  }
0x10a: {  	s29 =	rddreg [dreg:$0x6]  }
.Ltmp8:
0x10b: {  	s11 =	rddreg [dreg:$0xa];
	(pc) =	sbr.rel .LBB2_12-.Ltmp8, $4  }
0x10c: {  	s12 =	rddreg [dreg:$0x7]  }
0x10d: {  	s26 =	rddreg [dreg:$0xb]  }
0x10e: {  	s10 =	rddreg [dreg:$0x8]  }
0x10f: {  	s7 =	rddreg [dreg:$0xc]  }
.LBB2_13:
0x110: {  	_ =	sfence.sel $0x180000  }
0x111: {  	[bflag:$0x0] =	sbarrier.arrive $0xFFFF  }
0x112: {  	_ =	strace $0x9000004D  }
0x113: {  	s0 =	stileid.u32;
	[bflag:$0x2] =	sbarrier.arrive $0xFFFF  }
0x114: {  	p0 =	sne.s32 s0, $0x0;
	s0 =	rddreg [dreg:$0x3]  }
0x115: {  	s0 =	sadd.s32 @!p0 $0x100000, s0  }
0x116: {  	[sflag:s0] =	ssyncadd.tile.s32 @!p0 $0x1;
	_ =	shalt  }
.Lfunc_end2:
_tile_overlayer_lowered:
.L_overlay_start_2:
0x117: {  	(tag) =	ssettag $0x2  }
0x118: {  	s0 =	rddreg [dreg:$0x0];
	s2 =	stileid.u32  }
0x119: {  	s1 =	rddreg [dreg:$0x1];
	p0 =	sne.s32 s2, $0x0  }
0x11a: {  	s3 =	rddreg [dreg:$0x2];
	[bflag:$0x3] =	sbarrier.arrive $0xFFFF;
	s2 =	simm.s32 @!p0 $0x1C03  }
0x11b: {  	[timem:s3], [sflag:s2] =	dma.local @!p0 [hbm:s0], s1  }
0x11c: {  	s0 =	simm.s32 @!p0 $0x3  }
0x11d: {  	_ =	swait.ge @!p0 [sflag:s0], s1  }
0x11e: {  	s1 =	ssub.s32 @!p0 $0x0, s1;
	[sflag:s0] =	ssyncset.done @!p0 $0x0  }
0x11f: {  	[sflag:s0] =	ssyncadd.s32 @!p0 s1  }
0x120: {  	[bflag:$0x3] =	sbarrier.arrive $0xFFFF  }
0x121: {  	_ =	shalt  }

// kernel: kernel.9.cloned.1.call-start
scs
__scs_entry_jumppad:
0x0: {  	(pc) =	sbr.rel $0x88, $3  }
0x1: {  	(tag) =	ssettag $0x0;
	lr =	simm.s32 $0x1  }
0x2: {  	[smem:$0x3F95] =	sst lr;
	_ =	strace $0xD0000000  }
0x3: {  	_ = 	snop  }
0x4: {  	_ = 	snop  }
0x5: {  	_ = 	snop  }
0x6: {  	_ = 	snop  }
0x7: {  	_ = 	snop  }
__scs_overlays_trampoline_lowered:
0x8: {  	[smem:$0x3FA4] =	sst s0  }
0x9: {  	[smem:$0x3FA5] =	sst s1  }
0xa: {  	[smem:$0x3FA6] =	sst s2  }
0xb: {  	[smem:$0x3FA7] =	sst s3  }
0xc: {  	[smem:$0x3FA8] =	sst s4  }
0xd: {  	[smem:$0x3FA9] =	sst s5  }
0xe: {  	[smem:$0x3FAA] =	sst s6  }
0xf: {  	[smem:$0x3FAB] =	sst s7  }
0x10: {  	[smem:$0x3FAC] =	sst s8  }
0x11: {  	[smem:$0x3FAD] =	sst s9;
	s0 =	simm.s32 @!p0 $0x0  }
0x12: {  	s1 =	sld [smem:$0x3F93];
	s0 =	simm.s32 @p0 $0x1  }
0x13: {  	[smem:$0x3FAE] =	sst s0;
	s0 =	simm.s32 @!p1 $0x0  }
0x14: {  	s2 =	sld [smem:$0x3F92];
	s0 =	simm.s32 @p1 $0x1  }
0x15: {  	[smem:$0x3FAF] =	sst s0;
	s0 =	simm.s32 @!p2 $0x0  }
0x16: {  	s3 =	sld [smem:$0x3FDB];
	s0 =	simm.s32 @p2 $0x1  }
0x17: {  	s4 =	simm.s32 $0x1BF5;
	[smem:$0x3FB1] =	sst s0  }
0x18: {  	s0 =	sld [smem:$0x3F94];
	_ =	swait.ge [sflag:s4], $0x0  }
0x19: {  	s7 =	sld [smem:$0x3F95]  }
0x1a: {  	s8 =	sadd.s32 $0xFFFFE003, lr  }
0x1b: {  	s9 =	sadd.s32 $0xFFFFFEF7, lr;
	s5 =	simm.s32 $0xFFFFFFFF;
	p2 =	slt.u32 s8, $0xFFFFF086  }
0x1c: {  	p1 =	slt.u32 s9, $0xF7A;
	s5 =	simm.s32 @!p2 $0x0  }
0x1d: {  	s5 =	simm.s32 @p1 $0x1;
	p0 =	seq.s32 s7, s2  }
0x1e: {  	s7 =	smul.u32 @!p0 $0xF7A, s2;
	p2 =	seq.s32 @!p0 s5, $0x0  }
0x1f: {  	s9 =	smul.u32 $0xF7A, s1;
	s8 =	simm.s32 @!p0 $0x1BF5;
	p2 =	por !p2, p0  }
0x20: {  	[sflag:s8] =	ssyncset.s32 @!p0 $0xFFFFF086;
	s6 =	sadd.s32 @!p0 s3, s7;
	s7 =	simm.s32 @!p0 $0x108  }
0x21: {  	s3 =	sadd.s32 s3, s9;
	s6 =	sadd.s32 @!p0 $0x88, s6;
	s7 =	simm.s32 @p2 $0x1082  }
0x22: {  	[simem:s7], [sflag:s8] =	dma.local @!p0 [hbm:s6], $0xF7A  }
0x23: {  	s9 =	sor.u32 $0xD0000000, s2;
	s6 =	simm.s32 $0x108;
	_ =	swait.ge @!p0 [sflag:s8], $0x0  }
0x24: {  	s3 =	sadd.s32 $0x88, s3;
	s6 =	simm.s32 @!p1 $0x1082;
	[sflag:s4] =	ssyncset.s32 $0xFFFFF086  }
0x25: {  	[simem:s6], [sflag:s4] =	dma.local [hbm:s3], $0xF7A  }
0x26: {  	[smem:$0x3F95] =	sst s1;
	(tag) =	ssettag s2;
	_ =	strace s9  }
0x27: {  	s1 =	sld [smem:$0x3FA5]  }
0x28: {  	s2 =	sld [smem:$0x3FA6]  }
0x29: {  	s4 =	sld [smem:$0x3FA8]  }
0x2a: {  	p0 =	seq.s32 s5, $0x0;
	s5 =	sld [smem:$0x3FA9]  }
0x2b: {  	s6 =	sld [smem:$0x3FAA]  }
0x2c: {  	s7 =	sld [smem:$0x3FAB]  }
0x2d: {  	s3 =	simm.s32 $0x108;
	s8 =	sld [smem:$0x3FAC]  }
0x2e: {  	s3 =	simm.s32 @!p0 $0x1082;
	s9 =	sld [smem:$0x3FAD]  }
0x2f: {  	lr =	sadd.s32 s0, s3;
	s0 =	sld [smem:$0x3FA4]  }
0x30: {  	s3 =	sld [smem:$0x3FA7]  }
0x31: {  	[smem:$0x3FB0] =	sst s10  }
0x32: {  	s10 =	sld [smem:$0x3FAE];
	_ =	sdelay $0x3  }
0x33: {  	p0 =	seq.s32 s10, $0x1;
	s10 =	sld [smem:$0x3FB0];
	_ =	sdelay $0x3  }
0x34: {  	[smem:$0x3FB0] =	sst s10  }
0x35: {  	s10 =	sld [smem:$0x3FAF];
	_ =	sdelay $0x3  }
0x36: {  	p1 =	seq.s32 s10, $0x1;
	s10 =	sld [smem:$0x3FB0];
	_ =	sdelay $0x3  }
0x37: {  	[smem:$0x3FB0] =	sst s10  }
0x38: {  	s10 =	sld [smem:$0x3FB1]  }
0x39: {  	_ = 	snop;
	(pc) =	sbr.ind lr, $3  }
0x3a: {  	_ = 	snop  }
0x3b: {  	_ = 	snop  }
0x3c: {  	p2 =	seq.s32 s10, $0x1;
	s10 =	sld [smem:$0x3FB0]  }
0x3d: {  	_ =	shalt  }
0x3e: {  	_ =	shalt  }
0x3f: {  	_ =	shalt  }
0x40: {  	_ =	shalt  }
0x41: {  	_ =	shalt  }
0x42: {  	_ =	shalt  }
0x43: {  	_ =	shalt  }
0x44: {  	_ =	shalt  }
0x45: {  	_ =	shalt  }
0x46: {  	_ =	shalt  }
0x47: {  	_ =	shalt  }
0x48: {  	_ =	shalt  }
0x49: {  	_ =	shalt  }
0x4a: {  	_ =	shalt  }
0x4b: {  	_ =	shalt  }
0x4c: {  	_ =	shalt  }
0x4d: {  	_ =	shalt  }
0x4e: {  	_ =	shalt  }
0x4f: {  	_ =	shalt  }
0x50: {  	_ =	shalt  }
0x51: {  	_ =	shalt  }
0x52: {  	_ =	shalt  }
0x53: {  	_ =	shalt  }
0x54: {  	_ =	shalt  }
0x55: {  	_ =	shalt  }
0x56: {  	_ =	shalt  }
0x57: {  	_ =	shalt  }
0x58: {  	_ =	shalt  }
0x59: {  	_ =	shalt  }
0x5a: {  	_ =	shalt  }
0x5b: {  	_ =	shalt  }
0x5c: {  	_ =	shalt  }
0x5d: {  	_ =	shalt  }
0x5e: {  	_ =	shalt  }
0x5f: {  	_ =	shalt  }
0x60: {  	_ =	shalt  }
0x61: {  	_ =	shalt  }
0x62: {  	_ =	shalt  }
0x63: {  	_ =	shalt  }
0x64: {  	_ =	shalt  }
0x65: {  	_ =	shalt  }
0x66: {  	_ =	shalt  }
0x67: {  	_ =	shalt  }
0x68: {  	_ =	shalt  }
0x69: {  	_ =	shalt  }
0x6a: {  	_ =	shalt  }
0x6b: {  	_ =	shalt  }
0x6c: {  	_ =	shalt  }
0x6d: {  	_ =	shalt  }
0x6e: {  	_ =	shalt  }
0x6f: {  	_ =	shalt  }
0x70: {  	_ =	shalt  }
0x71: {  	_ =	shalt  }
0x72: {  	_ =	shalt  }
0x73: {  	_ =	shalt  }
0x74: {  	_ =	shalt  }
0x75: {  	_ =	shalt  }
0x76: {  	_ =	shalt  }
0x77: {  	_ =	shalt  }
0x78: {  	_ =	shalt  }
0x79: {  	_ =	shalt  }
0x7a: {  	_ =	shalt  }
0x7b: {  	_ =	shalt  }
0x7c: {  	_ =	shalt  }
0x7d: {  	_ =	shalt  }
0x7e: {  	_ =	shalt  }
0x7f: {  	_ =	shalt  }
0x80: {  	_ =	shalt  }
0x81: {  	_ =	shalt  }
0x82: {  	_ =	shalt  }
0x83: {  	_ =	shalt  }
0x84: {  	_ =	shalt  }
0x85: {  	_ =	shalt  }
0x86: {  	_ =	shalt  }
0x87: {  	_ =	shalt  }
.Lfunc_end0:
.L_simem_size_0:
called_computation_lowered:
.L_overlay_start_0:
0x88: {  	s2 =	sld [smem:$0x3FD9]  }
0x89: {  	s3 =	sld [smem:$0x3FFE];
	_ =	sdelay $0x1  }
0x8a: {  	s1 =	srdreg.scid  }
0x8b: {  	s0 =	sand.u32 $0x1, s1  }
0x8c: {  	s16 =	sshll.u32 s0, $0xA;
	s2 =	sadd.s32 s3, s2  }
0x8d: {  	s2 =	sadd.s32 s2, s16  }
0x8e: {  	[smem:$0x3FBC] =	sst s2  }
0x8f: {  	_ = 	snop  }
0x90: {  	(tm) =	ssettm $0x1  }
0x91: {  	s17 =	sld [smem:$0x3FFB];
	_ =	sdelay $0x3  }
0x92: {  	_ =	strace s17  }
0x93: {  	s2 =	sld [smem:$0x3FFC];
	_ =	sdelay $0x3  }
0x94: {  	_ =	strace s2  }
0x95: {  	s2 =	sld [smem:$0x3FFD];
	_ =	sdelay $0x3  }
0x96: {  	_ =	strace s2  }
0x97: {  	_ =	strace $0x8FFFFFFF  }
0x98: {  	s18 =	sld [smem:$0x3FDB];
	_ =	sdelay $0x1  }
0x99: {  	s19 =	simm.s32 $_scs_section_size  }
0x9a: {  	s4 =	simm.s32 $_size__tile_overlayer_lowered;
	s5 =	simm.s32 $_tile_overlayer_lowered  }
0x9b: {  	s22 =	simm.s32 $0x1BFF;
	s21 =	sshll.u32 s5, $0x1;
	s2 =	sadd.s32 s19, s18  }
0x9c: {  	s6 =	simm.s32 $0x0;
	s20 =	sshll.u32 s4, $0x1;
	s4 =	sadd.s32 s21, s2  }
0x9d: {  	[timem:s6], [sflag:s22] =	dma.local [hbm:s4], s20  }
0x9e: {  	_ =	swait.ge [sflag:s22], s20  }
0x9f: {  	s3 =	ssub.s32 $0x0, s20;
	[sflag:s22] =	ssyncset.done $0x0  }
0xa0: {  	[sflag:s22] =	ssyncadd.s32 s3;
	_ =	sdelay $0x1  }
0xa1: {  	s23 =	simm.s32 $0x1B8B  }
0xa2: {  	_ =	swait.ge [sflag:s23], $0x1  }
0xa3: {  	[sflag:s23] =	ssyncset.done $0x0  }
0xa4: {  	s25 =	simm.s32 $0x1B8E;
	s24 =	sld [smem:$0x3FFE];
	[sflag:s23] =	ssyncadd.s32 $0xFFFFFFFF  }
0xa5: {  	s26 =	simm.s32 $execute0_lowered;
	[smem:$0x3FD2] =	sst s25  }
0xa6: {  	s4 =	sshll.u32 s26, $0x1;
	_ =	strace $0x80000046;
	[dreg:$0x1] =	wrdreg $0xFFFFFFFF  }
0xa7: {  	s28 =	simm.s32 $_size_execute0_lowered;
	s2 =	sadd.s32 s2, s4;
	[dreg:$0x0] =	wrdreg $0x0  }
0xa8: {  	s4 =	sshll.u32 s28, $0x1;
	[dreg:$0x2] =	wrdreg s2  }
0xa9: {  	[dreg:$0x3] =	wrdreg s4  }
0xaa: {  	[dreg:$0x4] =	wrdreg $0xC0  }
0xab: {  	_ =	task [dreg:s6], $0x5FFFF  }
0xac: {  	[dreg:$0x1] =	wrdreg $0xFFFFFFFF  }
0xad: {  	[dreg:$0x0] =	wrdreg $0x60  }
0xae: {  	[dreg:$0x2] =	wrdreg s24  }
0xaf: {  	[dreg:$0x3] =	wrdreg $0x9  }
0xb0: {  	_ =	task.clear_ibuf [dreg:s6], $0x4FFFF;
	_ =	strace $0x90000046  }
0xb1: {  	s29 =	simm.s32 $0x9;
	_ =	strace $0x80000048  }
0xb2: {  	_ =	swait.ge [sflag:s29], $0x1  }
0xb3: {  	[sflag:s29] =	ssyncadd.s32 $0xFFFFFFFF  }
0xb4: {  	_ =	strace $0x90000048  }
0xb5: {  	_ =	sfence  }
0xb6: {  	s30 =	sld [smem:$0x0];
	_ =	sdelay $0x2  }
0xb7: {  	s31 =	sshll.u32 s1, $0xD;
	s1 =	sshrl.u32 s1, $0x2  }
0xb8: {  	s3 =	sand.u32 $0x4000, s31;
	s1 =	sadd.s32 s1, s30  }
0xb9: {  	s0 =	sor.u32 s3, s0;
	s1 =	sshll.u32 s1, $0x11  }
0xba: {  	s0 =	sor.u32 s1, s0  }
0xbb: {  	s0 =	sadd.s32 $0x8F2B, s0  }
0xbc: {  	[sflag:s0] =	ssyncadd.remote.s32 $0x1  }
0xbd: {  	_ =	sfence.sel $0xFFFF  }
0xbe: {  	[dreg:$0x0] =	wrdreg $0xFFFFFFFF;
	(pc) =	sbr.abs _section_cstart, $3  }
0xbf: {  	[dreg:$0x1] =	wrdreg $0xFFFFFFFF  }
0xc0: {  	_ =	task.clear_ibuf [dreg:s6], $0x2FFFF;
	_ =	strace $0x9FFFFFFF  }
0xc1: {  	(tm) =	ssettm $0x7FFFFFFF  }
tec
execute0_lowered:
.L_overlay_start_1:
0x0: {  	(tag) =	ssettag $0x1  }
0x1: {  	s0 =	srdreg.scid  }
0x2: {  	s4 =	rddreg [dreg:$0x0];
	s1 =	stileid.u32;
	s3 =	sand.u32 $0x1, s0  }
0x3: {  	s2 =	simm.s32 $0x0;
	s8 =	simm.s32 $0x2800;
	s5 =	sshll.u32 s3, $0x4  }
0x4: {  	s9 =	simm.s32 $0x0;
	s0 =	rddreg [dreg:$0x1];
	s5 =	sor.u32 s1, s5  }
0x5: {  	[smem:$0x7FF] =	sst s2;
	s6 =	ssub.s32 $0x2, s3;
	s5 =	smul.u32 $0x500, s5  }
0x6: {  	_ =	strace $0x80000047;
	s3 =	sadd.s32 $0xC000, s4;
	s7 =	sshrl.u32 s6, $0x1  }
0x7: {  	s6 =	ssub.s32 s6, s7;
	s7 =	simm.s32 $0x1;
	s5 =	sadd.s32 s5, s4  }
0x8: {  	v0 =	vimm.f32 $1.000000000e+00;
	s6 =	smax.u32 s6, $0x1;
	s4 =	sadd.s32 $0x2000, s5;
	s5 =	sadd.s32 $0xC600, s5  }
.LBB2_1:
0x9: {  	[tilespmem:s2], [sflag:$0x1] =	stream.linear.gather [hbm4b:s4+s2], $0x2800, $0x38;
	[tilespmem:$0x5000] =	vst v63  }
0xa: {  	_ =	swait.ge [sflag:s7], $0x2800  }
0xb: {  	[sflag:s7] =	ssyncset.done $0x0  }
0xc: {  	[sflag:s7] =	ssyncadd.s32 $0xFFFFD800  }
0xd: {  	[tilespmem:s8], [sflag:$0x1] =	stream.linear.gather [hbm4b:s3+s2], $0x2800, $0x38;
	[tilespmem:$0x5000] =	vst v63  }
0xe: {  	_ =	swait.ge [sflag:s7], $0x2800  }
0xf: {  	[sflag:s7] =	ssyncset.done $0x0  }
0x10: {  	s11 =	simm.s32 $0x0;
	s10 =	simm.s32 $0x40;
	[sflag:s7] =	ssyncadd.s32 $0xFFFFD800  }
.LBB2_2:
0x11: {  	p0 =	sne.s32 s10, $0x9FC0;
	v1 =	vld [tilespmem:s11+$0x0];
	_ =	sdelay $0x3  }
.Ltmp0:
0x12: {  	(pc) =	sbr.rel @p0 .LBB2_2-.Ltmp0, $2  }
0x13: {  	_ =	sdelay $0x2  }
0x14: {  	s11 =	sshra.s32 s10, $0x2;
	s10 =	sadd.s32 $0x40, s10;
	[tilespmem:v1+s8+$0x0] =	vst.idx.add.f32.msk $0xffff, v0  }
0x15: {  	v1 =	vld [tilespmem:s11+$0x0];
	_ =	sdelay $0x5  }
0x16: {  	s9 =	sadd.s32 $0x1, s9  }
0x17: {  	p0 =	sne.s32 s9, s6  }
.Ltmp1:
0x18: {  	[tilespmem:v1+s8+$0x0] =	vst.idx.add.f32.msk $0xffff, v0;
	(pc) =	sbr.rel @p0 .LBB2_1-.Ltmp1, $4  }
0x19: {  	[hbm4b:s5+s2] =	stream.linear.scatter [tilespmem:s8], [sflag:$0x1], $0x2800, $0x38;
	[tilespmem:$0x5000] =	vst v63  }
0x1a: {  	_ =	swait.ge [sflag:s7], $0x2800  }
0x1b: {  	[sflag:s7] =	ssyncset.done $0x0  }
0x1c: {  	[sflag:s7] =	ssyncadd.s32 $0xFFFFD800  }
0x1d: {  	_ =	sfence.sel $0x180000  }
0x1e: {  	[bflag:$0x0] =	sbarrier.arrive $0xFFFF  }
0x1f: {  	p0 =	sne.s32 s1, $0x0;
	_ =	strace $0x90000047  }
0x20: {  	s0 =	sadd.s32 @!p0 $0x100000, s0;
	[bflag:$0x2] =	sbarrier.arrive $0xFFFF  }
0x21: {  	[sflag:s0] =	ssyncadd.tile.s32 @!p0 $0x1;
	_ =	shalt  }
.Lfunc_end2:
_tile_overlayer_lowered:
.L_overlay_start_2:
0x22: {  	(tag) =	ssettag $0x2  }
0x23: {  	s0 =	rddreg [dreg:$0x0];
	s2 =	stileid.u32  }
0x24: {  	s1 =	rddreg [dreg:$0x1];
	p0 =	sne.s32 s2, $0x0  }
0x25: {  	s3 =	rddreg [dreg:$0x2];
	[bflag:$0x3] =	sbarrier.arrive $0xFFFF;
	s2 =	simm.s32 @!p0 $0x1C01  }
0x26: {  	[timem:s3], [sflag:s2] =	dma.local @!p0 [hbm:s0], s1  }
0x27: {  	s0 =	simm.s32 @!p0 $0x1  }
0x28: {  	_ =	swait.ge @!p0 [sflag:s0], s1  }
0x29: {  	s1 =	ssub.s32 @!p0 $0x0, s1;
	[sflag:s0] =	ssyncset.done @!p0 $0x0  }
0x2a: {  	[sflag:s0] =	ssyncadd.s32 @!p0 s1  }
0x2b: {  	[bflag:$0x3] =	sbarrier.arrive $0xFFFF  }
0x2c: {  	_ =	shalt  }

</sc_bundles>
